<compile_context>
chip_gen: v7x
topology: tpu7x:2x2x1
jax: 0.10.2.dev20260603
libtpu: 0.0.44.dev20260713+nightly
codegen_flags: <defaults>
</compile_context>

<pallas_src>
import functools

import jax
import jax.numpy as jnp
from jax import lax
from jax.experimental import pallas as pl
from jax.experimental.pallas import tpu as pltpu
from jax.experimental.pallas import tpu_sc as plsc

D2 = 32
F = 8
L = 16
NC = 2
NS = 16
NW = NC * NS
CHUNK = 512
SUB = 128
NSUB = CHUNK // SUB


def _emb_body(tid_hbm, base_hbm, freq_hbm, bands_hbm, out_hbm,
              idx_v, base_v, flog_v, out_v, bands_v, sem_i, sem_b, sem_f):
    n_tokens = tid_hbm.shape[0]
    tpw = n_tokens // NW
    n_chunks = tpw // CHUNK

    cid = lax.axis_index("c")
    sid = lax.axis_index("s")
    wid = sid * NC + cid
    tok_base = wid * tpw

    pltpu.sync_copy(bands_hbm, bands_v)
    band_lo = [bands_v[f, pl.ds(0, L)] for f in range(F)]
    band_hi = [bands_v[f, pl.ds(L, L)] for f in range(F)]

    def tok0_of(c):
        return pl.multiple_of(tok_base + c * CHUNK, CHUNK)

    def issue_idx(c, b):
        pltpu.async_copy(tid_hbm.at[pl.ds(tok0_of(c), CHUNK)],
                         idx_v.at[b], sem_i)

    def issue_gathers(b):
        for j in range(NSUB):
            sl = pl.ds(j * SUB, SUB)
            pltpu.async_copy(base_hbm.at[idx_v.at[b, sl]],
                             base_v.at[b, sl], sem_b)
            pltpu.async_copy(freq_hbm.at[idx_v.at[b, sl]],
                             flog_v.at[b, sl], sem_f)

    def drain_idx():
        pltpu.make_async_copy(tid_hbm.at[pl.ds(0, CHUNK)],
                              idx_v.at[0], sem_i).wait()

    def drain_gathers(b):
        for j in range(NSUB):
            sl = pl.ds(j * SUB, SUB)
            pltpu.make_async_copy(base_hbm.at[idx_v.at[b, sl]],
                                  base_v.at[b, sl], sem_b).wait()
            pltpu.make_async_copy(freq_hbm.at[idx_v.at[b, sl]],
                                  flog_v.at[b, sl], sem_f).wait()

    def compute(b):
        ngrp = CHUNK // L

        def group_body(g, _):
            rows = g * L + lax.iota(jnp.int32, L)
            bsel = jnp.full((L,), b, jnp.int32)
            ls = [plsc.load_gather(flog_v,
                                   [bsel, rows, jnp.full((L,), f, jnp.int32)])
                  for f in range(F)]
            m01 = jnp.maximum(ls[0], ls[1])
            m23 = jnp.maximum(ls[2], ls[3])
            m45 = jnp.maximum(ls[4], ls[5])
            m67 = jnp.maximum(ls[6], ls[7])
            m = jnp.maximum(jnp.maximum(m01, m23), jnp.maximum(m45, m67))
            es = [jnp.exp(l - m) for l in ls]
            s = (((es[0] + es[1]) + (es[2] + es[3]))
                 + ((es[4] + es[5]) + (es[6] + es[7])))
            r = 1.0 / s
            ws = [e * r for e in es]
            for t in range(L):
                tok = g * L + t
                p = [ws[f][t] * band_lo[f] for f in range(F)]
                q = [ws[f][t] * band_hi[f] for f in range(F)]
                acc_lo = (((p[0] + p[1]) + (p[2] + p[3]))
                          + ((p[4] + p[5]) + (p[6] + p[7])))
                acc_hi = (((q[0] + q[1]) + (q[2] + q[3]))
                          + ((q[4] + q[5]) + (q[6] + q[7])))
                out_v[tok, pl.ds(0, L)] = base_v[b, tok, pl.ds(0, L)]
                out_v[tok, pl.ds(L, L)] = base_v[b, tok, pl.ds(L, L)]
                out_v[tok, pl.ds(2 * L, L)] = acc_lo
                out_v[tok, pl.ds(3 * L, L)] = acc_hi
            return ()

        lax.fori_loop(0, ngrp, group_body, ())

    def writeback(c):
        pltpu.sync_copy(out_v, out_hbm.at[pl.ds(tok0_of(c), CHUNK)])

    pltpu.sync_copy(tid_hbm.at[pl.ds(tok0_of(0), CHUNK)], idx_v.at[0])
    issue_gathers(0)
    issue_idx(1, 1)

    def outer_body(o, _):
        for b in range(2):
            c = o * 2 + b
            @pl.when(c + 1 < n_chunks)
            def _():
                drain_idx()
                issue_gathers(1 - b)
            drain_gathers(b)
            @pl.when(c + 2 < n_chunks)
            def _():
                issue_idx(c + 2, b)
            compute(b)
            writeback(c)
        return ()

    lax.fori_loop(0, n_chunks // 2, outer_body, ())


@jax.jit
def _emb_call(ids, base_table, freq_table, freq_bands):
    n_tokens = ids.shape[0]
    kern = pl.kernel(
        _emb_body,
        out_type=jax.ShapeDtypeStruct((n_tokens, 2 * D2), jnp.float32),
        mesh=plsc.VectorSubcoreMesh(core_axis_name="c", subcore_axis_name="s"),
        scratch_types=[
            pltpu.VMEM((2, CHUNK), jnp.int32),
            pltpu.VMEM((2, CHUNK, D2), jnp.float32),
            pltpu.VMEM((2, CHUNK, F), jnp.float32),
            pltpu.VMEM((CHUNK, 2 * D2), jnp.float32),
            pltpu.VMEM((F, D2), jnp.float32),
            pltpu.SemaphoreType.DMA,
            pltpu.SemaphoreType.DMA,
            pltpu.SemaphoreType.DMA,
        ],
        compiler_params=pltpu.CompilerParams(
            needs_layout_passes=False, use_tc_tiling_on_sc=False),
    )
    return kern(ids, base_table, freq_table, freq_bands)


def kernel(token_ids, base_table, freq_bands, freq_table):
    b, s = token_ids.shape
    ids = token_ids.astype(jnp.int32).reshape(b * s)
    out = _emb_call(ids, base_table, freq_table, freq_bands)
    return out.reshape(b, s, 2 * D2)

# --- scband reference (transcript-rebuilt; emitter-appended) ---
"""Pipeline reference for scband-frequency-aware-embedding-45947560133298 (READ-ONLY COPY).

The authoritative reference and input builder live on the scoring server;
editing this copy changes nothing except your own understanding.
"""

import jax, jax.numpy as jnp
import numpy as np

VOCAB = 1000000
D_MODEL = 64
NUM_FREQ = 8
B, S = 4096, 200


def setup_inputs(seed: int = 0) -> dict:
    key = jax.random.key(seed)
    k1, k2, k3, k4 = jax.random.split(key, 4)
    token_ids = jax.random.randint(k1, (B, S), 0, VOCAB, dtype=jnp.int64 if jax.config.jax_enable_x64 else jnp.int32)
    base_table = jax.random.normal(k2, (VOCAB, D_MODEL // 2), dtype=jnp.float32)
    freq_bands = jax.random.normal(k3, (NUM_FREQ, D_MODEL // 2), dtype=jnp.float32)
    freq_table = jax.random.normal(k4, (VOCAB, NUM_FREQ), dtype=jnp.float32)
    return {"token_ids": token_ids, "base_table": base_table, "freq_bands": freq_bands, "freq_table": freq_table}


def reference(token_ids, base_table, freq_bands, freq_table):
    base_emb = jnp.take(base_table, token_ids, axis=0)          # [B, S, d/2]
    freq_logits = jnp.take(freq_table, token_ids, axis=0)       # [B, S, F]
    freq_weights = jax.nn.softmax(freq_logits, axis=-1)          # [B, S, F]
    freq_emb = jnp.einsum('bsf,fd->bsd', freq_weights, freq_bands)  # [B, S, d/2]
    return jnp.concatenate([base_emb, freq_emb], axis=-1)        # [B, S, d]

if __name__ == "__main__":
    import jax
    _d = setup_inputs()
    print(jax.jit(kernel)(*tuple(_d.values())))

</pallas_src>

<mosaic_0001>
#map = affine_map<(d0, d1) -> (0)>
#map1 = affine_map<(d0, d1) -> (0, 0)>
module attributes {stable_mosaic.version = 14 : i64} {
  func.func @_emb_body(%arg0: i32, %arg1: i32, %arg2: memref<819200xi32, #tpu.memory_space<hbm>>, %arg3: memref<1000000x32xf32, #tpu.memory_space<hbm>>, %arg4: memref<1000000x8xf32, #tpu.memory_space<hbm>>, %arg5: memref<8x32xf32, #tpu.memory_space<hbm>>, %arg6: memref<819200x64xf32, #tpu.memory_space<hbm>>, %arg7: memref<2x512xi32, #tpu.memory_space<vmem>>, %arg8: memref<2x512x32xf32, #tpu.memory_space<vmem>>, %arg9: memref<2x512x8xf32, #tpu.memory_space<vmem>>, %arg10: memref<512x64xf32, #tpu.memory_space<vmem>>, %arg11: memref<8x32xf32, #tpu.memory_space<vmem>>, %arg12: memref<!tpu.dma_semaphore, #tpu.memory_space<semaphore_mem>>, %arg13: memref<!tpu.dma_semaphore, #tpu.memory_space<semaphore_mem>>, %arg14: memref<!tpu.dma_semaphore, #tpu.memory_space<semaphore_mem>>) attributes {dimension_semantics = [#tpu.dimension_semantics<core_parallel>, #tpu.dimension_semantics<subcore_parallel>], iteration_bounds = array<i64: 2, 16>, scalar_prefetch = 0 : i64, scratch_operands = 8 : i64, tpu.core_type = #tpu.core_type<sc_vector_subcore>, window_params = [{transform_indices = #map}, {transform_indices = #map1}, {transform_indices = #map1}, {transform_indices = #map1}, {transform_indices = #map1}]} {
    %mul3A = arith.constant 2 : i32
    %mul3A_0 = arith.muli %arg1, %mul3A : i32
    %add3A = arith.addi %mul3A_0, %arg0 : i32
    %mul3A_1 = arith.constant 25600 : i32
    %mul3A_2 = arith.muli %add3A, %mul3A_1 : i32
    "tpu.region"() ({
      %run_scoped3A_179 = tpu.sem_alloc : memref<!tpu.dma_semaphore, #tpu.memory_space<semaphore_mem>>
      tpu.enqueue_dma source(%arg5 : memref<8x32xf32, #tpu.memory_space<hbm>>) target(%arg11 : memref<8x32xf32, #tpu.memory_space<vmem>>) target_semaphore(%run_scoped3A_179 : memref<!tpu.dma_semaphore, #tpu.memory_space<semaphore_mem>>)
      tpu.wait_dma2 semaphore(%run_scoped3A_179 : memref<!tpu.dma_semaphore, #tpu.memory_space<semaphore_mem>>) src(%arg5 : memref<8x32xf32, #tpu.memory_space<hbm>>) dst(%arg11 : memref<8x32xf32, #tpu.memory_space<vmem>>)
      tpu.yield
    }) : () -> ()
    %get3A = arith.constant 0 : i32
    %get3A_3 = arith.index_cast %get3A : i32 to index
    %get3A_4 = arith.constant 0 : index
    %get3A_5 = tpu.vector_load %arg11[%get3A_3, %get3A_4] {strides = array<i32>} : memref<8x32xf32, #tpu.memory_space<vmem>>, vector<16xf32>,
    %get3A_6 = arith.constant 1 : i32
    %get3A_7 = arith.index_cast %get3A_6 : i32 to index
    %get3A_8 = arith.constant 0 : index
    %get3A_9 = tpu.vector_load %arg11[%get3A_7, %get3A_8] {strides = array<i32>} : memref<8x32xf32, #tpu.memory_space<vmem>>, vector<16xf32>,
    %get3A_10 = arith.constant 2 : i32
    %get3A_11 = arith.index_cast %get3A_10 : i32 to index
    %get3A_12 = arith.constant 0 : index
    %get3A_13 = tpu.vector_load %arg11[%get3A_11, %get3A_12] {strides = array<i32>} : memref<8x32xf32, #tpu.memory_space<vmem>>, vector<16xf32>,
    %get3A_14 = arith.constant 3 : i32
    %get3A_15 = arith.index_cast %get3A_14 : i32 to index
    %get3A_16 = arith.constant 0 : index
    %get3A_17 = tpu.vector_load %arg11[%get3A_15, %get3A_16] {strides = array<i32>} : memref<8x32xf32, #tpu.memory_space<vmem>>, vector<16xf32>,
    %get3A_18 = arith.constant 4 : i32
    %get3A_19 = arith.index_cast %get3A_18 : i32 to index
    %get3A_20 = arith.constant 0 : index
    %get3A_21 = tpu.vector_load %arg11[%get3A_19, %get3A_20] {strides = array<i32>} : memref<8x32xf32, #tpu.memory_space<vmem>>, vector<16xf32>,
    %get3A_22 = arith.constant 5 : i32
    %get3A_23 = arith.index_cast %get3A_22 : i32 to index
    %get3A_24 = arith.constant 0 : index
    %get3A_25 = tpu.vector_load %arg11[%get3A_23, %get3A_24] {strides = array<i32>} : memref<8x32xf32, #tpu.memory_space<vmem>>, vector<16xf32>,
    %get3A_26 = arith.constant 6 : i32
    %get3A_27 = arith.index_cast %get3A_26 : i32 to index
    %get3A_28 = arith.constant 0 : index
    %get3A_29 = tpu.vector_load %arg11[%get3A_27, %get3A_28] {strides = array<i32>} : memref<8x32xf32, #tpu.memory_space<vmem>>, vector<16xf32>,
    %get3A_30 = arith.constant 7 : i32
    %get3A_31 = arith.index_cast %get3A_30 : i32 to index
    %get3A_32 = arith.constant 0 : index
    %get3A_33 = tpu.vector_load %arg11[%get3A_31, %get3A_32] {strides = array<i32>} : memref<8x32xf32, #tpu.memory_space<vmem>>, vector<16xf32>,
    %get3A_34 = arith.constant 0 : i32
    %get3A_35 = arith.index_cast %get3A_34 : i32 to index
    %get3A_36 = arith.constant 16 : index
    %get3A_37 = tpu.vector_load %arg11[%get3A_35, %get3A_36] {strides = array<i32>} : memref<8x32xf32, #tpu.memory_space<vmem>>, vector<16xf32>,
    %get3A_38 = arith.constant 1 : i32
    %get3A_39 = arith.index_cast %get3A_38 : i32 to index
    %get3A_40 = arith.constant 16 : index
    %get3A_41 = tpu.vector_load %arg11[%get3A_39, %get3A_40] {strides = array<i32>} : memref<8x32xf32, #tpu.memory_space<vmem>>, vector<16xf32>,
    %get3A_42 = arith.constant 2 : i32
    %get3A_43 = arith.index_cast %get3A_42 : i32 to index
    %get3A_44 = arith.constant 16 : index
    %get3A_45 = tpu.vector_load %arg11[%get3A_43, %get3A_44] {strides = array<i32>} : memref<8x32xf32, #tpu.memory_space<vmem>>, vector<16xf32>,
    %get3A_46 = arith.constant 3 : i32
    %get3A_47 = arith.index_cast %get3A_46 : i32 to index
    %get3A_48 = arith.constant 16 : index
    %get3A_49 = tpu.vector_load %arg11[%get3A_47, %get3A_48] {strides = array<i32>} : memref<8x32xf32, #tpu.memory_space<vmem>>, vector<16xf32>,
    %get3A_50 = arith.constant 4 : i32
    %get3A_51 = arith.index_cast %get3A_50 : i32 to index
    %get3A_52 = arith.constant 16 : index
    %get3A_53 = tpu.vector_load %arg11[%get3A_51, %get3A_52] {strides = array<i32>} : memref<8x32xf32, #tpu.memory_space<vmem>>, vector<16xf32>,
    %get3A_54 = arith.constant 5 : i32
    %get3A_55 = arith.index_cast %get3A_54 : i32 to index
    %get3A_56 = arith.constant 16 : index
    %get3A_57 = tpu.vector_load %arg11[%get3A_55, %get3A_56] {strides = array<i32>} : memref<8x32xf32, #tpu.memory_space<vmem>>, vector<16xf32>,
    %get3A_58 = arith.constant 6 : i32
    %get3A_59 = arith.index_cast %get3A_58 : i32 to index
    %get3A_60 = arith.constant 16 : index
    %get3A_61 = tpu.vector_load %arg11[%get3A_59, %get3A_60] {strides = array<i32>} : memref<8x32xf32, #tpu.memory_space<vmem>>, vector<16xf32>,
    %get3A_62 = arith.constant 7 : i32
    %get3A_63 = arith.index_cast %get3A_62 : i32 to index
    %get3A_64 = arith.constant 16 : index
    %get3A_65 = tpu.vector_load %arg11[%get3A_63, %get3A_64] {strides = array<i32>} : memref<8x32xf32, #tpu.memory_space<vmem>>, vector<16xf32>,
    %add3A_66 = arith.constant 0 : i32
    %add3A_67 = arith.addi %mul3A_2, %add3A_66 : i32
    %multiple_of3A = tpu.assume_multiple %add3A_67, 512 : i32
    %run_scoped3A = arith.constant 0 : i32
    "tpu.region"() ({
      %run_scoped3A_179 = tpu.sem_alloc : memref<!tpu.dma_semaphore, #tpu.memory_space<semaphore_mem>>
      %dma_start3A_180 = arith.constant 0 : i32
      %dma_start3A_181 = tpu.memref_slice %arg7[%run_scoped3A, %dma_start3A_180] : memref<2x512xi32, #tpu.memory_space<vmem>> -> memref<1x512xi32, #tpu.memory_space<vmem>>
      %dma_start3A_182 = tpu.memref_squeeze %dma_start3A_181 : memref<1x512xi32, #tpu.memory_space<vmem>> -> memref<512xi32, #tpu.memory_space<vmem>>
      %dma_start3A_183 = tpu.memref_slice %arg2[%multiple_of3A] : memref<819200xi32, #tpu.memory_space<hbm>> -> memref<512xi32, #tpu.memory_space<hbm>>
      %dma_start3A_184 = arith.constant 0 : i32
      %dma_start3A_185 = tpu.memref_slice %arg7[%run_scoped3A, %dma_start3A_184] : memref<2x512xi32, #tpu.memory_space<vmem>> -> memref<1x512xi32, #tpu.memory_space<vmem>>
      %dma_start3A_186 = tpu.memref_squeeze %dma_start3A_185 : memref<1x512xi32, #tpu.memory_space<vmem>> -> memref<512xi32, #tpu.memory_space<vmem>>
      %dma_start3A_187 = tpu.memref_slice %arg2[%multiple_of3A] : memref<819200xi32, #tpu.memory_space<hbm>> -> memref<512xi32, #tpu.memory_space<hbm>>
      tpu.enqueue_dma source(%dma_start3A_187 : memref<512xi32, #tpu.memory_space<hbm>>) target(%dma_start3A_186 : memref<512xi32, #tpu.memory_space<vmem>>) target_semaphore(%run_scoped3A_179 : memref<!tpu.dma_semaphore, #tpu.memory_space<semaphore_mem>>)
      %dma_wait3A = arith.constant 0 : i32
      %dma_wait3A_188 = tpu.memref_slice %arg7[%run_scoped3A, %dma_wait3A] : memref<2x512xi32, #tpu.memory_space<vmem>> -> memref<1x512xi32, #tpu.memory_space<vmem>>
      %dma_wait3A_189 = tpu.memref_squeeze %dma_wait3A_188 : memref<1x512xi32, #tpu.memory_space<vmem>> -> memref<512xi32, #tpu.memory_space<vmem>>
      %dma_wait3A_190 = tpu.memref_slice %arg2[%multiple_of3A] : memref<819200xi32, #tpu.memory_space<hbm>> -> memref<512xi32, #tpu.memory_space<hbm>>
      %dma_wait3A_191 = arith.constant 0 : i32
      %dma_wait3A_192 = tpu.memref_slice %arg7[%run_scoped3A, %dma_wait3A_191] : memref<2x512xi32, #tpu.memory_space<vmem>> -> memref<1x512xi32, #tpu.memory_space<vmem>>
      %dma_wait3A_193 = tpu.memref_squeeze %dma_wait3A_192 : memref<1x512xi32, #tpu.memory_space<vmem>> -> memref<512xi32, #tpu.memory_space<vmem>>
      %dma_wait3A_194 = tpu.memref_slice %arg2[%multiple_of3A] : memref<819200xi32, #tpu.memory_space<hbm>> -> memref<512xi32, #tpu.memory_space<hbm>>
      tpu.wait_dma2 semaphore(%run_scoped3A_179 : memref<!tpu.dma_semaphore, #tpu.memory_space<semaphore_mem>>) src(%dma_wait3A_194 : memref<512xi32, #tpu.memory_space<hbm>>) dst(%dma_wait3A_193 : memref<512xi32, #tpu.memory_space<vmem>>)
      tpu.yield
    }) : () -> ()
    %dma_start3A = arith.constant 0 : i32
    %dma_start3A_68 = arith.constant 0 : i32
    %dma_start3A_69 = arith.constant 0 : i32
    %dma_start3A_70 = arith.constant 0 : i32
    %dma_start3A_71 = tpu.memref_slice %arg8[%dma_start3A_68, %dma_start3A_69, %dma_start3A_70] : memref<2x512x32xf32, #tpu.memory_space<vmem>> -> memref<1x128x32xf32, #tpu.memory_space<vmem>>
    %dma_start3A_72 = tpu.memref_squeeze %dma_start3A_71 : memref<1x128x32xf32, #tpu.memory_space<vmem>> -> memref<128x32xf32, #tpu.memory_space<vmem>>
    %dma_start3A_73 = arith.constant 0 : i32
    %dma_start3A_74 = tpu.memref_slice %arg7[%dma_start3A, %dma_start3A_73] : memref<2x512xi32, #tpu.memory_space<vmem>> -> memref<1x128xi32, #tpu.memory_space<vmem>>
    %dma_start3A_75 = tpu.memref_squeeze %dma_start3A_74 : memref<1x128xi32, #tpu.memory_space<vmem>> -> memref<128xi32, #tpu.memory_space<vmem>>
    %dma_start3A_76 = arith.constant 0 : i32
    %dma_start3A_77 = arith.constant 0 : i32
    %dma_start3A_78 = tpu.memref_slice %arg3[%dma_start3A_76, %dma_start3A_77] : memref<1000000x32xf32, #tpu.memory_space<hbm>> -> memref<1000000x32xf32, #tpu.memory_space<hbm>>
    tpu.enqueue_indirect_dma source(%dma_start3A_78 : memref<1000000x32xf32, #tpu.memory_space<hbm>>) target(%dma_start3A_72 : memref<128x32xf32, #tpu.memory_space<vmem>>) offsets(%dma_start3A_75 : memref<128xi32, #tpu.memory_space<vmem>>) semaphore(%arg13 : memref<!tpu.dma_semaphore, #tpu.memory_space<semaphore_mem>>)
    %dma_start3A_79 = arith.constant 0 : i32
    %dma_start3A_80 = arith.constant 0 : i32
    %dma_start3A_81 = arith.constant 0 : i32
    %dma_start3A_82 = arith.constant 0 : i32
    %dma_start3A_83 = tpu.memref_slice %arg9[%dma_start3A_80, %dma_start3A_81, %dma_start3A_82] : memref<2x512x8xf32, #tpu.memory_space<vmem>> -> memref<1x128x8xf32, #tpu.memory_space<vmem>>
    %dma_start3A_84 = tpu.memref_squeeze %dma_start3A_83 : memref<1x128x8xf32, #tpu.memory_space<vmem>> -> memref<128x8xf32, #tpu.memory_space<vmem>>
    %dma_start3A_85 = arith.constant 0 : i32
    %dma_start3A_86 = tpu.memref_slice %arg7[%dma_start3A_79, %dma_start3A_85] : memref<2x512xi32, #tpu.memory_space<vmem>> -> memref<1x128xi32, #tpu.memory_space<vmem>>
    %dma_start3A_87 = tpu.memref_squeeze %dma_start3A_86 : memref<1x128xi32, #tpu.memory_space<vmem>> -> memref<128xi32, #tpu.memory_space<vmem>>
    %dma_start3A_88 = arith.constant 0 : i32
    %dma_start3A_89 = arith.constant 0 : i32
    %dma_start3A_90 = tpu.memref_slice %arg4[%dma_start3A_88, %dma_start3A_89] : memref<1000000x8xf32, #tpu.memory_space<hbm>> -> memref<1000000x8xf32, #tpu.memory_space<hbm>>
    tpu.enqueue_indirect_dma source(%dma_start3A_90 : memref<1000000x8xf32, #tpu.memory_space<hbm>>) target(%dma_start3A_84 : memref<128x8xf32, #tpu.memory_space<vmem>>) offsets(%dma_start3A_87 : memref<128xi32, #tpu.memory_space<vmem>>) semaphore(%arg14 : memref<!tpu.dma_semaphore, #tpu.memory_space<semaphore_mem>>)
    %dma_start3A_91 = arith.constant 0 : i32
    %dma_start3A_92 = arith.constant 0 : i32
    %dma_start3A_93 = arith.constant 128 : i32
    %dma_start3A_94 = arith.constant 0 : i32
    %dma_start3A_95 = tpu.memref_slice %arg8[%dma_start3A_92, %dma_start3A_93, %dma_start3A_94] : memref<2x512x32xf32, #tpu.memory_space<vmem>> -> memref<1x128x32xf32, #tpu.memory_space<vmem>>
    %dma_start3A_96 = tpu.memref_squeeze %dma_start3A_95 : memref<1x128x32xf32, #tpu.memory_space<vmem>> -> memref<128x32xf32, #tpu.memory_space<vmem>>
    %dma_start3A_97 = arith.constant 128 : i32
    %dma_start3A_98 = tpu.memref_slice %arg7[%dma_start3A_91, %dma_start3A_97] : memref<2x512xi32, #tpu.memory_space<vmem>> -> memref<1x128xi32, #tpu.memory_space<vmem>>
    %dma_start3A_99 = tpu.memref_squeeze %dma_start3A_98 : memref<1x128xi32, #tpu.memory_space<vmem>> -> memref<128xi32, #tpu.memory_space<vmem>>
    %dma_start3A_100 = arith.constant 0 : i32
    %dma_start3A_101 = arith.constant 0 : i32
    %dma_start3A_102 = tpu.memref_slice %arg3[%dma_start3A_100, %dma_start3A_101] : memref<1000000x32xf32, #tpu.memory_space<hbm>> -> memref<1000000x32xf32, #tpu.memory_space<hbm>>
    tpu.enqueue_indirect_dma source(%dma_start3A_102 : memref<1000000x32xf32, #tpu.memory_space<hbm>>) target(%dma_start3A_96 : memref<128x32xf32, #tpu.memory_space<vmem>>) offsets(%dma_start3A_99 : memref<128xi32, #tpu.memory_space<vmem>>) semaphore(%arg13 : memref<!tpu.dma_semaphore, #tpu.memory_space<semaphore_mem>>)
    %dma_start3A_103 = arith.constant 0 : i32
    %dma_start3A_104 = arith.constant 0 : i32
    %dma_start3A_105 = arith.constant 128 : i32
    %dma_start3A_106 = arith.constant 0 : i32
    %dma_start3A_107 = tpu.memref_slice %arg9[%dma_start3A_104, %dma_start3A_105, %dma_start3A_106] : memref<2x512x8xf32, #tpu.memory_space<vmem>> -> memref<1x128x8xf32, #tpu.memory_space<vmem>>
    %dma_start3A_108 = tpu.memref_squeeze %dma_start3A_107 : memref<1x128x8xf32, #tpu.memory_space<vmem>> -> memref<128x8xf32, #tpu.memory_space<vmem>>
    %dma_start3A_109 = arith.constant 128 : i32
    %dma_start3A_110 = tpu.memref_slice %arg7[%dma_start3A_103, %dma_start3A_109] : memref<2x512xi32, #tpu.memory_space<vmem>> -> memref<1x128xi32, #tpu.memory_space<vmem>>
    %dma_start3A_111 = tpu.memref_squeeze %dma_start3A_110 : memref<1x128xi32, #tpu.memory_space<vmem>> -> memref<128xi32, #tpu.memory_space<vmem>>
    %dma_start3A_112 = arith.constant 0 : i32
    %dma_start3A_113 = arith.constant 0 : i32
    %dma_start3A_114 = tpu.memref_slice %arg4[%dma_start3A_112, %dma_start3A_113] : memref<1000000x8xf32, #tpu.memory_space<hbm>> -> memref<1000000x8xf32, #tpu.memory_space<hbm>>
    tpu.enqueue_indirect_dma source(%dma_start3A_114 : memref<1000000x8xf32, #tpu.memory_space<hbm>>) target(%dma_start3A_108 : memref<128x8xf32, #tpu.memory_space<vmem>>) offsets(%dma_start3A_111 : memref<128xi32, #tpu.memory_space<vmem>>) semaphore(%arg14 : memref<!tpu.dma_semaphore, #tpu.memory_space<semaphore_mem>>)
    %dma_start3A_115 = arith.constant 0 : i32
    %dma_start3A_116 = arith.constant 0 : i32
    %dma_start3A_117 = arith.constant 256 : i32
    %dma_start3A_118 = arith.constant 0 : i32
    %dma_start3A_119 = tpu.memref_slice %arg8[%dma_start3A_116, %dma_start3A_117, %dma_start3A_118] : memref<2x512x32xf32, #tpu.memory_space<vmem>> -> memref<1x128x32xf32, #tpu.memory_space<vmem>>
    %dma_start3A_120 = tpu.memref_squeeze %dma_start3A_119 : memref<1x128x32xf32, #tpu.memory_space<vmem>> -> memref<128x32xf32, #tpu.memory_space<vmem>>
    %dma_start3A_121 = arith.constant 256 : i32
    %dma_start3A_122 = tpu.memref_slice %arg7[%dma_start3A_115, %dma_start3A_121] : memref<2x512xi32, #tpu.memory_space<vmem>> -> memref<1x128xi32, #tpu.memory_space<vmem>>
    %dma_start3A_123 = tpu.memref_squeeze %dma_start3A_122 : memref<1x128xi32, #tpu.memory_space<vmem>> -> memref<128xi32, #tpu.memory_space<vmem>>
    %dma_start3A_124 = arith.constant 0 : i32
    %dma_start3A_125 = arith.constant 0 : i32
    %dma_start3A_126 = tpu.memref_slice %arg3[%dma_start3A_124, %dma_start3A_125] : memref<1000000x32xf32, #tpu.memory_space<hbm>> -> memref<1000000x32xf32, #tpu.memory_space<hbm>>
    tpu.enqueue_indirect_dma source(%dma_start3A_126 : memref<1000000x32xf32, #tpu.memory_space<hbm>>) target(%dma_start3A_120 : memref<128x32xf32, #tpu.memory_space<vmem>>) offsets(%dma_start3A_123 : memref<128xi32, #tpu.memory_space<vmem>>) semaphore(%arg13 : memref<!tpu.dma_semaphore, #tpu.memory_space<semaphore_mem>>)
    %dma_start3A_127 = arith.constant 0 : i32
    %dma_start3A_128 = arith.constant 0 : i32
    %dma_start3A_129 = arith.constant 256 : i32
    %dma_start3A_130 = arith.constant 0 : i32
    %dma_start3A_131 = tpu.memref_slice %arg9[%dma_start3A_128, %dma_start3A_129, %dma_start3A_130] : memref<2x512x8xf32, #tpu.memory_space<vmem>> -> memref<1x128x8xf32, #tpu.memory_space<vmem>>
    %dma_start3A_132 = tpu.memref_squeeze %dma_start3A_131 : memref<1x128x8xf32, #tpu.memory_space<vmem>> -> memref<128x8xf32, #tpu.memory_space<vmem>>
    %dma_start3A_133 = arith.constant 256 : i32
    %dma_start3A_134 = tpu.memref_slice %arg7[%dma_start3A_127, %dma_start3A_133] : memref<2x512xi32, #tpu.memory_space<vmem>> -> memref<1x128xi32, #tpu.memory_space<vmem>>
    %dma_start3A_135 = tpu.memref_squeeze %dma_start3A_134 : memref<1x128xi32, #tpu.memory_space<vmem>> -> memref<128xi32, #tpu.memory_space<vmem>>
    %dma_start3A_136 = arith.constant 0 : i32
    %dma_start3A_137 = arith.constant 0 : i32
    %dma_start3A_138 = tpu.memref_slice %arg4[%dma_start3A_136, %dma_start3A_137] : memref<1000000x8xf32, #tpu.memory_space<hbm>> -> memref<1000000x8xf32, #tpu.memory_space<hbm>>
    tpu.enqueue_indirect_dma source(%dma_start3A_138 : memref<1000000x8xf32, #tpu.memory_space<hbm>>) target(%dma_start3A_132 : memref<128x8xf32, #tpu.memory_space<vmem>>) offsets(%dma_start3A_135 : memref<128xi32, #tpu.memory_space<vmem>>) semaphore(%arg14 : memref<!tpu.dma_semaphore, #tpu.memory_space<semaphore_mem>>)
    %dma_start3A_139 = arith.constant 0 : i32
    %dma_start3A_140 = arith.constant 0 : i32
    %dma_start3A_141 = arith.constant 384 : i32
    %dma_start3A_142 = arith.constant 0 : i32
    %dma_start3A_143 = tpu.memref_slice %arg8[%dma_start3A_140, %dma_start3A_141, %dma_start3A_142] : memref<2x512x32xf32, #tpu.memory_space<vmem>> -> memref<1x128x32xf32, #tpu.memory_space<vmem>>
    %dma_start3A_144 = tpu.memref_squeeze %dma_start3A_143 : memref<1x128x32xf32, #tpu.memory_space<vmem>> -> memref<128x32xf32, #tpu.memory_space<vmem>>
    %dma_start3A_145 = arith.constant 384 : i32
    %dma_start3A_146 = tpu.memref_slice %arg7[%dma_start3A_139, %dma_start3A_145] : memref<2x512xi32, #tpu.memory_space<vmem>> -> memref<1x128xi32, #tpu.memory_space<vmem>>
    %dma_start3A_147 = tpu.memref_squeeze %dma_start3A_146 : memref<1x128xi32, #tpu.memory_space<vmem>> -> memref<128xi32, #tpu.memory_space<vmem>>
    %dma_start3A_148 = arith.constant 0 : i32
    %dma_start3A_149 = arith.constant 0 : i32
    %dma_start3A_150 = tpu.memref_slice %arg3[%dma_start3A_148, %dma_start3A_149] : memref<1000000x32xf32, #tpu.memory_space<hbm>> -> memref<1000000x32xf32, #tpu.memory_space<hbm>>
    tpu.enqueue_indirect_dma source(%dma_start3A_150 : memref<1000000x32xf32, #tpu.memory_space<hbm>>) target(%dma_start3A_144 : memref<128x32xf32, #tpu.memory_space<vmem>>) offsets(%dma_start3A_147 : memref<128xi32, #tpu.memory_space<vmem>>) semaphore(%arg13 : memref<!tpu.dma_semaphore, #tpu.memory_space<semaphore_mem>>)
    %dma_start3A_151 = arith.constant 0 : i32
    %dma_start3A_152 = arith.constant 0 : i32
    %dma_start3A_153 = arith.constant 384 : i32
    %dma_start3A_154 = arith.constant 0 : i32
    %dma_start3A_155 = tpu.memref_slice %arg9[%dma_start3A_152, %dma_start3A_153, %dma_start3A_154] : memref<2x512x8xf32, #tpu.memory_space<vmem>> -> memref<1x128x8xf32, #tpu.memory_space<vmem>>
    %dma_start3A_156 = tpu.memref_squeeze %dma_start3A_155 : memref<1x128x8xf32, #tpu.memory_space<vmem>> -> memref<128x8xf32, #tpu.memory_space<vmem>>
    %dma_start3A_157 = arith.constant 384 : i32
    %dma_start3A_158 = tpu.memref_slice %arg7[%dma_start3A_151, %dma_start3A_157] : memref<2x512xi32, #tpu.memory_space<vmem>> -> memref<1x128xi32, #tpu.memory_space<vmem>>
    %dma_start3A_159 = tpu.memref_squeeze %dma_start3A_158 : memref<1x128xi32, #tpu.memory_space<vmem>> -> memref<128xi32, #tpu.memory_space<vmem>>
    %dma_start3A_160 = arith.constant 0 : i32
    %dma_start3A_161 = arith.constant 0 : i32
    %dma_start3A_162 = tpu.memref_slice %arg4[%dma_start3A_160, %dma_start3A_161] : memref<1000000x8xf32, #tpu.memory_space<hbm>> -> memref<1000000x8xf32, #tpu.memory_space<hbm>>
    tpu.enqueue_indirect_dma source(%dma_start3A_162 : memref<1000000x8xf32, #tpu.memory_space<hbm>>) target(%dma_start3A_156 : memref<128x8xf32, #tpu.memory_space<vmem>>) offsets(%dma_start3A_159 : memref<128xi32, #tpu.memory_space<vmem>>) semaphore(%arg14 : memref<!tpu.dma_semaphore, #tpu.memory_space<semaphore_mem>>)
    %add3A_163 = arith.constant 512 : i32
    %add3A_164 = arith.addi %mul3A_2, %add3A_163 : i32
    %multiple_of3A_165 = tpu.assume_multiple %add3A_164, 512 : i32
    %dma_start3A_166 = arith.constant 1 : i32
    %dma_start3A_167 = arith.constant 0 : i32
    %dma_start3A_168 = tpu.memref_slice %arg7[%dma_start3A_166, %dma_start3A_167] : memref<2x512xi32, #tpu.memory_space<vmem>> -> memref<1x512xi32, #tpu.memory_space<vmem>>
    %dma_start3A_169 = tpu.memref_squeeze %dma_start3A_168 : memref<1x512xi32, #tpu.memory_space<vmem>> -> memref<512xi32, #tpu.memory_space<vmem>>
    %dma_start3A_170 = tpu.memref_slice %arg2[%multiple_of3A_165] : memref<819200xi32, #tpu.memory_space<hbm>> -> memref<512xi32, #tpu.memory_space<hbm>>
    %dma_start3A_171 = arith.constant 0 : i32
    %dma_start3A_172 = tpu.memref_slice %arg7[%dma_start3A_166, %dma_start3A_171] : memref<2x512xi32, #tpu.memory_space<vmem>> -> memref<1x512xi32, #tpu.memory_space<vmem>>
    %dma_start3A_173 = tpu.memref_squeeze %dma_start3A_172 : memref<1x512xi32, #tpu.memory_space<vmem>> -> memref<512xi32, #tpu.memory_space<vmem>>
    %dma_start3A_174 = tpu.memref_slice %arg2[%multiple_of3A_165] : memref<819200xi32, #tpu.memory_space<hbm>> -> memref<512xi32, #tpu.memory_space<hbm>>
    tpu.enqueue_dma source(%dma_start3A_174 : memref<512xi32, #tpu.memory_space<hbm>>) target(%dma_start3A_173 : memref<512xi32, #tpu.memory_space<vmem>>) target_semaphore(%arg12 : memref<!tpu.dma_semaphore, #tpu.memory_space<semaphore_mem>>)
    %scan3A = arith.constant 0 : i32
    %scan3A_175 = arith.constant 25 : i32
    %scan3A_176 = arith.addi %scan3A, %scan3A_175 : i32
    %scan3A_177 = arith.constant 1 : i32
    scf.for %scan3A_179 = %scan3A to %scan3A_176 step %scan3A_177  : i32 {
      %mul3A_180 = arith.constant 2 : i32
      %mul3A_181 = arith.muli %scan3A_179, %mul3A_180 : i32
      %add3A_182 = arith.constant 0 : i32
      %add3A_183 = arith.addi %mul3A_181, %add3A_182 : i32
      %add3A_184 = arith.constant 1 : i32
      %add3A_185 = arith.addi %add3A_183, %add3A_184 : i32
      %lt3A = arith.constant 50 : i32
      %lt3A_186 = arith.cmpi slt, %add3A_185, %lt3A : i32
      %convert_element_type3A = arith.extui %lt3A_186 : i1 to i32
      %cond3A = arith.constant 0 : i32
      %cond3A_187 = arith.cmpi ne, %convert_element_type3A, %cond3A : i32
      scf.if %cond3A_187 {
        %dma_wait3A_422 = arith.constant 0 : i32
        %dma_wait3A_423 = arith.constant 0 : i32
        %dma_wait3A_424 = tpu.memref_slice %arg7[%dma_wait3A_422, %dma_wait3A_423] : memref<2x512xi32, #tpu.memory_space<vmem>> -> memref<1x512xi32, #tpu.memory_space<vmem>>
        %dma_wait3A_425 = tpu.memref_squeeze %dma_wait3A_424 : memref<1x512xi32, #tpu.memory_space<vmem>> -> memref<512xi32, #tpu.memory_space<vmem>>
        %dma_wait3A_426 = arith.constant 0 : i32
        %dma_wait3A_427 = tpu.memref_slice %arg2[%dma_wait3A_426] : memref<819200xi32, #tpu.memory_space<hbm>> -> memref<512xi32, #tpu.memory_space<hbm>>
        %dma_wait3A_428 = arith.constant 0 : i32
        %dma_wait3A_429 = tpu.memref_slice %arg7[%dma_wait3A_422, %dma_wait3A_428] : memref<2x512xi32, #tpu.memory_space<vmem>> -> memref<1x512xi32, #tpu.memory_space<vmem>>
        %dma_wait3A_430 = tpu.memref_squeeze %dma_wait3A_429 : memref<1x512xi32, #tpu.memory_space<vmem>> -> memref<512xi32, #tpu.memory_space<vmem>>
        %dma_wait3A_431 = arith.constant 0 : i32
        %dma_wait3A_432 = tpu.memref_slice %arg2[%dma_wait3A_431] : memref<819200xi32, #tpu.memory_space<hbm>> -> memref<512xi32, #tpu.memory_space<hbm>>
        tpu.wait_dma2 semaphore(%arg12 : memref<!tpu.dma_semaphore, #tpu.memory_space<semaphore_mem>>) src(%dma_wait3A_432 : memref<512xi32, #tpu.memory_space<hbm>>) dst(%dma_wait3A_430 : memref<512xi32, #tpu.memory_space<vmem>>)
        %dma_start3A_433 = arith.constant 1 : i32
        %dma_start3A_434 = arith.constant 1 : i32
        %dma_start3A_435 = arith.constant 0 : i32
        %dma_start3A_436 = arith.constant 0 : i32
        %dma_start3A_437 = tpu.memref_slice %arg8[%dma_start3A_434, %dma_start3A_435, %dma_start3A_436] : memref<2x512x32xf32, #tpu.memory_space<vmem>> -> memref<1x128x32xf32, #tpu.memory_space<vmem>>
        %dma_start3A_438 = tpu.memref_squeeze %dma_start3A_437 : memref<1x128x32xf32, #tpu.memory_space<vmem>> -> memref<128x32xf32, #tpu.memory_space<vmem>>
        %dma_start3A_439 = arith.constant 0 : i32
        %dma_start3A_440 = tpu.memref_slice %arg7[%dma_start3A_433, %dma_start3A_439] : memref<2x512xi32, #tpu.memory_space<vmem>> -> memref<1x128xi32, #tpu.memory_space<vmem>>
        %dma_start3A_441 = tpu.memref_squeeze %dma_start3A_440 : memref<1x128xi32, #tpu.memory_space<vmem>> -> memref<128xi32, #tpu.memory_space<vmem>>
        %dma_start3A_442 = arith.constant 0 : i32
        %dma_start3A_443 = arith.constant 0 : i32
        %dma_start3A_444 = tpu.memref_slice %arg3[%dma_start3A_442, %dma_start3A_443] : memref<1000000x32xf32, #tpu.memory_space<hbm>> -> memref<1000000x32xf32, #tpu.memory_space<hbm>>
        tpu.enqueue_indirect_dma source(%dma_start3A_444 : memref<1000000x32xf32, #tpu.memory_space<hbm>>) target(%dma_start3A_438 : memref<128x32xf32, #tpu.memory_space<vmem>>) offsets(%dma_start3A_441 : memref<128xi32, #tpu.memory_space<vmem>>) semaphore(%arg13 : memref<!tpu.dma_semaphore, #tpu.memory_space<semaphore_mem>>)
        %dma_start3A_445 = arith.constant 1 : i32
        %dma_start3A_446 = arith.constant 1 : i32
        %dma_start3A_447 = arith.constant 0 : i32
        %dma_start3A_448 = arith.constant 0 : i32
        %dma_start3A_449 = tpu.memref_slice %arg9[%dma_start3A_446, %dma_start3A_447, %dma_start3A_448] : memref<2x512x8xf32, #tpu.memory_space<vmem>> -> memref<1x128x8xf32, #tpu.memory_space<vmem>>
        %dma_start3A_450 = tpu.memref_squeeze %dma_start3A_449 : memref<1x128x8xf32, #tpu.memory_space<vmem>> -> memref<128x8xf32, #tpu.memory_space<vmem>>
        %dma_start3A_451 = arith.constant 0 : i32
        %dma_start3A_452 = tpu.memref_slice %arg7[%dma_start3A_445, %dma_start3A_451] : memref<2x512xi32, #tpu.memory_space<vmem>> -> memref<1x128xi32, #tpu.memory_space<vmem>>
        %dma_start3A_453 = tpu.memref_squeeze %dma_start3A_452 : memref<1x128xi32, #tpu.memory_space<vmem>> -> memref<128xi32, #tpu.memory_space<vmem>>
        %dma_start3A_454 = arith.constant 0 : i32
        %dma_start3A_455 = arith.constant 0 : i32
        %dma_start3A_456 = tpu.memref_slice %arg4[%dma_start3A_454, %dma_start3A_455] : memref<1000000x8xf32, #tpu.memory_space<hbm>> -> memref<1000000x8xf32, #tpu.memory_space<hbm>>
        tpu.enqueue_indirect_dma source(%dma_start3A_456 : memref<1000000x8xf32, #tpu.memory_space<hbm>>) target(%dma_start3A_450 : memref<128x8xf32, #tpu.memory_space<vmem>>) offsets(%dma_start3A_453 : memref<128xi32, #tpu.memory_space<vmem>>) semaphore(%arg14 : memref<!tpu.dma_semaphore, #tpu.memory_space<semaphore_mem>>)
        %dma_start3A_457 = arith.constant 1 : i32
        %dma_start3A_458 = arith.constant 1 : i32
        %dma_start3A_459 = arith.constant 128 : i32
        %dma_start3A_460 = arith.constant 0 : i32
        %dma_start3A_461 = tpu.memref_slice %arg8[%dma_start3A_458, %dma_start3A_459, %dma_start3A_460] : memref<2x512x32xf32, #tpu.memory_space<vmem>> -> memref<1x128x32xf32, #tpu.memory_space<vmem>>
        %dma_start3A_462 = tpu.memref_squeeze %dma_start3A_461 : memref<1x128x32xf32, #tpu.memory_space<vmem>> -> memref<128x32xf32, #tpu.memory_space<vmem>>
        %dma_start3A_463 = arith.constant 128 : i32
        %dma_start3A_464 = tpu.memref_slice %arg7[%dma_start3A_457, %dma_start3A_463] : memref<2x512xi32, #tpu.memory_space<vmem>> -> memref<1x128xi32, #tpu.memory_space<vmem>>
        %dma_start3A_465 = tpu.memref_squeeze %dma_start3A_464 : memref<1x128xi32, #tpu.memory_space<vmem>> -> memref<128xi32, #tpu.memory_space<vmem>>
        %dma_start3A_466 = arith.constant 0 : i32
        %dma_start3A_467 = arith.constant 0 : i32
        %dma_start3A_468 = tpu.memref_slice %arg3[%dma_start3A_466, %dma_start3A_467] : memref<1000000x32xf32, #tpu.memory_space<hbm>> -> memref<1000000x32xf32, #tpu.memory_space<hbm>>
        tpu.enqueue_indirect_dma source(%dma_start3A_468 : memref<1000000x32xf32, #tpu.memory_space<hbm>>) target(%dma_start3A_462 : memref<128x32xf32, #tpu.memory_space<vmem>>) offsets(%dma_start3A_465 : memref<128xi32, #tpu.memory_space<vmem>>) semaphore(%arg13 : memref<!tpu.dma_semaphore, #tpu.memory_space<semaphore_mem>>)
        %dma_start3A_469 = arith.constant 1 : i32
        %dma_start3A_470 = arith.constant 1 : i32
        %dma_start3A_471 = arith.constant 128 : i32
        %dma_start3A_472 = arith.constant 0 : i32
        %dma_start3A_473 = tpu.memref_slice %arg9[%dma_start3A_470, %dma_start3A_471, %dma_start3A_472] : memref<2x512x8xf32, #tpu.memory_space<vmem>> -> memref<1x128x8xf32, #tpu.memory_space<vmem>>
        %dma_start3A_474 = tpu.memref_squeeze %dma_start3A_473 : memref<1x128x8xf32, #tpu.memory_space<vmem>> -> memref<128x8xf32, #tpu.memory_space<vmem>>
        %dma_start3A_475 = arith.constant 128 : i32
        %dma_start3A_476 = tpu.memref_slice %arg7[%dma_start3A_469, %dma_start3A_475] : memref<2x512xi32, #tpu.memory_space<vmem>> -> memref<1x128xi32, #tpu.memory_space<vmem>>
        %dma_start3A_477 = tpu.memref_squeeze %dma_start3A_476 : memref<1x128xi32, #tpu.memory_space<vmem>> -> memref<128xi32, #tpu.memory_space<vmem>>
        %dma_start3A_478 = arith.constant 0 : i32
        %dma_start3A_479 = arith.constant 0 : i32
        %dma_start3A_480 = tpu.memref_slice %arg4[%dma_start3A_478, %dma_start3A_479] : memref<1000000x8xf32, #tpu.memory_space<hbm>> -> memref<1000000x8xf32, #tpu.memory_space<hbm>>
        tpu.enqueue_indirect_dma source(%dma_start3A_480 : memref<1000000x8xf32, #tpu.memory_space<hbm>>) target(%dma_start3A_474 : memref<128x8xf32, #tpu.memory_space<vmem>>) offsets(%dma_start3A_477 : memref<128xi32, #tpu.memory_space<vmem>>) semaphore(%arg14 : memref<!tpu.dma_semaphore, #tpu.memory_space<semaphore_mem>>)
        %dma_start3A_481 = arith.constant 1 : i32
        %dma_start3A_482 = arith.constant 1 : i32
        %dma_start3A_483 = arith.constant 256 : i32
        %dma_start3A_484 = arith.constant 0 : i32
        %dma_start3A_485 = tpu.memref_slice %arg8[%dma_start3A_482, %dma_start3A_483, %dma_start3A_484] : memref<2x512x32xf32, #tpu.memory_space<vmem>> -> memref<1x128x32xf32, #tpu.memory_space<vmem>>
        %dma_start3A_486 = tpu.memref_squeeze %dma_start3A_485 : memref<1x128x32xf32, #tpu.memory_space<vmem>> -> memref<128x32xf32, #tpu.memory_space<vmem>>
        %dma_start3A_487 = arith.constant 256 : i32
        %dma_start3A_488 = tpu.memref_slice %arg7[%dma_start3A_481, %dma_start3A_487] : memref<2x512xi32, #tpu.memory_space<vmem>> -> memref<1x128xi32, #tpu.memory_space<vmem>>
        %dma_start3A_489 = tpu.memref_squeeze %dma_start3A_488 : memref<1x128xi32, #tpu.memory_space<vmem>> -> memref<128xi32, #tpu.memory_space<vmem>>
        %dma_start3A_490 = arith.constant 0 : i32
        %dma_start3A_491 = arith.constant 0 : i32
        %dma_start3A_492 = tpu.memref_slice %arg3[%dma_start3A_490, %dma_start3A_491] : memref<1000000x32xf32, #tpu.memory_space<hbm>> -> memref<1000000x32xf32, #tpu.memory_space<hbm>>
        tpu.enqueue_indirect_dma source(%dma_start3A_492 : memref<1000000x32xf32, #tpu.memory_space<hbm>>) target(%dma_start3A_486 : memref<128x32xf32, #tpu.memory_space<vmem>>) offsets(%dma_start3A_489 : memref<128xi32, #tpu.memory_space<vmem>>) semaphore(%arg13 : memref<!tpu.dma_semaphore, #tpu.memory_space<semaphore_mem>>)
        %dma_start3A_493 = arith.constant 1 : i32
        %dma_start3A_494 = arith.constant 1 : i32
        %dma_start3A_495 = arith.constant 256 : i32
        %dma_start3A_496 = arith.constant 0 : i32
        %dma_start3A_497 = tpu.memref_slice %arg9[%dma_start3A_494, %dma_start3A_495, %dma_start3A_496] : memref<2x512x8xf32, #tpu.memory_space<vmem>> -> memref<1x128x8xf32, #tpu.memory_space<vmem>>
        %dma_start3A_498 = tpu.memref_squeeze %dma_start3A_497 : memref<1x128x8xf32, #tpu.memory_space<vmem>> -> memref<128x8xf32, #tpu.memory_space<vmem>>
        %dma_start3A_499 = arith.constant 256 : i32
        %dma_start3A_500 = tpu.memref_slice %arg7[%dma_start3A_493, %dma_start3A_499] : memref<2x512xi32, #tpu.memory_space<vmem>> -> memref<1x128xi32, #tpu.memory_space<vmem>>
        %dma_start3A_501 = tpu.memref_squeeze %dma_start3A_500 : memref<1x128xi32, #tpu.memory_space<vmem>> -> memref<128xi32, #tpu.memory_space<vmem>>
        %dma_start3A_502 = arith.constant 0 : i32
        %dma_start3A_503 = arith.constant 0 : i32
        %dma_start3A_504 = tpu.memref_slice %arg4[%dma_start3A_502, %dma_start3A_503] : memref<1000000x8xf32, #tpu.memory_space<hbm>> -> memref<1000000x8xf32, #tpu.memory_space<hbm>>
        tpu.enqueue_indirect_dma source(%dma_start3A_504 : memref<1000000x8xf32, #tpu.memory_space<hbm>>) target(%dma_start3A_498 : memref<128x8xf32, #tpu.memory_space<vmem>>) offsets(%dma_start3A_501 : memref<128xi32, #tpu.memory_space<vmem>>) semaphore(%arg14 : memref<!tpu.dma_semaphore, #tpu.memory_space<semaphore_mem>>)
        %dma_start3A_505 = arith.constant 1 : i32
        %dma_start3A_506 = arith.constant 1 : i32
        %dma_start3A_507 = arith.constant 384 : i32
        %dma_start3A_508 = arith.constant 0 : i32
        %dma_start3A_509 = tpu.memref_slice %arg8[%dma_start3A_506, %dma_start3A_507, %dma_start3A_508] : memref<2x512x32xf32, #tpu.memory_space<vmem>> -> memref<1x128x32xf32, #tpu.memory_space<vmem>>
        %dma_start3A_510 = tpu.memref_squeeze %dma_start3A_509 : memref<1x128x32xf32, #tpu.memory_space<vmem>> -> memref<128x32xf32, #tpu.memory_space<vmem>>
        %dma_start3A_511 = arith.constant 384 : i32
        %dma_start3A_512 = tpu.memref_slice %arg7[%dma_start3A_505, %dma_start3A_511] : memref<2x512xi32, #tpu.memory_space<vmem>> -> memref<1x128xi32, #tpu.memory_space<vmem>>
        %dma_start3A_513 = tpu.memref_squeeze %dma_start3A_512 : memref<1x128xi32, #tpu.memory_space<vmem>> -> memref<128xi32, #tpu.memory_space<vmem>>
        %dma_start3A_514 = arith.constant 0 : i32
        %dma_start3A_515 = arith.constant 0 : i32
        %dma_start3A_516 = tpu.memref_slice %arg3[%dma_start3A_514, %dma_start3A_515] : memref<1000000x32xf32, #tpu.memory_space<hbm>> -> memref<1000000x32xf32, #tpu.memory_space<hbm>>
        tpu.enqueue_indirect_dma source(%dma_start3A_516 : memref<1000000x32xf32, #tpu.memory_space<hbm>>) target(%dma_start3A_510 : memref<128x32xf32, #tpu.memory_space<vmem>>) offsets(%dma_start3A_513 : memref<128xi32, #tpu.memory_space<vmem>>) semaphore(%arg13 : memref<!tpu.dma_semaphore, #tpu.memory_space<semaphore_mem>>)
        %dma_start3A_517 = arith.constant 1 : i32
        %dma_start3A_518 = arith.constant 1 : i32
        %dma_start3A_519 = arith.constant 384 : i32
        %dma_start3A_520 = arith.constant 0 : i32
        %dma_start3A_521 = tpu.memref_slice %arg9[%dma_start3A_518, %dma_start3A_519, %dma_start3A_520] : memref<2x512x8xf32, #tpu.memory_space<vmem>> -> memref<1x128x8xf32, #tpu.memory_space<vmem>>
        %dma_start3A_522 = tpu.memref_squeeze %dma_start3A_521 : memref<1x128x8xf32, #tpu.memory_space<vmem>> -> memref<128x8xf32, #tpu.memory_space<vmem>>
        %dma_start3A_523 = arith.constant 384 : i32
        %dma_start3A_524 = tpu.memref_slice %arg7[%dma_start3A_517, %dma_start3A_523] : memref<2x512xi32, #tpu.memory_space<vmem>> -> memref<1x128xi32, #tpu.memory_space<vmem>>
        %dma_start3A_525 = tpu.memref_squeeze %dma_start3A_524 : memref<1x128xi32, #tpu.memory_space<vmem>> -> memref<128xi32, #tpu.memory_space<vmem>>
        %dma_start3A_526 = arith.constant 0 : i32
        %dma_start3A_527 = arith.constant 0 : i32
        %dma_start3A_528 = tpu.memref_slice %arg4[%dma_start3A_526, %dma_start3A_527] : memref<1000000x8xf32, #tpu.memory_space<hbm>> -> memref<1000000x8xf32, #tpu.memory_space<hbm>>
        tpu.enqueue_indirect_dma source(%dma_start3A_528 : memref<1000000x8xf32, #tpu.memory_space<hbm>>) target(%dma_start3A_522 : memref<128x8xf32, #tpu.memory_space<vmem>>) offsets(%dma_start3A_525 : memref<128xi32, #tpu.memory_space<vmem>>) semaphore(%arg14 : memref<!tpu.dma_semaphore, #tpu.memory_space<semaphore_mem>>)
      } else {
      }
      %dma_wait3A = arith.constant 0 : i32
      %dma_wait3A_188 = arith.constant 0 : i32
      %dma_wait3A_189 = arith.constant 0 : i32
      %dma_wait3A_190 = arith.constant 0 : i32
      %dma_wait3A_191 = tpu.memref_slice %arg8[%dma_wait3A_188, %dma_wait3A_189, %dma_wait3A_190] : memref<2x512x32xf32, #tpu.memory_space<vmem>> -> memref<1x128x32xf32, #tpu.memory_space<vmem>>
      %dma_wait3A_192 = tpu.memref_squeeze %dma_wait3A_191 : memref<1x128x32xf32, #tpu.memory_space<vmem>> -> memref<128x32xf32, #tpu.memory_space<vmem>>
      %dma_wait3A_193 = arith.constant 0 : i32
      %dma_wait3A_194 = tpu.memref_slice %arg7[%dma_wait3A, %dma_wait3A_193] : memref<2x512xi32, #tpu.memory_space<vmem>> -> memref<1x128xi32, #tpu.memory_space<vmem>>
      %dma_wait3A_195 = tpu.memref_squeeze %dma_wait3A_194 : memref<1x128xi32, #tpu.memory_space<vmem>> -> memref<128xi32, #tpu.memory_space<vmem>>
      %dma_wait3A_196 = arith.constant 0 : i32
      %dma_wait3A_197 = arith.constant 0 : i32
      %dma_wait3A_198 = tpu.memref_slice %arg3[%dma_wait3A_196, %dma_wait3A_197] : memref<1000000x32xf32, #tpu.memory_space<hbm>> -> memref<1000000x32xf32, #tpu.memory_space<hbm>>
      tpu.wait_indirect_dma semaphore(%arg13 : memref<!tpu.dma_semaphore, #tpu.memory_space<semaphore_mem>>) src(%dma_wait3A_198 : memref<1000000x32xf32, #tpu.memory_space<hbm>>) dst(%dma_wait3A_192 : memref<128x32xf32, #tpu.memory_space<vmem>>)
      %dma_wait3A_199 = arith.constant 0 : i32
      %dma_wait3A_200 = arith.constant 0 : i32
      %dma_wait3A_201 = arith.constant 0 : i32
      %dma_wait3A_202 = arith.constant 0 : i32
      %dma_wait3A_203 = tpu.memref_slice %arg9[%dma_wait3A_200, %dma_wait3A_201, %dma_wait3A_202] : memref<2x512x8xf32, #tpu.memory_space<vmem>> -> memref<1x128x8xf32, #tpu.memory_space<vmem>>
      %dma_wait3A_204 = tpu.memref_squeeze %dma_wait3A_203 : memref<1x128x8xf32, #tpu.memory_space<vmem>> -> memref<128x8xf32, #tpu.memory_space<vmem>>
      %dma_wait3A_205 = arith.constant 0 : i32
      %dma_wait3A_206 = tpu.memref_slice %arg7[%dma_wait3A_199, %dma_wait3A_205] : memref<2x512xi32, #tpu.memory_space<vmem>> -> memref<1x128xi32, #tpu.memory_space<vmem>>
      %dma_wait3A_207 = tpu.memref_squeeze %dma_wait3A_206 : memref<1x128xi32, #tpu.memory_space<vmem>> -> memref<128xi32, #tpu.memory_space<vmem>>
      %dma_wait3A_208 = arith.constant 0 : i32
      %dma_wait3A_209 = arith.constant 0 : i32
      %dma_wait3A_210 = tpu.memref_slice %arg4[%dma_wait3A_208, %dma_wait3A_209] : memref<1000000x8xf32, #tpu.memory_space<hbm>> -> memref<1000000x8xf32, #tpu.memory_space<hbm>>
      tpu.wait_indirect_dma semaphore(%arg14 : memref<!tpu.dma_semaphore, #tpu.memory_space<semaphore_mem>>) src(%dma_wait3A_210 : memref<1000000x8xf32, #tpu.memory_space<hbm>>) dst(%dma_wait3A_204 : memref<128x8xf32, #tpu.memory_space<vmem>>)
      %dma_wait3A_211 = arith.constant 0 : i32
      %dma_wait3A_212 = arith.constant 0 : i32
      %dma_wait3A_213 = arith.constant 128 : i32
      %dma_wait3A_214 = arith.constant 0 : i32
      %dma_wait3A_215 = tpu.memref_slice %arg8[%dma_wait3A_212, %dma_wait3A_213, %dma_wait3A_214] : memref<2x512x32xf32, #tpu.memory_space<vmem>> -> memref<1x128x32xf32, #tpu.memory_space<vmem>>
      %dma_wait3A_216 = tpu.memref_squeeze %dma_wait3A_215 : memref<1x128x32xf32, #tpu.memory_space<vmem>> -> memref<128x32xf32, #tpu.memory_space<vmem>>
      %dma_wait3A_217 = arith.constant 128 : i32
      %dma_wait3A_218 = tpu.memref_slice %arg7[%dma_wait3A_211, %dma_wait3A_217] : memref<2x512xi32, #tpu.memory_space<vmem>> -> memref<1x128xi32, #tpu.memory_space<vmem>>
      %dma_wait3A_219 = tpu.memref_squeeze %dma_wait3A_218 : memref<1x128xi32, #tpu.memory_space<vmem>> -> memref<128xi32, #tpu.memory_space<vmem>>
      %dma_wait3A_220 = arith.constant 0 : i32
      %dma_wait3A_221 = arith.constant 0 : i32
      %dma_wait3A_222 = tpu.memref_slice %arg3[%dma_wait3A_220, %dma_wait3A_221] : memref<1000000x32xf32, #tpu.memory_space<hbm>> -> memref<1000000x32xf32, #tpu.memory_space<hbm>>
      tpu.wait_indirect_dma semaphore(%arg13 : memref<!tpu.dma_semaphore, #tpu.memory_space<semaphore_mem>>) src(%dma_wait3A_222 : memref<1000000x32xf32, #tpu.memory_space<hbm>>) dst(%dma_wait3A_216 : memref<128x32xf32, #tpu.memory_space<vmem>>)
      %dma_wait3A_223 = arith.constant 0 : i32
      %dma_wait3A_224 = arith.constant 0 : i32
      %dma_wait3A_225 = arith.constant 128 : i32
      %dma_wait3A_226 = arith.constant 0 : i32
      %dma_wait3A_227 = tpu.memref_slice %arg9[%dma_wait3A_224, %dma_wait3A_225, %dma_wait3A_226] : memref<2x512x8xf32, #tpu.memory_space<vmem>> -> memref<1x128x8xf32, #tpu.memory_space<vmem>>
      %dma_wait3A_228 = tpu.memref_squeeze %dma_wait3A_227 : memref<1x128x8xf32, #tpu.memory_space<vmem>> -> memref<128x8xf32, #tpu.memory_space<vmem>>
      %dma_wait3A_229 = arith.constant 128 : i32
      %dma_wait3A_230 = tpu.memref_slice %arg7[%dma_wait3A_223, %dma_wait3A_229] : memref<2x512xi32, #tpu.memory_space<vmem>> -> memref<1x128xi32, #tpu.memory_space<vmem>>
      %dma_wait3A_231 = tpu.memref_squeeze %dma_wait3A_230 : memref<1x128xi32, #tpu.memory_space<vmem>> -> memref<128xi32, #tpu.memory_space<vmem>>
      %dma_wait3A_232 = arith.constant 0 : i32
      %dma_wait3A_233 = arith.constant 0 : i32
      %dma_wait3A_234 = tpu.memref_slice %arg4[%dma_wait3A_232, %dma_wait3A_233] : memref<1000000x8xf32, #tpu.memory_space<hbm>> -> memref<1000000x8xf32, #tpu.memory_space<hbm>>
      tpu.wait_indirect_dma semaphore(%arg14 : memref<!tpu.dma_semaphore, #tpu.memory_space<semaphore_mem>>) src(%dma_wait3A_234 : memref<1000000x8xf32, #tpu.memory_space<hbm>>) dst(%dma_wait3A_228 : memref<128x8xf32, #tpu.memory_space<vmem>>)
      %dma_wait3A_235 = arith.constant 0 : i32
      %dma_wait3A_236 = arith.constant 0 : i32
      %dma_wait3A_237 = arith.constant 256 : i32
      %dma_wait3A_238 = arith.constant 0 : i32
      %dma_wait3A_239 = tpu.memref_slice %arg8[%dma_wait3A_236, %dma_wait3A_237, %dma_wait3A_238] : memref<2x512x32xf32, #tpu.memory_space<vmem>> -> memref<1x128x32xf32, #tpu.memory_space<vmem>>
      %dma_wait3A_240 = tpu.memref_squeeze %dma_wait3A_239 : memref<1x128x32xf32, #tpu.memory_space<vmem>> -> memref<128x32xf32, #tpu.memory_space<vmem>>
      %dma_wait3A_241 = arith.constant 256 : i32
      %dma_wait3A_242 = tpu.memref_slice %arg7[%dma_wait3A_235, %dma_wait3A_241] : memref<2x512xi32, #tpu.memory_space<vmem>> -> memref<1x128xi32, #tpu.memory_space<vmem>>
      %dma_wait3A_243 = tpu.memref_squeeze %dma_wait3A_242 : memref<1x128xi32, #tpu.memory_space<vmem>> -> memref<128xi32, #tpu.memory_space<vmem>>
      %dma_wait3A_244 = arith.constant 0 : i32
      %dma_wait3A_245 = arith.constant 0 : i32
      %dma_wait3A_246 = tpu.memref_slice %arg3[%dma_wait3A_244, %dma_wait3A_245] : memref<1000000x32xf32, #tpu.memory_space<hbm>> -> memref<1000000x32xf32, #tpu.memory_space<hbm>>
      tpu.wait_indirect_dma semaphore(%arg13 : memref<!tpu.dma_semaphore, #tpu.memory_space<semaphore_mem>>) src(%dma_wait3A_246 : memref<1000000x32xf32, #tpu.memory_space<hbm>>) dst(%dma_wait3A_240 : memref<128x32xf32, #tpu.memory_space<vmem>>)
      %dma_wait3A_247 = arith.constant 0 : i32
      %dma_wait3A_248 = arith.constant 0 : i32
      %dma_wait3A_249 = arith.constant 256 : i32
      %dma_wait3A_250 = arith.constant 0 : i32
      %dma_wait3A_251 = tpu.memref_slice %arg9[%dma_wait3A_248, %dma_wait3A_249, %dma_wait3A_250] : memref<2x512x8xf32, #tpu.memory_space<vmem>> -> memref<1x128x8xf32, #tpu.memory_space<vmem>>
      %dma_wait3A_252 = tpu.memref_squeeze %dma_wait3A_251 : memref<1x128x8xf32, #tpu.memory_space<vmem>> -> memref<128x8xf32, #tpu.memory_space<vmem>>
      %dma_wait3A_253 = arith.constant 256 : i32
      %dma_wait3A_254 = tpu.memref_slice %arg7[%dma_wait3A_247, %dma_wait3A_253] : memref<2x512xi32, #tpu.memory_space<vmem>> -> memref<1x128xi32, #tpu.memory_space<vmem>>
      %dma_wait3A_255 = tpu.memref_squeeze %dma_wait3A_254 : memref<1x128xi32, #tpu.memory_space<vmem>> -> memref<128xi32, #tpu.memory_space<vmem>>
      %dma_wait3A_256 = arith.constant 0 : i32
      %dma_wait3A_257 = arith.constant 0 : i32
      %dma_wait3A_258 = tpu.memref_slice %arg4[%dma_wait3A_256, %dma_wait3A_257] : memref<1000000x8xf32, #tpu.memory_space<hbm>> -> memref<1000000x8xf32, #tpu.memory_space<hbm>>
      tpu.wait_indirect_dma semaphore(%arg14 : memref<!tpu.dma_semaphore, #tpu.memory_space<semaphore_mem>>) src(%dma_wait3A_258 : memref<1000000x8xf32, #tpu.memory_space<hbm>>) dst(%dma_wait3A_252 : memref<128x8xf32, #tpu.memory_space<vmem>>)
      %dma_wait3A_259 = arith.constant 0 : i32
      %dma_wait3A_260 = arith.constant 0 : i32
      %dma_wait3A_261 = arith.constant 384 : i32
      %dma_wait3A_262 = arith.constant 0 : i32
      %dma_wait3A_263 = tpu.memref_slice %arg8[%dma_wait3A_260, %dma_wait3A_261, %dma_wait3A_262] : memref<2x512x32xf32, #tpu.memory_space<vmem>> -> memref<1x128x32xf32, #tpu.memory_space<vmem>>
      %dma_wait3A_264 = tpu.memref_squeeze %dma_wait3A_263 : memref<1x128x32xf32, #tpu.memory_space<vmem>> -> memref<128x32xf32, #tpu.memory_space<vmem>>
      %dma_wait3A_265 = arith.constant 384 : i32
      %dma_wait3A_266 = tpu.memref_slice %arg7[%dma_wait3A_259, %dma_wait3A_265] : memref<2x512xi32, #tpu.memory_space<vmem>> -> memref<1x128xi32, #tpu.memory_space<vmem>>
      %dma_wait3A_267 = tpu.memref_squeeze %dma_wait3A_266 : memref<1x128xi32, #tpu.memory_space<vmem>> -> memref<128xi32, #tpu.memory_space<vmem>>
      %dma_wait3A_268 = arith.constant 0 : i32
      %dma_wait3A_269 = arith.constant 0 : i32
      %dma_wait3A_270 = tpu.memref_slice %arg3[%dma_wait3A_268, %dma_wait3A_269] : memref<1000000x32xf32, #tpu.memory_space<hbm>> -> memref<1000000x32xf32, #tpu.memory_space<hbm>>
      tpu.wait_indirect_dma semaphore(%arg13 : memref<!tpu.dma_semaphore, #tpu.memory_space<semaphore_mem>>) src(%dma_wait3A_270 : memref<1000000x32xf32, #tpu.memory_space<hbm>>) dst(%dma_wait3A_264 : memref<128x32xf32, #tpu.memory_space<vmem>>)
      %dma_wait3A_271 = arith.constant 0 : i32
      %dma_wait3A_272 = arith.constant 0 : i32
      %dma_wait3A_273 = arith.constant 384 : i32
      %dma_wait3A_274 = arith.constant 0 : i32
      %dma_wait3A_275 = tpu.memref_slice %arg9[%dma_wait3A_272, %dma_wait3A_273, %dma_wait3A_274] : memref<2x512x8xf32, #tpu.memory_space<vmem>> -> memref<1x128x8xf32, #tpu.memory_space<vmem>>
      %dma_wait3A_276 = tpu.memref_squeeze %dma_wait3A_275 : memref<1x128x8xf32, #tpu.memory_space<vmem>> -> memref<128x8xf32, #tpu.memory_space<vmem>>
      %dma_wait3A_277 = arith.constant 384 : i32
      %dma_wait3A_278 = tpu.memref_slice %arg7[%dma_wait3A_271, %dma_wait3A_277] : memref<2x512xi32, #tpu.memory_space<vmem>> -> memref<1x128xi32, #tpu.memory_space<vmem>>
      %dma_wait3A_279 = tpu.memref_squeeze %dma_wait3A_278 : memref<1x128xi32, #tpu.memory_space<vmem>> -> memref<128xi32, #tpu.memory_space<vmem>>
      %dma_wait3A_280 = arith.constant 0 : i32
      %dma_wait3A_281 = arith.constant 0 : i32
      %dma_wait3A_282 = tpu.memref_slice %arg4[%dma_wait3A_280, %dma_wait3A_281] : memref<1000000x8xf32, #tpu.memory_space<hbm>> -> memref<1000000x8xf32, #tpu.memory_space<hbm>>
      tpu.wait_indirect_dma semaphore(%arg14 : memref<!tpu.dma_semaphore, #tpu.memory_space<semaphore_mem>>) src(%dma_wait3A_282 : memref<1000000x8xf32, #tpu.memory_space<hbm>>) dst(%dma_wait3A_276 : memref<128x8xf32, #tpu.memory_space<vmem>>)
      %add3A_283 = arith.constant 2 : i32
      %add3A_284 = arith.addi %add3A_183, %add3A_283 : i32
      %lt3A_285 = arith.constant 50 : i32
      %lt3A_286 = arith.cmpi slt, %add3A_284, %lt3A_285 : i32
      %convert_element_type3A_287 = arith.extui %lt3A_286 : i1 to i32
      %cond3A_288 = arith.constant 0 : i32
      %cond3A_289 = arith.cmpi ne, %convert_element_type3A_287, %cond3A_288 : i32
      scf.if %cond3A_289 {
        %add3A_422 = arith.constant 2 : i32
        %add3A_423 = arith.addi %add3A_183, %add3A_422 : i32
        %mul3A_424 = arith.constant 512 : i32
        %mul3A_425 = arith.muli %add3A_423, %mul3A_424 : i32
        %add3A_426 = arith.addi %mul3A_2, %mul3A_425 : i32
        %multiple_of3A_427 = tpu.assume_multiple %add3A_426, 512 : i32
        %dma_start3A_428 = arith.constant 0 : i32
        %dma_start3A_429 = arith.constant 0 : i32
        %dma_start3A_430 = tpu.memref_slice %arg7[%dma_start3A_428, %dma_start3A_429] : memref<2x512xi32, #tpu.memory_space<vmem>> -> memref<1x512xi32, #tpu.memory_space<vmem>>
        %dma_start3A_431 = tpu.memref_squeeze %dma_start3A_430 : memref<1x512xi32, #tpu.memory_space<vmem>> -> memref<512xi32, #tpu.memory_space<vmem>>
        %dma_start3A_432 = tpu.memref_slice %arg2[%multiple_of3A_427] : memref<819200xi32, #tpu.memory_space<hbm>> -> memref<512xi32, #tpu.memory_space<hbm>>
        %dma_start3A_433 = arith.constant 0 : i32
        %dma_start3A_434 = tpu.memref_slice %arg7[%dma_start3A_428, %dma_start3A_433] : memref<2x512xi32, #tpu.memory_space<vmem>> -> memref<1x512xi32, #tpu.memory_space<vmem>>
        %dma_start3A_435 = tpu.memref_squeeze %dma_start3A_434 : memref<1x512xi32, #tpu.memory_space<vmem>> -> memref<512xi32, #tpu.memory_space<vmem>>
        %dma_start3A_436 = tpu.memref_slice %arg2[%multiple_of3A_427] : memref<819200xi32, #tpu.memory_space<hbm>> -> memref<512xi32, #tpu.memory_space<hbm>>
        tpu.enqueue_dma source(%dma_start3A_436 : memref<512xi32, #tpu.memory_space<hbm>>) target(%dma_start3A_435 : memref<512xi32, #tpu.memory_space<vmem>>) target_semaphore(%arg12 : memref<!tpu.dma_semaphore, #tpu.memory_space<semaphore_mem>>)
      } else {
      }
      %scan3A_290 = arith.constant 0 : i32
      %scan3A_291 = arith.constant 32 : i32
      %scan3A_292 = arith.addi %scan3A_290, %scan3A_291 : i32
      %scan3A_293 = arith.constant 1 : i32
      scf.for %scan3A_422 = %scan3A_290 to %scan3A_292 step %scan3A_293  : i32 {
        %mul3A_423 = arith.constant 16 : i32
        %mul3A_424 = arith.muli %scan3A_422, %mul3A_423 : i32
        %iota3A = tpu.iota {dimensions = array<i32: 0>} : vector<16xi32>
        %add3A_425 = vector.broadcast %mul3A_424 : i32 to vector<16xi32>
        %add3A_426 = arith.addi %add3A_425, %iota3A : vector<16xi32>
        %broadcast_in_dim3A = arith.constant 0 : i32
        %broadcast_in_dim3A_427 = vector.broadcast %broadcast_in_dim3A : i32 to vector<16xi32>
        %broadcast_in_dim3A_428 = arith.constant 0 : i32
        %broadcast_in_dim3A_429 = vector.broadcast %broadcast_in_dim3A_428 : i32 to vector<16xi32>
        %gather3A = tpu.vector_load_idx %arg9[%broadcast_in_dim3A_427, %add3A_426, %broadcast_in_dim3A_429] : memref<2x512x8xf32, #tpu.memory_space<vmem>>[vector<16xi32>, vector<16xi32>, vector<16xi32>], vector<16xf32>,
        %broadcast_in_dim3A_430 = arith.constant 1 : i32
        %broadcast_in_dim3A_431 = vector.broadcast %broadcast_in_dim3A_430 : i32 to vector<16xi32>
        %gather3A_432 = tpu.vector_load_idx %arg9[%broadcast_in_dim3A_427, %add3A_426, %broadcast_in_dim3A_431] : memref<2x512x8xf32, #tpu.memory_space<vmem>>[vector<16xi32>, vector<16xi32>, vector<16xi32>], vector<16xf32>,
        %broadcast_in_dim3A_433 = arith.constant 2 : i32
        %broadcast_in_dim3A_434 = vector.broadcast %broadcast_in_dim3A_433 : i32 to vector<16xi32>
        %gather3A_435 = tpu.vector_load_idx %arg9[%broadcast_in_dim3A_427, %add3A_426, %broadcast_in_dim3A_434] : memref<2x512x8xf32, #tpu.memory_space<vmem>>[vector<16xi32>, vector<16xi32>, vector<16xi32>], vector<16xf32>,
        %broadcast_in_dim3A_436 = arith.constant 3 : i32
        %broadcast_in_dim3A_437 = vector.broadcast %broadcast_in_dim3A_436 : i32 to vector<16xi32>
        %gather3A_438 = tpu.vector_load_idx %arg9[%broadcast_in_dim3A_427, %add3A_426, %broadcast_in_dim3A_437] : memref<2x512x8xf32, #tpu.memory_space<vmem>>[vector<16xi32>, vector<16xi32>, vector<16xi32>], vector<16xf32>,
        %broadcast_in_dim3A_439 = arith.constant 4 : i32
        %broadcast_in_dim3A_440 = vector.broadcast %broadcast_in_dim3A_439 : i32 to vector<16xi32>
        %gather3A_441 = tpu.vector_load_idx %arg9[%broadcast_in_dim3A_427, %add3A_426, %broadcast_in_dim3A_440] : memref<2x512x8xf32, #tpu.memory_space<vmem>>[vector<16xi32>, vector<16xi32>, vector<16xi32>], vector<16xf32>,
        %broadcast_in_dim3A_442 = arith.constant 5 : i32
        %broadcast_in_dim3A_443 = vector.broadcast %broadcast_in_dim3A_442 : i32 to vector<16xi32>
        %gather3A_444 = tpu.vector_load_idx %arg9[%broadcast_in_dim3A_427, %add3A_426, %broadcast_in_dim3A_443] : memref<2x512x8xf32, #tpu.memory_space<vmem>>[vector<16xi32>, vector<16xi32>, vector<16xi32>], vector<16xf32>,
        %broadcast_in_dim3A_445 = arith.constant 6 : i32
        %broadcast_in_dim3A_446 = vector.broadcast %broadcast_in_dim3A_445 : i32 to vector<16xi32>
        %gather3A_447 = tpu.vector_load_idx %arg9[%broadcast_in_dim3A_427, %add3A_426, %broadcast_in_dim3A_446] : memref<2x512x8xf32, #tpu.memory_space<vmem>>[vector<16xi32>, vector<16xi32>, vector<16xi32>], vector<16xf32>,
        %broadcast_in_dim3A_448 = arith.constant 7 : i32
        %broadcast_in_dim3A_449 = vector.broadcast %broadcast_in_dim3A_448 : i32 to vector<16xi32>
        %gather3A_450 = tpu.vector_load_idx %arg9[%broadcast_in_dim3A_427, %add3A_426, %broadcast_in_dim3A_449] : memref<2x512x8xf32, #tpu.memory_space<vmem>>[vector<16xi32>, vector<16xi32>, vector<16xi32>], vector<16xf32>,
        %max3A = arith.maximumf %gather3A, %gather3A_432 : vector<16xf32>
        %max3A_451 = arith.maximumf %gather3A_435, %gather3A_438 : vector<16xf32>
        %max3A_452 = arith.maximumf %gather3A_441, %gather3A_444 : vector<16xf32>
        %max3A_453 = arith.maximumf %gather3A_447, %gather3A_450 : vector<16xf32>
        %max3A_454 = arith.maximumf %max3A, %max3A_451 : vector<16xf32>
        %max3A_455 = arith.maximumf %max3A_452, %max3A_453 : vector<16xf32>
        %max3A_456 = arith.maximumf %max3A_454, %max3A_455 : vector<16xf32>
        %sub3A = arith.subf %gather3A, %max3A_456 : vector<16xf32>
        %exp3A = math.exp %sub3A : vector<16xf32>
        %sub3A_457 = arith.subf %gather3A_432, %max3A_456 : vector<16xf32>
        %exp3A_458 = math.exp %sub3A_457 : vector<16xf32>
        %sub3A_459 = arith.subf %gather3A_435, %max3A_456 : vector<16xf32>
        %exp3A_460 = math.exp %sub3A_459 : vector<16xf32>
        %sub3A_461 = arith.subf %gather3A_438, %max3A_456 : vector<16xf32>
        %exp3A_462 = math.exp %sub3A_461 : vector<16xf32>
        %sub3A_463 = arith.subf %gather3A_441, %max3A_456 : vector<16xf32>
        %exp3A_464 = math.exp %sub3A_463 : vector<16xf32>
        %sub3A_465 = arith.subf %gather3A_444, %max3A_456 : vector<16xf32>
        %exp3A_466 = math.exp %sub3A_465 : vector<16xf32>
        %sub3A_467 = arith.subf %gather3A_447, %max3A_456 : vector<16xf32>
        %exp3A_468 = math.exp %sub3A_467 : vector<16xf32>
        %sub3A_469 = arith.subf %gather3A_450, %max3A_456 : vector<16xf32>
        %exp3A_470 = math.exp %sub3A_469 : vector<16xf32>
        %add3A_471 = arith.addf %exp3A, %exp3A_458 : vector<16xf32>
        %add3A_472 = arith.addf %exp3A_460, %exp3A_462 : vector<16xf32>
        %add3A_473 = arith.addf %add3A_471, %add3A_472 : vector<16xf32>
        %add3A_474 = arith.addf %exp3A_464, %exp3A_466 : vector<16xf32>
        %add3A_475 = arith.addf %exp3A_468, %exp3A_470 : vector<16xf32>
        %add3A_476 = arith.addf %add3A_474, %add3A_475 : vector<16xf32>
        %add3A_477 = arith.addf %add3A_473, %add3A_476 : vector<16xf32>
        %div3A = arith.constant 1.000000e+00 : f32
        %div3A_478 = vector.broadcast %div3A : f32 to vector<16xf32>
        %div3A_479 = arith.divf %div3A_478, %add3A_477 : vector<16xf32>
        %mul3A_480 = arith.mulf %exp3A, %div3A_479 : vector<16xf32>
        %mul3A_481 = arith.mulf %exp3A_458, %div3A_479 : vector<16xf32>
        %mul3A_482 = arith.mulf %exp3A_460, %div3A_479 : vector<16xf32>
        %mul3A_483 = arith.mulf %exp3A_462, %div3A_479 : vector<16xf32>
        %mul3A_484 = arith.mulf %exp3A_464, %div3A_479 : vector<16xf32>
        %mul3A_485 = arith.mulf %exp3A_466, %div3A_479 : vector<16xf32>
        %mul3A_486 = arith.mulf %exp3A_468, %div3A_479 : vector<16xf32>
        %mul3A_487 = arith.mulf %exp3A_470, %div3A_479 : vector<16xf32>
        %mul3A_488 = arith.constant 16 : i32
        %mul3A_489 = arith.muli %scan3A_422, %mul3A_488 : i32
        %add3A_490 = arith.constant 0 : i32
        %add3A_491 = arith.addi %mul3A_489, %add3A_490 : i32
        %slice3A = vector.extract_strided_slice %mul3A_480 {offsets = [0], sizes = [1], strides = [1]} : vector<16xf32> to vector<1xf32>
        %squeeze3A = vector.extract %slice3A[0] : f32 from vector<1xf32>
        %mul3A_492 = vector.broadcast %squeeze3A : f32 to vector<16xf32>
        %mul3A_493 = arith.mulf %mul3A_492, %get3A_5 : vector<16xf32>
        %slice3A_494 = vector.extract_strided_slice %mul3A_481 {offsets = [0], sizes = [1], strides = [1]} : vector<16xf32> to vector<1xf32>
        %squeeze3A_495 = vector.extract %slice3A_494[0] : f32 from vector<1xf32>
        %mul3A_496 = vector.broadcast %squeeze3A_495 : f32 to vector<16xf32>
        %mul3A_497 = arith.mulf %mul3A_496, %get3A_9 : vector<16xf32>
        %slice3A_498 = vector.extract_strided_slice %mul3A_482 {offsets = [0], sizes = [1], strides = [1]} : vector<16xf32> to vector<1xf32>
        %squeeze3A_499 = vector.extract %slice3A_498[0] : f32 from vector<1xf32>
        %mul3A_500 = vector.broadcast %squeeze3A_499 : f32 to vector<16xf32>
        %mul3A_501 = arith.mulf %mul3A_500, %get3A_13 : vector<16xf32>
        %slice3A_502 = vector.extract_strided_slice %mul3A_483 {offsets = [0], sizes = [1], strides = [1]} : vector<16xf32> to vector<1xf32>
        %squeeze3A_503 = vector.extract %slice3A_502[0] : f32 from vector<1xf32>
        %mul3A_504 = vector.broadcast %squeeze3A_503 : f32 to vector<16xf32>
        %mul3A_505 = arith.mulf %mul3A_504, %get3A_17 : vector<16xf32>
        %slice3A_506 = vector.extract_strided_slice %mul3A_484 {offsets = [0], sizes = [1], strides = [1]} : vector<16xf32> to vector<1xf32>
        %squeeze3A_507 = vector.extract %slice3A_506[0] : f32 from vector<1xf32>
        %mul3A_508 = vector.broadcast %squeeze3A_507 : f32 to vector<16xf32>
        %mul3A_509 = arith.mulf %mul3A_508, %get3A_21 : vector<16xf32>
        %slice3A_510 = vector.extract_strided_slice %mul3A_485 {offsets = [0], sizes = [1], strides = [1]} : vector<16xf32> to vector<1xf32>
        %squeeze3A_511 = vector.extract %slice3A_510[0] : f32 from vector<1xf32>
        %mul3A_512 = vector.broadcast %squeeze3A_511 : f32 to vector<16xf32>
        %mul3A_513 = arith.mulf %mul3A_512, %get3A_25 : vector<16xf32>
        %slice3A_514 = vector.extract_strided_slice %mul3A_486 {offsets = [0], sizes = [1], strides = [1]} : vector<16xf32> to vector<1xf32>
        %squeeze3A_515 = vector.extract %slice3A_514[0] : f32 from vector<1xf32>
        %mul3A_516 = vector.broadcast %squeeze3A_515 : f32 to vector<16xf32>
        %mul3A_517 = arith.mulf %mul3A_516, %get3A_29 : vector<16xf32>
        %slice3A_518 = vector.extract_strided_slice %mul3A_487 {offsets = [0], sizes = [1], strides = [1]} : vector<16xf32> to vector<1xf32>
        %squeeze3A_519 = vector.extract %slice3A_518[0] : f32 from vector<1xf32>
        %mul3A_520 = vector.broadcast %squeeze3A_519 : f32 to vector<16xf32>
        %mul3A_521 = arith.mulf %mul3A_520, %get3A_33 : vector<16xf32>
        %slice3A_522 = vector.extract_strided_slice %mul3A_480 {offsets = [0], sizes = [1], strides = [1]} : vector<16xf32> to vector<1xf32>
        %squeeze3A_523 = vector.extract %slice3A_522[0] : f32 from vector<1xf32>
        %mul3A_524 = vector.broadcast %squeeze3A_523 : f32 to vector<16xf32>
        %mul3A_525 = arith.mulf %mul3A_524, %get3A_37 : vector<16xf32>
        %slice3A_526 = vector.extract_strided_slice %mul3A_481 {offsets = [0], sizes = [1], strides = [1]} : vector<16xf32> to vector<1xf32>
        %squeeze3A_527 = vector.extract %slice3A_526[0] : f32 from vector<1xf32>
        %mul3A_528 = vector.broadcast %squeeze3A_527 : f32 to vector<16xf32>
        %mul3A_529 = arith.mulf %mul3A_528, %get3A_41 : vector<16xf32>
        %slice3A_530 = vector.extract_strided_slice %mul3A_482 {offsets = [0], sizes = [1], strides = [1]} : vector<16xf32> to vector<1xf32>
        %squeeze3A_531 = vector.extract %slice3A_530[0] : f32 from vector<1xf32>
        %mul3A_532 = vector.broadcast %squeeze3A_531 : f32 to vector<16xf32>
        %mul3A_533 = arith.mulf %mul3A_532, %get3A_45 : vector<16xf32>
        %slice3A_534 = vector.extract_strided_slice %mul3A_483 {offsets = [0], sizes = [1], strides = [1]} : vector<16xf32> to vector<1xf32>
        %squeeze3A_535 = vector.extract %slice3A_534[0] : f32 from vector<1xf32>
        %mul3A_536 = vector.broadcast %squeeze3A_535 : f32 to vector<16xf32>
        %mul3A_537 = arith.mulf %mul3A_536, %get3A_49 : vector<16xf32>
        %slice3A_538 = vector.extract_strided_slice %mul3A_484 {offsets = [0], sizes = [1], strides = [1]} : vector<16xf32> to vector<1xf32>
        %squeeze3A_539 = vector.extract %slice3A_538[0] : f32 from vector<1xf32>
        %mul3A_540 = vector.broadcast %squeeze3A_539 : f32 to vector<16xf32>
        %mul3A_541 = arith.mulf %mul3A_540, %get3A_53 : vector<16xf32>
        %slice3A_542 = vector.extract_strided_slice %mul3A_485 {offsets = [0], sizes = [1], strides = [1]} : vector<16xf32> to vector<1xf32>
        %squeeze3A_543 = vector.extract %slice3A_542[0] : f32 from vector<1xf32>
        %mul3A_544 = vector.broadcast %squeeze3A_543 : f32 to vector<16xf32>
        %mul3A_545 = arith.mulf %mul3A_544, %get3A_57 : vector<16xf32>
        %slice3A_546 = vector.extract_strided_slice %mul3A_486 {offsets = [0], sizes = [1], strides = [1]} : vector<16xf32> to vector<1xf32>
        %squeeze3A_547 = vector.extract %slice3A_546[0] : f32 from vector<1xf32>
        %mul3A_548 = vector.broadcast %squeeze3A_547 : f32 to vector<16xf32>
        %mul3A_549 = arith.mulf %mul3A_548, %get3A_61 : vector<16xf32>
        %slice3A_550 = vector.extract_strided_slice %mul3A_487 {offsets = [0], sizes = [1], strides = [1]} : vector<16xf32> to vector<1xf32>
        %squeeze3A_551 = vector.extract %slice3A_550[0] : f32 from vector<1xf32>
        %mul3A_552 = vector.broadcast %squeeze3A_551 : f32 to vector<16xf32>
        %mul3A_553 = arith.mulf %mul3A_552, %get3A_65 : vector<16xf32>
        %add3A_554 = arith.addf %mul3A_493, %mul3A_497 : vector<16xf32>
        %add3A_555 = arith.addf %mul3A_501, %mul3A_505 : vector<16xf32>
        %add3A_556 = arith.addf %add3A_554, %add3A_555 : vector<16xf32>
        %add3A_557 = arith.addf %mul3A_509, %mul3A_513 : vector<16xf32>
        %add3A_558 = arith.addf %mul3A_517, %mul3A_521 : vector<16xf32>
        %add3A_559 = arith.addf %add3A_557, %add3A_558 : vector<16xf32>
        %add3A_560 = arith.addf %add3A_556, %add3A_559 : vector<16xf32>
        %add3A_561 = arith.addf %mul3A_525, %mul3A_529 : vector<16xf32>
        %add3A_562 = arith.addf %mul3A_533, %mul3A_537 : vector<16xf32>
        %add3A_563 = arith.addf %add3A_561, %add3A_562 : vector<16xf32>
        %add3A_564 = arith.addf %mul3A_541, %mul3A_545 : vector<16xf32>
        %add3A_565 = arith.addf %mul3A_549, %mul3A_553 : vector<16xf32>
        %add3A_566 = arith.addf %add3A_564, %add3A_565 : vector<16xf32>
        %add3A_567 = arith.addf %add3A_563, %add3A_566 : vector<16xf32>
        %get3A_568 = arith.constant 0 : i32
        %get3A_569 = arith.index_cast %get3A_568 : i32 to index
        %get3A_570 = arith.index_cast %add3A_491 : i32 to index
        %get3A_571 = arith.constant 0 : index
        %get3A_572 = tpu.vector_load %arg8[%get3A_569, %get3A_570, %get3A_571] {strides = array<i32>} : memref<2x512x32xf32, #tpu.memory_space<vmem>>, vector<16xf32>,
        %swap3A = arith.index_cast %add3A_491 : i32 to index
        %swap3A_573 = arith.constant 0 : index
        %swap3A_574 = tpu.vector_load %arg10[%swap3A, %swap3A_573] {strides = array<i32>} : memref<512x64xf32, #tpu.memory_space<vmem>>, vector<16xf32>,
        tpu.vector_store %arg10[%swap3A, %swap3A_573], %get3A_572 {strides = array<i32>} : memref<512x64xf32, #tpu.memory_space<vmem>>, vector<16xf32>,
        %get3A_575 = arith.constant 0 : i32
        %get3A_576 = arith.index_cast %get3A_575 : i32 to index
        %get3A_577 = arith.index_cast %add3A_491 : i32 to index
        %get3A_578 = arith.constant 16 : index
        %get3A_579 = tpu.vector_load %arg8[%get3A_576, %get3A_577, %get3A_578] {strides = array<i32>} : memref<2x512x32xf32, #tpu.memory_space<vmem>>, vector<16xf32>,
        %swap3A_580 = arith.index_cast %add3A_491 : i32 to index
        %swap3A_581 = arith.constant 16 : index
        %swap3A_582 = tpu.vector_load %arg10[%swap3A_580, %swap3A_581] {strides = array<i32>} : memref<512x64xf32, #tpu.memory_space<vmem>>, vector<16xf32>,
        tpu.vector_store %arg10[%swap3A_580, %swap3A_581], %get3A_579 {strides = array<i32>} : memref<512x64xf32, #tpu.memory_space<vmem>>, vector<16xf32>,
        %swap3A_583 = arith.index_cast %add3A_491 : i32 to index
        %swap3A_584 = arith.constant 32 : index
        %swap3A_585 = tpu.vector_load %arg10[%swap3A_583, %swap3A_584] {strides = array<i32>} : memref<512x64xf32, #tpu.memory_space<vmem>>, vector<16xf32>,
        tpu.vector_store %arg10[%swap3A_583, %swap3A_584], %add3A_560 {strides = array<i32>} : memref<512x64xf32, #tpu.memory_space<vmem>>, vector<16xf32>,
        %swap3A_586 = arith.index_cast %add3A_491 : i32 to index
        %swap3A_587 = arith.constant 48 : index
        %swap3A_588 = tpu.vector_load %arg10[%swap3A_586, %swap3A_587] {strides = array<i32>} : memref<512x64xf32, #tpu.memory_space<vmem>>, vector<16xf32>,
        tpu.vector_store %arg10[%swap3A_586, %swap3A_587], %add3A_567 {strides = array<i32>} : memref<512x64xf32, #tpu.memory_space<vmem>>, vector<16xf32>,
        %mul3A_589 = arith.constant 16 : i32
        %mul3A_590 = arith.muli %scan3A_422, %mul3A_589 : i32
        %add3A_591 = arith.constant 1 : i32
        %add3A_592 = arith.addi %mul3A_590, %add3A_591 : i32
        %slice3A_593 = vector.extract_strided_slice %mul3A_480 {offsets = [1], sizes = [1], strides = [1]} : vector<16xf32> to vector<1xf32>
        %squeeze3A_594 = vector.extract %slice3A_593[0] : f32 from vector<1xf32>
        %mul3A_595 = vector.broadcast %squeeze3A_594 : f32 to vector<16xf32>
        %mul3A_596 = arith.mulf %mul3A_595, %get3A_5 : vector<16xf32>
        %slice3A_597 = vector.extract_strided_slice %mul3A_481 {offsets = [1], sizes = [1], strides = [1]} : vector<16xf32> to vector<1xf32>
        %squeeze3A_598 = vector.extract %slice3A_597[0] : f32 from vector<1xf32>
        %mul3A_599 = vector.broadcast %squeeze3A_598 : f32 to vector<16xf32>
        %mul3A_600 = arith.mulf %mul3A_599, %get3A_9 : vector<16xf32>
        %slice3A_601 = vector.extract_strided_slice %mul3A_482 {offsets = [1], sizes = [1], strides = [1]} : vector<16xf32> to vector<1xf32>
        %squeeze3A_602 = vector.extract %slice3A_601[0] : f32 from vector<1xf32>
        %mul3A_603 = vector.broadcast %squeeze3A_602 : f32 to vector<16xf32>
        %mul3A_604 = arith.mulf %mul3A_603, %get3A_13 : vector<16xf32>
        %slice3A_605 = vector.extract_strided_slice %mul3A_483 {offsets = [1], sizes = [1], strides = [1]} : vector<16xf32> to vector<1xf32>
        %squeeze3A_606 = vector.extract %slice3A_605[0] : f32 from vector<1xf32>
        %mul3A_607 = vector.broadcast %squeeze3A_606 : f32 to vector<16xf32>
        %mul3A_608 = arith.mulf %mul3A_607, %get3A_17 : vector<16xf32>
        %slice3A_609 = vector.extract_strided_slice %mul3A_484 {offsets = [1], sizes = [1], strides = [1]} : vector<16xf32> to vector<1xf32>
        %squeeze3A_610 = vector.extract %slice3A_609[0] : f32 from vector<1xf32>
        %mul3A_611 = vector.broadcast %squeeze3A_610 : f32 to vector<16xf32>
        %mul3A_612 = arith.mulf %mul3A_611, %get3A_21 : vector<16xf32>
        %slice3A_613 = vector.extract_strided_slice %mul3A_485 {offsets = [1], sizes = [1], strides = [1]} : vector<16xf32> to vector<1xf32>
        %squeeze3A_614 = vector.extract %slice3A_613[0] : f32 from vector<1xf32>
        %mul3A_615 = vector.broadcast %squeeze3A_614 : f32 to vector<16xf32>
        %mul3A_616 = arith.mulf %mul3A_615, %get3A_25 : vector<16xf32>
        %slice3A_617 = vector.extract_strided_slice %mul3A_486 {offsets = [1], sizes = [1], strides = [1]} : vector<16xf32> to vector<1xf32>
        %squeeze3A_618 = vector.extract %slice3A_617[0] : f32 from vector<1xf32>
        %mul3A_619 = vector.broadcast %squeeze3A_618 : f32 to vector<16xf32>
        %mul3A_620 = arith.mulf %mul3A_619, %get3A_29 : vector<16xf32>
        %slice3A_621 = vector.extract_strided_slice %mul3A_487 {offsets = [1], sizes = [1], strides = [1]} : vector<16xf32> to vector<1xf32>
        %squeeze3A_622 = vector.extract %slice3A_621[0] : f32 from vector<1xf32>
        %mul3A_623 = vector.broadcast %squeeze3A_622 : f32 to vector<16xf32>
        %mul3A_624 = arith.mulf %mul3A_623, %get3A_33 : vector<16xf32>
        %slice3A_625 = vector.extract_strided_slice %mul3A_480 {offsets = [1], sizes = [1], strides = [1]} : vector<16xf32> to vector<1xf32>
        %squeeze3A_626 = vector.extract %slice3A_625[0] : f32 from vector<1xf32>
        %mul3A_627 = vector.broadcast %squeeze3A_626 : f32 to vector<16xf32>
        %mul3A_628 = arith.mulf %mul3A_627, %get3A_37 : vector<16xf32>
        %slice3A_629 = vector.extract_strided_slice %mul3A_481 {offsets = [1], sizes = [1], strides = [1]} : vector<16xf32> to vector<1xf32>
        %squeeze3A_630 = vector.extract %slice3A_629[0] : f32 from vector<1xf32>
        %mul3A_631 = vector.broadcast %squeeze3A_630 : f32 to vector<16xf32>
        %mul3A_632 = arith.mulf %mul3A_631, %get3A_41 : vector<16xf32>
        %slice3A_633 = vector.extract_strided_slice %mul3A_482 {offsets = [1], sizes = [1], strides = [1]} : vector<16xf32> to vector<1xf32>
        %squeeze3A_634 = vector.extract %slice3A_633[0] : f32 from vector<1xf32>
        %mul3A_635 = vector.broadcast %squeeze3A_634 : f32 to vector<16xf32>
        %mul3A_636 = arith.mulf %mul3A_635, %get3A_45 : vector<16xf32>
        %slice3A_637 = vector.extract_strided_slice %mul3A_483 {offsets = [1], sizes = [1], strides = [1]} : vector<16xf32> to vector<1xf32>
        %squeeze3A_638 = vector.extract %slice3A_637[0] : f32 from vector<1xf32>
        %mul3A_639 = vector.broadcast %squeeze3A_638 : f32 to vector<16xf32>
        %mul3A_640 = arith.mulf %mul3A_639, %get3A_49 : vector<16xf32>
        %slice3A_641 = vector.extract_strided_slice %mul3A_484 {offsets = [1], sizes = [1], strides = [1]} : vector<16xf32> to vector<1xf32>
        %squeeze3A_642 = vector.extract %slice3A_641[0] : f32 from vector<1xf32>
        %mul3A_643 = vector.broadcast %squeeze3A_642 : f32 to vector<16xf32>
        %mul3A_644 = arith.mulf %mul3A_643, %get3A_53 : vector<16xf32>
        %slice3A_645 = vector.extract_strided_slice %mul3A_485 {offsets = [1], sizes = [1], strides = [1]} : vector<16xf32> to vector<1xf32>
        %squeeze3A_646 = vector.extract %slice3A_645[0] : f32 from vector<1xf32>
        %mul3A_647 = vector.broadcast %squeeze3A_646 : f32 to vector<16xf32>
        %mul3A_648 = arith.mulf %mul3A_647, %get3A_57 : vector<16xf32>
        %slice3A_649 = vector.extract_strided_slice %mul3A_486 {offsets = [1], sizes = [1], strides = [1]} : vector<16xf32> to vector<1xf32>
        %squeeze3A_650 = vector.extract %slice3A_649[0] : f32 from vector<1xf32>
        %mul3A_651 = vector.broadcast %squeeze3A_650 : f32 to vector<16xf32>
        %mul3A_652 = arith.mulf %mul3A_651, %get3A_61 : vector<16xf32>
        %slice3A_653 = vector.extract_strided_slice %mul3A_487 {offsets = [1], sizes = [1], strides = [1]} : vector<16xf32> to vector<1xf32>
        %squeeze3A_654 = vector.extract %slice3A_653[0] : f32 from vector<1xf32>
        %mul3A_655 = vector.broadcast %squeeze3A_654 : f32 to vector<16xf32>
        %mul3A_656 = arith.mulf %mul3A_655, %get3A_65 : vector<16xf32>
        %add3A_657 = arith.addf %mul3A_596, %mul3A_600 : vector<16xf32>
        %add3A_658 = arith.addf %mul3A_604, %mul3A_608 : vector<16xf32>
        %add3A_659 = arith.addf %add3A_657, %add3A_658 : vector<16xf32>
        %add3A_660 = arith.addf %mul3A_612, %mul3A_616 : vector<16xf32>
        %add3A_661 = arith.addf %mul3A_620, %mul3A_624 : vector<16xf32>
        %add3A_662 = arith.addf %add3A_660, %add3A_661 : vector<16xf32>
        %add3A_663 = arith.addf %add3A_659, %add3A_662 : vector<16xf32>
        %add3A_664 = arith.addf %mul3A_628, %mul3A_632 : vector<16xf32>
        %add3A_665 = arith.addf %mul3A_636, %mul3A_640 : vector<16xf32>
        %add3A_666 = arith.addf %add3A_664, %add3A_665 : vector<16xf32>
        %add3A_667 = arith.addf %mul3A_644, %mul3A_648 : vector<16xf32>
        %add3A_668 = arith.addf %mul3A_652, %mul3A_656 : vector<16xf32>
        %add3A_669 = arith.addf %add3A_667, %add3A_668 : vector<16xf32>
        %add3A_670 = arith.addf %add3A_666, %add3A_669 : vector<16xf32>
        %get3A_671 = arith.constant 0 : i32
        %get3A_672 = arith.index_cast %get3A_671 : i32 to index
        %get3A_673 = arith.index_cast %add3A_592 : i32 to index
        %get3A_674 = arith.constant 0 : index
        %get3A_675 = tpu.vector_load %arg8[%get3A_672, %get3A_673, %get3A_674] {strides = array<i32>} : memref<2x512x32xf32, #tpu.memory_space<vmem>>, vector<16xf32>,
        %swap3A_676 = arith.index_cast %add3A_592 : i32 to index
        %swap3A_677 = arith.constant 0 : index
        %swap3A_678 = tpu.vector_load %arg10[%swap3A_676, %swap3A_677] {strides = array<i32>} : memref<512x64xf32, #tpu.memory_space<vmem>>, vector<16xf32>,
        tpu.vector_store %arg10[%swap3A_676, %swap3A_677], %get3A_675 {strides = array<i32>} : memref<512x64xf32, #tpu.memory_space<vmem>>, vector<16xf32>,
        %get3A_679 = arith.constant 0 : i32
        %get3A_680 = arith.index_cast %get3A_679 : i32 to index
        %get3A_681 = arith.index_cast %add3A_592 : i32 to index
        %get3A_682 = arith.constant 16 : index
        %get3A_683 = tpu.vector_load %arg8[%get3A_680, %get3A_681, %get3A_682] {strides = array<i32>} : memref<2x512x32xf32, #tpu.memory_space<vmem>>, vector<16xf32>,
        %swap3A_684 = arith.index_cast %add3A_592 : i32 to index
        %swap3A_685 = arith.constant 16 : index
        %swap3A_686 = tpu.vector_load %arg10[%swap3A_684, %swap3A_685] {strides = array<i32>} : memref<512x64xf32, #tpu.memory_space<vmem>>, vector<16xf32>,
        tpu.vector_store %arg10[%swap3A_684, %swap3A_685], %get3A_683 {strides = array<i32>} : memref<512x64xf32, #tpu.memory_space<vmem>>, vector<16xf32>,
        %swap3A_687 = arith.index_cast %add3A_592 : i32 to index
        %swap3A_688 = arith.constant 32 : index
        %swap3A_689 = tpu.vector_load %arg10[%swap3A_687, %swap3A_688] {strides = array<i32>} : memref<512x64xf32, #tpu.memory_space<vmem>>, vector<16xf32>,
        tpu.vector_store %arg10[%swap3A_687, %swap3A_688], %add3A_663 {strides = array<i32>} : memref<512x64xf32, #tpu.memory_space<vmem>>, vector<16xf32>,
        %swap3A_690 = arith.index_cast %add3A_592 : i32 to index
        %swap3A_691 = arith.constant 48 : index
        %swap3A_692 = tpu.vector_load %arg10[%swap3A_690, %swap3A_691] {strides = array<i32>} : memref<512x64xf32, #tpu.memory_space<vmem>>, vector<16xf32>,
        tpu.vector_store %arg10[%swap3A_690, %swap3A_691], %add3A_670 {strides = array<i32>} : memref<512x64xf32, #tpu.memory_space<vmem>>, vector<16xf32>,
        %mul3A_693 = arith.constant 16 : i32
        %mul3A_694 = arith.muli %scan3A_422, %mul3A_693 : i32
        %add3A_695 = arith.constant 2 : i32
        %add3A_696 = arith.addi %mul3A_694, %add3A_695 : i32
        %slice3A_697 = vector.extract_strided_slice %mul3A_480 {offsets = [2], sizes = [1], strides = [1]} : vector<16xf32> to vector<1xf32>
        %squeeze3A_698 = vector.extract %slice3A_697[0] : f32 from vector<1xf32>
        %mul3A_699 = vector.broadcast %squeeze3A_698 : f32 to vector<16xf32>
        %mul3A_700 = arith.mulf %mul3A_699, %get3A_5 : vector<16xf32>
        %slice3A_701 = vector.extract_strided_slice %mul3A_481 {offsets = [2], sizes = [1], strides = [1]} : vector<16xf32> to vector<1xf32>
        %squeeze3A_702 = vector.extract %slice3A_701[0] : f32 from vector<1xf32>
        %mul3A_703 = vector.broadcast %squeeze3A_702 : f32 to vector<16xf32>
        %mul3A_704 = arith.mulf %mul3A_703, %get3A_9 : vector<16xf32>
        %slice3A_705 = vector.extract_strided_slice %mul3A_482 {offsets = [2], sizes = [1], strides = [1]} : vector<16xf32> to vector<1xf32>
        %squeeze3A_706 = vector.extract %slice3A_705[0] : f32 from vector<1xf32>
        %mul3A_707 = vector.broadcast %squeeze3A_706 : f32 to vector<16xf32>
        %mul3A_708 = arith.mulf %mul3A_707, %get3A_13 : vector<16xf32>
        %slice3A_709 = vector.extract_strided_slice %mul3A_483 {offsets = [2], sizes = [1], strides = [1]} : vector<16xf32> to vector<1xf32>
        %squeeze3A_710 = vector.extract %slice3A_709[0] : f32 from vector<1xf32>
        %mul3A_711 = vector.broadcast %squeeze3A_710 : f32 to vector<16xf32>
        %mul3A_712 = arith.mulf %mul3A_711, %get3A_17 : vector<16xf32>
        %slice3A_713 = vector.extract_strided_slice %mul3A_484 {offsets = [2], sizes = [1], strides = [1]} : vector<16xf32> to vector<1xf32>
        %squeeze3A_714 = vector.extract %slice3A_713[0] : f32 from vector<1xf32>
        %mul3A_715 = vector.broadcast %squeeze3A_714 : f32 to vector<16xf32>
        %mul3A_716 = arith.mulf %mul3A_715, %get3A_21 : vector<16xf32>
        %slice3A_717 = vector.extract_strided_slice %mul3A_485 {offsets = [2], sizes = [1], strides = [1]} : vector<16xf32> to vector<1xf32>
        %squeeze3A_718 = vector.extract %slice3A_717[0] : f32 from vector<1xf32>
        %mul3A_719 = vector.broadcast %squeeze3A_718 : f32 to vector<16xf32>
        %mul3A_720 = arith.mulf %mul3A_719, %get3A_25 : vector<16xf32>
        %slice3A_721 = vector.extract_strided_slice %mul3A_486 {offsets = [2], sizes = [1], strides = [1]} : vector<16xf32> to vector<1xf32>
        %squeeze3A_722 = vector.extract %slice3A_721[0] : f32 from vector<1xf32>
        %mul3A_723 = vector.broadcast %squeeze3A_722 : f32 to vector<16xf32>
        %mul3A_724 = arith.mulf %mul3A_723, %get3A_29 : vector<16xf32>
        %slice3A_725 = vector.extract_strided_slice %mul3A_487 {offsets = [2], sizes = [1], strides = [1]} : vector<16xf32> to vector<1xf32>
        %squeeze3A_726 = vector.extract %slice3A_725[0] : f32 from vector<1xf32>
        %mul3A_727 = vector.broadcast %squeeze3A_726 : f32 to vector<16xf32>
        %mul3A_728 = arith.mulf %mul3A_727, %get3A_33 : vector<16xf32>
        %slice3A_729 = vector.extract_strided_slice %mul3A_480 {offsets = [2], sizes = [1], strides = [1]} : vector<16xf32> to vector<1xf32>
        %squeeze3A_730 = vector.extract %slice3A_729[0] : f32 from vector<1xf32>
        %mul3A_731 = vector.broadcast %squeeze3A_730 : f32 to vector<16xf32>
        %mul3A_732 = arith.mulf %mul3A_731, %get3A_37 : vector<16xf32>
        %slice3A_733 = vector.extract_strided_slice %mul3A_481 {offsets = [2], sizes = [1], strides = [1]} : vector<16xf32> to vector<1xf32>
        %squeeze3A_734 = vector.extract %slice3A_733[0] : f32 from vector<1xf32>
        %mul3A_735 = vector.broadcast %squeeze3A_734 : f32 to vector<16xf32>
        %mul3A_736 = arith.mulf %mul3A_735, %get3A_41 : vector<16xf32>
        %slice3A_737 = vector.extract_strided_slice %mul3A_482 {offsets = [2], sizes = [1], strides = [1]} : vector<16xf32> to vector<1xf32>
        %squeeze3A_738 = vector.extract %slice3A_737[0] : f32 from vector<1xf32>
        %mul3A_739 = vector.broadcast %squeeze3A_738 : f32 to vector<16xf32>
        %mul3A_740 = arith.mulf %mul3A_739, %get3A_45 : vector<16xf32>
        %slice3A_741 = vector.extract_strided_slice %mul3A_483 {offsets = [2], sizes = [1], strides = [1]} : vector<16xf32> to vector<1xf32>
        %squeeze3A_742 = vector.extract %slice3A_741[0] : f32 from vector<1xf32>
        %mul3A_743 = vector.broadcast %squeeze3A_742 : f32 to vector<16xf32>
        %mul3A_744 = arith.mulf %mul3A_743, %get3A_49 : vector<16xf32>
        %slice3A_745 = vector.extract_strided_slice %mul3A_484 {offsets = [2], sizes = [1], strides = [1]} : vector<16xf32> to vector<1xf32>
        %squeeze3A_746 = vector.extract %slice3A_745[0] : f32 from vector<1xf32>
        %mul3A_747 = vector.broadcast %squeeze3A_746 : f32 to vector<16xf32>
        %mul3A_748 = arith.mulf %mul3A_747, %get3A_53 : vector<16xf32>
        %slice3A_749 = vector.extract_strided_slice %mul3A_485 {offsets = [2], sizes = [1], strides = [1]} : vector<16xf32> to vector<1xf32>
        %squeeze3A_750 = vector.extract %slice3A_749[0] : f32 from vector<1xf32>
        %mul3A_751 = vector.broadcast %squeeze3A_750 : f32 to vector<16xf32>
        %mul3A_752 = arith.mulf %mul3A_751, %get3A_57 : vector<16xf32>
        %slice3A_753 = vector.extract_strided_slice %mul3A_486 {offsets = [2], sizes = [1], strides = [1]} : vector<16xf32> to vector<1xf32>
        %squeeze3A_754 = vector.extract %slice3A_753[0] : f32 from vector<1xf32>
        %mul3A_755 = vector.broadcast %squeeze3A_754 : f32 to vector<16xf32>
        %mul3A_756 = arith.mulf %mul3A_755, %get3A_61 : vector<16xf32>
        %slice3A_757 = vector.extract_strided_slice %mul3A_487 {offsets = [2], sizes = [1], strides = [1]} : vector<16xf32> to vector<1xf32>
        %squeeze3A_758 = vector.extract %slice3A_757[0] : f32 from vector<1xf32>
        %mul3A_759 = vector.broadcast %squeeze3A_758 : f32 to vector<16xf32>
        %mul3A_760 = arith.mulf %mul3A_759, %get3A_65 : vector<16xf32>
        %add3A_761 = arith.addf %mul3A_700, %mul3A_704 : vector<16xf32>
        %add3A_762 = arith.addf %mul3A_708, %mul3A_712 : vector<16xf32>
        %add3A_763 = arith.addf %add3A_761, %add3A_762 : vector<16xf32>
        %add3A_764 = arith.addf %mul3A_716, %mul3A_720 : vector<16xf32>
        %add3A_765 = arith.addf %mul3A_724, %mul3A_728 : vector<16xf32>
        %add3A_766 = arith.addf %add3A_764, %add3A_765 : vector<16xf32>
        %add3A_767 = arith.addf %add3A_763, %add3A_766 : vector<16xf32>
        %add3A_768 = arith.addf %mul3A_732, %mul3A_736 : vector<16xf32>
        %add3A_769 = arith.addf %mul3A_740, %mul3A_744 : vector<16xf32>
        %add3A_770 = arith.addf %add3A_768, %add3A_769 : vector<16xf32>
        %add3A_771 = arith.addf %mul3A_748, %mul3A_752 : vector<16xf32>
        %add3A_772 = arith.addf %mul3A_756, %mul3A_760 : vector<16xf32>
        %add3A_773 = arith.addf %add3A_771, %add3A_772 : vector<16xf32>
        %add3A_774 = arith.addf %add3A_770, %add3A_773 : vector<16xf32>
        %get3A_775 = arith.constant 0 : i32
        %get3A_776 = arith.index_cast %get3A_775 : i32 to index
        %get3A_777 = arith.index_cast %add3A_696 : i32 to index
        %get3A_778 = arith.constant 0 : index
        %get3A_779 = tpu.vector_load %arg8[%get3A_776, %get3A_777, %get3A_778] {strides = array<i32>} : memref<2x512x32xf32, #tpu.memory_space<vmem>>, vector<16xf32>,
        %swap3A_780 = arith.index_cast %add3A_696 : i32 to index
        %swap3A_781 = arith.constant 0 : index
        %swap3A_782 = tpu.vector_load %arg10[%swap3A_780, %swap3A_781] {strides = array<i32>} : memref<512x64xf32, #tpu.memory_space<vmem>>, vector<16xf32>,
        tpu.vector_store %arg10[%swap3A_780, %swap3A_781], %get3A_779 {strides = array<i32>} : memref<512x64xf32, #tpu.memory_space<vmem>>, vector<16xf32>,
        %get3A_783 = arith.constant 0 : i32
        %get3A_784 = arith.index_cast %get3A_783 : i32 to index
        %get3A_785 = arith.index_cast %add3A_696 : i32 to index
        %get3A_786 = arith.constant 16 : index
        %get3A_787 = tpu.vector_load %arg8[%get3A_784, %get3A_785, %get3A_786] {strides = array<i32>} : memref<2x512x32xf32, #tpu.memory_space<vmem>>, vector<16xf32>,
        %swap3A_788 = arith.index_cast %add3A_696 : i32 to index
        %swap3A_789 = arith.constant 16 : index
        %swap3A_790 = tpu.vector_load %arg10[%swap3A_788, %swap3A_789] {strides = array<i32>} : memref<512x64xf32, #tpu.memory_space<vmem>>, vector<16xf32>,
        tpu.vector_store %arg10[%swap3A_788, %swap3A_789], %get3A_787 {strides = array<i32>} : memref<512x64xf32, #tpu.memory_space<vmem>>, vector<16xf32>,
        %swap3A_791 = arith.index_cast %add3A_696 : i32 to index
        %swap3A_792 = arith.constant 32 : index
        %swap3A_793 = tpu.vector_load %arg10[%swap3A_791, %swap3A_792] {strides = array<i32>} : memref<512x64xf32, #tpu.memory_space<vmem>>, vector<16xf32>,
        tpu.vector_store %arg10[%swap3A_791, %swap3A_792], %add3A_767 {strides = array<i32>} : memref<512x64xf32, #tpu.memory_space<vmem>>, vector<16xf32>,
        %swap3A_794 = arith.index_cast %add3A_696 : i32 to index
        %swap3A_795 = arith.constant 48 : index
        %swap3A_796 = tpu.vector_load %arg10[%swap3A_794, %swap3A_795] {strides = array<i32>} : memref<512x64xf32, #tpu.memory_space<vmem>>, vector<16xf32>,
        tpu.vector_store %arg10[%swap3A_794, %swap3A_795], %add3A_774 {strides = array<i32>} : memref<512x64xf32, #tpu.memory_space<vmem>>, vector<16xf32>,
        %mul3A_797 = arith.constant 16 : i32
        %mul3A_798 = arith.muli %scan3A_422, %mul3A_797 : i32
        %add3A_799 = arith.constant 3 : i32
        %add3A_800 = arith.addi %mul3A_798, %add3A_799 : i32
        %slice3A_801 = vector.extract_strided_slice %mul3A_480 {offsets = [3], sizes = [1], strides = [1]} : vector<16xf32> to vector<1xf32>
        %squeeze3A_802 = vector.extract %slice3A_801[0] : f32 from vector<1xf32>
        %mul3A_803 = vector.broadcast %squeeze3A_802 : f32 to vector<16xf32>
        %mul3A_804 = arith.mulf %mul3A_803, %get3A_5 : vector<16xf32>
        %slice3A_805 = vector.extract_strided_slice %mul3A_481 {offsets = [3], sizes = [1], strides = [1]} : vector<16xf32> to vector<1xf32>
        %squeeze3A_806 = vector.extract %slice3A_805[0] : f32 from vector<1xf32>
        %mul3A_807 = vector.broadcast %squeeze3A_806 : f32 to vector<16xf32>
        %mul3A_808 = arith.mulf %mul3A_807, %get3A_9 : vector<16xf32>
        %slice3A_809 = vector.extract_strided_slice %mul3A_482 {offsets = [3], sizes = [1], strides = [1]} : vector<16xf32> to vector<1xf32>
        %squeeze3A_810 = vector.extract %slice3A_809[0] : f32 from vector<1xf32>
        %mul3A_811 = vector.broadcast %squeeze3A_810 : f32 to vector<16xf32>
        %mul3A_812 = arith.mulf %mul3A_811, %get3A_13 : vector<16xf32>
        %slice3A_813 = vector.extract_strided_slice %mul3A_483 {offsets = [3], sizes = [1], strides = [1]} : vector<16xf32> to vector<1xf32>
        %squeeze3A_814 = vector.extract %slice3A_813[0] : f32 from vector<1xf32>
        %mul3A_815 = vector.broadcast %squeeze3A_814 : f32 to vector<16xf32>
        %mul3A_816 = arith.mulf %mul3A_815, %get3A_17 : vector<16xf32>
        %slice3A_817 = vector.extract_strided_slice %mul3A_484 {offsets = [3], sizes = [1], strides = [1]} : vector<16xf32> to vector<1xf32>
        %squeeze3A_818 = vector.extract %slice3A_817[0] : f32 from vector<1xf32>
        %mul3A_819 = vector.broadcast %squeeze3A_818 : f32 to vector<16xf32>
        %mul3A_820 = arith.mulf %mul3A_819, %get3A_21 : vector<16xf32>
        %slice3A_821 = vector.extract_strided_slice %mul3A_485 {offsets = [3], sizes = [1], strides = [1]} : vector<16xf32> to vector<1xf32>
        %squeeze3A_822 = vector.extract %slice3A_821[0] : f32 from vector<1xf32>
        %mul3A_823 = vector.broadcast %squeeze3A_822 : f32 to vector<16xf32>
        %mul3A_824 = arith.mulf %mul3A_823, %get3A_25 : vector<16xf32>
        %slice3A_825 = vector.extract_strided_slice %mul3A_486 {offsets = [3], sizes = [1], strides = [1]} : vector<16xf32> to vector<1xf32>
        %squeeze3A_826 = vector.extract %slice3A_825[0] : f32 from vector<1xf32>
        %mul3A_827 = vector.broadcast %squeeze3A_826 : f32 to vector<16xf32>
        %mul3A_828 = arith.mulf %mul3A_827, %get3A_29 : vector<16xf32>
        %slice3A_829 = vector.extract_strided_slice %mul3A_487 {offsets = [3], sizes = [1], strides = [1]} : vector<16xf32> to vector<1xf32>
        %squeeze3A_830 = vector.extract %slice3A_829[0] : f32 from vector<1xf32>
        %mul3A_831 = vector.broadcast %squeeze3A_830 : f32 to vector<16xf32>
        %mul3A_832 = arith.mulf %mul3A_831, %get3A_33 : vector<16xf32>
        %slice3A_833 = vector.extract_strided_slice %mul3A_480 {offsets = [3], sizes = [1], strides = [1]} : vector<16xf32> to vector<1xf32>
        %squeeze3A_834 = vector.extract %slice3A_833[0] : f32 from vector<1xf32>
        %mul3A_835 = vector.broadcast %squeeze3A_834 : f32 to vector<16xf32>
        %mul3A_836 = arith.mulf %mul3A_835, %get3A_37 : vector<16xf32>
        %slice3A_837 = vector.extract_strided_slice %mul3A_481 {offsets = [3], sizes = [1], strides = [1]} : vector<16xf32> to vector<1xf32>
        %squeeze3A_838 = vector.extract %slice3A_837[0] : f32 from vector<1xf32>
        %mul3A_839 = vector.broadcast %squeeze3A_838 : f32 to vector<16xf32>
        %mul3A_840 = arith.mulf %mul3A_839, %get3A_41 : vector<16xf32>
        %slice3A_841 = vector.extract_strided_slice %mul3A_482 {offsets = [3], sizes = [1], strides = [1]} : vector<16xf32> to vector<1xf32>
        %squeeze3A_842 = vector.extract %slice3A_841[0] : f32 from vector<1xf32>
        %mul3A_843 = vector.broadcast %squeeze3A_842 : f32 to vector<16xf32>
        %mul3A_844 = arith.mulf %mul3A_843, %get3A_45 : vector<16xf32>
        %slice3A_845 = vector.extract_strided_slice %mul3A_483 {offsets = [3], sizes = [1], strides = [1]} : vector<16xf32> to vector<1xf32>
        %squeeze3A_846 = vector.extract %slice3A_845[0] : f32 from vector<1xf32>
        %mul3A_847 = vector.broadcast %squeeze3A_846 : f32 to vector<16xf32>
        %mul3A_848 = arith.mulf %mul3A_847, %get3A_49 : vector<16xf32>
        %slice3A_849 = vector.extract_strided_slice %mul3A_484 {offsets = [3], sizes = [1], strides = [1]} : vector<16xf32> to vector<1xf32>
        %squeeze3A_850 = vector.extract %slice3A_849[0] : f32 from vector<1xf32>
        %mul3A_851 = vector.broadcast %squeeze3A_850 : f32 to vector<16xf32>
        %mul3A_852 = arith.mulf %mul3A_851, %get3A_53 : vector<16xf32>
        %slice3A_853 = vector.extract_strided_slice %mul3A_485 {offsets = [3], sizes = [1], strides = [1]} : vector<16xf32> to vector<1xf32>
        %squeeze3A_854 = vector.extract %slice3A_853[0] : f32 from vector<1xf32>
        %mul3A_855 = vector.broadcast %squeeze3A_854 : f32 to vector<16xf32>
        %mul3A_856 = arith.mulf %mul3A_855, %get3A_57 : vector<16xf32>
        %slice3A_857 = vector.extract_strided_slice %mul3A_486 {offsets = [3], sizes = [1], strides = [1]} : vector<16xf32> to vector<1xf32>
        %squeeze3A_858 = vector.extract %slice3A_857[0] : f32 from vector<1xf32>
        %mul3A_859 = vector.broadcast %squeeze3A_858 : f32 to vector<16xf32>
        %mul3A_860 = arith.mulf %mul3A_859, %get3A_61 : vector<16xf32>
        %slice3A_861 = vector.extract_strided_slice %mul3A_487 {offsets = [3], sizes = [1], strides = [1]} : vector<16xf32> to vector<1xf32>
        %squeeze3A_862 = vector.extract %slice3A_861[0] : f32 from vector<1xf32>
        %mul3A_863 = vector.broadcast %squeeze3A_862 : f32 to vector<16xf32>
        %mul3A_864 = arith.mulf %mul3A_863, %get3A_65 : vector<16xf32>
        %add3A_865 = arith.addf %mul3A_804, %mul3A_808 : vector<16xf32>
        %add3A_866 = arith.addf %mul3A_812, %mul3A_816 : vector<16xf32>
        %add3A_867 = arith.addf %add3A_865, %add3A_866 : vector<16xf32>
        %add3A_868 = arith.addf %mul3A_820, %mul3A_824 : vector<16xf32>
        %add3A_869 = arith.addf %mul3A_828, %mul3A_832 : vector<16xf32>
        %add3A_870 = arith.addf %add3A_868, %add3A_869 : vector<16xf32>
        %add3A_871 = arith.addf %add3A_867, %add3A_870 : vector<16xf32>
        %add3A_872 = arith.addf %mul3A_836, %mul3A_840 : vector<16xf32>
        %add3A_873 = arith.addf %mul3A_844, %mul3A_848 : vector<16xf32>
        %add3A_874 = arith.addf %add3A_872, %add3A_873 : vector<16xf32>
        %add3A_875 = arith.addf %mul3A_852, %mul3A_856 : vector<16xf32>
        %add3A_876 = arith.addf %mul3A_860, %mul3A_864 : vector<16xf32>
        %add3A_877 = arith.addf %add3A_875, %add3A_876 : vector<16xf32>
        %add3A_878 = arith.addf %add3A_874, %add3A_877 : vector<16xf32>
        %get3A_879 = arith.constant 0 : i32
        %get3A_880 = arith.index_cast %get3A_879 : i32 to index
        %get3A_881 = arith.index_cast %add3A_800 : i32 to index
        %get3A_882 = arith.constant 0 : index
        %get3A_883 = tpu.vector_load %arg8[%get3A_880, %get3A_881, %get3A_882] {strides = array<i32>} : memref<2x512x32xf32, #tpu.memory_space<vmem>>, vector<16xf32>,
        %swap3A_884 = arith.index_cast %add3A_800 : i32 to index
        %swap3A_885 = arith.constant 0 : index
        %swap3A_886 = tpu.vector_load %arg10[%swap3A_884, %swap3A_885] {strides = array<i32>} : memref<512x64xf32, #tpu.memory_space<vmem>>, vector<16xf32>,
        tpu.vector_store %arg10[%swap3A_884, %swap3A_885], %get3A_883 {strides = array<i32>} : memref<512x64xf32, #tpu.memory_space<vmem>>, vector<16xf32>,
        %get3A_887 = arith.constant 0 : i32
        %get3A_888 = arith.index_cast %get3A_887 : i32 to index
        %get3A_889 = arith.index_cast %add3A_800 : i32 to index
        %get3A_890 = arith.constant 16 : index
        %get3A_891 = tpu.vector_load %arg8[%get3A_888, %get3A_889, %get3A_890] {strides = array<i32>} : memref<2x512x32xf32, #tpu.memory_space<vmem>>, vector<16xf32>,
        %swap3A_892 = arith.index_cast %add3A_800 : i32 to index
        %swap3A_893 = arith.constant 16 : index
        %swap3A_894 = tpu.vector_load %arg10[%swap3A_892, %swap3A_893] {strides = array<i32>} : memref<512x64xf32, #tpu.memory_space<vmem>>, vector<16xf32>,
        tpu.vector_store %arg10[%swap3A_892, %swap3A_893], %get3A_891 {strides = array<i32>} : memref<512x64xf32, #tpu.memory_space<vmem>>, vector<16xf32>,
        %swap3A_895 = arith.index_cast %add3A_800 : i32 to index
        %swap3A_896 = arith.constant 32 : index
        %swap3A_897 = tpu.vector_load %arg10[%swap3A_895, %swap3A_896] {strides = array<i32>} : memref<512x64xf32, #tpu.memory_space<vmem>>, vector<16xf32>,
        tpu.vector_store %arg10[%swap3A_895, %swap3A_896], %add3A_871 {strides = array<i32>} : memref<512x64xf32, #tpu.memory_space<vmem>>, vector<16xf32>,
        %swap3A_898 = arith.index_cast %add3A_800 : i32 to index
        %swap3A_899 = arith.constant 48 : index
        %swap3A_900 = tpu.vector_load %arg10[%swap3A_898, %swap3A_899] {strides = array<i32>} : memref<512x64xf32, #tpu.memory_space<vmem>>, vector<16xf32>,
        tpu.vector_store %arg10[%swap3A_898, %swap3A_899], %add3A_878 {strides = array<i32>} : memref<512x64xf32, #tpu.memory_space<vmem>>, vector<16xf32>,
        %mul3A_901 = arith.constant 16 : i32
        %mul3A_902 = arith.muli %scan3A_422, %mul3A_901 : i32
        %add3A_903 = arith.constant 4 : i32
        %add3A_904 = arith.addi %mul3A_902, %add3A_903 : i32
        %slice3A_905 = vector.extract_strided_slice %mul3A_480 {offsets = [4], sizes = [1], strides = [1]} : vector<16xf32> to vector<1xf32>
        %squeeze3A_906 = vector.extract %slice3A_905[0] : f32 from vector<1xf32>
        %mul3A_907 = vector.broadcast %squeeze3A_906 : f32 to vector<16xf32>
        %mul3A_908 = arith.mulf %mul3A_907, %get3A_5 : vector<16xf32>
        %slice3A_909 = vector.extract_strided_slice %mul3A_481 {offsets = [4], sizes = [1], strides = [1]} : vector<16xf32> to vector<1xf32>
        %squeeze3A_910 = vector.extract %slice3A_909[0] : f32 from vector<1xf32>
        %mul3A_911 = vector.broadcast %squeeze3A_910 : f32 to vector<16xf32>
        %mul3A_912 = arith.mulf %mul3A_911, %get3A_9 : vector<16xf32>
        %slice3A_913 = vector.extract_strided_slice %mul3A_482 {offsets = [4], sizes = [1], strides = [1]} : vector<16xf32> to vector<1xf32>
        %squeeze3A_914 = vector.extract %slice3A_913[0] : f32 from vector<1xf32>
        %mul3A_915 = vector.broadcast %squeeze3A_914 : f32 to vector<16xf32>
        %mul3A_916 = arith.mulf %mul3A_915, %get3A_13 : vector<16xf32>
        %slice3A_917 = vector.extract_strided_slice %mul3A_483 {offsets = [4], sizes = [1], strides = [1]} : vector<16xf32> to vector<1xf32>
        %squeeze3A_918 = vector.extract %slice3A_917[0] : f32 from vector<1xf32>
        %mul3A_919 = vector.broadcast %squeeze3A_918 : f32 to vector<16xf32>
        %mul3A_920 = arith.mulf %mul3A_919, %get3A_17 : vector<16xf32>
        %slice3A_921 = vector.extract_strided_slice %mul3A_484 {offsets = [4], sizes = [1], strides = [1]} : vector<16xf32> to vector<1xf32>
        %squeeze3A_922 = vector.extract %slice3A_921[0] : f32 from vector<1xf32>
        %mul3A_923 = vector.broadcast %squeeze3A_922 : f32 to vector<16xf32>
        %mul3A_924 = arith.mulf %mul3A_923, %get3A_21 : vector<16xf32>
        %slice3A_925 = vector.extract_strided_slice %mul3A_485 {offsets = [4], sizes = [1], strides = [1]} : vector<16xf32> to vector<1xf32>
        %squeeze3A_926 = vector.extract %slice3A_925[0] : f32 from vector<1xf32>
        %mul3A_927 = vector.broadcast %squeeze3A_926 : f32 to vector<16xf32>
        %mul3A_928 = arith.mulf %mul3A_927, %get3A_25 : vector<16xf32>
        %slice3A_929 = vector.extract_strided_slice %mul3A_486 {offsets = [4], sizes = [1], strides = [1]} : vector<16xf32> to vector<1xf32>
        %squeeze3A_930 = vector.extract %slice3A_929[0] : f32 from vector<1xf32>
        %mul3A_931 = vector.broadcast %squeeze3A_930 : f32 to vector<16xf32>
        %mul3A_932 = arith.mulf %mul3A_931, %get3A_29 : vector<16xf32>
        %slice3A_933 = vector.extract_strided_slice %mul3A_487 {offsets = [4], sizes = [1], strides = [1]} : vector<16xf32> to vector<1xf32>
        %squeeze3A_934 = vector.extract %slice3A_933[0] : f32 from vector<1xf32>
        %mul3A_935 = vector.broadcast %squeeze3A_934 : f32 to vector<16xf32>
        %mul3A_936 = arith.mulf %mul3A_935, %get3A_33 : vector<16xf32>
        %slice3A_937 = vector.extract_strided_slice %mul3A_480 {offsets = [4], sizes = [1], strides = [1]} : vector<16xf32> to vector<1xf32>
        %squeeze3A_938 = vector.extract %slice3A_937[0] : f32 from vector<1xf32>
        %mul3A_939 = vector.broadcast %squeeze3A_938 : f32 to vector<16xf32>
        %mul3A_940 = arith.mulf %mul3A_939, %get3A_37 : vector<16xf32>
        %slice3A_941 = vector.extract_strided_slice %mul3A_481 {offsets = [4], sizes = [1], strides = [1]} : vector<16xf32> to vector<1xf32>
        %squeeze3A_942 = vector.extract %slice3A_941[0] : f32 from vector<1xf32>
        %mul3A_943 = vector.broadcast %squeeze3A_942 : f32 to vector<16xf32>
        %mul3A_944 = arith.mulf %mul3A_943, %get3A_41 : vector<16xf32>
        %slice3A_945 = vector.extract_strided_slice %mul3A_482 {offsets = [4], sizes = [1], strides = [1]} : vector<16xf32> to vector<1xf32>
        %squeeze3A_946 = vector.extract %slice3A_945[0] : f32 from vector<1xf32>
        %mul3A_947 = vector.broadcast %squeeze3A_946 : f32 to vector<16xf32>
        %mul3A_948 = arith.mulf %mul3A_947, %get3A_45 : vector<16xf32>
        %slice3A_949 = vector.extract_strided_slice %mul3A_483 {offsets = [4], sizes = [1], strides = [1]} : vector<16xf32> to vector<1xf32>
        %squeeze3A_950 = vector.extract %slice3A_949[0] : f32 from vector<1xf32>
        %mul3A_951 = vector.broadcast %squeeze3A_950 : f32 to vector<16xf32>
        %mul3A_952 = arith.mulf %mul3A_951, %get3A_49 : vector<16xf32>
        %slice3A_953 = vector.extract_strided_slice %mul3A_484 {offsets = [4], sizes = [1], strides = [1]} : vector<16xf32> to vector<1xf32>
        %squeeze3A_954 = vector.extract %slice3A_953[0] : f32 from vector<1xf32>
        %mul3A_955 = vector.broadcast %squeeze3A_954 : f32 to vector<16xf32>
        %mul3A_956 = arith.mulf %mul3A_955, %get3A_53 : vector<16xf32>
        %slice3A_957 = vector.extract_strided_slice %mul3A_485 {offsets = [4], sizes = [1], strides = [1]} : vector<16xf32> to vector<1xf32>
        %squeeze3A_958 = vector.extract %slice3A_957[0] : f32 from vector<1xf32>
        %mul3A_959 = vector.broadcast %squeeze3A_958 : f32 to vector<16xf32>
        %mul3A_960 = arith.mulf %mul3A_959, %get3A_57 : vector<16xf32>
        %slice3A_961 = vector.extract_strided_slice %mul3A_486 {offsets = [4], sizes = [1], strides = [1]} : vector<16xf32> to vector<1xf32>
        %squeeze3A_962 = vector.extract %slice3A_961[0] : f32 from vector<1xf32>
        %mul3A_963 = vector.broadcast %squeeze3A_962 : f32 to vector<16xf32>
        %mul3A_964 = arith.mulf %mul3A_963, %get3A_61 : vector<16xf32>
        %slice3A_965 = vector.extract_strided_slice %mul3A_487 {offsets = [4], sizes = [1], strides = [1]} : vector<16xf32> to vector<1xf32>
        %squeeze3A_966 = vector.extract %slice3A_965[0] : f32 from vector<1xf32>
        %mul3A_967 = vector.broadcast %squeeze3A_966 : f32 to vector<16xf32>
        %mul3A_968 = arith.mulf %mul3A_967, %get3A_65 : vector<16xf32>
        %add3A_969 = arith.addf %mul3A_908, %mul3A_912 : vector<16xf32>
        %add3A_970 = arith.addf %mul3A_916, %mul3A_920 : vector<16xf32>
        %add3A_971 = arith.addf %add3A_969, %add3A_970 : vector<16xf32>
        %add3A_972 = arith.addf %mul3A_924, %mul3A_928 : vector<16xf32>
        %add3A_973 = arith.addf %mul3A_932, %mul3A_936 : vector<16xf32>
        %add3A_974 = arith.addf %add3A_972, %add3A_973 : vector<16xf32>
        %add3A_975 = arith.addf %add3A_971, %add3A_974 : vector<16xf32>
        %add3A_976 = arith.addf %mul3A_940, %mul3A_944 : vector<16xf32>
        %add3A_977 = arith.addf %mul3A_948, %mul3A_952 : vector<16xf32>
        %add3A_978 = arith.addf %add3A_976, %add3A_977 : vector<16xf32>
        %add3A_979 = arith.addf %mul3A_956, %mul3A_960 : vector<16xf32>
        %add3A_980 = arith.addf %mul3A_964, %mul3A_968 : vector<16xf32>
        %add3A_981 = arith.addf %add3A_979, %add3A_980 : vector<16xf32>
        %add3A_982 = arith.addf %add3A_978, %add3A_981 : vector<16xf32>
        %get3A_983 = arith.constant 0 : i32
        %get3A_984 = arith.index_cast %get3A_983 : i32 to index
        %get3A_985 = arith.index_cast %add3A_904 : i32 to index
        %get3A_986 = arith.constant 0 : index
        %get3A_987 = tpu.vector_load %arg8[%get3A_984, %get3A_985, %get3A_986] {strides = array<i32>} : memref<2x512x32xf32, #tpu.memory_space<vmem>>, vector<16xf32>,
        %swap3A_988 = arith.index_cast %add3A_904 : i32 to index
        %swap3A_989 = arith.constant 0 : index
        %swap3A_990 = tpu.vector_load %arg10[%swap3A_988, %swap3A_989] {strides = array<i32>} : memref<512x64xf32, #tpu.memory_space<vmem>>, vector<16xf32>,
        tpu.vector_store %arg10[%swap3A_988, %swap3A_989], %get3A_987 {strides = array<i32>} : memref<512x64xf32, #tpu.memory_space<vmem>>, vector<16xf32>,
        %get3A_991 = arith.constant 0 : i32
        %get3A_992 = arith.index_cast %get3A_991 : i32 to index
        %get3A_993 = arith.index_cast %add3A_904 : i32 to index
        %get3A_994 = arith.constant 16 : index
        %get3A_995 = tpu.vector_load %arg8[%get3A_992, %get3A_993, %get3A_994] {strides = array<i32>} : memref<2x512x32xf32, #tpu.memory_space<vmem>>, vector<16xf32>,
        %swap3A_996 = arith.index_cast %add3A_904 : i32 to index
        %swap3A_997 = arith.constant 16 : index
        %swap3A_998 = tpu.vector_load %arg10[%swap3A_996, %swap3A_997] {strides = array<i32>} : memref<512x64xf32, #tpu.memory_space<vmem>>, vector<16xf32>,
        tpu.vector_store %arg10[%swap3A_996, %swap3A_997], %get3A_995 {strides = array<i32>} : memref<512x64xf32, #tpu.memory_space<vmem>>, vector<16xf32>,
        %swap3A_999 = arith.index_cast %add3A_904 : i32 to index
        %swap3A_1000 = arith.constant 32 : index
        %swap3A_1001 = tpu.vector_load %arg10[%swap3A_999, %swap3A_1000] {strides = array<i32>} : memref<512x64xf32, #tpu.memory_space<vmem>>, vector<16xf32>,
        tpu.vector_store %arg10[%swap3A_999, %swap3A_1000], %add3A_975 {strides = array<i32>} : memref<512x64xf32, #tpu.memory_space<vmem>>, vector<16xf32>,
        %swap3A_1002 = arith.index_cast %add3A_904 : i32 to index
        %swap3A_1003 = arith.constant 48 : index
        %swap3A_1004 = tpu.vector_load %arg10[%swap3A_1002, %swap3A_1003] {strides = array<i32>} : memref<512x64xf32, #tpu.memory_space<vmem>>, vector<16xf32>,
        tpu.vector_store %arg10[%swap3A_1002, %swap3A_1003], %add3A_982 {strides = array<i32>} : memref<512x64xf32, #tpu.memory_space<vmem>>, vector<16xf32>,
        %mul3A_1005 = arith.constant 16 : i32
        %mul3A_1006 = arith.muli %scan3A_422, %mul3A_1005 : i32
        %add3A_1007 = arith.constant 5 : i32
        %add3A_1008 = arith.addi %mul3A_1006, %add3A_1007 : i32
        %slice3A_1009 = vector.extract_strided_slice %mul3A_480 {offsets = [5], sizes = [1], strides = [1]} : vector<16xf32> to vector<1xf32>
        %squeeze3A_1010 = vector.extract %slice3A_1009[0] : f32 from vector<1xf32>
        %mul3A_1011 = vector.broadcast %squeeze3A_1010 : f32 to vector<16xf32>
        %mul3A_1012 = arith.mulf %mul3A_1011, %get3A_5 : vector<16xf32>
        %slice3A_1013 = vector.extract_strided_slice %mul3A_481 {offsets = [5], sizes = [1], strides = [1]} : vector<16xf32> to vector<1xf32>
        %squeeze3A_1014 = vector.extract %slice3A_1013[0] : f32 from vector<1xf32>
        %mul3A_1015 = vector.broadcast %squeeze3A_1014 : f32 to vector<16xf32>
        %mul3A_1016 = arith.mulf %mul3A_1015, %get3A_9 : vector<16xf32>
        %slice3A_1017 = vector.extract_strided_slice %mul3A_482 {offsets = [5], sizes = [1], strides = [1]} : vector<16xf32> to vector<1xf32>
        %squeeze3A_1018 = vector.extract %slice3A_1017[0] : f32 from vector<1xf32>
        %mul3A_1019 = vector.broadcast %squeeze3A_1018 : f32 to vector<16xf32>
        %mul3A_1020 = arith.mulf %mul3A_1019, %get3A_13 : vector<16xf32>
        %slice3A_1021 = vector.extract_strided_slice %mul3A_483 {offsets = [5], sizes = [1], strides = [1]} : vector<16xf32> to vector<1xf32>
        %squeeze3A_1022 = vector.extract %slice3A_1021[0] : f32 from vector<1xf32>
        %mul3A_1023 = vector.broadcast %squeeze3A_1022 : f32 to vector<16xf32>
        %mul3A_1024 = arith.mulf %mul3A_1023, %get3A_17 : vector<16xf32>
        %slice3A_1025 = vector.extract_strided_slice %mul3A_484 {offsets = [5], sizes = [1], strides = [1]} : vector<16xf32> to vector<1xf32>
        %squeeze3A_1026 = vector.extract %slice3A_1025[0] : f32 from vector<1xf32>
        %mul3A_1027 = vector.broadcast %squeeze3A_1026 : f32 to vector<16xf32>
        %mul3A_1028 = arith.mulf %mul3A_1027, %get3A_21 : vector<16xf32>
        %slice3A_1029 = vector.extract_strided_slice %mul3A_485 {offsets = [5], sizes = [1], strides = [1]} : vector<16xf32> to vector<1xf32>
        %squeeze3A_1030 = vector.extract %slice3A_1029[0] : f32 from vector<1xf32>
        %mul3A_1031 = vector.broadcast %squeeze3A_1030 : f32 to vector<16xf32>
        %mul3A_1032 = arith.mulf %mul3A_1031, %get3A_25 : vector<16xf32>
        %slice3A_1033 = vector.extract_strided_slice %mul3A_486 {offsets = [5], sizes = [1], strides = [1]} : vector<16xf32> to vector<1xf32>
        %squeeze3A_1034 = vector.extract %slice3A_1033[0] : f32 from vector<1xf32>
        %mul3A_1035 = vector.broadcast %squeeze3A_1034 : f32 to vector<16xf32>
        %mul3A_1036 = arith.mulf %mul3A_1035, %get3A_29 : vector<16xf32>
        %slice3A_1037 = vector.extract_strided_slice %mul3A_487 {offsets = [5], sizes = [1], strides = [1]} : vector<16xf32> to vector<1xf32>
        %squeeze3A_1038 = vector.extract %slice3A_1037[0] : f32 from vector<1xf32>
        %mul3A_1039 = vector.broadcast %squeeze3A_1038 : f32 to vector<16xf32>
        %mul3A_1040 = arith.mulf %mul3A_1039, %get3A_33 : vector<16xf32>
        %slice3A_1041 = vector.extract_strided_slice %mul3A_480 {offsets = [5], sizes = [1], strides = [1]} : vector<16xf32> to vector<1xf32>
        %squeeze3A_1042 = vector.extract %slice3A_1041[0] : f32 from vector<1xf32>
        %mul3A_1043 = vector.broadcast %squeeze3A_1042 : f32 to vector<16xf32>
        %mul3A_1044 = arith.mulf %mul3A_1043, %get3A_37 : vector<16xf32>
        %slice3A_1045 = vector.extract_strided_slice %mul3A_481 {offsets = [5], sizes = [1], strides = [1]} : vector<16xf32> to vector<1xf32>
        %squeeze3A_1046 = vector.extract %slice3A_1045[0] : f32 from vector<1xf32>
        %mul3A_1047 = vector.broadcast %squeeze3A_1046 : f32 to vector<16xf32>
        %mul3A_1048 = arith.mulf %mul3A_1047, %get3A_41 : vector<16xf32>
        %slice3A_1049 = vector.extract_strided_slice %mul3A_482 {offsets = [5], sizes = [1], strides = [1]} : vector<16xf32> to vector<1xf32>
        %squeeze3A_1050 = vector.extract %slice3A_1049[0] : f32 from vector<1xf32>
        %mul3A_1051 = vector.broadcast %squeeze3A_1050 : f32 to vector<16xf32>
        %mul3A_1052 = arith.mulf %mul3A_1051, %get3A_45 : vector<16xf32>
        %slice3A_1053 = vector.extract_strided_slice %mul3A_483 {offsets = [5], sizes = [1], strides = [1]} : vector<16xf32> to vector<1xf32>
        %squeeze3A_1054 = vector.extract %slice3A_1053[0] : f32 from vector<1xf32>
        %mul3A_1055 = vector.broadcast %squeeze3A_1054 : f32 to vector<16xf32>
        %mul3A_1056 = arith.mulf %mul3A_1055, %get3A_49 : vector<16xf32>
        %slice3A_1057 = vector.extract_strided_slice %mul3A_484 {offsets = [5], sizes = [1], strides = [1]} : vector<16xf32> to vector<1xf32>
        %squeeze3A_1058 = vector.extract %slice3A_1057[0] : f32 from vector<1xf32>
        %mul3A_1059 = vector.broadcast %squeeze3A_1058 : f32 to vector<16xf32>
        %mul3A_1060 = arith.mulf %mul3A_1059, %get3A_53 : vector<16xf32>
        %slice3A_1061 = vector.extract_strided_slice %mul3A_485 {offsets = [5], sizes = [1], strides = [1]} : vector<16xf32> to vector<1xf32>
        %squeeze3A_1062 = vector.extract %slice3A_1061[0] : f32 from vector<1xf32>
        %mul3A_1063 = vector.broadcast %squeeze3A_1062 : f32 to vector<16xf32>
        %mul3A_1064 = arith.mulf %mul3A_1063, %get3A_57 : vector<16xf32>
        %slice3A_1065 = vector.extract_strided_slice %mul3A_486 {offsets = [5], sizes = [1], strides = [1]} : vector<16xf32> to vector<1xf32>
        %squeeze3A_1066 = vector.extract %slice3A_1065[0] : f32 from vector<1xf32>
        %mul3A_1067 = vector.broadcast %squeeze3A_1066 : f32 to vector<16xf32>
        %mul3A_1068 = arith.mulf %mul3A_1067, %get3A_61 : vector<16xf32>
        %slice3A_1069 = vector.extract_strided_slice %mul3A_487 {offsets = [5], sizes = [1], strides = [1]} : vector<16xf32> to vector<1xf32>
        %squeeze3A_1070 = vector.extract %slice3A_1069[0] : f32 from vector<1xf32>
        %mul3A_1071 = vector.broadcast %squeeze3A_1070 : f32 to vector<16xf32>
        %mul3A_1072 = arith.mulf %mul3A_1071, %get3A_65 : vector<16xf32>
        %add3A_1073 = arith.addf %mul3A_1012, %mul3A_1016 : vector<16xf32>
        %add3A_1074 = arith.addf %mul3A_1020, %mul3A_1024 : vector<16xf32>
        %add3A_1075 = arith.addf %add3A_1073, %add3A_1074 : vector<16xf32>
        %add3A_1076 = arith.addf %mul3A_1028, %mul3A_1032 : vector<16xf32>
        %add3A_1077 = arith.addf %mul3A_1036, %mul3A_1040 : vector<16xf32>
        %add3A_1078 = arith.addf %add3A_1076, %add3A_1077 : vector<16xf32>
        %add3A_1079 = arith.addf %add3A_1075, %add3A_1078 : vector<16xf32>
        %add3A_1080 = arith.addf %mul3A_1044, %mul3A_1048 : vector<16xf32>
        %add3A_1081 = arith.addf %mul3A_1052, %mul3A_1056 : vector<16xf32>
        %add3A_1082 = arith.addf %add3A_1080, %add3A_1081 : vector<16xf32>
        %add3A_1083 = arith.addf %mul3A_1060, %mul3A_1064 : vector<16xf32>
        %add3A_1084 = arith.addf %mul3A_1068, %mul3A_1072 : vector<16xf32>
        %add3A_1085 = arith.addf %add3A_1083, %add3A_1084 : vector<16xf32>
        %add3A_1086 = arith.addf %add3A_1082, %add3A_1085 : vector<16xf32>
        %get3A_1087 = arith.constant 0 : i32
        %get3A_1088 = arith.index_cast %get3A_1087 : i32 to index
        %get3A_1089 = arith.index_cast %add3A_1008 : i32 to index
        %get3A_1090 = arith.constant 0 : index
        %get3A_1091 = tpu.vector_load %arg8[%get3A_1088, %get3A_1089, %get3A_1090] {strides = array<i32>} : memref<2x512x32xf32, #tpu.memory_space<vmem>>, vector<16xf32>,
        %swap3A_1092 = arith.index_cast %add3A_1008 : i32 to index
        %swap3A_1093 = arith.constant 0 : index
        %swap3A_1094 = tpu.vector_load %arg10[%swap3A_1092, %swap3A_1093] {strides = array<i32>} : memref<512x64xf32, #tpu.memory_space<vmem>>, vector<16xf32>,
        tpu.vector_store %arg10[%swap3A_1092, %swap3A_1093], %get3A_1091 {strides = array<i32>} : memref<512x64xf32, #tpu.memory_space<vmem>>, vector<16xf32>,
        %get3A_1095 = arith.constant 0 : i32
        %get3A_1096 = arith.index_cast %get3A_1095 : i32 to index
        %get3A_1097 = arith.index_cast %add3A_1008 : i32 to index
        %get3A_1098 = arith.constant 16 : index
        %get3A_1099 = tpu.vector_load %arg8[%get3A_1096, %get3A_1097, %get3A_1098] {strides = array<i32>} : memref<2x512x32xf32, #tpu.memory_space<vmem>>, vector<16xf32>,
        %swap3A_1100 = arith.index_cast %add3A_1008 : i32 to index
        %swap3A_1101 = arith.constant 16 : index
        %swap3A_1102 = tpu.vector_load %arg10[%swap3A_1100, %swap3A_1101] {strides = array<i32>} : memref<512x64xf32, #tpu.memory_space<vmem>>, vector<16xf32>,
        tpu.vector_store %arg10[%swap3A_1100, %swap3A_1101], %get3A_1099 {strides = array<i32>} : memref<512x64xf32, #tpu.memory_space<vmem>>, vector<16xf32>,
        %swap3A_1103 = arith.index_cast %add3A_1008 : i32 to index
        %swap3A_1104 = arith.constant 32 : index
        %swap3A_1105 = tpu.vector_load %arg10[%swap3A_1103, %swap3A_1104] {strides = array<i32>} : memref<512x64xf32, #tpu.memory_space<vmem>>, vector<16xf32>,
        tpu.vector_store %arg10[%swap3A_1103, %swap3A_1104], %add3A_1079 {strides = array<i32>} : memref<512x64xf32, #tpu.memory_space<vmem>>, vector<16xf32>,
        %swap3A_1106 = arith.index_cast %add3A_1008 : i32 to index
        %swap3A_1107 = arith.constant 48 : index
        %swap3A_1108 = tpu.vector_load %arg10[%swap3A_1106, %swap3A_1107] {strides = array<i32>} : memref<512x64xf32, #tpu.memory_space<vmem>>, vector<16xf32>,
        tpu.vector_store %arg10[%swap3A_1106, %swap3A_1107], %add3A_1086 {strides = array<i32>} : memref<512x64xf32, #tpu.memory_space<vmem>>, vector<16xf32>,
        %mul3A_1109 = arith.constant 16 : i32
        %mul3A_1110 = arith.muli %scan3A_422, %mul3A_1109 : i32
        %add3A_1111 = arith.constant 6 : i32
        %add3A_1112 = arith.addi %mul3A_1110, %add3A_1111 : i32
        %slice3A_1113 = vector.extract_strided_slice %mul3A_480 {offsets = [6], sizes = [1], strides = [1]} : vector<16xf32> to vector<1xf32>
        %squeeze3A_1114 = vector.extract %slice3A_1113[0] : f32 from vector<1xf32>
        %mul3A_1115 = vector.broadcast %squeeze3A_1114 : f32 to vector<16xf32>
        %mul3A_1116 = arith.mulf %mul3A_1115, %get3A_5 : vector<16xf32>
        %slice3A_1117 = vector.extract_strided_slice %mul3A_481 {offsets = [6], sizes = [1], strides = [1]} : vector<16xf32> to vector<1xf32>
        %squeeze3A_1118 = vector.extract %slice3A_1117[0] : f32 from vector<1xf32>
        %mul3A_1119 = vector.broadcast %squeeze3A_1118 : f32 to vector<16xf32>
        %mul3A_1120 = arith.mulf %mul3A_1119, %get3A_9 : vector<16xf32>
        %slice3A_1121 = vector.extract_strided_slice %mul3A_482 {offsets = [6], sizes = [1], strides = [1]} : vector<16xf32> to vector<1xf32>
        %squeeze3A_1122 = vector.extract %slice3A_1121[0] : f32 from vector<1xf32>
        %mul3A_1123 = vector.broadcast %squeeze3A_1122 : f32 to vector<16xf32>
        %mul3A_1124 = arith.mulf %mul3A_1123, %get3A_13 : vector<16xf32>
        %slice3A_1125 = vector.extract_strided_slice %mul3A_483 {offsets = [6], sizes = [1], strides = [1]} : vector<16xf32> to vector<1xf32>
        %squeeze3A_1126 = vector.extract %slice3A_1125[0] : f32 from vector<1xf32>
        %mul3A_1127 = vector.broadcast %squeeze3A_1126 : f32 to vector<16xf32>
        %mul3A_1128 = arith.mulf %mul3A_1127, %get3A_17 : vector<16xf32>
        %slice3A_1129 = vector.extract_strided_slice %mul3A_484 {offsets = [6], sizes = [1], strides = [1]} : vector<16xf32> to vector<1xf32>
        %squeeze3A_1130 = vector.extract %slice3A_1129[0] : f32 from vector<1xf32>
        %mul3A_1131 = vector.broadcast %squeeze3A_1130 : f32 to vector<16xf32>
        %mul3A_1132 = arith.mulf %mul3A_1131, %get3A_21 : vector<16xf32>
        %slice3A_1133 = vector.extract_strided_slice %mul3A_485 {offsets = [6], sizes = [1], strides = [1]} : vector<16xf32> to vector<1xf32>
        %squeeze3A_1134 = vector.extract %slice3A_1133[0] : f32 from vector<1xf32>
        %mul3A_1135 = vector.broadcast %squeeze3A_1134 : f32 to vector<16xf32>
        %mul3A_1136 = arith.mulf %mul3A_1135, %get3A_25 : vector<16xf32>
        %slice3A_1137 = vector.extract_strided_slice %mul3A_486 {offsets = [6], sizes = [1], strides = [1]} : vector<16xf32> to vector<1xf32>
        %squeeze3A_1138 = vector.extract %slice3A_1137[0] : f32 from vector<1xf32>
        %mul3A_1139 = vector.broadcast %squeeze3A_1138 : f32 to vector<16xf32>
        %mul3A_1140 = arith.mulf %mul3A_1139, %get3A_29 : vector<16xf32>
        %slice3A_1141 = vector.extract_strided_slice %mul3A_487 {offsets = [6], sizes = [1], strides = [1]} : vector<16xf32> to vector<1xf32>
        %squeeze3A_1142 = vector.extract %slice3A_1141[0] : f32 from vector<1xf32>
        %mul3A_1143 = vector.broadcast %squeeze3A_1142 : f32 to vector<16xf32>
        %mul3A_1144 = arith.mulf %mul3A_1143, %get3A_33 : vector<16xf32>
        %slice3A_1145 = vector.extract_strided_slice %mul3A_480 {offsets = [6], sizes = [1], strides = [1]} : vector<16xf32> to vector<1xf32>
        %squeeze3A_1146 = vector.extract %slice3A_1145[0] : f32 from vector<1xf32>
        %mul3A_1147 = vector.broadcast %squeeze3A_1146 : f32 to vector<16xf32>
        %mul3A_1148 = arith.mulf %mul3A_1147, %get3A_37 : vector<16xf32>
        %slice3A_1149 = vector.extract_strided_slice %mul3A_481 {offsets = [6], sizes = [1], strides = [1]} : vector<16xf32> to vector<1xf32>
        %squeeze3A_1150 = vector.extract %slice3A_1149[0] : f32 from vector<1xf32>
        %mul3A_1151 = vector.broadcast %squeeze3A_1150 : f32 to vector<16xf32>
        %mul3A_1152 = arith.mulf %mul3A_1151, %get3A_41 : vector<16xf32>
        %slice3A_1153 = vector.extract_strided_slice %mul3A_482 {offsets = [6], sizes = [1], strides = [1]} : vector<16xf32> to vector<1xf32>
        %squeeze3A_1154 = vector.extract %slice3A_1153[0] : f32 from vector<1xf32>
        %mul3A_1155 = vector.broadcast %squeeze3A_1154 : f32 to vector<16xf32>
        %mul3A_1156 = arith.mulf %mul3A_1155, %get3A_45 : vector<16xf32>
        %slice3A_1157 = vector.extract_strided_slice %mul3A_483 {offsets = [6], sizes = [1], strides = [1]} : vector<16xf32> to vector<1xf32>
        %squeeze3A_1158 = vector.extract %slice3A_1157[0] : f32 from vector<1xf32>
        %mul3A_1159 = vector.broadcast %squeeze3A_1158 : f32 to vector<16xf32>
        %mul3A_1160 = arith.mulf %mul3A_1159, %get3A_49 : vector<16xf32>
        %slice3A_1161 = vector.extract_strided_slice %mul3A_484 {offsets = [6], sizes = [1], strides = [1]} : vector<16xf32> to vector<1xf32>
        %squeeze3A_1162 = vector.extract %slice3A_1161[0] : f32 from vector<1xf32>
        %mul3A_1163 = vector.broadcast %squeeze3A_1162 : f32 to vector<16xf32>
        %mul3A_1164 = arith.mulf %mul3A_1163, %get3A_53 : vector<16xf32>
        %slice3A_1165 = vector.extract_strided_slice %mul3A_485 {offsets = [6], sizes = [1], strides = [1]} : vector<16xf32> to vector<1xf32>
        %squeeze3A_1166 = vector.extract %slice3A_1165[0] : f32 from vector<1xf32>
        %mul3A_1167 = vector.broadcast %squeeze3A_1166 : f32 to vector<16xf32>
        %mul3A_1168 = arith.mulf %mul3A_1167, %get3A_57 : vector<16xf32>
        %slice3A_1169 = vector.extract_strided_slice %mul3A_486 {offsets = [6], sizes = [1], strides = [1]} : vector<16xf32> to vector<1xf32>
        %squeeze3A_1170 = vector.extract %slice3A_1169[0] : f32 from vector<1xf32>
        %mul3A_1171 = vector.broadcast %squeeze3A_1170 : f32 to vector<16xf32>
        %mul3A_1172 = arith.mulf %mul3A_1171, %get3A_61 : vector<16xf32>
        %slice3A_1173 = vector.extract_strided_slice %mul3A_487 {offsets = [6], sizes = [1], strides = [1]} : vector<16xf32> to vector<1xf32>
        %squeeze3A_1174 = vector.extract %slice3A_1173[0] : f32 from vector<1xf32>
        %mul3A_1175 = vector.broadcast %squeeze3A_1174 : f32 to vector<16xf32>
        %mul3A_1176 = arith.mulf %mul3A_1175, %get3A_65 : vector<16xf32>
        %add3A_1177 = arith.addf %mul3A_1116, %mul3A_1120 : vector<16xf32>
        %add3A_1178 = arith.addf %mul3A_1124, %mul3A_1128 : vector<16xf32>
        %add3A_1179 = arith.addf %add3A_1177, %add3A_1178 : vector<16xf32>
        %add3A_1180 = arith.addf %mul3A_1132, %mul3A_1136 : vector<16xf32>
        %add3A_1181 = arith.addf %mul3A_1140, %mul3A_1144 : vector<16xf32>
        %add3A_1182 = arith.addf %add3A_1180, %add3A_1181 : vector<16xf32>
        %add3A_1183 = arith.addf %add3A_1179, %add3A_1182 : vector<16xf32>
        %add3A_1184 = arith.addf %mul3A_1148, %mul3A_1152 : vector<16xf32>
        %add3A_1185 = arith.addf %mul3A_1156, %mul3A_1160 : vector<16xf32>
        %add3A_1186 = arith.addf %add3A_1184, %add3A_1185 : vector<16xf32>
        %add3A_1187 = arith.addf %mul3A_1164, %mul3A_1168 : vector<16xf32>
        %add3A_1188 = arith.addf %mul3A_1172, %mul3A_1176 : vector<16xf32>
        %add3A_1189 = arith.addf %add3A_1187, %add3A_1188 : vector<16xf32>
        %add3A_1190 = arith.addf %add3A_1186, %add3A_1189 : vector<16xf32>
        %get3A_1191 = arith.constant 0 : i32
        %get3A_1192 = arith.index_cast %get3A_1191 : i32 to index
        %get3A_1193 = arith.index_cast %add3A_1112 : i32 to index
        %get3A_1194 = arith.constant 0 : index
        %get3A_1195 = tpu.vector_load %arg8[%get3A_1192, %get3A_1193, %get3A_1194] {strides = array<i32>} : memref<2x512x32xf32, #tpu.memory_space<vmem>>, vector<16xf32>,
        %swap3A_1196 = arith.index_cast %add3A_1112 : i32 to index
        %swap3A_1197 = arith.constant 0 : index
        %swap3A_1198 = tpu.vector_load %arg10[%swap3A_1196, %swap3A_1197] {strides = array<i32>} : memref<512x64xf32, #tpu.memory_space<vmem>>, vector<16xf32>,
        tpu.vector_store %arg10[%swap3A_1196, %swap3A_1197], %get3A_1195 {strides = array<i32>} : memref<512x64xf32, #tpu.memory_space<vmem>>, vector<16xf32>,
        %get3A_1199 = arith.constant 0 : i32
        %get3A_1200 = arith.index_cast %get3A_1199 : i32 to index
        %get3A_1201 = arith.index_cast %add3A_1112 : i32 to index
        %get3A_1202 = arith.constant 16 : index
        %get3A_1203 = tpu.vector_load %arg8[%get3A_1200, %get3A_1201, %get3A_1202] {strides = array<i32>} : memref<2x512x32xf32, #tpu.memory_space<vmem>>, vector<16xf32>,
        %swap3A_1204 = arith.index_cast %add3A_1112 : i32 to index
        %swap3A_1205 = arith.constant 16 : index
        %swap3A_1206 = tpu.vector_load %arg10[%swap3A_1204, %swap3A_1205] {strides = array<i32>} : memref<512x64xf32, #tpu.memory_space<vmem>>, vector<16xf32>,
        tpu.vector_store %arg10[%swap3A_1204, %swap3A_1205], %get3A_1203 {strides = array<i32>} : memref<512x64xf32, #tpu.memory_space<vmem>>, vector<16xf32>,
        %swap3A_1207 = arith.index_cast %add3A_1112 : i32 to index
        %swap3A_1208 = arith.constant 32 : index
        %swap3A_1209 = tpu.vector_load %arg10[%swap3A_1207, %swap3A_1208] {strides = array<i32>} : memref<512x64xf32, #tpu.memory_space<vmem>>, vector<16xf32>,
        tpu.vector_store %arg10[%swap3A_1207, %swap3A_1208], %add3A_1183 {strides = array<i32>} : memref<512x64xf32, #tpu.memory_space<vmem>>, vector<16xf32>,
        %swap3A_1210 = arith.index_cast %add3A_1112 : i32 to index
        %swap3A_1211 = arith.constant 48 : index
        %swap3A_1212 = tpu.vector_load %arg10[%swap3A_1210, %swap3A_1211] {strides = array<i32>} : memref<512x64xf32, #tpu.memory_space<vmem>>, vector<16xf32>,
        tpu.vector_store %arg10[%swap3A_1210, %swap3A_1211], %add3A_1190 {strides = array<i32>} : memref<512x64xf32, #tpu.memory_space<vmem>>, vector<16xf32>,
        %mul3A_1213 = arith.constant 16 : i32
        %mul3A_1214 = arith.muli %scan3A_422, %mul3A_1213 : i32
        %add3A_1215 = arith.constant 7 : i32
        %add3A_1216 = arith.addi %mul3A_1214, %add3A_1215 : i32
        %slice3A_1217 = vector.extract_strided_slice %mul3A_480 {offsets = [7], sizes = [1], strides = [1]} : vector<16xf32> to vector<1xf32>
        %squeeze3A_1218 = vector.extract %slice3A_1217[0] : f32 from vector<1xf32>
        %mul3A_1219 = vector.broadcast %squeeze3A_1218 : f32 to vector<16xf32>
        %mul3A_1220 = arith.mulf %mul3A_1219, %get3A_5 : vector<16xf32>
        %slice3A_1221 = vector.extract_strided_slice %mul3A_481 {offsets = [7], sizes = [1], strides = [1]} : vector<16xf32> to vector<1xf32>
        %squeeze3A_1222 = vector.extract %slice3A_1221[0] : f32 from vector<1xf32>
        %mul3A_1223 = vector.broadcast %squeeze3A_1222 : f32 to vector<16xf32>
        %mul3A_1224 = arith.mulf %mul3A_1223, %get3A_9 : vector<16xf32>
        %slice3A_1225 = vector.extract_strided_slice %mul3A_482 {offsets = [7], sizes = [1], strides = [1]} : vector<16xf32> to vector<1xf32>
        %squeeze3A_1226 = vector.extract %slice3A_1225[0] : f32 from vector<1xf32>
        %mul3A_1227 = vector.broadcast %squeeze3A_1226 : f32 to vector<16xf32>
        %mul3A_1228 = arith.mulf %mul3A_1227, %get3A_13 : vector<16xf32>
        %slice3A_1229 = vector.extract_strided_slice %mul3A_483 {offsets = [7], sizes = [1], strides = [1]} : vector<16xf32> to vector<1xf32>
        %squeeze3A_1230 = vector.extract %slice3A_1229[0] : f32 from vector<1xf32>
        %mul3A_1231 = vector.broadcast %squeeze3A_1230 : f32 to vector<16xf32>
        %mul3A_1232 = arith.mulf %mul3A_1231, %get3A_17 : vector<16xf32>
        %slice3A_1233 = vector.extract_strided_slice %mul3A_484 {offsets = [7], sizes = [1], strides = [1]} : vector<16xf32> to vector<1xf32>
        %squeeze3A_1234 = vector.extract %slice3A_1233[0] : f32 from vector<1xf32>
        %mul3A_1235 = vector.broadcast %squeeze3A_1234 : f32 to vector<16xf32>
        %mul3A_1236 = arith.mulf %mul3A_1235, %get3A_21 : vector<16xf32>
        %slice3A_1237 = vector.extract_strided_slice %mul3A_485 {offsets = [7], sizes = [1], strides = [1]} : vector<16xf32> to vector<1xf32>
        %squeeze3A_1238 = vector.extract %slice3A_1237[0] : f32 from vector<1xf32>
        %mul3A_1239 = vector.broadcast %squeeze3A_1238 : f32 to vector<16xf32>
        %mul3A_1240 = arith.mulf %mul3A_1239, %get3A_25 : vector<16xf32>
        %slice3A_1241 = vector.extract_strided_slice %mul3A_486 {offsets = [7], sizes = [1], strides = [1]} : vector<16xf32> to vector<1xf32>
        %squeeze3A_1242 = vector.extract %slice3A_1241[0] : f32 from vector<1xf32>
        %mul3A_1243 = vector.broadcast %squeeze3A_1242 : f32 to vector<16xf32>
        %mul3A_1244 = arith.mulf %mul3A_1243, %get3A_29 : vector<16xf32>
        %slice3A_1245 = vector.extract_strided_slice %mul3A_487 {offsets = [7], sizes = [1], strides = [1]} : vector<16xf32> to vector<1xf32>
        %squeeze3A_1246 = vector.extract %slice3A_1245[0] : f32 from vector<1xf32>
        %mul3A_1247 = vector.broadcast %squeeze3A_1246 : f32 to vector<16xf32>
        %mul3A_1248 = arith.mulf %mul3A_1247, %get3A_33 : vector<16xf32>
        %slice3A_1249 = vector.extract_strided_slice %mul3A_480 {offsets = [7], sizes = [1], strides = [1]} : vector<16xf32> to vector<1xf32>
        %squeeze3A_1250 = vector.extract %slice3A_1249[0] : f32 from vector<1xf32>
        %mul3A_1251 = vector.broadcast %squeeze3A_1250 : f32 to vector<16xf32>
        %mul3A_1252 = arith.mulf %mul3A_1251, %get3A_37 : vector<16xf32>
        %slice3A_1253 = vector.extract_strided_slice %mul3A_481 {offsets = [7], sizes = [1], strides = [1]} : vector<16xf32> to vector<1xf32>
        %squeeze3A_1254 = vector.extract %slice3A_1253[0] : f32 from vector<1xf32>
        %mul3A_1255 = vector.broadcast %squeeze3A_1254 : f32 to vector<16xf32>
        %mul3A_1256 = arith.mulf %mul3A_1255, %get3A_41 : vector<16xf32>
        %slice3A_1257 = vector.extract_strided_slice %mul3A_482 {offsets = [7], sizes = [1], strides = [1]} : vector<16xf32> to vector<1xf32>
        %squeeze3A_1258 = vector.extract %slice3A_1257[0] : f32 from vector<1xf32>
        %mul3A_1259 = vector.broadcast %squeeze3A_1258 : f32 to vector<16xf32>
        %mul3A_1260 = arith.mulf %mul3A_1259, %get3A_45 : vector<16xf32>
        %slice3A_1261 = vector.extract_strided_slice %mul3A_483 {offsets = [7], sizes = [1], strides = [1]} : vector<16xf32> to vector<1xf32>
        %squeeze3A_1262 = vector.extract %slice3A_1261[0] : f32 from vector<1xf32>
        %mul3A_1263 = vector.broadcast %squeeze3A_1262 : f32 to vector<16xf32>
        %mul3A_1264 = arith.mulf %mul3A_1263, %get3A_49 : vector<16xf32>
        %slice3A_1265 = vector.extract_strided_slice %mul3A_484 {offsets = [7], sizes = [1], strides = [1]} : vector<16xf32> to vector<1xf32>
        %squeeze3A_1266 = vector.extract %slice3A_1265[0] : f32 from vector<1xf32>
        %mul3A_1267 = vector.broadcast %squeeze3A_1266 : f32 to vector<16xf32>
        %mul3A_1268 = arith.mulf %mul3A_1267, %get3A_53 : vector<16xf32>
        %slice3A_1269 = vector.extract_strided_slice %mul3A_485 {offsets = [7], sizes = [1], strides = [1]} : vector<16xf32> to vector<1xf32>
        %squeeze3A_1270 = vector.extract %slice3A_1269[0] : f32 from vector<1xf32>
        %mul3A_1271 = vector.broadcast %squeeze3A_1270 : f32 to vector<16xf32>
        %mul3A_1272 = arith.mulf %mul3A_1271, %get3A_57 : vector<16xf32>
        %slice3A_1273 = vector.extract_strided_slice %mul3A_486 {offsets = [7], sizes = [1], strides = [1]} : vector<16xf32> to vector<1xf32>
        %squeeze3A_1274 = vector.extract %slice3A_1273[0] : f32 from vector<1xf32>
        %mul3A_1275 = vector.broadcast %squeeze3A_1274 : f32 to vector<16xf32>
        %mul3A_1276 = arith.mulf %mul3A_1275, %get3A_61 : vector<16xf32>
        %slice3A_1277 = vector.extract_strided_slice %mul3A_487 {offsets = [7], sizes = [1], strides = [1]} : vector<16xf32> to vector<1xf32>
        %squeeze3A_1278 = vector.extract %slice3A_1277[0] : f32 from vector<1xf32>
        %mul3A_1279 = vector.broadcast %squeeze3A_1278 : f32 to vector<16xf32>
        %mul3A_1280 = arith.mulf %mul3A_1279, %get3A_65 : vector<16xf32>
        %add3A_1281 = arith.addf %mul3A_1220, %mul3A_1224 : vector<16xf32>
        %add3A_1282 = arith.addf %mul3A_1228, %mul3A_1232 : vector<16xf32>
        %add3A_1283 = arith.addf %add3A_1281, %add3A_1282 : vector<16xf32>
        %add3A_1284 = arith.addf %mul3A_1236, %mul3A_1240 : vector<16xf32>
        %add3A_1285 = arith.addf %mul3A_1244, %mul3A_1248 : vector<16xf32>
        %add3A_1286 = arith.addf %add3A_1284, %add3A_1285 : vector<16xf32>
        %add3A_1287 = arith.addf %add3A_1283, %add3A_1286 : vector<16xf32>
        %add3A_1288 = arith.addf %mul3A_1252, %mul3A_1256 : vector<16xf32>
        %add3A_1289 = arith.addf %mul3A_1260, %mul3A_1264 : vector<16xf32>
        %add3A_1290 = arith.addf %add3A_1288, %add3A_1289 : vector<16xf32>
        %add3A_1291 = arith.addf %mul3A_1268, %mul3A_1272 : vector<16xf32>
        %add3A_1292 = arith.addf %mul3A_1276, %mul3A_1280 : vector<16xf32>
        %add3A_1293 = arith.addf %add3A_1291, %add3A_1292 : vector<16xf32>
        %add3A_1294 = arith.addf %add3A_1290, %add3A_1293 : vector<16xf32>
        %get3A_1295 = arith.constant 0 : i32
        %get3A_1296 = arith.index_cast %get3A_1295 : i32 to index
        %get3A_1297 = arith.index_cast %add3A_1216 : i32 to index
        %get3A_1298 = arith.constant 0 : index
        %get3A_1299 = tpu.vector_load %arg8[%get3A_1296, %get3A_1297, %get3A_1298] {strides = array<i32>} : memref<2x512x32xf32, #tpu.memory_space<vmem>>, vector<16xf32>,
        %swap3A_1300 = arith.index_cast %add3A_1216 : i32 to index
        %swap3A_1301 = arith.constant 0 : index
        %swap3A_1302 = tpu.vector_load %arg10[%swap3A_1300, %swap3A_1301] {strides = array<i32>} : memref<512x64xf32, #tpu.memory_space<vmem>>, vector<16xf32>,
        tpu.vector_store %arg10[%swap3A_1300, %swap3A_1301], %get3A_1299 {strides = array<i32>} : memref<512x64xf32, #tpu.memory_space<vmem>>, vector<16xf32>,
        %get3A_1303 = arith.constant 0 : i32
        %get3A_1304 = arith.index_cast %get3A_1303 : i32 to index
        %get3A_1305 = arith.index_cast %add3A_1216 : i32 to index
        %get3A_1306 = arith.constant 16 : index
        %get3A_1307 = tpu.vector_load %arg8[%get3A_1304, %get3A_1305, %get3A_1306] {strides = array<i32>} : memref<2x512x32xf32, #tpu.memory_space<vmem>>, vector<16xf32>,
        %swap3A_1308 = arith.index_cast %add3A_1216 : i32 to index
        %swap3A_1309 = arith.constant 16 : index
        %swap3A_1310 = tpu.vector_load %arg10[%swap3A_1308, %swap3A_1309] {strides = array<i32>} : memref<512x64xf32, #tpu.memory_space<vmem>>, vector<16xf32>,
        tpu.vector_store %arg10[%swap3A_1308, %swap3A_1309], %get3A_1307 {strides = array<i32>} : memref<512x64xf32, #tpu.memory_space<vmem>>, vector<16xf32>,
        %swap3A_1311 = arith.index_cast %add3A_1216 : i32 to index
        %swap3A_1312 = arith.constant 32 : index
        %swap3A_1313 = tpu.vector_load %arg10[%swap3A_1311, %swap3A_1312] {strides = array<i32>} : memref<512x64xf32, #tpu.memory_space<vmem>>, vector<16xf32>,
        tpu.vector_store %arg10[%swap3A_1311, %swap3A_1312], %add3A_1287 {strides = array<i32>} : memref<512x64xf32, #tpu.memory_space<vmem>>, vector<16xf32>,
        %swap3A_1314 = arith.index_cast %add3A_1216 : i32 to index
        %swap3A_1315 = arith.constant 48 : index
        %swap3A_1316 = tpu.vector_load %arg10[%swap3A_1314, %swap3A_1315] {strides = array<i32>} : memref<512x64xf32, #tpu.memory_space<vmem>>, vector<16xf32>,
        tpu.vector_store %arg10[%swap3A_1314, %swap3A_1315], %add3A_1294 {strides = array<i32>} : memref<512x64xf32, #tpu.memory_space<vmem>>, vector<16xf32>,
        %mul3A_1317 = arith.constant 16 : i32
        %mul3A_1318 = arith.muli %scan3A_422, %mul3A_1317 : i32
        %add3A_1319 = arith.constant 8 : i32
        %add3A_1320 = arith.addi %mul3A_1318, %add3A_1319 : i32
        %slice3A_1321 = vector.extract_strided_slice %mul3A_480 {offsets = [8], sizes = [1], strides = [1]} : vector<16xf32> to vector<1xf32>
        %squeeze3A_1322 = vector.extract %slice3A_1321[0] : f32 from vector<1xf32>
        %mul3A_1323 = vector.broadcast %squeeze3A_1322 : f32 to vector<16xf32>
        %mul3A_1324 = arith.mulf %mul3A_1323, %get3A_5 : vector<16xf32>
        %slice3A_1325 = vector.extract_strided_slice %mul3A_481 {offsets = [8], sizes = [1], strides = [1]} : vector<16xf32> to vector<1xf32>
        %squeeze3A_1326 = vector.extract %slice3A_1325[0] : f32 from vector<1xf32>
        %mul3A_1327 = vector.broadcast %squeeze3A_1326 : f32 to vector<16xf32>
        %mul3A_1328 = arith.mulf %mul3A_1327, %get3A_9 : vector<16xf32>
        %slice3A_1329 = vector.extract_strided_slice %mul3A_482 {offsets = [8], sizes = [1], strides = [1]} : vector<16xf32> to vector<1xf32>
        %squeeze3A_1330 = vector.extract %slice3A_1329[0] : f32 from vector<1xf32>
        %mul3A_1331 = vector.broadcast %squeeze3A_1330 : f32 to vector<16xf32>
        %mul3A_1332 = arith.mulf %mul3A_1331, %get3A_13 : vector<16xf32>
        %slice3A_1333 = vector.extract_strided_slice %mul3A_483 {offsets = [8], sizes = [1], strides = [1]} : vector<16xf32> to vector<1xf32>
        %squeeze3A_1334 = vector.extract %slice3A_1333[0] : f32 from vector<1xf32>
        %mul3A_1335 = vector.broadcast %squeeze3A_1334 : f32 to vector<16xf32>
        %mul3A_1336 = arith.mulf %mul3A_1335, %get3A_17 : vector<16xf32>
        %slice3A_1337 = vector.extract_strided_slice %mul3A_484 {offsets = [8], sizes = [1], strides = [1]} : vector<16xf32> to vector<1xf32>
        %squeeze3A_1338 = vector.extract %slice3A_1337[0] : f32 from vector<1xf32>
        %mul3A_1339 = vector.broadcast %squeeze3A_1338 : f32 to vector<16xf32>
        %mul3A_1340 = arith.mulf %mul3A_1339, %get3A_21 : vector<16xf32>
        %slice3A_1341 = vector.extract_strided_slice %mul3A_485 {offsets = [8], sizes = [1], strides = [1]} : vector<16xf32> to vector<1xf32>
        %squeeze3A_1342 = vector.extract %slice3A_1341[0] : f32 from vector<1xf32>
        %mul3A_1343 = vector.broadcast %squeeze3A_1342 : f32 to vector<16xf32>
        %mul3A_1344 = arith.mulf %mul3A_1343, %get3A_25 : vector<16xf32>
        %slice3A_1345 = vector.extract_strided_slice %mul3A_486 {offsets = [8], sizes = [1], strides = [1]} : vector<16xf32> to vector<1xf32>
        %squeeze3A_1346 = vector.extract %slice3A_1345[0] : f32 from vector<1xf32>
        %mul3A_1347 = vector.broadcast %squeeze3A_1346 : f32 to vector<16xf32>
        %mul3A_1348 = arith.mulf %mul3A_1347, %get3A_29 : vector<16xf32>
        %slice3A_1349 = vector.extract_strided_slice %mul3A_487 {offsets = [8], sizes = [1], strides = [1]} : vector<16xf32> to vector<1xf32>
        %squeeze3A_1350 = vector.extract %slice3A_1349[0] : f32 from vector<1xf32>
        %mul3A_1351 = vector.broadcast %squeeze3A_1350 : f32 to vector<16xf32>
        %mul3A_1352 = arith.mulf %mul3A_1351, %get3A_33 : vector<16xf32>
        %slice3A_1353 = vector.extract_strided_slice %mul3A_480 {offsets = [8], sizes = [1], strides = [1]} : vector<16xf32> to vector<1xf32>
        %squeeze3A_1354 = vector.extract %slice3A_1353[0] : f32 from vector<1xf32>
        %mul3A_1355 = vector.broadcast %squeeze3A_1354 : f32 to vector<16xf32>
        %mul3A_1356 = arith.mulf %mul3A_1355, %get3A_37 : vector<16xf32>
        %slice3A_1357 = vector.extract_strided_slice %mul3A_481 {offsets = [8], sizes = [1], strides = [1]} : vector<16xf32> to vector<1xf32>
        %squeeze3A_1358 = vector.extract %slice3A_1357[0] : f32 from vector<1xf32>
        %mul3A_1359 = vector.broadcast %squeeze3A_1358 : f32 to vector<16xf32>
        %mul3A_1360 = arith.mulf %mul3A_1359, %get3A_41 : vector<16xf32>
        %slice3A_1361 = vector.extract_strided_slice %mul3A_482 {offsets = [8], sizes = [1], strides = [1]} : vector<16xf32> to vector<1xf32>
        %squeeze3A_1362 = vector.extract %slice3A_1361[0] : f32 from vector<1xf32>
        %mul3A_1363 = vector.broadcast %squeeze3A_1362 : f32 to vector<16xf32>
        %mul3A_1364 = arith.mulf %mul3A_1363, %get3A_45 : vector<16xf32>
        %slice3A_1365 = vector.extract_strided_slice %mul3A_483 {offsets = [8], sizes = [1], strides = [1]} : vector<16xf32> to vector<1xf32>
        %squeeze3A_1366 = vector.extract %slice3A_1365[0] : f32 from vector<1xf32>
        %mul3A_1367 = vector.broadcast %squeeze3A_1366 : f32 to vector<16xf32>
        %mul3A_1368 = arith.mulf %mul3A_1367, %get3A_49 : vector<16xf32>
        %slice3A_1369 = vector.extract_strided_slice %mul3A_484 {offsets = [8], sizes = [1], strides = [1]} : vector<16xf32> to vector<1xf32>
        %squeeze3A_1370 = vector.extract %slice3A_1369[0] : f32 from vector<1xf32>
        %mul3A_1371 = vector.broadcast %squeeze3A_1370 : f32 to vector<16xf32>
        %mul3A_1372 = arith.mulf %mul3A_1371, %get3A_53 : vector<16xf32>
        %slice3A_1373 = vector.extract_strided_slice %mul3A_485 {offsets = [8], sizes = [1], strides = [1]} : vector<16xf32> to vector<1xf32>
        %squeeze3A_1374 = vector.extract %slice3A_1373[0] : f32 from vector<1xf32>
        %mul3A_1375 = vector.broadcast %squeeze3A_1374 : f32 to vector<16xf32>
        %mul3A_1376 = arith.mulf %mul3A_1375, %get3A_57 : vector<16xf32>
        %slice3A_1377 = vector.extract_strided_slice %mul3A_486 {offsets = [8], sizes = [1], strides = [1]} : vector<16xf32> to vector<1xf32>
        %squeeze3A_1378 = vector.extract %slice3A_1377[0] : f32 from vector<1xf32>
        %mul3A_1379 = vector.broadcast %squeeze3A_1378 : f32 to vector<16xf32>
        %mul3A_1380 = arith.mulf %mul3A_1379, %get3A_61 : vector<16xf32>
        %slice3A_1381 = vector.extract_strided_slice %mul3A_487 {offsets = [8], sizes = [1], strides = [1]} : vector<16xf32> to vector<1xf32>
        %squeeze3A_1382 = vector.extract %slice3A_1381[0] : f32 from vector<1xf32>
        %mul3A_1383 = vector.broadcast %squeeze3A_1382 : f32 to vector<16xf32>
        %mul3A_1384 = arith.mulf %mul3A_1383, %get3A_65 : vector<16xf32>
        %add3A_1385 = arith.addf %mul3A_1324, %mul3A_1328 : vector<16xf32>
        %add3A_1386 = arith.addf %mul3A_1332, %mul3A_1336 : vector<16xf32>
        %add3A_1387 = arith.addf %add3A_1385, %add3A_1386 : vector<16xf32>
        %add3A_1388 = arith.addf %mul3A_1340, %mul3A_1344 : vector<16xf32>
        %add3A_1389 = arith.addf %mul3A_1348, %mul3A_1352 : vector<16xf32>
        %add3A_1390 = arith.addf %add3A_1388, %add3A_1389 : vector<16xf32>
        %add3A_1391 = arith.addf %add3A_1387, %add3A_1390 : vector<16xf32>
        %add3A_1392 = arith.addf %mul3A_1356, %mul3A_1360 : vector<16xf32>
        %add3A_1393 = arith.addf %mul3A_1364, %mul3A_1368 : vector<16xf32>
        %add3A_1394 = arith.addf %add3A_1392, %add3A_1393 : vector<16xf32>
        %add3A_1395 = arith.addf %mul3A_1372, %mul3A_1376 : vector<16xf32>
        %add3A_1396 = arith.addf %mul3A_1380, %mul3A_1384 : vector<16xf32>
        %add3A_1397 = arith.addf %add3A_1395, %add3A_1396 : vector<16xf32>
        %add3A_1398 = arith.addf %add3A_1394, %add3A_1397 : vector<16xf32>
        %get3A_1399 = arith.constant 0 : i32
        %get3A_1400 = arith.index_cast %get3A_1399 : i32 to index
        %get3A_1401 = arith.index_cast %add3A_1320 : i32 to index
        %get3A_1402 = arith.constant 0 : index
        %get3A_1403 = tpu.vector_load %arg8[%get3A_1400, %get3A_1401, %get3A_1402] {strides = array<i32>} : memref<2x512x32xf32, #tpu.memory_space<vmem>>, vector<16xf32>,
        %swap3A_1404 = arith.index_cast %add3A_1320 : i32 to index
        %swap3A_1405 = arith.constant 0 : index
        %swap3A_1406 = tpu.vector_load %arg10[%swap3A_1404, %swap3A_1405] {strides = array<i32>} : memref<512x64xf32, #tpu.memory_space<vmem>>, vector<16xf32>,
        tpu.vector_store %arg10[%swap3A_1404, %swap3A_1405], %get3A_1403 {strides = array<i32>} : memref<512x64xf32, #tpu.memory_space<vmem>>, vector<16xf32>,
        %get3A_1407 = arith.constant 0 : i32
        %get3A_1408 = arith.index_cast %get3A_1407 : i32 to index
        %get3A_1409 = arith.index_cast %add3A_1320 : i32 to index
        %get3A_1410 = arith.constant 16 : index
        %get3A_1411 = tpu.vector_load %arg8[%get3A_1408, %get3A_1409, %get3A_1410] {strides = array<i32>} : memref<2x512x32xf32, #tpu.memory_space<vmem>>, vector<16xf32>,
        %swap3A_1412 = arith.index_cast %add3A_1320 : i32 to index
        %swap3A_1413 = arith.constant 16 : index
        %swap3A_1414 = tpu.vector_load %arg10[%swap3A_1412, %swap3A_1413] {strides = array<i32>} : memref<512x64xf32, #tpu.memory_space<vmem>>, vector<16xf32>,
        tpu.vector_store %arg10[%swap3A_1412, %swap3A_1413], %get3A_1411 {strides = array<i32>} : memref<512x64xf32, #tpu.memory_space<vmem>>, vector<16xf32>,
        %swap3A_1415 = arith.index_cast %add3A_1320 : i32 to index
        %swap3A_1416 = arith.constant 32 : index
        %swap3A_1417 = tpu.vector_load %arg10[%swap3A_1415, %swap3A_1416] {strides = array<i32>} : memref<512x64xf32, #tpu.memory_space<vmem>>, vector<16xf32>,
        tpu.vector_store %arg10[%swap3A_1415, %swap3A_1416], %add3A_1391 {strides = array<i32>} : memref<512x64xf32, #tpu.memory_space<vmem>>, vector<16xf32>,
        %swap3A_1418 = arith.index_cast %add3A_1320 : i32 to index
        %swap3A_1419 = arith.constant 48 : index
        %swap3A_1420 = tpu.vector_load %arg10[%swap3A_1418, %swap3A_1419] {strides = array<i32>} : memref<512x64xf32, #tpu.memory_space<vmem>>, vector<16xf32>,
        tpu.vector_store %arg10[%swap3A_1418, %swap3A_1419], %add3A_1398 {strides = array<i32>} : memref<512x64xf32, #tpu.memory_space<vmem>>, vector<16xf32>,
        %mul3A_1421 = arith.constant 16 : i32
        %mul3A_1422 = arith.muli %scan3A_422, %mul3A_1421 : i32
        %add3A_1423 = arith.constant 9 : i32
        %add3A_1424 = arith.addi %mul3A_1422, %add3A_1423 : i32
        %slice3A_1425 = vector.extract_strided_slice %mul3A_480 {offsets = [9], sizes = [1], strides = [1]} : vector<16xf32> to vector<1xf32>
        %squeeze3A_1426 = vector.extract %slice3A_1425[0] : f32 from vector<1xf32>
        %mul3A_1427 = vector.broadcast %squeeze3A_1426 : f32 to vector<16xf32>
        %mul3A_1428 = arith.mulf %mul3A_1427, %get3A_5 : vector<16xf32>
        %slice3A_1429 = vector.extract_strided_slice %mul3A_481 {offsets = [9], sizes = [1], strides = [1]} : vector<16xf32> to vector<1xf32>
        %squeeze3A_1430 = vector.extract %slice3A_1429[0] : f32 from vector<1xf32>
        %mul3A_1431 = vector.broadcast %squeeze3A_1430 : f32 to vector<16xf32>
        %mul3A_1432 = arith.mulf %mul3A_1431, %get3A_9 : vector<16xf32>
        %slice3A_1433 = vector.extract_strided_slice %mul3A_482 {offsets = [9], sizes = [1], strides = [1]} : vector<16xf32> to vector<1xf32>
        %squeeze3A_1434 = vector.extract %slice3A_1433[0] : f32 from vector<1xf32>
        %mul3A_1435 = vector.broadcast %squeeze3A_1434 : f32 to vector<16xf32>
        %mul3A_1436 = arith.mulf %mul3A_1435, %get3A_13 : vector<16xf32>
        %slice3A_1437 = vector.extract_strided_slice %mul3A_483 {offsets = [9], sizes = [1], strides = [1]} : vector<16xf32> to vector<1xf32>
        %squeeze3A_1438 = vector.extract %slice3A_1437[0] : f32 from vector<1xf32>
        %mul3A_1439 = vector.broadcast %squeeze3A_1438 : f32 to vector<16xf32>
        %mul3A_1440 = arith.mulf %mul3A_1439, %get3A_17 : vector<16xf32>
        %slice3A_1441 = vector.extract_strided_slice %mul3A_484 {offsets = [9], sizes = [1], strides = [1]} : vector<16xf32> to vector<1xf32>
        %squeeze3A_1442 = vector.extract %slice3A_1441[0] : f32 from vector<1xf32>
        %mul3A_1443 = vector.broadcast %squeeze3A_1442 : f32 to vector<16xf32>
        %mul3A_1444 = arith.mulf %mul3A_1443, %get3A_21 : vector<16xf32>
        %slice3A_1445 = vector.extract_strided_slice %mul3A_485 {offsets = [9], sizes = [1], strides = [1]} : vector<16xf32> to vector<1xf32>
        %squeeze3A_1446 = vector.extract %slice3A_1445[0] : f32 from vector<1xf32>
        %mul3A_1447 = vector.broadcast %squeeze3A_1446 : f32 to vector<16xf32>
        %mul3A_1448 = arith.mulf %mul3A_1447, %get3A_25 : vector<16xf32>
        %slice3A_1449 = vector.extract_strided_slice %mul3A_486 {offsets = [9], sizes = [1], strides = [1]} : vector<16xf32> to vector<1xf32>
        %squeeze3A_1450 = vector.extract %slice3A_1449[0] : f32 from vector<1xf32>
        %mul3A_1451 = vector.broadcast %squeeze3A_1450 : f32 to vector<16xf32>
        %mul3A_1452 = arith.mulf %mul3A_1451, %get3A_29 : vector<16xf32>
        %slice3A_1453 = vector.extract_strided_slice %mul3A_487 {offsets = [9], sizes = [1], strides = [1]} : vector<16xf32> to vector<1xf32>
        %squeeze3A_1454 = vector.extract %slice3A_1453[0] : f32 from vector<1xf32>
        %mul3A_1455 = vector.broadcast %squeeze3A_1454 : f32 to vector<16xf32>
        %mul3A_1456 = arith.mulf %mul3A_1455, %get3A_33 : vector<16xf32>
        %slice3A_1457 = vector.extract_strided_slice %mul3A_480 {offsets = [9], sizes = [1], strides = [1]} : vector<16xf32> to vector<1xf32>
        %squeeze3A_1458 = vector.extract %slice3A_1457[0] : f32 from vector<1xf32>
        %mul3A_1459 = vector.broadcast %squeeze3A_1458 : f32 to vector<16xf32>
        %mul3A_1460 = arith.mulf %mul3A_1459, %get3A_37 : vector<16xf32>
        %slice3A_1461 = vector.extract_strided_slice %mul3A_481 {offsets = [9], sizes = [1], strides = [1]} : vector<16xf32> to vector<1xf32>
        %squeeze3A_1462 = vector.extract %slice3A_1461[0] : f32 from vector<1xf32>
        %mul3A_1463 = vector.broadcast %squeeze3A_1462 : f32 to vector<16xf32>
        %mul3A_1464 = arith.mulf %mul3A_1463, %get3A_41 : vector<16xf32>
        %slice3A_1465 = vector.extract_strided_slice %mul3A_482 {offsets = [9], sizes = [1], strides = [1]} : vector<16xf32> to vector<1xf32>
        %squeeze3A_1466 = vector.extract %slice3A_1465[0] : f32 from vector<1xf32>
        %mul3A_1467 = vector.broadcast %squeeze3A_1466 : f32 to vector<16xf32>
        %mul3A_1468 = arith.mulf %mul3A_1467, %get3A_45 : vector<16xf32>
        %slice3A_1469 = vector.extract_strided_slice %mul3A_483 {offsets = [9], sizes = [1], strides = [1]} : vector<16xf32> to vector<1xf32>
        %squeeze3A_1470 = vector.extract %slice3A_1469[0] : f32 from vector<1xf32>
        %mul3A_1471 = vector.broadcast %squeeze3A_1470 : f32 to vector<16xf32>
        %mul3A_1472 = arith.mulf %mul3A_1471, %get3A_49 : vector<16xf32>
        %slice3A_1473 = vector.extract_strided_slice %mul3A_484 {offsets = [9], sizes = [1], strides = [1]} : vector<16xf32> to vector<1xf32>
        %squeeze3A_1474 = vector.extract %slice3A_1473[0] : f32 from vector<1xf32>
        %mul3A_1475 = vector.broadcast %squeeze3A_1474 : f32 to vector<16xf32>
        %mul3A_1476 = arith.mulf %mul3A_1475, %get3A_53 : vector<16xf32>
        %slice3A_1477 = vector.extract_strided_slice %mul3A_485 {offsets = [9], sizes = [1], strides = [1]} : vector<16xf32> to vector<1xf32>
        %squeeze3A_1478 = vector.extract %slice3A_1477[0] : f32 from vector<1xf32>
        %mul3A_1479 = vector.broadcast %squeeze3A_1478 : f32 to vector<16xf32>
        %mul3A_1480 = arith.mulf %mul3A_1479, %get3A_57 : vector<16xf32>
        %slice3A_1481 = vector.extract_strided_slice %mul3A_486 {offsets = [9], sizes = [1], strides = [1]} : vector<16xf32> to vector<1xf32>
        %squeeze3A_1482 = vector.extract %slice3A_1481[0] : f32 from vector<1xf32>
        %mul3A_1483 = vector.broadcast %squeeze3A_1482 : f32 to vector<16xf32>
        %mul3A_1484 = arith.mulf %mul3A_1483, %get3A_61 : vector<16xf32>
        %slice3A_1485 = vector.extract_strided_slice %mul3A_487 {offsets = [9], sizes = [1], strides = [1]} : vector<16xf32> to vector<1xf32>
        %squeeze3A_1486 = vector.extract %slice3A_1485[0] : f32 from vector<1xf32>
        %mul3A_1487 = vector.broadcast %squeeze3A_1486 : f32 to vector<16xf32>
        %mul3A_1488 = arith.mulf %mul3A_1487, %get3A_65 : vector<16xf32>
        %add3A_1489 = arith.addf %mul3A_1428, %mul3A_1432 : vector<16xf32>
        %add3A_1490 = arith.addf %mul3A_1436, %mul3A_1440 : vector<16xf32>
        %add3A_1491 = arith.addf %add3A_1489, %add3A_1490 : vector<16xf32>
        %add3A_1492 = arith.addf %mul3A_1444, %mul3A_1448 : vector<16xf32>
        %add3A_1493 = arith.addf %mul3A_1452, %mul3A_1456 : vector<16xf32>
        %add3A_1494 = arith.addf %add3A_1492, %add3A_1493 : vector<16xf32>
        %add3A_1495 = arith.addf %add3A_1491, %add3A_1494 : vector<16xf32>
        %add3A_1496 = arith.addf %mul3A_1460, %mul3A_1464 : vector<16xf32>
        %add3A_1497 = arith.addf %mul3A_1468, %mul3A_1472 : vector<16xf32>
        %add3A_1498 = arith.addf %add3A_1496, %add3A_1497 : vector<16xf32>
        %add3A_1499 = arith.addf %mul3A_1476, %mul3A_1480 : vector<16xf32>
        %add3A_1500 = arith.addf %mul3A_1484, %mul3A_1488 : vector<16xf32>
        %add3A_1501 = arith.addf %add3A_1499, %add3A_1500 : vector<16xf32>
        %add3A_1502 = arith.addf %add3A_1498, %add3A_1501 : vector<16xf32>
        %get3A_1503 = arith.constant 0 : i32
        %get3A_1504 = arith.index_cast %get3A_1503 : i32 to index
        %get3A_1505 = arith.index_cast %add3A_1424 : i32 to index
        %get3A_1506 = arith.constant 0 : index
        %get3A_1507 = tpu.vector_load %arg8[%get3A_1504, %get3A_1505, %get3A_1506] {strides = array<i32>} : memref<2x512x32xf32, #tpu.memory_space<vmem>>, vector<16xf32>,
        %swap3A_1508 = arith.index_cast %add3A_1424 : i32 to index
        %swap3A_1509 = arith.constant 0 : index
        %swap3A_1510 = tpu.vector_load %arg10[%swap3A_1508, %swap3A_1509] {strides = array<i32>} : memref<512x64xf32, #tpu.memory_space<vmem>>, vector<16xf32>,
        tpu.vector_store %arg10[%swap3A_1508, %swap3A_1509], %get3A_1507 {strides = array<i32>} : memref<512x64xf32, #tpu.memory_space<vmem>>, vector<16xf32>,
        %get3A_1511 = arith.constant 0 : i32
        %get3A_1512 = arith.index_cast %get3A_1511 : i32 to index
        %get3A_1513 = arith.index_cast %add3A_1424 : i32 to index
        %get3A_1514 = arith.constant 16 : index
        %get3A_1515 = tpu.vector_load %arg8[%get3A_1512, %get3A_1513, %get3A_1514] {strides = array<i32>} : memref<2x512x32xf32, #tpu.memory_space<vmem>>, vector<16xf32>,
        %swap3A_1516 = arith.index_cast %add3A_1424 : i32 to index
        %swap3A_1517 = arith.constant 16 : index
        %swap3A_1518 = tpu.vector_load %arg10[%swap3A_1516, %swap3A_1517] {strides = array<i32>} : memref<512x64xf32, #tpu.memory_space<vmem>>, vector<16xf32>,
        tpu.vector_store %arg10[%swap3A_1516, %swap3A_1517], %get3A_1515 {strides = array<i32>} : memref<512x64xf32, #tpu.memory_space<vmem>>, vector<16xf32>,
        %swap3A_1519 = arith.index_cast %add3A_1424 : i32 to index
        %swap3A_1520 = arith.constant 32 : index
        %swap3A_1521 = tpu.vector_load %arg10[%swap3A_1519, %swap3A_1520] {strides = array<i32>} : memref<512x64xf32, #tpu.memory_space<vmem>>, vector<16xf32>,
        tpu.vector_store %arg10[%swap3A_1519, %swap3A_1520], %add3A_1495 {strides = array<i32>} : memref<512x64xf32, #tpu.memory_space<vmem>>, vector<16xf32>,
        %swap3A_1522 = arith.index_cast %add3A_1424 : i32 to index
        %swap3A_1523 = arith.constant 48 : index
        %swap3A_1524 = tpu.vector_load %arg10[%swap3A_1522, %swap3A_1523] {strides = array<i32>} : memref<512x64xf32, #tpu.memory_space<vmem>>, vector<16xf32>,
        tpu.vector_store %arg10[%swap3A_1522, %swap3A_1523], %add3A_1502 {strides = array<i32>} : memref<512x64xf32, #tpu.memory_space<vmem>>, vector<16xf32>,
        %mul3A_1525 = arith.constant 16 : i32
        %mul3A_1526 = arith.muli %scan3A_422, %mul3A_1525 : i32
        %add3A_1527 = arith.constant 10 : i32
        %add3A_1528 = arith.addi %mul3A_1526, %add3A_1527 : i32
        %slice3A_1529 = vector.extract_strided_slice %mul3A_480 {offsets = [10], sizes = [1], strides = [1]} : vector<16xf32> to vector<1xf32>
        %squeeze3A_1530 = vector.extract %slice3A_1529[0] : f32 from vector<1xf32>
        %mul3A_1531 = vector.broadcast %squeeze3A_1530 : f32 to vector<16xf32>
        %mul3A_1532 = arith.mulf %mul3A_1531, %get3A_5 : vector<16xf32>
        %slice3A_1533 = vector.extract_strided_slice %mul3A_481 {offsets = [10], sizes = [1], strides = [1]} : vector<16xf32> to vector<1xf32>
        %squeeze3A_1534 = vector.extract %slice3A_1533[0] : f32 from vector<1xf32>
        %mul3A_1535 = vector.broadcast %squeeze3A_1534 : f32 to vector<16xf32>
        %mul3A_1536 = arith.mulf %mul3A_1535, %get3A_9 : vector<16xf32>
        %slice3A_1537 = vector.extract_strided_slice %mul3A_482 {offsets = [10], sizes = [1], strides = [1]} : vector<16xf32> to vector<1xf32>
        %squeeze3A_1538 = vector.extract %slice3A_1537[0] : f32 from vector<1xf32>
        %mul3A_1539 = vector.broadcast %squeeze3A_1538 : f32 to vector<16xf32>
        %mul3A_1540 = arith.mulf %mul3A_1539, %get3A_13 : vector<16xf32>
        %slice3A_1541 = vector.extract_strided_slice %mul3A_483 {offsets = [10], sizes = [1], strides = [1]} : vector<16xf32> to vector<1xf32>
        %squeeze3A_1542 = vector.extract %slice3A_1541[0] : f32 from vector<1xf32>
        %mul3A_1543 = vector.broadcast %squeeze3A_1542 : f32 to vector<16xf32>
        %mul3A_1544 = arith.mulf %mul3A_1543, %get3A_17 : vector<16xf32>
        %slice3A_1545 = vector.extract_strided_slice %mul3A_484 {offsets = [10], sizes = [1], strides = [1]} : vector<16xf32> to vector<1xf32>
        %squeeze3A_1546 = vector.extract %slice3A_1545[0] : f32 from vector<1xf32>
        %mul3A_1547 = vector.broadcast %squeeze3A_1546 : f32 to vector<16xf32>
        %mul3A_1548 = arith.mulf %mul3A_1547, %get3A_21 : vector<16xf32>
        %slice3A_1549 = vector.extract_strided_slice %mul3A_485 {offsets = [10], sizes = [1], strides = [1]} : vector<16xf32> to vector<1xf32>
        %squeeze3A_1550 = vector.extract %slice3A_1549[0] : f32 from vector<1xf32>
        %mul3A_1551 = vector.broadcast %squeeze3A_1550 : f32 to vector<16xf32>
        %mul3A_1552 = arith.mulf %mul3A_1551, %get3A_25 : vector<16xf32>
        %slice3A_1553 = vector.extract_strided_slice %mul3A_486 {offsets = [10], sizes = [1], strides = [1]} : vector<16xf32> to vector<1xf32>
        %squeeze3A_1554 = vector.extract %slice3A_1553[0] : f32 from vector<1xf32>
        %mul3A_1555 = vector.broadcast %squeeze3A_1554 : f32 to vector<16xf32>
        %mul3A_1556 = arith.mulf %mul3A_1555, %get3A_29 : vector<16xf32>
        %slice3A_1557 = vector.extract_strided_slice %mul3A_487 {offsets = [10], sizes = [1], strides = [1]} : vector<16xf32> to vector<1xf32>
        %squeeze3A_1558 = vector.extract %slice3A_1557[0] : f32 from vector<1xf32>
        %mul3A_1559 = vector.broadcast %squeeze3A_1558 : f32 to vector<16xf32>
        %mul3A_1560 = arith.mulf %mul3A_1559, %get3A_33 : vector<16xf32>
        %slice3A_1561 = vector.extract_strided_slice %mul3A_480 {offsets = [10], sizes = [1], strides = [1]} : vector<16xf32> to vector<1xf32>
        %squeeze3A_1562 = vector.extract %slice3A_1561[0] : f32 from vector<1xf32>
        %mul3A_1563 = vector.broadcast %squeeze3A_1562 : f32 to vector<16xf32>
        %mul3A_1564 = arith.mulf %mul3A_1563, %get3A_37 : vector<16xf32>
        %slice3A_1565 = vector.extract_strided_slice %mul3A_481 {offsets = [10], sizes = [1], strides = [1]} : vector<16xf32> to vector<1xf32>
        %squeeze3A_1566 = vector.extract %slice3A_1565[0] : f32 from vector<1xf32>
        %mul3A_1567 = vector.broadcast %squeeze3A_1566 : f32 to vector<16xf32>
        %mul3A_1568 = arith.mulf %mul3A_1567, %get3A_41 : vector<16xf32>
        %slice3A_1569 = vector.extract_strided_slice %mul3A_482 {offsets = [10], sizes = [1], strides = [1]} : vector<16xf32> to vector<1xf32>
        %squeeze3A_1570 = vector.extract %slice3A_1569[0] : f32 from vector<1xf32>
        %mul3A_1571 = vector.broadcast %squeeze3A_1570 : f32 to vector<16xf32>
        %mul3A_1572 = arith.mulf %mul3A_1571, %get3A_45 : vector<16xf32>
        %slice3A_1573 = vector.extract_strided_slice %mul3A_483 {offsets = [10], sizes = [1], strides = [1]} : vector<16xf32> to vector<1xf32>
        %squeeze3A_1574 = vector.extract %slice3A_1573[0] : f32 from vector<1xf32>
        %mul3A_1575 = vector.broadcast %squeeze3A_1574 : f32 to vector<16xf32>
        %mul3A_1576 = arith.mulf %mul3A_1575, %get3A_49 : vector<16xf32>
        %slice3A_1577 = vector.extract_strided_slice %mul3A_484 {offsets = [10], sizes = [1], strides = [1]} : vector<16xf32> to vector<1xf32>
        %squeeze3A_1578 = vector.extract %slice3A_1577[0] : f32 from vector<1xf32>
        %mul3A_1579 = vector.broadcast %squeeze3A_1578 : f32 to vector<16xf32>
        %mul3A_1580 = arith.mulf %mul3A_1579, %get3A_53 : vector<16xf32>
        %slice3A_1581 = vector.extract_strided_slice %mul3A_485 {offsets = [10], sizes = [1], strides = [1]} : vector<16xf32> to vector<1xf32>
        %squeeze3A_1582 = vector.extract %slice3A_1581[0] : f32 from vector<1xf32>
        %mul3A_1583 = vector.broadcast %squeeze3A_1582 : f32 to vector<16xf32>
        %mul3A_1584 = arith.mulf %mul3A_1583, %get3A_57 : vector<16xf32>
        %slice3A_1585 = vector.extract_strided_slice %mul3A_486 {offsets = [10], sizes = [1], strides = [1]} : vector<16xf32> to vector<1xf32>
        %squeeze3A_1586 = vector.extract %slice3A_1585[0] : f32 from vector<1xf32>
        %mul3A_1587 = vector.broadcast %squeeze3A_1586 : f32 to vector<16xf32>
        %mul3A_1588 = arith.mulf %mul3A_1587, %get3A_61 : vector<16xf32>
        %slice3A_1589 = vector.extract_strided_slice %mul3A_487 {offsets = [10], sizes = [1], strides = [1]} : vector<16xf32> to vector<1xf32>
        %squeeze3A_1590 = vector.extract %slice3A_1589[0] : f32 from vector<1xf32>
        %mul3A_1591 = vector.broadcast %squeeze3A_1590 : f32 to vector<16xf32>
        %mul3A_1592 = arith.mulf %mul3A_1591, %get3A_65 : vector<16xf32>
        %add3A_1593 = arith.addf %mul3A_1532, %mul3A_1536 : vector<16xf32>
        %add3A_1594 = arith.addf %mul3A_1540, %mul3A_1544 : vector<16xf32>
        %add3A_1595 = arith.addf %add3A_1593, %add3A_1594 : vector<16xf32>
        %add3A_1596 = arith.addf %mul3A_1548, %mul3A_1552 : vector<16xf32>
        %add3A_1597 = arith.addf %mul3A_1556, %mul3A_1560 : vector<16xf32>
        %add3A_1598 = arith.addf %add3A_1596, %add3A_1597 : vector<16xf32>
        %add3A_1599 = arith.addf %add3A_1595, %add3A_1598 : vector<16xf32>
        %add3A_1600 = arith.addf %mul3A_1564, %mul3A_1568 : vector<16xf32>
        %add3A_1601 = arith.addf %mul3A_1572, %mul3A_1576 : vector<16xf32>
        %add3A_1602 = arith.addf %add3A_1600, %add3A_1601 : vector<16xf32>
        %add3A_1603 = arith.addf %mul3A_1580, %mul3A_1584 : vector<16xf32>
        %add3A_1604 = arith.addf %mul3A_1588, %mul3A_1592 : vector<16xf32>
        %add3A_1605 = arith.addf %add3A_1603, %add3A_1604 : vector<16xf32>
        %add3A_1606 = arith.addf %add3A_1602, %add3A_1605 : vector<16xf32>
        %get3A_1607 = arith.constant 0 : i32
        %get3A_1608 = arith.index_cast %get3A_1607 : i32 to index
        %get3A_1609 = arith.index_cast %add3A_1528 : i32 to index
        %get3A_1610 = arith.constant 0 : index
        %get3A_1611 = tpu.vector_load %arg8[%get3A_1608, %get3A_1609, %get3A_1610] {strides = array<i32>} : memref<2x512x32xf32, #tpu.memory_space<vmem>>, vector<16xf32>,
        %swap3A_1612 = arith.index_cast %add3A_1528 : i32 to index
        %swap3A_1613 = arith.constant 0 : index
        %swap3A_1614 = tpu.vector_load %arg10[%swap3A_1612, %swap3A_1613] {strides = array<i32>} : memref<512x64xf32, #tpu.memory_space<vmem>>, vector<16xf32>,
        tpu.vector_store %arg10[%swap3A_1612, %swap3A_1613], %get3A_1611 {strides = array<i32>} : memref<512x64xf32, #tpu.memory_space<vmem>>, vector<16xf32>,
        %get3A_1615 = arith.constant 0 : i32
        %get3A_1616 = arith.index_cast %get3A_1615 : i32 to index
        %get3A_1617 = arith.index_cast %add3A_1528 : i32 to index
        %get3A_1618 = arith.constant 16 : index
        %get3A_1619 = tpu.vector_load %arg8[%get3A_1616, %get3A_1617, %get3A_1618] {strides = array<i32>} : memref<2x512x32xf32, #tpu.memory_space<vmem>>, vector<16xf32>,
        %swap3A_1620 = arith.index_cast %add3A_1528 : i32 to index
        %swap3A_1621 = arith.constant 16 : index
        %swap3A_1622 = tpu.vector_load %arg10[%swap3A_1620, %swap3A_1621] {strides = array<i32>} : memref<512x64xf32, #tpu.memory_space<vmem>>, vector<16xf32>,
        tpu.vector_store %arg10[%swap3A_1620, %swap3A_1621], %get3A_1619 {strides = array<i32>} : memref<512x64xf32, #tpu.memory_space<vmem>>, vector<16xf32>,
        %swap3A_1623 = arith.index_cast %add3A_1528 : i32 to index
        %swap3A_1624 = arith.constant 32 : index
        %swap3A_1625 = tpu.vector_load %arg10[%swap3A_1623, %swap3A_1624] {strides = array<i32>} : memref<512x64xf32, #tpu.memory_space<vmem>>, vector<16xf32>,
        tpu.vector_store %arg10[%swap3A_1623, %swap3A_1624], %add3A_1599 {strides = array<i32>} : memref<512x64xf32, #tpu.memory_space<vmem>>, vector<16xf32>,
        %swap3A_1626 = arith.index_cast %add3A_1528 : i32 to index
        %swap3A_1627 = arith.constant 48 : index
        %swap3A_1628 = tpu.vector_load %arg10[%swap3A_1626, %swap3A_1627] {strides = array<i32>} : memref<512x64xf32, #tpu.memory_space<vmem>>, vector<16xf32>,
        tpu.vector_store %arg10[%swap3A_1626, %swap3A_1627], %add3A_1606 {strides = array<i32>} : memref<512x64xf32, #tpu.memory_space<vmem>>, vector<16xf32>,
        %mul3A_1629 = arith.constant 16 : i32
        %mul3A_1630 = arith.muli %scan3A_422, %mul3A_1629 : i32
        %add3A_1631 = arith.constant 11 : i32
        %add3A_1632 = arith.addi %mul3A_1630, %add3A_1631 : i32
        %slice3A_1633 = vector.extract_strided_slice %mul3A_480 {offsets = [11], sizes = [1], strides = [1]} : vector<16xf32> to vector<1xf32>
        %squeeze3A_1634 = vector.extract %slice3A_1633[0] : f32 from vector<1xf32>
        %mul3A_1635 = vector.broadcast %squeeze3A_1634 : f32 to vector<16xf32>
        %mul3A_1636 = arith.mulf %mul3A_1635, %get3A_5 : vector<16xf32>
        %slice3A_1637 = vector.extract_strided_slice %mul3A_481 {offsets = [11], sizes = [1], strides = [1]} : vector<16xf32> to vector<1xf32>
        %squeeze3A_1638 = vector.extract %slice3A_1637[0] : f32 from vector<1xf32>
        %mul3A_1639 = vector.broadcast %squeeze3A_1638 : f32 to vector<16xf32>
        %mul3A_1640 = arith.mulf %mul3A_1639, %get3A_9 : vector<16xf32>
        %slice3A_1641 = vector.extract_strided_slice %mul3A_482 {offsets = [11], sizes = [1], strides = [1]} : vector<16xf32> to vector<1xf32>
        %squeeze3A_1642 = vector.extract %slice3A_1641[0] : f32 from vector<1xf32>
        %mul3A_1643 = vector.broadcast %squeeze3A_1642 : f32 to vector<16xf32>
        %mul3A_1644 = arith.mulf %mul3A_1643, %get3A_13 : vector<16xf32>
        %slice3A_1645 = vector.extract_strided_slice %mul3A_483 {offsets = [11], sizes = [1], strides = [1]} : vector<16xf32> to vector<1xf32>
        %squeeze3A_1646 = vector.extract %slice3A_1645[0] : f32 from vector<1xf32>
        %mul3A_1647 = vector.broadcast %squeeze3A_1646 : f32 to vector<16xf32>
        %mul3A_1648 = arith.mulf %mul3A_1647, %get3A_17 : vector<16xf32>
        %slice3A_1649 = vector.extract_strided_slice %mul3A_484 {offsets = [11], sizes = [1], strides = [1]} : vector<16xf32> to vector<1xf32>
        %squeeze3A_1650 = vector.extract %slice3A_1649[0] : f32 from vector<1xf32>
        %mul3A_1651 = vector.broadcast %squeeze3A_1650 : f32 to vector<16xf32>
        %mul3A_1652 = arith.mulf %mul3A_1651, %get3A_21 : vector<16xf32>
        %slice3A_1653 = vector.extract_strided_slice %mul3A_485 {offsets = [11], sizes = [1], strides = [1]} : vector<16xf32> to vector<1xf32>
        %squeeze3A_1654 = vector.extract %slice3A_1653[0] : f32 from vector<1xf32>
        %mul3A_1655 = vector.broadcast %squeeze3A_1654 : f32 to vector<16xf32>
        %mul3A_1656 = arith.mulf %mul3A_1655, %get3A_25 : vector<16xf32>
        %slice3A_1657 = vector.extract_strided_slice %mul3A_486 {offsets = [11], sizes = [1], strides = [1]} : vector<16xf32> to vector<1xf32>
        %squeeze3A_1658 = vector.extract %slice3A_1657[0] : f32 from vector<1xf32>
        %mul3A_1659 = vector.broadcast %squeeze3A_1658 : f32 to vector<16xf32>
        %mul3A_1660 = arith.mulf %mul3A_1659, %get3A_29 : vector<16xf32>
        %slice3A_1661 = vector.extract_strided_slice %mul3A_487 {offsets = [11], sizes = [1], strides = [1]} : vector<16xf32> to vector<1xf32>
        %squeeze3A_1662 = vector.extract %slice3A_1661[0] : f32 from vector<1xf32>
        %mul3A_1663 = vector.broadcast %squeeze3A_1662 : f32 to vector<16xf32>
        %mul3A_1664 = arith.mulf %mul3A_1663, %get3A_33 : vector<16xf32>
        %slice3A_1665 = vector.extract_strided_slice %mul3A_480 {offsets = [11], sizes = [1], strides = [1]} : vector<16xf32> to vector<1xf32>
        %squeeze3A_1666 = vector.extract %slice3A_1665[0] : f32 from vector<1xf32>
        %mul3A_1667 = vector.broadcast %squeeze3A_1666 : f32 to vector<16xf32>
        %mul3A_1668 = arith.mulf %mul3A_1667, %get3A_37 : vector<16xf32>
        %slice3A_1669 = vector.extract_strided_slice %mul3A_481 {offsets = [11], sizes = [1], strides = [1]} : vector<16xf32> to vector<1xf32>
        %squeeze3A_1670 = vector.extract %slice3A_1669[0] : f32 from vector<1xf32>
        %mul3A_1671 = vector.broadcast %squeeze3A_1670 : f32 to vector<16xf32>
        %mul3A_1672 = arith.mulf %mul3A_1671, %get3A_41 : vector<16xf32>
        %slice3A_1673 = vector.extract_strided_slice %mul3A_482 {offsets = [11], sizes = [1], strides = [1]} : vector<16xf32> to vector<1xf32>
        %squeeze3A_1674 = vector.extract %slice3A_1673[0] : f32 from vector<1xf32>
        %mul3A_1675 = vector.broadcast %squeeze3A_1674 : f32 to vector<16xf32>
        %mul3A_1676 = arith.mulf %mul3A_1675, %get3A_45 : vector<16xf32>
        %slice3A_1677 = vector.extract_strided_slice %mul3A_483 {offsets = [11], sizes = [1], strides = [1]} : vector<16xf32> to vector<1xf32>
        %squeeze3A_1678 = vector.extract %slice3A_1677[0] : f32 from vector<1xf32>
        %mul3A_1679 = vector.broadcast %squeeze3A_1678 : f32 to vector<16xf32>
        %mul3A_1680 = arith.mulf %mul3A_1679, %get3A_49 : vector<16xf32>
        %slice3A_1681 = vector.extract_strided_slice %mul3A_484 {offsets = [11], sizes = [1], strides = [1]} : vector<16xf32> to vector<1xf32>
        %squeeze3A_1682 = vector.extract %slice3A_1681[0] : f32 from vector<1xf32>
        %mul3A_1683 = vector.broadcast %squeeze3A_1682 : f32 to vector<16xf32>
        %mul3A_1684 = arith.mulf %mul3A_1683, %get3A_53 : vector<16xf32>
        %slice3A_1685 = vector.extract_strided_slice %mul3A_485 {offsets = [11], sizes = [1], strides = [1]} : vector<16xf32> to vector<1xf32>
        %squeeze3A_1686 = vector.extract %slice3A_1685[0] : f32 from vector<1xf32>
        %mul3A_1687 = vector.broadcast %squeeze3A_1686 : f32 to vector<16xf32>
        %mul3A_1688 = arith.mulf %mul3A_1687, %get3A_57 : vector<16xf32>
        %slice3A_1689 = vector.extract_strided_slice %mul3A_486 {offsets = [11], sizes = [1], strides = [1]} : vector<16xf32> to vector<1xf32>
        %squeeze3A_1690 = vector.extract %slice3A_1689[0] : f32 from vector<1xf32>
        %mul3A_1691 = vector.broadcast %squeeze3A_1690 : f32 to vector<16xf32>
        %mul3A_1692 = arith.mulf %mul3A_1691, %get3A_61 : vector<16xf32>
        %slice3A_1693 = vector.extract_strided_slice %mul3A_487 {offsets = [11], sizes = [1], strides = [1]} : vector<16xf32> to vector<1xf32>
        %squeeze3A_1694 = vector.extract %slice3A_1693[0] : f32 from vector<1xf32>
        %mul3A_1695 = vector.broadcast %squeeze3A_1694 : f32 to vector<16xf32>
        %mul3A_1696 = arith.mulf %mul3A_1695, %get3A_65 : vector<16xf32>
        %add3A_1697 = arith.addf %mul3A_1636, %mul3A_1640 : vector<16xf32>
        %add3A_1698 = arith.addf %mul3A_1644, %mul3A_1648 : vector<16xf32>
        %add3A_1699 = arith.addf %add3A_1697, %add3A_1698 : vector<16xf32>
        %add3A_1700 = arith.addf %mul3A_1652, %mul3A_1656 : vector<16xf32>
        %add3A_1701 = arith.addf %mul3A_1660, %mul3A_1664 : vector<16xf32>
        %add3A_1702 = arith.addf %add3A_1700, %add3A_1701 : vector<16xf32>
        %add3A_1703 = arith.addf %add3A_1699, %add3A_1702 : vector<16xf32>
        %add3A_1704 = arith.addf %mul3A_1668, %mul3A_1672 : vector<16xf32>
        %add3A_1705 = arith.addf %mul3A_1676, %mul3A_1680 : vector<16xf32>
        %add3A_1706 = arith.addf %add3A_1704, %add3A_1705 : vector<16xf32>
        %add3A_1707 = arith.addf %mul3A_1684, %mul3A_1688 : vector<16xf32>
        %add3A_1708 = arith.addf %mul3A_1692, %mul3A_1696 : vector<16xf32>
        %add3A_1709 = arith.addf %add3A_1707, %add3A_1708 : vector<16xf32>
        %add3A_1710 = arith.addf %add3A_1706, %add3A_1709 : vector<16xf32>
        %get3A_1711 = arith.constant 0 : i32
        %get3A_1712 = arith.index_cast %get3A_1711 : i32 to index
        %get3A_1713 = arith.index_cast %add3A_1632 : i32 to index
        %get3A_1714 = arith.constant 0 : index
        %get3A_1715 = tpu.vector_load %arg8[%get3A_1712, %get3A_1713, %get3A_1714] {strides = array<i32>} : memref<2x512x32xf32, #tpu.memory_space<vmem>>, vector<16xf32>,
        %swap3A_1716 = arith.index_cast %add3A_1632 : i32 to index
        %swap3A_1717 = arith.constant 0 : index
        %swap3A_1718 = tpu.vector_load %arg10[%swap3A_1716, %swap3A_1717] {strides = array<i32>} : memref<512x64xf32, #tpu.memory_space<vmem>>, vector<16xf32>,
        tpu.vector_store %arg10[%swap3A_1716, %swap3A_1717], %get3A_1715 {strides = array<i32>} : memref<512x64xf32, #tpu.memory_space<vmem>>, vector<16xf32>,
        %get3A_1719 = arith.constant 0 : i32
        %get3A_1720 = arith.index_cast %get3A_1719 : i32 to index
        %get3A_1721 = arith.index_cast %add3A_1632 : i32 to index
        %get3A_1722 = arith.constant 16 : index
        %get3A_1723 = tpu.vector_load %arg8[%get3A_1720, %get3A_1721, %get3A_1722] {strides = array<i32>} : memref<2x512x32xf32, #tpu.memory_space<vmem>>, vector<16xf32>,
        %swap3A_1724 = arith.index_cast %add3A_1632 : i32 to index
        %swap3A_1725 = arith.constant 16 : index
        %swap3A_1726 = tpu.vector_load %arg10[%swap3A_1724, %swap3A_1725] {strides = array<i32>} : memref<512x64xf32, #tpu.memory_space<vmem>>, vector<16xf32>,
        tpu.vector_store %arg10[%swap3A_1724, %swap3A_1725], %get3A_1723 {strides = array<i32>} : memref<512x64xf32, #tpu.memory_space<vmem>>, vector<16xf32>,
        %swap3A_1727 = arith.index_cast %add3A_1632 : i32 to index
        %swap3A_1728 = arith.constant 32 : index
        %swap3A_1729 = tpu.vector_load %arg10[%swap3A_1727, %swap3A_1728] {strides = array<i32>} : memref<512x64xf32, #tpu.memory_space<vmem>>, vector<16xf32>,
        tpu.vector_store %arg10[%swap3A_1727, %swap3A_1728], %add3A_1703 {strides = array<i32>} : memref<512x64xf32, #tpu.memory_space<vmem>>, vector<16xf32>,
        %swap3A_1730 = arith.index_cast %add3A_1632 : i32 to index
        %swap3A_1731 = arith.constant 48 : index
        %swap3A_1732 = tpu.vector_load %arg10[%swap3A_1730, %swap3A_1731] {strides = array<i32>} : memref<512x64xf32, #tpu.memory_space<vmem>>, vector<16xf32>,
        tpu.vector_store %arg10[%swap3A_1730, %swap3A_1731], %add3A_1710 {strides = array<i32>} : memref<512x64xf32, #tpu.memory_space<vmem>>, vector<16xf32>,
        %mul3A_1733 = arith.constant 16 : i32
        %mul3A_1734 = arith.muli %scan3A_422, %mul3A_1733 : i32
        %add3A_1735 = arith.constant 12 : i32
        %add3A_1736 = arith.addi %mul3A_1734, %add3A_1735 : i32
        %slice3A_1737 = vector.extract_strided_slice %mul3A_480 {offsets = [12], sizes = [1], strides = [1]} : vector<16xf32> to vector<1xf32>
        %squeeze3A_1738 = vector.extract %slice3A_1737[0] : f32 from vector<1xf32>
        %mul3A_1739 = vector.broadcast %squeeze3A_1738 : f32 to vector<16xf32>
        %mul3A_1740 = arith.mulf %mul3A_1739, %get3A_5 : vector<16xf32>
        %slice3A_1741 = vector.extract_strided_slice %mul3A_481 {offsets = [12], sizes = [1], strides = [1]} : vector<16xf32> to vector<1xf32>
        %squeeze3A_1742 = vector.extract %slice3A_1741[0] : f32 from vector<1xf32>
        %mul3A_1743 = vector.broadcast %squeeze3A_1742 : f32 to vector<16xf32>
        %mul3A_1744 = arith.mulf %mul3A_1743, %get3A_9 : vector<16xf32>
        %slice3A_1745 = vector.extract_strided_slice %mul3A_482 {offsets = [12], sizes = [1], strides = [1]} : vector<16xf32> to vector<1xf32>
        %squeeze3A_1746 = vector.extract %slice3A_1745[0] : f32 from vector<1xf32>
        %mul3A_1747 = vector.broadcast %squeeze3A_1746 : f32 to vector<16xf32>
        %mul3A_1748 = arith.mulf %mul3A_1747, %get3A_13 : vector<16xf32>
        %slice3A_1749 = vector.extract_strided_slice %mul3A_483 {offsets = [12], sizes = [1], strides = [1]} : vector<16xf32> to vector<1xf32>
        %squeeze3A_1750 = vector.extract %slice3A_1749[0] : f32 from vector<1xf32>
        %mul3A_1751 = vector.broadcast %squeeze3A_1750 : f32 to vector<16xf32>
        %mul3A_1752 = arith.mulf %mul3A_1751, %get3A_17 : vector<16xf32>
        %slice3A_1753 = vector.extract_strided_slice %mul3A_484 {offsets = [12], sizes = [1], strides = [1]} : vector<16xf32> to vector<1xf32>
        %squeeze3A_1754 = vector.extract %slice3A_1753[0] : f32 from vector<1xf32>
        %mul3A_1755 = vector.broadcast %squeeze3A_1754 : f32 to vector<16xf32>
        %mul3A_1756 = arith.mulf %mul3A_1755, %get3A_21 : vector<16xf32>
        %slice3A_1757 = vector.extract_strided_slice %mul3A_485 {offsets = [12], sizes = [1], strides = [1]} : vector<16xf32> to vector<1xf32>
        %squeeze3A_1758 = vector.extract %slice3A_1757[0] : f32 from vector<1xf32>
        %mul3A_1759 = vector.broadcast %squeeze3A_1758 : f32 to vector<16xf32>
        %mul3A_1760 = arith.mulf %mul3A_1759, %get3A_25 : vector<16xf32>
        %slice3A_1761 = vector.extract_strided_slice %mul3A_486 {offsets = [12], sizes = [1], strides = [1]} : vector<16xf32> to vector<1xf32>
        %squeeze3A_1762 = vector.extract %slice3A_1761[0] : f32 from vector<1xf32>
        %mul3A_1763 = vector.broadcast %squeeze3A_1762 : f32 to vector<16xf32>
        %mul3A_1764 = arith.mulf %mul3A_1763, %get3A_29 : vector<16xf32>
        %slice3A_1765 = vector.extract_strided_slice %mul3A_487 {offsets = [12], sizes = [1], strides = [1]} : vector<16xf32> to vector<1xf32>
        %squeeze3A_1766 = vector.extract %slice3A_1765[0] : f32 from vector<1xf32>
        %mul3A_1767 = vector.broadcast %squeeze3A_1766 : f32 to vector<16xf32>
        %mul3A_1768 = arith.mulf %mul3A_1767, %get3A_33 : vector<16xf32>
        %slice3A_1769 = vector.extract_strided_slice %mul3A_480 {offsets = [12], sizes = [1], strides = [1]} : vector<16xf32> to vector<1xf32>
        %squeeze3A_1770 = vector.extract %slice3A_1769[0] : f32 from vector<1xf32>
        %mul3A_1771 = vector.broadcast %squeeze3A_1770 : f32 to vector<16xf32>
        %mul3A_1772 = arith.mulf %mul3A_1771, %get3A_37 : vector<16xf32>
        %slice3A_1773 = vector.extract_strided_slice %mul3A_481 {offsets = [12], sizes = [1], strides = [1]} : vector<16xf32> to vector<1xf32>
        %squeeze3A_1774 = vector.extract %slice3A_1773[0] : f32 from vector<1xf32>
        %mul3A_1775 = vector.broadcast %squeeze3A_1774 : f32 to vector<16xf32>
        %mul3A_1776 = arith.mulf %mul3A_1775, %get3A_41 : vector<16xf32>
        %slice3A_1777 = vector.extract_strided_slice %mul3A_482 {offsets = [12], sizes = [1], strides = [1]} : vector<16xf32> to vector<1xf32>
        %squeeze3A_1778 = vector.extract %slice3A_1777[0] : f32 from vector<1xf32>
        %mul3A_1779 = vector.broadcast %squeeze3A_1778 : f32 to vector<16xf32>
        %mul3A_1780 = arith.mulf %mul3A_1779, %get3A_45 : vector<16xf32>
        %slice3A_1781 = vector.extract_strided_slice %mul3A_483 {offsets = [12], sizes = [1], strides = [1]} : vector<16xf32> to vector<1xf32>
        %squeeze3A_1782 = vector.extract %slice3A_1781[0] : f32 from vector<1xf32>
        %mul3A_1783 = vector.broadcast %squeeze3A_1782 : f32 to vector<16xf32>
        %mul3A_1784 = arith.mulf %mul3A_1783, %get3A_49 : vector<16xf32>
        %slice3A_1785 = vector.extract_strided_slice %mul3A_484 {offsets = [12], sizes = [1], strides = [1]} : vector<16xf32> to vector<1xf32>
        %squeeze3A_1786 = vector.extract %slice3A_1785[0] : f32 from vector<1xf32>
        %mul3A_1787 = vector.broadcast %squeeze3A_1786 : f32 to vector<16xf32>
        %mul3A_1788 = arith.mulf %mul3A_1787, %get3A_53 : vector<16xf32>
        %slice3A_1789 = vector.extract_strided_slice %mul3A_485 {offsets = [12], sizes = [1], strides = [1]} : vector<16xf32> to vector<1xf32>
        %squeeze3A_1790 = vector.extract %slice3A_1789[0] : f32 from vector<1xf32>
        %mul3A_1791 = vector.broadcast %squeeze3A_1790 : f32 to vector<16xf32>
        %mul3A_1792 = arith.mulf %mul3A_1791, %get3A_57 : vector<16xf32>
        %slice3A_1793 = vector.extract_strided_slice %mul3A_486 {offsets = [12], sizes = [1], strides = [1]} : vector<16xf32> to vector<1xf32>
        %squeeze3A_1794 = vector.extract %slice3A_1793[0] : f32 from vector<1xf32>
        %mul3A_1795 = vector.broadcast %squeeze3A_1794 : f32 to vector<16xf32>
        %mul3A_1796 = arith.mulf %mul3A_1795, %get3A_61 : vector<16xf32>
        %slice3A_1797 = vector.extract_strided_slice %mul3A_487 {offsets = [12], sizes = [1], strides = [1]} : vector<16xf32> to vector<1xf32>
        %squeeze3A_1798 = vector.extract %slice3A_1797[0] : f32 from vector<1xf32>
        %mul3A_1799 = vector.broadcast %squeeze3A_1798 : f32 to vector<16xf32>
        %mul3A_1800 = arith.mulf %mul3A_1799, %get3A_65 : vector<16xf32>
        %add3A_1801 = arith.addf %mul3A_1740, %mul3A_1744 : vector<16xf32>
        %add3A_1802 = arith.addf %mul3A_1748, %mul3A_1752 : vector<16xf32>
        %add3A_1803 = arith.addf %add3A_1801, %add3A_1802 : vector<16xf32>
        %add3A_1804 = arith.addf %mul3A_1756, %mul3A_1760 : vector<16xf32>
        %add3A_1805 = arith.addf %mul3A_1764, %mul3A_1768 : vector<16xf32>
        %add3A_1806 = arith.addf %add3A_1804, %add3A_1805 : vector<16xf32>
        %add3A_1807 = arith.addf %add3A_1803, %add3A_1806 : vector<16xf32>
        %add3A_1808 = arith.addf %mul3A_1772, %mul3A_1776 : vector<16xf32>
        %add3A_1809 = arith.addf %mul3A_1780, %mul3A_1784 : vector<16xf32>
        %add3A_1810 = arith.addf %add3A_1808, %add3A_1809 : vector<16xf32>
        %add3A_1811 = arith.addf %mul3A_1788, %mul3A_1792 : vector<16xf32>
        %add3A_1812 = arith.addf %mul3A_1796, %mul3A_1800 : vector<16xf32>
        %add3A_1813 = arith.addf %add3A_1811, %add3A_1812 : vector<16xf32>
        %add3A_1814 = arith.addf %add3A_1810, %add3A_1813 : vector<16xf32>
        %get3A_1815 = arith.constant 0 : i32
        %get3A_1816 = arith.index_cast %get3A_1815 : i32 to index
        %get3A_1817 = arith.index_cast %add3A_1736 : i32 to index
        %get3A_1818 = arith.constant 0 : index
        %get3A_1819 = tpu.vector_load %arg8[%get3A_1816, %get3A_1817, %get3A_1818] {strides = array<i32>} : memref<2x512x32xf32, #tpu.memory_space<vmem>>, vector<16xf32>,
        %swap3A_1820 = arith.index_cast %add3A_1736 : i32 to index
        %swap3A_1821 = arith.constant 0 : index
        %swap3A_1822 = tpu.vector_load %arg10[%swap3A_1820, %swap3A_1821] {strides = array<i32>} : memref<512x64xf32, #tpu.memory_space<vmem>>, vector<16xf32>,
        tpu.vector_store %arg10[%swap3A_1820, %swap3A_1821], %get3A_1819 {strides = array<i32>} : memref<512x64xf32, #tpu.memory_space<vmem>>, vector<16xf32>,
        %get3A_1823 = arith.constant 0 : i32
        %get3A_1824 = arith.index_cast %get3A_1823 : i32 to index
        %get3A_1825 = arith.index_cast %add3A_1736 : i32 to index
        %get3A_1826 = arith.constant 16 : index
        %get3A_1827 = tpu.vector_load %arg8[%get3A_1824, %get3A_1825, %get3A_1826] {strides = array<i32>} : memref<2x512x32xf32, #tpu.memory_space<vmem>>, vector<16xf32>,
        %swap3A_1828 = arith.index_cast %add3A_1736 : i32 to index
        %swap3A_1829 = arith.constant 16 : index
        %swap3A_1830 = tpu.vector_load %arg10[%swap3A_1828, %swap3A_1829] {strides = array<i32>} : memref<512x64xf32, #tpu.memory_space<vmem>>, vector<16xf32>,
        tpu.vector_store %arg10[%swap3A_1828, %swap3A_1829], %get3A_1827 {strides = array<i32>} : memref<512x64xf32, #tpu.memory_space<vmem>>, vector<16xf32>,
        %swap3A_1831 = arith.index_cast %add3A_1736 : i32 to index
        %swap3A_1832 = arith.constant 32 : index
        %swap3A_1833 = tpu.vector_load %arg10[%swap3A_1831, %swap3A_1832] {strides = array<i32>} : memref<512x64xf32, #tpu.memory_space<vmem>>, vector<16xf32>,
        tpu.vector_store %arg10[%swap3A_1831, %swap3A_1832], %add3A_1807 {strides = array<i32>} : memref<512x64xf32, #tpu.memory_space<vmem>>, vector<16xf32>,
        %swap3A_1834 = arith.index_cast %add3A_1736 : i32 to index
        %swap3A_1835 = arith.constant 48 : index
        %swap3A_1836 = tpu.vector_load %arg10[%swap3A_1834, %swap3A_1835] {strides = array<i32>} : memref<512x64xf32, #tpu.memory_space<vmem>>, vector<16xf32>,
        tpu.vector_store %arg10[%swap3A_1834, %swap3A_1835], %add3A_1814 {strides = array<i32>} : memref<512x64xf32, #tpu.memory_space<vmem>>, vector<16xf32>,
        %mul3A_1837 = arith.constant 16 : i32
        %mul3A_1838 = arith.muli %scan3A_422, %mul3A_1837 : i32
        %add3A_1839 = arith.constant 13 : i32
        %add3A_1840 = arith.addi %mul3A_1838, %add3A_1839 : i32
        %slice3A_1841 = vector.extract_strided_slice %mul3A_480 {offsets = [13], sizes = [1], strides = [1]} : vector<16xf32> to vector<1xf32>
        %squeeze3A_1842 = vector.extract %slice3A_1841[0] : f32 from vector<1xf32>
        %mul3A_1843 = vector.broadcast %squeeze3A_1842 : f32 to vector<16xf32>
        %mul3A_1844 = arith.mulf %mul3A_1843, %get3A_5 : vector<16xf32>
        %slice3A_1845 = vector.extract_strided_slice %mul3A_481 {offsets = [13], sizes = [1], strides = [1]} : vector<16xf32> to vector<1xf32>
        %squeeze3A_1846 = vector.extract %slice3A_1845[0] : f32 from vector<1xf32>
        %mul3A_1847 = vector.broadcast %squeeze3A_1846 : f32 to vector<16xf32>
        %mul3A_1848 = arith.mulf %mul3A_1847, %get3A_9 : vector<16xf32>
        %slice3A_1849 = vector.extract_strided_slice %mul3A_482 {offsets = [13], sizes = [1], strides = [1]} : vector<16xf32> to vector<1xf32>
        %squeeze3A_1850 = vector.extract %slice3A_1849[0] : f32 from vector<1xf32>
        %mul3A_1851 = vector.broadcast %squeeze3A_1850 : f32 to vector<16xf32>
        %mul3A_1852 = arith.mulf %mul3A_1851, %get3A_13 : vector<16xf32>
        %slice3A_1853 = vector.extract_strided_slice %mul3A_483 {offsets = [13], sizes = [1], strides = [1]} : vector<16xf32> to vector<1xf32>
        %squeeze3A_1854 = vector.extract %slice3A_1853[0] : f32 from vector<1xf32>
        %mul3A_1855 = vector.broadcast %squeeze3A_1854 : f32 to vector<16xf32>
        %mul3A_1856 = arith.mulf %mul3A_1855, %get3A_17 : vector<16xf32>
        %slice3A_1857 = vector.extract_strided_slice %mul3A_484 {offsets = [13], sizes = [1], strides = [1]} : vector<16xf32> to vector<1xf32>
        %squeeze3A_1858 = vector.extract %slice3A_1857[0] : f32 from vector<1xf32>
        %mul3A_1859 = vector.broadcast %squeeze3A_1858 : f32 to vector<16xf32>
        %mul3A_1860 = arith.mulf %mul3A_1859, %get3A_21 : vector<16xf32>
        %slice3A_1861 = vector.extract_strided_slice %mul3A_485 {offsets = [13], sizes = [1], strides = [1]} : vector<16xf32> to vector<1xf32>
        %squeeze3A_1862 = vector.extract %slice3A_1861[0] : f32 from vector<1xf32>
        %mul3A_1863 = vector.broadcast %squeeze3A_1862 : f32 to vector<16xf32>
        %mul3A_1864 = arith.mulf %mul3A_1863, %get3A_25 : vector<16xf32>
        %slice3A_1865 = vector.extract_strided_slice %mul3A_486 {offsets = [13], sizes = [1], strides = [1]} : vector<16xf32> to vector<1xf32>
        %squeeze3A_1866 = vector.extract %slice3A_1865[0] : f32 from vector<1xf32>
        %mul3A_1867 = vector.broadcast %squeeze3A_1866 : f32 to vector<16xf32>
        %mul3A_1868 = arith.mulf %mul3A_1867, %get3A_29 : vector<16xf32>
        %slice3A_1869 = vector.extract_strided_slice %mul3A_487 {offsets = [13], sizes = [1], strides = [1]} : vector<16xf32> to vector<1xf32>
        %squeeze3A_1870 = vector.extract %slice3A_1869[0] : f32 from vector<1xf32>
        %mul3A_1871 = vector.broadcast %squeeze3A_1870 : f32 to vector<16xf32>
        %mul3A_1872 = arith.mulf %mul3A_1871, %get3A_33 : vector<16xf32>
        %slice3A_1873 = vector.extract_strided_slice %mul3A_480 {offsets = [13], sizes = [1], strides = [1]} : vector<16xf32> to vector<1xf32>
        %squeeze3A_1874 = vector.extract %slice3A_1873[0] : f32 from vector<1xf32>
        %mul3A_1875 = vector.broadcast %squeeze3A_1874 : f32 to vector<16xf32>
        %mul3A_1876 = arith.mulf %mul3A_1875, %get3A_37 : vector<16xf32>
        %slice3A_1877 = vector.extract_strided_slice %mul3A_481 {offsets = [13], sizes = [1], strides = [1]} : vector<16xf32> to vector<1xf32>
        %squeeze3A_1878 = vector.extract %slice3A_1877[0] : f32 from vector<1xf32>
        %mul3A_1879 = vector.broadcast %squeeze3A_1878 : f32 to vector<16xf32>
        %mul3A_1880 = arith.mulf %mul3A_1879, %get3A_41 : vector<16xf32>
        %slice3A_1881 = vector.extract_strided_slice %mul3A_482 {offsets = [13], sizes = [1], strides = [1]} : vector<16xf32> to vector<1xf32>
        %squeeze3A_1882 = vector.extract %slice3A_1881[0] : f32 from vector<1xf32>
        %mul3A_1883 = vector.broadcast %squeeze3A_1882 : f32 to vector<16xf32>
        %mul3A_1884 = arith.mulf %mul3A_1883, %get3A_45 : vector<16xf32>
        %slice3A_1885 = vector.extract_strided_slice %mul3A_483 {offsets = [13], sizes = [1], strides = [1]} : vector<16xf32> to vector<1xf32>
        %squeeze3A_1886 = vector.extract %slice3A_1885[0] : f32 from vector<1xf32>
        %mul3A_1887 = vector.broadcast %squeeze3A_1886 : f32 to vector<16xf32>
        %mul3A_1888 = arith.mulf %mul3A_1887, %get3A_49 : vector<16xf32>
        %slice3A_1889 = vector.extract_strided_slice %mul3A_484 {offsets = [13], sizes = [1], strides = [1]} : vector<16xf32> to vector<1xf32>
        %squeeze3A_1890 = vector.extract %slice3A_1889[0] : f32 from vector<1xf32>
        %mul3A_1891 = vector.broadcast %squeeze3A_1890 : f32 to vector<16xf32>
        %mul3A_1892 = arith.mulf %mul3A_1891, %get3A_53 : vector<16xf32>
        %slice3A_1893 = vector.extract_strided_slice %mul3A_485 {offsets = [13], sizes = [1], strides = [1]} : vector<16xf32> to vector<1xf32>
        %squeeze3A_1894 = vector.extract %slice3A_1893[0] : f32 from vector<1xf32>
        %mul3A_1895 = vector.broadcast %squeeze3A_1894 : f32 to vector<16xf32>
        %mul3A_1896 = arith.mulf %mul3A_1895, %get3A_57 : vector<16xf32>
        %slice3A_1897 = vector.extract_strided_slice %mul3A_486 {offsets = [13], sizes = [1], strides = [1]} : vector<16xf32> to vector<1xf32>
        %squeeze3A_1898 = vector.extract %slice3A_1897[0] : f32 from vector<1xf32>
        %mul3A_1899 = vector.broadcast %squeeze3A_1898 : f32 to vector<16xf32>
        %mul3A_1900 = arith.mulf %mul3A_1899, %get3A_61 : vector<16xf32>
        %slice3A_1901 = vector.extract_strided_slice %mul3A_487 {offsets = [13], sizes = [1], strides = [1]} : vector<16xf32> to vector<1xf32>
        %squeeze3A_1902 = vector.extract %slice3A_1901[0] : f32 from vector<1xf32>
        %mul3A_1903 = vector.broadcast %squeeze3A_1902 : f32 to vector<16xf32>
        %mul3A_1904 = arith.mulf %mul3A_1903, %get3A_65 : vector<16xf32>
        %add3A_1905 = arith.addf %mul3A_1844, %mul3A_1848 : vector<16xf32>
        %add3A_1906 = arith.addf %mul3A_1852, %mul3A_1856 : vector<16xf32>
        %add3A_1907 = arith.addf %add3A_1905, %add3A_1906 : vector<16xf32>
        %add3A_1908 = arith.addf %mul3A_1860, %mul3A_1864 : vector<16xf32>
        %add3A_1909 = arith.addf %mul3A_1868, %mul3A_1872 : vector<16xf32>
        %add3A_1910 = arith.addf %add3A_1908, %add3A_1909 : vector<16xf32>
        %add3A_1911 = arith.addf %add3A_1907, %add3A_1910 : vector<16xf32>
        %add3A_1912 = arith.addf %mul3A_1876, %mul3A_1880 : vector<16xf32>
        %add3A_1913 = arith.addf %mul3A_1884, %mul3A_1888 : vector<16xf32>
        %add3A_1914 = arith.addf %add3A_1912, %add3A_1913 : vector<16xf32>
        %add3A_1915 = arith.addf %mul3A_1892, %mul3A_1896 : vector<16xf32>
        %add3A_1916 = arith.addf %mul3A_1900, %mul3A_1904 : vector<16xf32>
        %add3A_1917 = arith.addf %add3A_1915, %add3A_1916 : vector<16xf32>
        %add3A_1918 = arith.addf %add3A_1914, %add3A_1917 : vector<16xf32>
        %get3A_1919 = arith.constant 0 : i32
        %get3A_1920 = arith.index_cast %get3A_1919 : i32 to index
        %get3A_1921 = arith.index_cast %add3A_1840 : i32 to index
        %get3A_1922 = arith.constant 0 : index
        %get3A_1923 = tpu.vector_load %arg8[%get3A_1920, %get3A_1921, %get3A_1922] {strides = array<i32>} : memref<2x512x32xf32, #tpu.memory_space<vmem>>, vector<16xf32>,
        %swap3A_1924 = arith.index_cast %add3A_1840 : i32 to index
        %swap3A_1925 = arith.constant 0 : index
        %swap3A_1926 = tpu.vector_load %arg10[%swap3A_1924, %swap3A_1925] {strides = array<i32>} : memref<512x64xf32, #tpu.memory_space<vmem>>, vector<16xf32>,
        tpu.vector_store %arg10[%swap3A_1924, %swap3A_1925], %get3A_1923 {strides = array<i32>} : memref<512x64xf32, #tpu.memory_space<vmem>>, vector<16xf32>,
        %get3A_1927 = arith.constant 0 : i32
        %get3A_1928 = arith.index_cast %get3A_1927 : i32 to index
        %get3A_1929 = arith.index_cast %add3A_1840 : i32 to index
        %get3A_1930 = arith.constant 16 : index
        %get3A_1931 = tpu.vector_load %arg8[%get3A_1928, %get3A_1929, %get3A_1930] {strides = array<i32>} : memref<2x512x32xf32, #tpu.memory_space<vmem>>, vector<16xf32>,
        %swap3A_1932 = arith.index_cast %add3A_1840 : i32 to index
        %swap3A_1933 = arith.constant 16 : index
        %swap3A_1934 = tpu.vector_load %arg10[%swap3A_1932, %swap3A_1933] {strides = array<i32>} : memref<512x64xf32, #tpu.memory_space<vmem>>, vector<16xf32>,
        tpu.vector_store %arg10[%swap3A_1932, %swap3A_1933], %get3A_1931 {strides = array<i32>} : memref<512x64xf32, #tpu.memory_space<vmem>>, vector<16xf32>,
        %swap3A_1935 = arith.index_cast %add3A_1840 : i32 to index
        %swap3A_1936 = arith.constant 32 : index
        %swap3A_1937 = tpu.vector_load %arg10[%swap3A_1935, %swap3A_1936] {strides = array<i32>} : memref<512x64xf32, #tpu.memory_space<vmem>>, vector<16xf32>,
        tpu.vector_store %arg10[%swap3A_1935, %swap3A_1936], %add3A_1911 {strides = array<i32>} : memref<512x64xf32, #tpu.memory_space<vmem>>, vector<16xf32>,
        %swap3A_1938 = arith.index_cast %add3A_1840 : i32 to index
        %swap3A_1939 = arith.constant 48 : index
        %swap3A_1940 = tpu.vector_load %arg10[%swap3A_1938, %swap3A_1939] {strides = array<i32>} : memref<512x64xf32, #tpu.memory_space<vmem>>, vector<16xf32>,
        tpu.vector_store %arg10[%swap3A_1938, %swap3A_1939], %add3A_1918 {strides = array<i32>} : memref<512x64xf32, #tpu.memory_space<vmem>>, vector<16xf32>,
        %mul3A_1941 = arith.constant 16 : i32
        %mul3A_1942 = arith.muli %scan3A_422, %mul3A_1941 : i32
        %add3A_1943 = arith.constant 14 : i32
        %add3A_1944 = arith.addi %mul3A_1942, %add3A_1943 : i32
        %slice3A_1945 = vector.extract_strided_slice %mul3A_480 {offsets = [14], sizes = [1], strides = [1]} : vector<16xf32> to vector<1xf32>
        %squeeze3A_1946 = vector.extract %slice3A_1945[0] : f32 from vector<1xf32>
        %mul3A_1947 = vector.broadcast %squeeze3A_1946 : f32 to vector<16xf32>
        %mul3A_1948 = arith.mulf %mul3A_1947, %get3A_5 : vector<16xf32>
        %slice3A_1949 = vector.extract_strided_slice %mul3A_481 {offsets = [14], sizes = [1], strides = [1]} : vector<16xf32> to vector<1xf32>
        %squeeze3A_1950 = vector.extract %slice3A_1949[0] : f32 from vector<1xf32>
        %mul3A_1951 = vector.broadcast %squeeze3A_1950 : f32 to vector<16xf32>
        %mul3A_1952 = arith.mulf %mul3A_1951, %get3A_9 : vector<16xf32>
        %slice3A_1953 = vector.extract_strided_slice %mul3A_482 {offsets = [14], sizes = [1], strides = [1]} : vector<16xf32> to vector<1xf32>
        %squeeze3A_1954 = vector.extract %slice3A_1953[0] : f32 from vector<1xf32>
        %mul3A_1955 = vector.broadcast %squeeze3A_1954 : f32 to vector<16xf32>
        %mul3A_1956 = arith.mulf %mul3A_1955, %get3A_13 : vector<16xf32>
        %slice3A_1957 = vector.extract_strided_slice %mul3A_483 {offsets = [14], sizes = [1], strides = [1]} : vector<16xf32> to vector<1xf32>
        %squeeze3A_1958 = vector.extract %slice3A_1957[0] : f32 from vector<1xf32>
        %mul3A_1959 = vector.broadcast %squeeze3A_1958 : f32 to vector<16xf32>
        %mul3A_1960 = arith.mulf %mul3A_1959, %get3A_17 : vector<16xf32>
        %slice3A_1961 = vector.extract_strided_slice %mul3A_484 {offsets = [14], sizes = [1], strides = [1]} : vector<16xf32> to vector<1xf32>
        %squeeze3A_1962 = vector.extract %slice3A_1961[0] : f32 from vector<1xf32>
        %mul3A_1963 = vector.broadcast %squeeze3A_1962 : f32 to vector<16xf32>
        %mul3A_1964 = arith.mulf %mul3A_1963, %get3A_21 : vector<16xf32>
        %slice3A_1965 = vector.extract_strided_slice %mul3A_485 {offsets = [14], sizes = [1], strides = [1]} : vector<16xf32> to vector<1xf32>
        %squeeze3A_1966 = vector.extract %slice3A_1965[0] : f32 from vector<1xf32>
        %mul3A_1967 = vector.broadcast %squeeze3A_1966 : f32 to vector<16xf32>
        %mul3A_1968 = arith.mulf %mul3A_1967, %get3A_25 : vector<16xf32>
        %slice3A_1969 = vector.extract_strided_slice %mul3A_486 {offsets = [14], sizes = [1], strides = [1]} : vector<16xf32> to vector<1xf32>
        %squeeze3A_1970 = vector.extract %slice3A_1969[0] : f32 from vector<1xf32>
        %mul3A_1971 = vector.broadcast %squeeze3A_1970 : f32 to vector<16xf32>
        %mul3A_1972 = arith.mulf %mul3A_1971, %get3A_29 : vector<16xf32>
        %slice3A_1973 = vector.extract_strided_slice %mul3A_487 {offsets = [14], sizes = [1], strides = [1]} : vector<16xf32> to vector<1xf32>
        %squeeze3A_1974 = vector.extract %slice3A_1973[0] : f32 from vector<1xf32>
        %mul3A_1975 = vector.broadcast %squeeze3A_1974 : f32 to vector<16xf32>
        %mul3A_1976 = arith.mulf %mul3A_1975, %get3A_33 : vector<16xf32>
        %slice3A_1977 = vector.extract_strided_slice %mul3A_480 {offsets = [14], sizes = [1], strides = [1]} : vector<16xf32> to vector<1xf32>
        %squeeze3A_1978 = vector.extract %slice3A_1977[0] : f32 from vector<1xf32>
        %mul3A_1979 = vector.broadcast %squeeze3A_1978 : f32 to vector<16xf32>
        %mul3A_1980 = arith.mulf %mul3A_1979, %get3A_37 : vector<16xf32>
        %slice3A_1981 = vector.extract_strided_slice %mul3A_481 {offsets = [14], sizes = [1], strides = [1]} : vector<16xf32> to vector<1xf32>
        %squeeze3A_1982 = vector.extract %slice3A_1981[0] : f32 from vector<1xf32>
        %mul3A_1983 = vector.broadcast %squeeze3A_1982 : f32 to vector<16xf32>
        %mul3A_1984 = arith.mulf %mul3A_1983, %get3A_41 : vector<16xf32>
        %slice3A_1985 = vector.extract_strided_slice %mul3A_482 {offsets = [14], sizes = [1], strides = [1]} : vector<16xf32> to vector<1xf32>
        %squeeze3A_1986 = vector.extract %slice3A_1985[0] : f32 from vector<1xf32>
        %mul3A_1987 = vector.broadcast %squeeze3A_1986 : f32 to vector<16xf32>
        %mul3A_1988 = arith.mulf %mul3A_1987, %get3A_45 : vector<16xf32>
        %slice3A_1989 = vector.extract_strided_slice %mul3A_483 {offsets = [14], sizes = [1], strides = [1]} : vector<16xf32> to vector<1xf32>
        %squeeze3A_1990 = vector.extract %slice3A_1989[0] : f32 from vector<1xf32>
        %mul3A_1991 = vector.broadcast %squeeze3A_1990 : f32 to vector<16xf32>
        %mul3A_1992 = arith.mulf %mul3A_1991, %get3A_49 : vector<16xf32>
        %slice3A_1993 = vector.extract_strided_slice %mul3A_484 {offsets = [14], sizes = [1], strides = [1]} : vector<16xf32> to vector<1xf32>
        %squeeze3A_1994 = vector.extract %slice3A_1993[0] : f32 from vector<1xf32>
        %mul3A_1995 = vector.broadcast %squeeze3A_1994 : f32 to vector<16xf32>
        %mul3A_1996 = arith.mulf %mul3A_1995, %get3A_53 : vector<16xf32>
        %slice3A_1997 = vector.extract_strided_slice %mul3A_485 {offsets = [14], sizes = [1], strides = [1]} : vector<16xf32> to vector<1xf32>
        %squeeze3A_1998 = vector.extract %slice3A_1997[0] : f32 from vector<1xf32>
        %mul3A_1999 = vector.broadcast %squeeze3A_1998 : f32 to vector<16xf32>
        %mul3A_2000 = arith.mulf %mul3A_1999, %get3A_57 : vector<16xf32>
        %slice3A_2001 = vector.extract_strided_slice %mul3A_486 {offsets = [14], sizes = [1], strides = [1]} : vector<16xf32> to vector<1xf32>
        %squeeze3A_2002 = vector.extract %slice3A_2001[0] : f32 from vector<1xf32>
        %mul3A_2003 = vector.broadcast %squeeze3A_2002 : f32 to vector<16xf32>
        %mul3A_2004 = arith.mulf %mul3A_2003, %get3A_61 : vector<16xf32>
        %slice3A_2005 = vector.extract_strided_slice %mul3A_487 {offsets = [14], sizes = [1], strides = [1]} : vector<16xf32> to vector<1xf32>
        %squeeze3A_2006 = vector.extract %slice3A_2005[0] : f32 from vector<1xf32>
        %mul3A_2007 = vector.broadcast %squeeze3A_2006 : f32 to vector<16xf32>
        %mul3A_2008 = arith.mulf %mul3A_2007, %get3A_65 : vector<16xf32>
        %add3A_2009 = arith.addf %mul3A_1948, %mul3A_1952 : vector<16xf32>
        %add3A_2010 = arith.addf %mul3A_1956, %mul3A_1960 : vector<16xf32>
        %add3A_2011 = arith.addf %add3A_2009, %add3A_2010 : vector<16xf32>
        %add3A_2012 = arith.addf %mul3A_1964, %mul3A_1968 : vector<16xf32>
        %add3A_2013 = arith.addf %mul3A_1972, %mul3A_1976 : vector<16xf32>
        %add3A_2014 = arith.addf %add3A_2012, %add3A_2013 : vector<16xf32>
        %add3A_2015 = arith.addf %add3A_2011, %add3A_2014 : vector<16xf32>
        %add3A_2016 = arith.addf %mul3A_1980, %mul3A_1984 : vector<16xf32>
        %add3A_2017 = arith.addf %mul3A_1988, %mul3A_1992 : vector<16xf32>
        %add3A_2018 = arith.addf %add3A_2016, %add3A_2017 : vector<16xf32>
        %add3A_2019 = arith.addf %mul3A_1996, %mul3A_2000 : vector<16xf32>
        %add3A_2020 = arith.addf %mul3A_2004, %mul3A_2008 : vector<16xf32>
        %add3A_2021 = arith.addf %add3A_2019, %add3A_2020 : vector<16xf32>
        %add3A_2022 = arith.addf %add3A_2018, %add3A_2021 : vector<16xf32>
        %get3A_2023 = arith.constant 0 : i32
        %get3A_2024 = arith.index_cast %get3A_2023 : i32 to index
        %get3A_2025 = arith.index_cast %add3A_1944 : i32 to index
        %get3A_2026 = arith.constant 0 : index
        %get3A_2027 = tpu.vector_load %arg8[%get3A_2024, %get3A_2025, %get3A_2026] {strides = array<i32>} : memref<2x512x32xf32, #tpu.memory_space<vmem>>, vector<16xf32>,
        %swap3A_2028 = arith.index_cast %add3A_1944 : i32 to index
        %swap3A_2029 = arith.constant 0 : index
        %swap3A_2030 = tpu.vector_load %arg10[%swap3A_2028, %swap3A_2029] {strides = array<i32>} : memref<512x64xf32, #tpu.memory_space<vmem>>, vector<16xf32>,
        tpu.vector_store %arg10[%swap3A_2028, %swap3A_2029], %get3A_2027 {strides = array<i32>} : memref<512x64xf32, #tpu.memory_space<vmem>>, vector<16xf32>,
        %get3A_2031 = arith.constant 0 : i32
        %get3A_2032 = arith.index_cast %get3A_2031 : i32 to index
        %get3A_2033 = arith.index_cast %add3A_1944 : i32 to index
        %get3A_2034 = arith.constant 16 : index
        %get3A_2035 = tpu.vector_load %arg8[%get3A_2032, %get3A_2033, %get3A_2034] {strides = array<i32>} : memref<2x512x32xf32, #tpu.memory_space<vmem>>, vector<16xf32>,
        %swap3A_2036 = arith.index_cast %add3A_1944 : i32 to index
        %swap3A_2037 = arith.constant 16 : index
        %swap3A_2038 = tpu.vector_load %arg10[%swap3A_2036, %swap3A_2037] {strides = array<i32>} : memref<512x64xf32, #tpu.memory_space<vmem>>, vector<16xf32>,
        tpu.vector_store %arg10[%swap3A_2036, %swap3A_2037], %get3A_2035 {strides = array<i32>} : memref<512x64xf32, #tpu.memory_space<vmem>>, vector<16xf32>,
        %swap3A_2039 = arith.index_cast %add3A_1944 : i32 to index
        %swap3A_2040 = arith.constant 32 : index
        %swap3A_2041 = tpu.vector_load %arg10[%swap3A_2039, %swap3A_2040] {strides = array<i32>} : memref<512x64xf32, #tpu.memory_space<vmem>>, vector<16xf32>,
        tpu.vector_store %arg10[%swap3A_2039, %swap3A_2040], %add3A_2015 {strides = array<i32>} : memref<512x64xf32, #tpu.memory_space<vmem>>, vector<16xf32>,
        %swap3A_2042 = arith.index_cast %add3A_1944 : i32 to index
        %swap3A_2043 = arith.constant 48 : index
        %swap3A_2044 = tpu.vector_load %arg10[%swap3A_2042, %swap3A_2043] {strides = array<i32>} : memref<512x64xf32, #tpu.memory_space<vmem>>, vector<16xf32>,
        tpu.vector_store %arg10[%swap3A_2042, %swap3A_2043], %add3A_2022 {strides = array<i32>} : memref<512x64xf32, #tpu.memory_space<vmem>>, vector<16xf32>,
        %mul3A_2045 = arith.constant 16 : i32
        %mul3A_2046 = arith.muli %scan3A_422, %mul3A_2045 : i32
        %add3A_2047 = arith.constant 15 : i32
        %add3A_2048 = arith.addi %mul3A_2046, %add3A_2047 : i32
        %slice3A_2049 = vector.extract_strided_slice %mul3A_480 {offsets = [15], sizes = [1], strides = [1]} : vector<16xf32> to vector<1xf32>
        %squeeze3A_2050 = vector.extract %slice3A_2049[0] : f32 from vector<1xf32>
        %mul3A_2051 = vector.broadcast %squeeze3A_2050 : f32 to vector<16xf32>
        %mul3A_2052 = arith.mulf %mul3A_2051, %get3A_5 : vector<16xf32>
        %slice3A_2053 = vector.extract_strided_slice %mul3A_481 {offsets = [15], sizes = [1], strides = [1]} : vector<16xf32> to vector<1xf32>
        %squeeze3A_2054 = vector.extract %slice3A_2053[0] : f32 from vector<1xf32>
        %mul3A_2055 = vector.broadcast %squeeze3A_2054 : f32 to vector<16xf32>
        %mul3A_2056 = arith.mulf %mul3A_2055, %get3A_9 : vector<16xf32>
        %slice3A_2057 = vector.extract_strided_slice %mul3A_482 {offsets = [15], sizes = [1], strides = [1]} : vector<16xf32> to vector<1xf32>
        %squeeze3A_2058 = vector.extract %slice3A_2057[0] : f32 from vector<1xf32>
        %mul3A_2059 = vector.broadcast %squeeze3A_2058 : f32 to vector<16xf32>
        %mul3A_2060 = arith.mulf %mul3A_2059, %get3A_13 : vector<16xf32>
        %slice3A_2061 = vector.extract_strided_slice %mul3A_483 {offsets = [15], sizes = [1], strides = [1]} : vector<16xf32> to vector<1xf32>
        %squeeze3A_2062 = vector.extract %slice3A_2061[0] : f32 from vector<1xf32>
        %mul3A_2063 = vector.broadcast %squeeze3A_2062 : f32 to vector<16xf32>
        %mul3A_2064 = arith.mulf %mul3A_2063, %get3A_17 : vector<16xf32>
        %slice3A_2065 = vector.extract_strided_slice %mul3A_484 {offsets = [15], sizes = [1], strides = [1]} : vector<16xf32> to vector<1xf32>
        %squeeze3A_2066 = vector.extract %slice3A_2065[0] : f32 from vector<1xf32>
        %mul3A_2067 = vector.broadcast %squeeze3A_2066 : f32 to vector<16xf32>
        %mul3A_2068 = arith.mulf %mul3A_2067, %get3A_21 : vector<16xf32>
        %slice3A_2069 = vector.extract_strided_slice %mul3A_485 {offsets = [15], sizes = [1], strides = [1]} : vector<16xf32> to vector<1xf32>
        %squeeze3A_2070 = vector.extract %slice3A_2069[0] : f32 from vector<1xf32>
        %mul3A_2071 = vector.broadcast %squeeze3A_2070 : f32 to vector<16xf32>
        %mul3A_2072 = arith.mulf %mul3A_2071, %get3A_25 : vector<16xf32>
        %slice3A_2073 = vector.extract_strided_slice %mul3A_486 {offsets = [15], sizes = [1], strides = [1]} : vector<16xf32> to vector<1xf32>
        %squeeze3A_2074 = vector.extract %slice3A_2073[0] : f32 from vector<1xf32>
        %mul3A_2075 = vector.broadcast %squeeze3A_2074 : f32 to vector<16xf32>
        %mul3A_2076 = arith.mulf %mul3A_2075, %get3A_29 : vector<16xf32>
        %slice3A_2077 = vector.extract_strided_slice %mul3A_487 {offsets = [15], sizes = [1], strides = [1]} : vector<16xf32> to vector<1xf32>
        %squeeze3A_2078 = vector.extract %slice3A_2077[0] : f32 from vector<1xf32>
        %mul3A_2079 = vector.broadcast %squeeze3A_2078 : f32 to vector<16xf32>
        %mul3A_2080 = arith.mulf %mul3A_2079, %get3A_33 : vector<16xf32>
        %slice3A_2081 = vector.extract_strided_slice %mul3A_480 {offsets = [15], sizes = [1], strides = [1]} : vector<16xf32> to vector<1xf32>
        %squeeze3A_2082 = vector.extract %slice3A_2081[0] : f32 from vector<1xf32>
        %mul3A_2083 = vector.broadcast %squeeze3A_2082 : f32 to vector<16xf32>
        %mul3A_2084 = arith.mulf %mul3A_2083, %get3A_37 : vector<16xf32>
        %slice3A_2085 = vector.extract_strided_slice %mul3A_481 {offsets = [15], sizes = [1], strides = [1]} : vector<16xf32> to vector<1xf32>
        %squeeze3A_2086 = vector.extract %slice3A_2085[0] : f32 from vector<1xf32>
        %mul3A_2087 = vector.broadcast %squeeze3A_2086 : f32 to vector<16xf32>
        %mul3A_2088 = arith.mulf %mul3A_2087, %get3A_41 : vector<16xf32>
        %slice3A_2089 = vector.extract_strided_slice %mul3A_482 {offsets = [15], sizes = [1], strides = [1]} : vector<16xf32> to vector<1xf32>
        %squeeze3A_2090 = vector.extract %slice3A_2089[0] : f32 from vector<1xf32>
        %mul3A_2091 = vector.broadcast %squeeze3A_2090 : f32 to vector<16xf32>
        %mul3A_2092 = arith.mulf %mul3A_2091, %get3A_45 : vector<16xf32>
        %slice3A_2093 = vector.extract_strided_slice %mul3A_483 {offsets = [15], sizes = [1], strides = [1]} : vector<16xf32> to vector<1xf32>
        %squeeze3A_2094 = vector.extract %slice3A_2093[0] : f32 from vector<1xf32>
        %mul3A_2095 = vector.broadcast %squeeze3A_2094 : f32 to vector<16xf32>
        %mul3A_2096 = arith.mulf %mul3A_2095, %get3A_49 : vector<16xf32>
        %slice3A_2097 = vector.extract_strided_slice %mul3A_484 {offsets = [15], sizes = [1], strides = [1]} : vector<16xf32> to vector<1xf32>
        %squeeze3A_2098 = vector.extract %slice3A_2097[0] : f32 from vector<1xf32>
        %mul3A_2099 = vector.broadcast %squeeze3A_2098 : f32 to vector<16xf32>
        %mul3A_2100 = arith.mulf %mul3A_2099, %get3A_53 : vector<16xf32>
        %slice3A_2101 = vector.extract_strided_slice %mul3A_485 {offsets = [15], sizes = [1], strides = [1]} : vector<16xf32> to vector<1xf32>
        %squeeze3A_2102 = vector.extract %slice3A_2101[0] : f32 from vector<1xf32>
        %mul3A_2103 = vector.broadcast %squeeze3A_2102 : f32 to vector<16xf32>
        %mul3A_2104 = arith.mulf %mul3A_2103, %get3A_57 : vector<16xf32>
        %slice3A_2105 = vector.extract_strided_slice %mul3A_486 {offsets = [15], sizes = [1], strides = [1]} : vector<16xf32> to vector<1xf32>
        %squeeze3A_2106 = vector.extract %slice3A_2105[0] : f32 from vector<1xf32>
        %mul3A_2107 = vector.broadcast %squeeze3A_2106 : f32 to vector<16xf32>
        %mul3A_2108 = arith.mulf %mul3A_2107, %get3A_61 : vector<16xf32>
        %slice3A_2109 = vector.extract_strided_slice %mul3A_487 {offsets = [15], sizes = [1], strides = [1]} : vector<16xf32> to vector<1xf32>
        %squeeze3A_2110 = vector.extract %slice3A_2109[0] : f32 from vector<1xf32>
        %mul3A_2111 = vector.broadcast %squeeze3A_2110 : f32 to vector<16xf32>
        %mul3A_2112 = arith.mulf %mul3A_2111, %get3A_65 : vector<16xf32>
        %add3A_2113 = arith.addf %mul3A_2052, %mul3A_2056 : vector<16xf32>
        %add3A_2114 = arith.addf %mul3A_2060, %mul3A_2064 : vector<16xf32>
        %add3A_2115 = arith.addf %add3A_2113, %add3A_2114 : vector<16xf32>
        %add3A_2116 = arith.addf %mul3A_2068, %mul3A_2072 : vector<16xf32>
        %add3A_2117 = arith.addf %mul3A_2076, %mul3A_2080 : vector<16xf32>
        %add3A_2118 = arith.addf %add3A_2116, %add3A_2117 : vector<16xf32>
        %add3A_2119 = arith.addf %add3A_2115, %add3A_2118 : vector<16xf32>
        %add3A_2120 = arith.addf %mul3A_2084, %mul3A_2088 : vector<16xf32>
        %add3A_2121 = arith.addf %mul3A_2092, %mul3A_2096 : vector<16xf32>
        %add3A_2122 = arith.addf %add3A_2120, %add3A_2121 : vector<16xf32>
        %add3A_2123 = arith.addf %mul3A_2100, %mul3A_2104 : vector<16xf32>
        %add3A_2124 = arith.addf %mul3A_2108, %mul3A_2112 : vector<16xf32>
        %add3A_2125 = arith.addf %add3A_2123, %add3A_2124 : vector<16xf32>
        %add3A_2126 = arith.addf %add3A_2122, %add3A_2125 : vector<16xf32>
        %get3A_2127 = arith.constant 0 : i32
        %get3A_2128 = arith.index_cast %get3A_2127 : i32 to index
        %get3A_2129 = arith.index_cast %add3A_2048 : i32 to index
        %get3A_2130 = arith.constant 0 : index
        %get3A_2131 = tpu.vector_load %arg8[%get3A_2128, %get3A_2129, %get3A_2130] {strides = array<i32>} : memref<2x512x32xf32, #tpu.memory_space<vmem>>, vector<16xf32>,
        %swap3A_2132 = arith.index_cast %add3A_2048 : i32 to index
        %swap3A_2133 = arith.constant 0 : index
        %swap3A_2134 = tpu.vector_load %arg10[%swap3A_2132, %swap3A_2133] {strides = array<i32>} : memref<512x64xf32, #tpu.memory_space<vmem>>, vector<16xf32>,
        tpu.vector_store %arg10[%swap3A_2132, %swap3A_2133], %get3A_2131 {strides = array<i32>} : memref<512x64xf32, #tpu.memory_space<vmem>>, vector<16xf32>,
        %get3A_2135 = arith.constant 0 : i32
        %get3A_2136 = arith.index_cast %get3A_2135 : i32 to index
        %get3A_2137 = arith.index_cast %add3A_2048 : i32 to index
        %get3A_2138 = arith.constant 16 : index
        %get3A_2139 = tpu.vector_load %arg8[%get3A_2136, %get3A_2137, %get3A_2138] {strides = array<i32>} : memref<2x512x32xf32, #tpu.memory_space<vmem>>, vector<16xf32>,
        %swap3A_2140 = arith.index_cast %add3A_2048 : i32 to index
        %swap3A_2141 = arith.constant 16 : index
        %swap3A_2142 = tpu.vector_load %arg10[%swap3A_2140, %swap3A_2141] {strides = array<i32>} : memref<512x64xf32, #tpu.memory_space<vmem>>, vector<16xf32>,
        tpu.vector_store %arg10[%swap3A_2140, %swap3A_2141], %get3A_2139 {strides = array<i32>} : memref<512x64xf32, #tpu.memory_space<vmem>>, vector<16xf32>,
        %swap3A_2143 = arith.index_cast %add3A_2048 : i32 to index
        %swap3A_2144 = arith.constant 32 : index
        %swap3A_2145 = tpu.vector_load %arg10[%swap3A_2143, %swap3A_2144] {strides = array<i32>} : memref<512x64xf32, #tpu.memory_space<vmem>>, vector<16xf32>,
        tpu.vector_store %arg10[%swap3A_2143, %swap3A_2144], %add3A_2119 {strides = array<i32>} : memref<512x64xf32, #tpu.memory_space<vmem>>, vector<16xf32>,
        %swap3A_2146 = arith.index_cast %add3A_2048 : i32 to index
        %swap3A_2147 = arith.constant 48 : index
        %swap3A_2148 = tpu.vector_load %arg10[%swap3A_2146, %swap3A_2147] {strides = array<i32>} : memref<512x64xf32, #tpu.memory_space<vmem>>, vector<16xf32>,
        tpu.vector_store %arg10[%swap3A_2146, %swap3A_2147], %add3A_2126 {strides = array<i32>} : memref<512x64xf32, #tpu.memory_space<vmem>>, vector<16xf32>,
      }
      %scan3A_294 = arith.constant 32 : i32
      %mul3A_295 = arith.constant 512 : i32
      %mul3A_296 = arith.muli %add3A_183, %mul3A_295 : i32
      %add3A_297 = arith.addi %mul3A_2, %mul3A_296 : i32
      %multiple_of3A_298 = tpu.assume_multiple %add3A_297, 512 : i32
      "tpu.region"() ({
        %run_scoped3A_422 = tpu.sem_alloc : memref<!tpu.dma_semaphore, #tpu.memory_space<semaphore_mem>>
        %dma_start3A_423 = arith.constant 0 : i32
        %dma_start3A_424 = tpu.memref_slice %arg6[%multiple_of3A_298, %dma_start3A_423] : memref<819200x64xf32, #tpu.memory_space<hbm>> -> memref<512x64xf32, #tpu.memory_space<hbm>>
        %dma_start3A_425 = arith.constant 0 : i32
        %dma_start3A_426 = tpu.memref_slice %arg6[%multiple_of3A_298, %dma_start3A_425] : memref<819200x64xf32, #tpu.memory_space<hbm>> -> memref<512x64xf32, #tpu.memory_space<hbm>>
        tpu.enqueue_dma source(%arg10 : memref<512x64xf32, #tpu.memory_space<vmem>>) target(%dma_start3A_426 : memref<512x64xf32, #tpu.memory_space<hbm>>) target_semaphore(%run_scoped3A_422 : memref<!tpu.dma_semaphore, #tpu.memory_space<semaphore_mem>>)
        %dma_wait3A_427 = arith.constant 0 : i32
        %dma_wait3A_428 = tpu.memref_slice %arg6[%multiple_of3A_298, %dma_wait3A_427] : memref<819200x64xf32, #tpu.memory_space<hbm>> -> memref<512x64xf32, #tpu.memory_space<hbm>>
        %dma_wait3A_429 = arith.constant 0 : i32
        %dma_wait3A_430 = tpu.memref_slice %arg6[%multiple_of3A_298, %dma_wait3A_429] : memref<819200x64xf32, #tpu.memory_space<hbm>> -> memref<512x64xf32, #tpu.memory_space<hbm>>
        tpu.wait_dma2 semaphore(%run_scoped3A_422 : memref<!tpu.dma_semaphore, #tpu.memory_space<semaphore_mem>>) src(%arg10 : memref<512x64xf32, #tpu.memory_space<vmem>>) dst(%dma_wait3A_430 : memref<512x64xf32, #tpu.memory_space<hbm>>)
        tpu.yield
      }) : () -> ()
      %mul3A_299 = arith.constant 2 : i32
      %mul3A_300 = arith.muli %scan3A_179, %mul3A_299 : i32
      %add3A_301 = arith.constant 1 : i32
      %add3A_302 = arith.addi %mul3A_300, %add3A_301 : i32
      %add3A_303 = arith.constant 1 : i32
      %add3A_304 = arith.addi %add3A_302, %add3A_303 : i32
      %lt3A_305 = arith.constant 50 : i32
      %lt3A_306 = arith.cmpi slt, %add3A_304, %lt3A_305 : i32
      %convert_element_type3A_307 = arith.extui %lt3A_306 : i1 to i32
      %cond3A_308 = arith.constant 0 : i32
      %cond3A_309 = arith.cmpi ne, %convert_element_type3A_307, %cond3A_308 : i32
      scf.if %cond3A_309 {
        %dma_wait3A_422 = arith.constant 0 : i32
        %dma_wait3A_423 = arith.constant 0 : i32
        %dma_wait3A_424 = tpu.memref_slice %arg7[%dma_wait3A_422, %dma_wait3A_423] : memref<2x512xi32, #tpu.memory_space<vmem>> -> memref<1x512xi32, #tpu.memory_space<vmem>>
        %dma_wait3A_425 = tpu.memref_squeeze %dma_wait3A_424 : memref<1x512xi32, #tpu.memory_space<vmem>> -> memref<512xi32, #tpu.memory_space<vmem>>
        %dma_wait3A_426 = arith.constant 0 : i32
        %dma_wait3A_427 = tpu.memref_slice %arg2[%dma_wait3A_426] : memref<819200xi32, #tpu.memory_space<hbm>> -> memref<512xi32, #tpu.memory_space<hbm>>
        %dma_wait3A_428 = arith.constant 0 : i32
        %dma_wait3A_429 = tpu.memref_slice %arg7[%dma_wait3A_422, %dma_wait3A_428] : memref<2x512xi32, #tpu.memory_space<vmem>> -> memref<1x512xi32, #tpu.memory_space<vmem>>
        %dma_wait3A_430 = tpu.memref_squeeze %dma_wait3A_429 : memref<1x512xi32, #tpu.memory_space<vmem>> -> memref<512xi32, #tpu.memory_space<vmem>>
        %dma_wait3A_431 = arith.constant 0 : i32
        %dma_wait3A_432 = tpu.memref_slice %arg2[%dma_wait3A_431] : memref<819200xi32, #tpu.memory_space<hbm>> -> memref<512xi32, #tpu.memory_space<hbm>>
        tpu.wait_dma2 semaphore(%arg12 : memref<!tpu.dma_semaphore, #tpu.memory_space<semaphore_mem>>) src(%dma_wait3A_432 : memref<512xi32, #tpu.memory_space<hbm>>) dst(%dma_wait3A_430 : memref<512xi32, #tpu.memory_space<vmem>>)
        %dma_start3A_433 = arith.constant 0 : i32
        %dma_start3A_434 = arith.constant 0 : i32
        %dma_start3A_435 = arith.constant 0 : i32
        %dma_start3A_436 = arith.constant 0 : i32
        %dma_start3A_437 = tpu.memref_slice %arg8[%dma_start3A_434, %dma_start3A_435, %dma_start3A_436] : memref<2x512x32xf32, #tpu.memory_space<vmem>> -> memref<1x128x32xf32, #tpu.memory_space<vmem>>
        %dma_start3A_438 = tpu.memref_squeeze %dma_start3A_437 : memref<1x128x32xf32, #tpu.memory_space<vmem>> -> memref<128x32xf32, #tpu.memory_space<vmem>>
        %dma_start3A_439 = arith.constant 0 : i32
        %dma_start3A_440 = tpu.memref_slice %arg7[%dma_start3A_433, %dma_start3A_439] : memref<2x512xi32, #tpu.memory_space<vmem>> -> memref<1x128xi32, #tpu.memory_space<vmem>>
        %dma_start3A_441 = tpu.memref_squeeze %dma_start3A_440 : memref<1x128xi32, #tpu.memory_space<vmem>> -> memref<128xi32, #tpu.memory_space<vmem>>
        %dma_start3A_442 = arith.constant 0 : i32
        %dma_start3A_443 = arith.constant 0 : i32
        %dma_start3A_444 = tpu.memref_slice %arg3[%dma_start3A_442, %dma_start3A_443] : memref<1000000x32xf32, #tpu.memory_space<hbm>> -> memref<1000000x32xf32, #tpu.memory_space<hbm>>
        tpu.enqueue_indirect_dma source(%dma_start3A_444 : memref<1000000x32xf32, #tpu.memory_space<hbm>>) target(%dma_start3A_438 : memref<128x32xf32, #tpu.memory_space<vmem>>) offsets(%dma_start3A_441 : memref<128xi32, #tpu.memory_space<vmem>>) semaphore(%arg13 : memref<!tpu.dma_semaphore, #tpu.memory_space<semaphore_mem>>)
        %dma_start3A_445 = arith.constant 0 : i32
        %dma_start3A_446 = arith.constant 0 : i32
        %dma_start3A_447 = arith.constant 0 : i32
        %dma_start3A_448 = arith.constant 0 : i32
        %dma_start3A_449 = tpu.memref_slice %arg9[%dma_start3A_446, %dma_start3A_447, %dma_start3A_448] : memref<2x512x8xf32, #tpu.memory_space<vmem>> -> memref<1x128x8xf32, #tpu.memory_space<vmem>>
        %dma_start3A_450 = tpu.memref_squeeze %dma_start3A_449 : memref<1x128x8xf32, #tpu.memory_space<vmem>> -> memref<128x8xf32, #tpu.memory_space<vmem>>
        %dma_start3A_451 = arith.constant 0 : i32
        %dma_start3A_452 = tpu.memref_slice %arg7[%dma_start3A_445, %dma_start3A_451] : memref<2x512xi32, #tpu.memory_space<vmem>> -> memref<1x128xi32, #tpu.memory_space<vmem>>
        %dma_start3A_453 = tpu.memref_squeeze %dma_start3A_452 : memref<1x128xi32, #tpu.memory_space<vmem>> -> memref<128xi32, #tpu.memory_space<vmem>>
        %dma_start3A_454 = arith.constant 0 : i32
        %dma_start3A_455 = arith.constant 0 : i32
        %dma_start3A_456 = tpu.memref_slice %arg4[%dma_start3A_454, %dma_start3A_455] : memref<1000000x8xf32, #tpu.memory_space<hbm>> -> memref<1000000x8xf32, #tpu.memory_space<hbm>>
        tpu.enqueue_indirect_dma source(%dma_start3A_456 : memref<1000000x8xf32, #tpu.memory_space<hbm>>) target(%dma_start3A_450 : memref<128x8xf32, #tpu.memory_space<vmem>>) offsets(%dma_start3A_453 : memref<128xi32, #tpu.memory_space<vmem>>) semaphore(%arg14 : memref<!tpu.dma_semaphore, #tpu.memory_space<semaphore_mem>>)
        %dma_start3A_457 = arith.constant 0 : i32
        %dma_start3A_458 = arith.constant 0 : i32
        %dma_start3A_459 = arith.constant 128 : i32
        %dma_start3A_460 = arith.constant 0 : i32
        %dma_start3A_461 = tpu.memref_slice %arg8[%dma_start3A_458, %dma_start3A_459, %dma_start3A_460] : memref<2x512x32xf32, #tpu.memory_space<vmem>> -> memref<1x128x32xf32, #tpu.memory_space<vmem>>
        %dma_start3A_462 = tpu.memref_squeeze %dma_start3A_461 : memref<1x128x32xf32, #tpu.memory_space<vmem>> -> memref<128x32xf32, #tpu.memory_space<vmem>>
        %dma_start3A_463 = arith.constant 128 : i32
        %dma_start3A_464 = tpu.memref_slice %arg7[%dma_start3A_457, %dma_start3A_463] : memref<2x512xi32, #tpu.memory_space<vmem>> -> memref<1x128xi32, #tpu.memory_space<vmem>>
        %dma_start3A_465 = tpu.memref_squeeze %dma_start3A_464 : memref<1x128xi32, #tpu.memory_space<vmem>> -> memref<128xi32, #tpu.memory_space<vmem>>
        %dma_start3A_466 = arith.constant 0 : i32
        %dma_start3A_467 = arith.constant 0 : i32
        %dma_start3A_468 = tpu.memref_slice %arg3[%dma_start3A_466, %dma_start3A_467] : memref<1000000x32xf32, #tpu.memory_space<hbm>> -> memref<1000000x32xf32, #tpu.memory_space<hbm>>
        tpu.enqueue_indirect_dma source(%dma_start3A_468 : memref<1000000x32xf32, #tpu.memory_space<hbm>>) target(%dma_start3A_462 : memref<128x32xf32, #tpu.memory_space<vmem>>) offsets(%dma_start3A_465 : memref<128xi32, #tpu.memory_space<vmem>>) semaphore(%arg13 : memref<!tpu.dma_semaphore, #tpu.memory_space<semaphore_mem>>)
        %dma_start3A_469 = arith.constant 0 : i32
        %dma_start3A_470 = arith.constant 0 : i32
        %dma_start3A_471 = arith.constant 128 : i32
        %dma_start3A_472 = arith.constant 0 : i32
        %dma_start3A_473 = tpu.memref_slice %arg9[%dma_start3A_470, %dma_start3A_471, %dma_start3A_472] : memref<2x512x8xf32, #tpu.memory_space<vmem>> -> memref<1x128x8xf32, #tpu.memory_space<vmem>>
        %dma_start3A_474 = tpu.memref_squeeze %dma_start3A_473 : memref<1x128x8xf32, #tpu.memory_space<vmem>> -> memref<128x8xf32, #tpu.memory_space<vmem>>
        %dma_start3A_475 = arith.constant 128 : i32
        %dma_start3A_476 = tpu.memref_slice %arg7[%dma_start3A_469, %dma_start3A_475] : memref<2x512xi32, #tpu.memory_space<vmem>> -> memref<1x128xi32, #tpu.memory_space<vmem>>
        %dma_start3A_477 = tpu.memref_squeeze %dma_start3A_476 : memref<1x128xi32, #tpu.memory_space<vmem>> -> memref<128xi32, #tpu.memory_space<vmem>>
        %dma_start3A_478 = arith.constant 0 : i32
        %dma_start3A_479 = arith.constant 0 : i32
        %dma_start3A_480 = tpu.memref_slice %arg4[%dma_start3A_478, %dma_start3A_479] : memref<1000000x8xf32, #tpu.memory_space<hbm>> -> memref<1000000x8xf32, #tpu.memory_space<hbm>>
        tpu.enqueue_indirect_dma source(%dma_start3A_480 : memref<1000000x8xf32, #tpu.memory_space<hbm>>) target(%dma_start3A_474 : memref<128x8xf32, #tpu.memory_space<vmem>>) offsets(%dma_start3A_477 : memref<128xi32, #tpu.memory_space<vmem>>) semaphore(%arg14 : memref<!tpu.dma_semaphore, #tpu.memory_space<semaphore_mem>>)
        %dma_start3A_481 = arith.constant 0 : i32
        %dma_start3A_482 = arith.constant 0 : i32
        %dma_start3A_483 = arith.constant 256 : i32
        %dma_start3A_484 = arith.constant 0 : i32
        %dma_start3A_485 = tpu.memref_slice %arg8[%dma_start3A_482, %dma_start3A_483, %dma_start3A_484] : memref<2x512x32xf32, #tpu.memory_space<vmem>> -> memref<1x128x32xf32, #tpu.memory_space<vmem>>
        %dma_start3A_486 = tpu.memref_squeeze %dma_start3A_485 : memref<1x128x32xf32, #tpu.memory_space<vmem>> -> memref<128x32xf32, #tpu.memory_space<vmem>>
        %dma_start3A_487 = arith.constant 256 : i32
        %dma_start3A_488 = tpu.memref_slice %arg7[%dma_start3A_481, %dma_start3A_487] : memref<2x512xi32, #tpu.memory_space<vmem>> -> memref<1x128xi32, #tpu.memory_space<vmem>>
        %dma_start3A_489 = tpu.memref_squeeze %dma_start3A_488 : memref<1x128xi32, #tpu.memory_space<vmem>> -> memref<128xi32, #tpu.memory_space<vmem>>
        %dma_start3A_490 = arith.constant 0 : i32
        %dma_start3A_491 = arith.constant 0 : i32
        %dma_start3A_492 = tpu.memref_slice %arg3[%dma_start3A_490, %dma_start3A_491] : memref<1000000x32xf32, #tpu.memory_space<hbm>> -> memref<1000000x32xf32, #tpu.memory_space<hbm>>
        tpu.enqueue_indirect_dma source(%dma_start3A_492 : memref<1000000x32xf32, #tpu.memory_space<hbm>>) target(%dma_start3A_486 : memref<128x32xf32, #tpu.memory_space<vmem>>) offsets(%dma_start3A_489 : memref<128xi32, #tpu.memory_space<vmem>>) semaphore(%arg13 : memref<!tpu.dma_semaphore, #tpu.memory_space<semaphore_mem>>)
        %dma_start3A_493 = arith.constant 0 : i32
        %dma_start3A_494 = arith.constant 0 : i32
        %dma_start3A_495 = arith.constant 256 : i32
        %dma_start3A_496 = arith.constant 0 : i32
        %dma_start3A_497 = tpu.memref_slice %arg9[%dma_start3A_494, %dma_start3A_495, %dma_start3A_496] : memref<2x512x8xf32, #tpu.memory_space<vmem>> -> memref<1x128x8xf32, #tpu.memory_space<vmem>>
        %dma_start3A_498 = tpu.memref_squeeze %dma_start3A_497 : memref<1x128x8xf32, #tpu.memory_space<vmem>> -> memref<128x8xf32, #tpu.memory_space<vmem>>
        %dma_start3A_499 = arith.constant 256 : i32
        %dma_start3A_500 = tpu.memref_slice %arg7[%dma_start3A_493, %dma_start3A_499] : memref<2x512xi32, #tpu.memory_space<vmem>> -> memref<1x128xi32, #tpu.memory_space<vmem>>
        %dma_start3A_501 = tpu.memref_squeeze %dma_start3A_500 : memref<1x128xi32, #tpu.memory_space<vmem>> -> memref<128xi32, #tpu.memory_space<vmem>>
        %dma_start3A_502 = arith.constant 0 : i32
        %dma_start3A_503 = arith.constant 0 : i32
        %dma_start3A_504 = tpu.memref_slice %arg4[%dma_start3A_502, %dma_start3A_503] : memref<1000000x8xf32, #tpu.memory_space<hbm>> -> memref<1000000x8xf32, #tpu.memory_space<hbm>>
        tpu.enqueue_indirect_dma source(%dma_start3A_504 : memref<1000000x8xf32, #tpu.memory_space<hbm>>) target(%dma_start3A_498 : memref<128x8xf32, #tpu.memory_space<vmem>>) offsets(%dma_start3A_501 : memref<128xi32, #tpu.memory_space<vmem>>) semaphore(%arg14 : memref<!tpu.dma_semaphore, #tpu.memory_space<semaphore_mem>>)
        %dma_start3A_505 = arith.constant 0 : i32
        %dma_start3A_506 = arith.constant 0 : i32
        %dma_start3A_507 = arith.constant 384 : i32
        %dma_start3A_508 = arith.constant 0 : i32
        %dma_start3A_509 = tpu.memref_slice %arg8[%dma_start3A_506, %dma_start3A_507, %dma_start3A_508] : memref<2x512x32xf32, #tpu.memory_space<vmem>> -> memref<1x128x32xf32, #tpu.memory_space<vmem>>
        %dma_start3A_510 = tpu.memref_squeeze %dma_start3A_509 : memref<1x128x32xf32, #tpu.memory_space<vmem>> -> memref<128x32xf32, #tpu.memory_space<vmem>>
        %dma_start3A_511 = arith.constant 384 : i32
        %dma_start3A_512 = tpu.memref_slice %arg7[%dma_start3A_505, %dma_start3A_511] : memref<2x512xi32, #tpu.memory_space<vmem>> -> memref<1x128xi32, #tpu.memory_space<vmem>>
        %dma_start3A_513 = tpu.memref_squeeze %dma_start3A_512 : memref<1x128xi32, #tpu.memory_space<vmem>> -> memref<128xi32, #tpu.memory_space<vmem>>
        %dma_start3A_514 = arith.constant 0 : i32
        %dma_start3A_515 = arith.constant 0 : i32
        %dma_start3A_516 = tpu.memref_slice %arg3[%dma_start3A_514, %dma_start3A_515] : memref<1000000x32xf32, #tpu.memory_space<hbm>> -> memref<1000000x32xf32, #tpu.memory_space<hbm>>
        tpu.enqueue_indirect_dma source(%dma_start3A_516 : memref<1000000x32xf32, #tpu.memory_space<hbm>>) target(%dma_start3A_510 : memref<128x32xf32, #tpu.memory_space<vmem>>) offsets(%dma_start3A_513 : memref<128xi32, #tpu.memory_space<vmem>>) semaphore(%arg13 : memref<!tpu.dma_semaphore, #tpu.memory_space<semaphore_mem>>)
        %dma_start3A_517 = arith.constant 0 : i32
        %dma_start3A_518 = arith.constant 0 : i32
        %dma_start3A_519 = arith.constant 384 : i32
        %dma_start3A_520 = arith.constant 0 : i32
        %dma_start3A_521 = tpu.memref_slice %arg9[%dma_start3A_518, %dma_start3A_519, %dma_start3A_520] : memref<2x512x8xf32, #tpu.memory_space<vmem>> -> memref<1x128x8xf32, #tpu.memory_space<vmem>>
        %dma_start3A_522 = tpu.memref_squeeze %dma_start3A_521 : memref<1x128x8xf32, #tpu.memory_space<vmem>> -> memref<128x8xf32, #tpu.memory_space<vmem>>
        %dma_start3A_523 = arith.constant 384 : i32
        %dma_start3A_524 = tpu.memref_slice %arg7[%dma_start3A_517, %dma_start3A_523] : memref<2x512xi32, #tpu.memory_space<vmem>> -> memref<1x128xi32, #tpu.memory_space<vmem>>
        %dma_start3A_525 = tpu.memref_squeeze %dma_start3A_524 : memref<1x128xi32, #tpu.memory_space<vmem>> -> memref<128xi32, #tpu.memory_space<vmem>>
        %dma_start3A_526 = arith.constant 0 : i32
        %dma_start3A_527 = arith.constant 0 : i32
        %dma_start3A_528 = tpu.memref_slice %arg4[%dma_start3A_526, %dma_start3A_527] : memref<1000000x8xf32, #tpu.memory_space<hbm>> -> memref<1000000x8xf32, #tpu.memory_space<hbm>>
        tpu.enqueue_indirect_dma source(%dma_start3A_528 : memref<1000000x8xf32, #tpu.memory_space<hbm>>) target(%dma_start3A_522 : memref<128x8xf32, #tpu.memory_space<vmem>>) offsets(%dma_start3A_525 : memref<128xi32, #tpu.memory_space<vmem>>) semaphore(%arg14 : memref<!tpu.dma_semaphore, #tpu.memory_space<semaphore_mem>>)
      } else {
      }
      %dma_wait3A_310 = arith.constant 1 : i32
      %dma_wait3A_311 = arith.constant 1 : i32
      %dma_wait3A_312 = arith.constant 0 : i32
      %dma_wait3A_313 = arith.constant 0 : i32
      %dma_wait3A_314 = tpu.memref_slice %arg8[%dma_wait3A_311, %dma_wait3A_312, %dma_wait3A_313] : memref<2x512x32xf32, #tpu.memory_space<vmem>> -> memref<1x128x32xf32, #tpu.memory_space<vmem>>
      %dma_wait3A_315 = tpu.memref_squeeze %dma_wait3A_314 : memref<1x128x32xf32, #tpu.memory_space<vmem>> -> memref<128x32xf32, #tpu.memory_space<vmem>>
      %dma_wait3A_316 = arith.constant 0 : i32
      %dma_wait3A_317 = tpu.memref_slice %arg7[%dma_wait3A_310, %dma_wait3A_316] : memref<2x512xi32, #tpu.memory_space<vmem>> -> memref<1x128xi32, #tpu.memory_space<vmem>>
      %dma_wait3A_318 = tpu.memref_squeeze %dma_wait3A_317 : memref<1x128xi32, #tpu.memory_space<vmem>> -> memref<128xi32, #tpu.memory_space<vmem>>
      %dma_wait3A_319 = arith.constant 0 : i32
      %dma_wait3A_320 = arith.constant 0 : i32
      %dma_wait3A_321 = tpu.memref_slice %arg3[%dma_wait3A_319, %dma_wait3A_320] : memref<1000000x32xf32, #tpu.memory_space<hbm>> -> memref<1000000x32xf32, #tpu.memory_space<hbm>>
      tpu.wait_indirect_dma semaphore(%arg13 : memref<!tpu.dma_semaphore, #tpu.memory_space<semaphore_mem>>) src(%dma_wait3A_321 : memref<1000000x32xf32, #tpu.memory_space<hbm>>) dst(%dma_wait3A_315 : memref<128x32xf32, #tpu.memory_space<vmem>>)
      %dma_wait3A_322 = arith.constant 1 : i32
      %dma_wait3A_323 = arith.constant 1 : i32
      %dma_wait3A_324 = arith.constant 0 : i32
      %dma_wait3A_325 = arith.constant 0 : i32
      %dma_wait3A_326 = tpu.memref_slice %arg9[%dma_wait3A_323, %dma_wait3A_324, %dma_wait3A_325] : memref<2x512x8xf32, #tpu.memory_space<vmem>> -> memref<1x128x8xf32, #tpu.memory_space<vmem>>
      %dma_wait3A_327 = tpu.memref_squeeze %dma_wait3A_326 : memref<1x128x8xf32, #tpu.memory_space<vmem>> -> memref<128x8xf32, #tpu.memory_space<vmem>>
      %dma_wait3A_328 = arith.constant 0 : i32
      %dma_wait3A_329 = tpu.memref_slice %arg7[%dma_wait3A_322, %dma_wait3A_328] : memref<2x512xi32, #tpu.memory_space<vmem>> -> memref<1x128xi32, #tpu.memory_space<vmem>>
      %dma_wait3A_330 = tpu.memref_squeeze %dma_wait3A_329 : memref<1x128xi32, #tpu.memory_space<vmem>> -> memref<128xi32, #tpu.memory_space<vmem>>
      %dma_wait3A_331 = arith.constant 0 : i32
      %dma_wait3A_332 = arith.constant 0 : i32
      %dma_wait3A_333 = tpu.memref_slice %arg4[%dma_wait3A_331, %dma_wait3A_332] : memref<1000000x8xf32, #tpu.memory_space<hbm>> -> memref<1000000x8xf32, #tpu.memory_space<hbm>>
      tpu.wait_indirect_dma semaphore(%arg14 : memref<!tpu.dma_semaphore, #tpu.memory_space<semaphore_mem>>) src(%dma_wait3A_333 : memref<1000000x8xf32, #tpu.memory_space<hbm>>) dst(%dma_wait3A_327 : memref<128x8xf32, #tpu.memory_space<vmem>>)
      %dma_wait3A_334 = arith.constant 1 : i32
      %dma_wait3A_335 = arith.constant 1 : i32
      %dma_wait3A_336 = arith.constant 128 : i32
      %dma_wait3A_337 = arith.constant 0 : i32
      %dma_wait3A_338 = tpu.memref_slice %arg8[%dma_wait3A_335, %dma_wait3A_336, %dma_wait3A_337] : memref<2x512x32xf32, #tpu.memory_space<vmem>> -> memref<1x128x32xf32, #tpu.memory_space<vmem>>
      %dma_wait3A_339 = tpu.memref_squeeze %dma_wait3A_338 : memref<1x128x32xf32, #tpu.memory_space<vmem>> -> memref<128x32xf32, #tpu.memory_space<vmem>>
      %dma_wait3A_340 = arith.constant 128 : i32
      %dma_wait3A_341 = tpu.memref_slice %arg7[%dma_wait3A_334, %dma_wait3A_340] : memref<2x512xi32, #tpu.memory_space<vmem>> -> memref<1x128xi32, #tpu.memory_space<vmem>>
      %dma_wait3A_342 = tpu.memref_squeeze %dma_wait3A_341 : memref<1x128xi32, #tpu.memory_space<vmem>> -> memref<128xi32, #tpu.memory_space<vmem>>
      %dma_wait3A_343 = arith.constant 0 : i32
      %dma_wait3A_344 = arith.constant 0 : i32
      %dma_wait3A_345 = tpu.memref_slice %arg3[%dma_wait3A_343, %dma_wait3A_344] : memref<1000000x32xf32, #tpu.memory_space<hbm>> -> memref<1000000x32xf32, #tpu.memory_space<hbm>>
      tpu.wait_indirect_dma semaphore(%arg13 : memref<!tpu.dma_semaphore, #tpu.memory_space<semaphore_mem>>) src(%dma_wait3A_345 : memref<1000000x32xf32, #tpu.memory_space<hbm>>) dst(%dma_wait3A_339 : memref<128x32xf32, #tpu.memory_space<vmem>>)
      %dma_wait3A_346 = arith.constant 1 : i32
      %dma_wait3A_347 = arith.constant 1 : i32
      %dma_wait3A_348 = arith.constant 128 : i32
      %dma_wait3A_349 = arith.constant 0 : i32
      %dma_wait3A_350 = tpu.memref_slice %arg9[%dma_wait3A_347, %dma_wait3A_348, %dma_wait3A_349] : memref<2x512x8xf32, #tpu.memory_space<vmem>> -> memref<1x128x8xf32, #tpu.memory_space<vmem>>
      %dma_wait3A_351 = tpu.memref_squeeze %dma_wait3A_350 : memref<1x128x8xf32, #tpu.memory_space<vmem>> -> memref<128x8xf32, #tpu.memory_space<vmem>>
      %dma_wait3A_352 = arith.constant 128 : i32
      %dma_wait3A_353 = tpu.memref_slice %arg7[%dma_wait3A_346, %dma_wait3A_352] : memref<2x512xi32, #tpu.memory_space<vmem>> -> memref<1x128xi32, #tpu.memory_space<vmem>>
      %dma_wait3A_354 = tpu.memref_squeeze %dma_wait3A_353 : memref<1x128xi32, #tpu.memory_space<vmem>> -> memref<128xi32, #tpu.memory_space<vmem>>
      %dma_wait3A_355 = arith.constant 0 : i32
      %dma_wait3A_356 = arith.constant 0 : i32
      %dma_wait3A_357 = tpu.memref_slice %arg4[%dma_wait3A_355, %dma_wait3A_356] : memref<1000000x8xf32, #tpu.memory_space<hbm>> -> memref<1000000x8xf32, #tpu.memory_space<hbm>>
      tpu.wait_indirect_dma semaphore(%arg14 : memref<!tpu.dma_semaphore, #tpu.memory_space<semaphore_mem>>) src(%dma_wait3A_357 : memref<1000000x8xf32, #tpu.memory_space<hbm>>) dst(%dma_wait3A_351 : memref<128x8xf32, #tpu.memory_space<vmem>>)
      %dma_wait3A_358 = arith.constant 1 : i32
      %dma_wait3A_359 = arith.constant 1 : i32
      %dma_wait3A_360 = arith.constant 256 : i32
      %dma_wait3A_361 = arith.constant 0 : i32
      %dma_wait3A_362 = tpu.memref_slice %arg8[%dma_wait3A_359, %dma_wait3A_360, %dma_wait3A_361] : memref<2x512x32xf32, #tpu.memory_space<vmem>> -> memref<1x128x32xf32, #tpu.memory_space<vmem>>
      %dma_wait3A_363 = tpu.memref_squeeze %dma_wait3A_362 : memref<1x128x32xf32, #tpu.memory_space<vmem>> -> memref<128x32xf32, #tpu.memory_space<vmem>>
      %dma_wait3A_364 = arith.constant 256 : i32
      %dma_wait3A_365 = tpu.memref_slice %arg7[%dma_wait3A_358, %dma_wait3A_364] : memref<2x512xi32, #tpu.memory_space<vmem>> -> memref<1x128xi32, #tpu.memory_space<vmem>>
      %dma_wait3A_366 = tpu.memref_squeeze %dma_wait3A_365 : memref<1x128xi32, #tpu.memory_space<vmem>> -> memref<128xi32, #tpu.memory_space<vmem>>
      %dma_wait3A_367 = arith.constant 0 : i32
      %dma_wait3A_368 = arith.constant 0 : i32
      %dma_wait3A_369 = tpu.memref_slice %arg3[%dma_wait3A_367, %dma_wait3A_368] : memref<1000000x32xf32, #tpu.memory_space<hbm>> -> memref<1000000x32xf32, #tpu.memory_space<hbm>>
      tpu.wait_indirect_dma semaphore(%arg13 : memref<!tpu.dma_semaphore, #tpu.memory_space<semaphore_mem>>) src(%dma_wait3A_369 : memref<1000000x32xf32, #tpu.memory_space<hbm>>) dst(%dma_wait3A_363 : memref<128x32xf32, #tpu.memory_space<vmem>>)
      %dma_wait3A_370 = arith.constant 1 : i32
      %dma_wait3A_371 = arith.constant 1 : i32
      %dma_wait3A_372 = arith.constant 256 : i32
      %dma_wait3A_373 = arith.constant 0 : i32
      %dma_wait3A_374 = tpu.memref_slice %arg9[%dma_wait3A_371, %dma_wait3A_372, %dma_wait3A_373] : memref<2x512x8xf32, #tpu.memory_space<vmem>> -> memref<1x128x8xf32, #tpu.memory_space<vmem>>
      %dma_wait3A_375 = tpu.memref_squeeze %dma_wait3A_374 : memref<1x128x8xf32, #tpu.memory_space<vmem>> -> memref<128x8xf32, #tpu.memory_space<vmem>>
      %dma_wait3A_376 = arith.constant 256 : i32
      %dma_wait3A_377 = tpu.memref_slice %arg7[%dma_wait3A_370, %dma_wait3A_376] : memref<2x512xi32, #tpu.memory_space<vmem>> -> memref<1x128xi32, #tpu.memory_space<vmem>>
      %dma_wait3A_378 = tpu.memref_squeeze %dma_wait3A_377 : memref<1x128xi32, #tpu.memory_space<vmem>> -> memref<128xi32, #tpu.memory_space<vmem>>
      %dma_wait3A_379 = arith.constant 0 : i32
      %dma_wait3A_380 = arith.constant 0 : i32
      %dma_wait3A_381 = tpu.memref_slice %arg4[%dma_wait3A_379, %dma_wait3A_380] : memref<1000000x8xf32, #tpu.memory_space<hbm>> -> memref<1000000x8xf32, #tpu.memory_space<hbm>>
      tpu.wait_indirect_dma semaphore(%arg14 : memref<!tpu.dma_semaphore, #tpu.memory_space<semaphore_mem>>) src(%dma_wait3A_381 : memref<1000000x8xf32, #tpu.memory_space<hbm>>) dst(%dma_wait3A_375 : memref<128x8xf32, #tpu.memory_space<vmem>>)
      %dma_wait3A_382 = arith.constant 1 : i32
      %dma_wait3A_383 = arith.constant 1 : i32
      %dma_wait3A_384 = arith.constant 384 : i32
      %dma_wait3A_385 = arith.constant 0 : i32
      %dma_wait3A_386 = tpu.memref_slice %arg8[%dma_wait3A_383, %dma_wait3A_384, %dma_wait3A_385] : memref<2x512x32xf32, #tpu.memory_space<vmem>> -> memref<1x128x32xf32, #tpu.memory_space<vmem>>
      %dma_wait3A_387 = tpu.memref_squeeze %dma_wait3A_386 : memref<1x128x32xf32, #tpu.memory_space<vmem>> -> memref<128x32xf32, #tpu.memory_space<vmem>>
      %dma_wait3A_388 = arith.constant 384 : i32
      %dma_wait3A_389 = tpu.memref_slice %arg7[%dma_wait3A_382, %dma_wait3A_388] : memref<2x512xi32, #tpu.memory_space<vmem>> -> memref<1x128xi32, #tpu.memory_space<vmem>>
      %dma_wait3A_390 = tpu.memref_squeeze %dma_wait3A_389 : memref<1x128xi32, #tpu.memory_space<vmem>> -> memref<128xi32, #tpu.memory_space<vmem>>
      %dma_wait3A_391 = arith.constant 0 : i32
      %dma_wait3A_392 = arith.constant 0 : i32
      %dma_wait3A_393 = tpu.memref_slice %arg3[%dma_wait3A_391, %dma_wait3A_392] : memref<1000000x32xf32, #tpu.memory_space<hbm>> -> memref<1000000x32xf32, #tpu.memory_space<hbm>>
      tpu.wait_indirect_dma semaphore(%arg13 : memref<!tpu.dma_semaphore, #tpu.memory_space<semaphore_mem>>) src(%dma_wait3A_393 : memref<1000000x32xf32, #tpu.memory_space<hbm>>) dst(%dma_wait3A_387 : memref<128x32xf32, #tpu.memory_space<vmem>>)
      %dma_wait3A_394 = arith.constant 1 : i32
      %dma_wait3A_395 = arith.constant 1 : i32
      %dma_wait3A_396 = arith.constant 384 : i32
      %dma_wait3A_397 = arith.constant 0 : i32
      %dma_wait3A_398 = tpu.memref_slice %arg9[%dma_wait3A_395, %dma_wait3A_396, %dma_wait3A_397] : memref<2x512x8xf32, #tpu.memory_space<vmem>> -> memref<1x128x8xf32, #tpu.memory_space<vmem>>
      %dma_wait3A_399 = tpu.memref_squeeze %dma_wait3A_398 : memref<1x128x8xf32, #tpu.memory_space<vmem>> -> memref<128x8xf32, #tpu.memory_space<vmem>>
      %dma_wait3A_400 = arith.constant 384 : i32
      %dma_wait3A_401 = tpu.memref_slice %arg7[%dma_wait3A_394, %dma_wait3A_400] : memref<2x512xi32, #tpu.memory_space<vmem>> -> memref<1x128xi32, #tpu.memory_space<vmem>>
      %dma_wait3A_402 = tpu.memref_squeeze %dma_wait3A_401 : memref<1x128xi32, #tpu.memory_space<vmem>> -> memref<128xi32, #tpu.memory_space<vmem>>
      %dma_wait3A_403 = arith.constant 0 : i32
      %dma_wait3A_404 = arith.constant 0 : i32
      %dma_wait3A_405 = tpu.memref_slice %arg4[%dma_wait3A_403, %dma_wait3A_404] : memref<1000000x8xf32, #tpu.memory_space<hbm>> -> memref<1000000x8xf32, #tpu.memory_space<hbm>>
      tpu.wait_indirect_dma semaphore(%arg14 : memref<!tpu.dma_semaphore, #tpu.memory_space<semaphore_mem>>) src(%dma_wait3A_405 : memref<1000000x8xf32, #tpu.memory_space<hbm>>) dst(%dma_wait3A_399 : memref<128x8xf32, #tpu.memory_space<vmem>>)
      %add3A_406 = arith.constant 2 : i32
      %add3A_407 = arith.addi %add3A_302, %add3A_406 : i32
      %lt3A_408 = arith.constant 50 : i32
      %lt3A_409 = arith.cmpi slt, %add3A_407, %lt3A_408 : i32
      %convert_element_type3A_410 = arith.extui %lt3A_409 : i1 to i32
      %cond3A_411 = arith.constant 0 : i32
      %cond3A_412 = arith.cmpi ne, %convert_element_type3A_410, %cond3A_411 : i32
      scf.if %cond3A_412 {
        %add3A_422 = arith.constant 2 : i32
        %add3A_423 = arith.addi %add3A_302, %add3A_422 : i32
        %mul3A_424 = arith.constant 512 : i32
        %mul3A_425 = arith.muli %add3A_423, %mul3A_424 : i32
        %add3A_426 = arith.addi %mul3A_2, %mul3A_425 : i32
        %multiple_of3A_427 = tpu.assume_multiple %add3A_426, 512 : i32
        %dma_start3A_428 = arith.constant 1 : i32
        %dma_start3A_429 = arith.constant 0 : i32
        %dma_start3A_430 = tpu.memref_slice %arg7[%dma_start3A_428, %dma_start3A_429] : memref<2x512xi32, #tpu.memory_space<vmem>> -> memref<1x512xi32, #tpu.memory_space<vmem>>
        %dma_start3A_431 = tpu.memref_squeeze %dma_start3A_430 : memref<1x512xi32, #tpu.memory_space<vmem>> -> memref<512xi32, #tpu.memory_space<vmem>>
        %dma_start3A_432 = tpu.memref_slice %arg2[%multiple_of3A_427] : memref<819200xi32, #tpu.memory_space<hbm>> -> memref<512xi32, #tpu.memory_space<hbm>>
        %dma_start3A_433 = arith.constant 0 : i32
        %dma_start3A_434 = tpu.memref_slice %arg7[%dma_start3A_428, %dma_start3A_433] : memref<2x512xi32, #tpu.memory_space<vmem>> -> memref<1x512xi32, #tpu.memory_space<vmem>>
        %dma_start3A_435 = tpu.memref_squeeze %dma_start3A_434 : memref<1x512xi32, #tpu.memory_space<vmem>> -> memref<512xi32, #tpu.memory_space<vmem>>
        %dma_start3A_436 = tpu.memref_slice %arg2[%multiple_of3A_427] : memref<819200xi32, #tpu.memory_space<hbm>> -> memref<512xi32, #tpu.memory_space<hbm>>
        tpu.enqueue_dma source(%dma_start3A_436 : memref<512xi32, #tpu.memory_space<hbm>>) target(%dma_start3A_435 : memref<512xi32, #tpu.memory_space<vmem>>) target_semaphore(%arg12 : memref<!tpu.dma_semaphore, #tpu.memory_space<semaphore_mem>>)
      } else {
      }
      %scan3A_413 = arith.constant 0 : i32
      %scan3A_414 = arith.constant 32 : i32
      %scan3A_415 = arith.addi %scan3A_413, %scan3A_414 : i32
      %scan3A_416 = arith.constant 1 : i32
      scf.for %scan3A_422 = %scan3A_413 to %scan3A_415 step %scan3A_416  : i32 {
        %mul3A_423 = arith.constant 16 : i32
        %mul3A_424 = arith.muli %scan3A_422, %mul3A_423 : i32
        %iota3A = tpu.iota {dimensions = array<i32: 0>} : vector<16xi32>
        %add3A_425 = vector.broadcast %mul3A_424 : i32 to vector<16xi32>
        %add3A_426 = arith.addi %add3A_425, %iota3A : vector<16xi32>
        %broadcast_in_dim3A = arith.constant 1 : i32
        %broadcast_in_dim3A_427 = vector.broadcast %broadcast_in_dim3A : i32 to vector<16xi32>
        %broadcast_in_dim3A_428 = arith.constant 0 : i32
        %broadcast_in_dim3A_429 = vector.broadcast %broadcast_in_dim3A_428 : i32 to vector<16xi32>
        %gather3A = tpu.vector_load_idx %arg9[%broadcast_in_dim3A_427, %add3A_426, %broadcast_in_dim3A_429] : memref<2x512x8xf32, #tpu.memory_space<vmem>>[vector<16xi32>, vector<16xi32>, vector<16xi32>], vector<16xf32>,
        %broadcast_in_dim3A_430 = arith.constant 1 : i32
        %broadcast_in_dim3A_431 = vector.broadcast %broadcast_in_dim3A_430 : i32 to vector<16xi32>
        %gather3A_432 = tpu.vector_load_idx %arg9[%broadcast_in_dim3A_427, %add3A_426, %broadcast_in_dim3A_431] : memref<2x512x8xf32, #tpu.memory_space<vmem>>[vector<16xi32>, vector<16xi32>, vector<16xi32>], vector<16xf32>,
        %broadcast_in_dim3A_433 = arith.constant 2 : i32
        %broadcast_in_dim3A_434 = vector.broadcast %broadcast_in_dim3A_433 : i32 to vector<16xi32>
        %gather3A_435 = tpu.vector_load_idx %arg9[%broadcast_in_dim3A_427, %add3A_426, %broadcast_in_dim3A_434] : memref<2x512x8xf32, #tpu.memory_space<vmem>>[vector<16xi32>, vector<16xi32>, vector<16xi32>], vector<16xf32>,
        %broadcast_in_dim3A_436 = arith.constant 3 : i32
        %broadcast_in_dim3A_437 = vector.broadcast %broadcast_in_dim3A_436 : i32 to vector<16xi32>
        %gather3A_438 = tpu.vector_load_idx %arg9[%broadcast_in_dim3A_427, %add3A_426, %broadcast_in_dim3A_437] : memref<2x512x8xf32, #tpu.memory_space<vmem>>[vector<16xi32>, vector<16xi32>, vector<16xi32>], vector<16xf32>,
        %broadcast_in_dim3A_439 = arith.constant 4 : i32
        %broadcast_in_dim3A_440 = vector.broadcast %broadcast_in_dim3A_439 : i32 to vector<16xi32>
        %gather3A_441 = tpu.vector_load_idx %arg9[%broadcast_in_dim3A_427, %add3A_426, %broadcast_in_dim3A_440] : memref<2x512x8xf32, #tpu.memory_space<vmem>>[vector<16xi32>, vector<16xi32>, vector<16xi32>], vector<16xf32>,
        %broadcast_in_dim3A_442 = arith.constant 5 : i32
        %broadcast_in_dim3A_443 = vector.broadcast %broadcast_in_dim3A_442 : i32 to vector<16xi32>
        %gather3A_444 = tpu.vector_load_idx %arg9[%broadcast_in_dim3A_427, %add3A_426, %broadcast_in_dim3A_443] : memref<2x512x8xf32, #tpu.memory_space<vmem>>[vector<16xi32>, vector<16xi32>, vector<16xi32>], vector<16xf32>,
        %broadcast_in_dim3A_445 = arith.constant 6 : i32
        %broadcast_in_dim3A_446 = vector.broadcast %broadcast_in_dim3A_445 : i32 to vector<16xi32>
        %gather3A_447 = tpu.vector_load_idx %arg9[%broadcast_in_dim3A_427, %add3A_426, %broadcast_in_dim3A_446] : memref<2x512x8xf32, #tpu.memory_space<vmem>>[vector<16xi32>, vector<16xi32>, vector<16xi32>], vector<16xf32>,
        %broadcast_in_dim3A_448 = arith.constant 7 : i32
        %broadcast_in_dim3A_449 = vector.broadcast %broadcast_in_dim3A_448 : i32 to vector<16xi32>
        %gather3A_450 = tpu.vector_load_idx %arg9[%broadcast_in_dim3A_427, %add3A_426, %broadcast_in_dim3A_449] : memref<2x512x8xf32, #tpu.memory_space<vmem>>[vector<16xi32>, vector<16xi32>, vector<16xi32>], vector<16xf32>,
        %max3A = arith.maximumf %gather3A, %gather3A_432 : vector<16xf32>
        %max3A_451 = arith.maximumf %gather3A_435, %gather3A_438 : vector<16xf32>
        %max3A_452 = arith.maximumf %gather3A_441, %gather3A_444 : vector<16xf32>
        %max3A_453 = arith.maximumf %gather3A_447, %gather3A_450 : vector<16xf32>
        %max3A_454 = arith.maximumf %max3A, %max3A_451 : vector<16xf32>
        %max3A_455 = arith.maximumf %max3A_452, %max3A_453 : vector<16xf32>
        %max3A_456 = arith.maximumf %max3A_454, %max3A_455 : vector<16xf32>
        %sub3A = arith.subf %gather3A, %max3A_456 : vector<16xf32>
        %exp3A = math.exp %sub3A : vector<16xf32>
        %sub3A_457 = arith.subf %gather3A_432, %max3A_456 : vector<16xf32>
        %exp3A_458 = math.exp %sub3A_457 : vector<16xf32>
        %sub3A_459 = arith.subf %gather3A_435, %max3A_456 : vector<16xf32>
        %exp3A_460 = math.exp %sub3A_459 : vector<16xf32>
        %sub3A_461 = arith.subf %gather3A_438, %max3A_456 : vector<16xf32>
        %exp3A_462 = math.exp %sub3A_461 : vector<16xf32>
        %sub3A_463 = arith.subf %gather3A_441, %max3A_456 : vector<16xf32>
        %exp3A_464 = math.exp %sub3A_463 : vector<16xf32>
        %sub3A_465 = arith.subf %gather3A_444, %max3A_456 : vector<16xf32>
        %exp3A_466 = math.exp %sub3A_465 : vector<16xf32>
        %sub3A_467 = arith.subf %gather3A_447, %max3A_456 : vector<16xf32>
        %exp3A_468 = math.exp %sub3A_467 : vector<16xf32>
        %sub3A_469 = arith.subf %gather3A_450, %max3A_456 : vector<16xf32>
        %exp3A_470 = math.exp %sub3A_469 : vector<16xf32>
        %add3A_471 = arith.addf %exp3A, %exp3A_458 : vector<16xf32>
        %add3A_472 = arith.addf %exp3A_460, %exp3A_462 : vector<16xf32>
        %add3A_473 = arith.addf %add3A_471, %add3A_472 : vector<16xf32>
        %add3A_474 = arith.addf %exp3A_464, %exp3A_466 : vector<16xf32>
        %add3A_475 = arith.addf %exp3A_468, %exp3A_470 : vector<16xf32>
        %add3A_476 = arith.addf %add3A_474, %add3A_475 : vector<16xf32>
        %add3A_477 = arith.addf %add3A_473, %add3A_476 : vector<16xf32>
        %div3A = arith.constant 1.000000e+00 : f32
        %div3A_478 = vector.broadcast %div3A : f32 to vector<16xf32>
        %div3A_479 = arith.divf %div3A_478, %add3A_477 : vector<16xf32>
        %mul3A_480 = arith.mulf %exp3A, %div3A_479 : vector<16xf32>
        %mul3A_481 = arith.mulf %exp3A_458, %div3A_479 : vector<16xf32>
        %mul3A_482 = arith.mulf %exp3A_460, %div3A_479 : vector<16xf32>
        %mul3A_483 = arith.mulf %exp3A_462, %div3A_479 : vector<16xf32>
        %mul3A_484 = arith.mulf %exp3A_464, %div3A_479 : vector<16xf32>
        %mul3A_485 = arith.mulf %exp3A_466, %div3A_479 : vector<16xf32>
        %mul3A_486 = arith.mulf %exp3A_468, %div3A_479 : vector<16xf32>
        %mul3A_487 = arith.mulf %exp3A_470, %div3A_479 : vector<16xf32>
        %mul3A_488 = arith.constant 16 : i32
        %mul3A_489 = arith.muli %scan3A_422, %mul3A_488 : i32
        %add3A_490 = arith.constant 0 : i32
        %add3A_491 = arith.addi %mul3A_489, %add3A_490 : i32
        %slice3A = vector.extract_strided_slice %mul3A_480 {offsets = [0], sizes = [1], strides = [1]} : vector<16xf32> to vector<1xf32>
        %squeeze3A = vector.extract %slice3A[0] : f32 from vector<1xf32>
        %mul3A_492 = vector.broadcast %squeeze3A : f32 to vector<16xf32>
        %mul3A_493 = arith.mulf %mul3A_492, %get3A_5 : vector<16xf32>
        %slice3A_494 = vector.extract_strided_slice %mul3A_481 {offsets = [0], sizes = [1], strides = [1]} : vector<16xf32> to vector<1xf32>
        %squeeze3A_495 = vector.extract %slice3A_494[0] : f32 from vector<1xf32>
        %mul3A_496 = vector.broadcast %squeeze3A_495 : f32 to vector<16xf32>
        %mul3A_497 = arith.mulf %mul3A_496, %get3A_9 : vector<16xf32>
        %slice3A_498 = vector.extract_strided_slice %mul3A_482 {offsets = [0], sizes = [1], strides = [1]} : vector<16xf32> to vector<1xf32>
        %squeeze3A_499 = vector.extract %slice3A_498[0] : f32 from vector<1xf32>
        %mul3A_500 = vector.broadcast %squeeze3A_499 : f32 to vector<16xf32>
        %mul3A_501 = arith.mulf %mul3A_500, %get3A_13 : vector<16xf32>
        %slice3A_502 = vector.extract_strided_slice %mul3A_483 {offsets = [0], sizes = [1], strides = [1]} : vector<16xf32> to vector<1xf32>
        %squeeze3A_503 = vector.extract %slice3A_502[0] : f32 from vector<1xf32>
        %mul3A_504 = vector.broadcast %squeeze3A_503 : f32 to vector<16xf32>
        %mul3A_505 = arith.mulf %mul3A_504, %get3A_17 : vector<16xf32>
        %slice3A_506 = vector.extract_strided_slice %mul3A_484 {offsets = [0], sizes = [1], strides = [1]} : vector<16xf32> to vector<1xf32>
        %squeeze3A_507 = vector.extract %slice3A_506[0] : f32 from vector<1xf32>
        %mul3A_508 = vector.broadcast %squeeze3A_507 : f32 to vector<16xf32>
        %mul3A_509 = arith.mulf %mul3A_508, %get3A_21 : vector<16xf32>
        %slice3A_510 = vector.extract_strided_slice %mul3A_485 {offsets = [0], sizes = [1], strides = [1]} : vector<16xf32> to vector<1xf32>
        %squeeze3A_511 = vector.extract %slice3A_510[0] : f32 from vector<1xf32>
        %mul3A_512 = vector.broadcast %squeeze3A_511 : f32 to vector<16xf32>
        %mul3A_513 = arith.mulf %mul3A_512, %get3A_25 : vector<16xf32>
        %slice3A_514 = vector.extract_strided_slice %mul3A_486 {offsets = [0], sizes = [1], strides = [1]} : vector<16xf32> to vector<1xf32>
        %squeeze3A_515 = vector.extract %slice3A_514[0] : f32 from vector<1xf32>
        %mul3A_516 = vector.broadcast %squeeze3A_515 : f32 to vector<16xf32>
        %mul3A_517 = arith.mulf %mul3A_516, %get3A_29 : vector<16xf32>
        %slice3A_518 = vector.extract_strided_slice %mul3A_487 {offsets = [0], sizes = [1], strides = [1]} : vector<16xf32> to vector<1xf32>
        %squeeze3A_519 = vector.extract %slice3A_518[0] : f32 from vector<1xf32>
        %mul3A_520 = vector.broadcast %squeeze3A_519 : f32 to vector<16xf32>
        %mul3A_521 = arith.mulf %mul3A_520, %get3A_33 : vector<16xf32>
        %slice3A_522 = vector.extract_strided_slice %mul3A_480 {offsets = [0], sizes = [1], strides = [1]} : vector<16xf32> to vector<1xf32>
        %squeeze3A_523 = vector.extract %slice3A_522[0] : f32 from vector<1xf32>
        %mul3A_524 = vector.broadcast %squeeze3A_523 : f32 to vector<16xf32>
        %mul3A_525 = arith.mulf %mul3A_524, %get3A_37 : vector<16xf32>
        %slice3A_526 = vector.extract_strided_slice %mul3A_481 {offsets = [0], sizes = [1], strides = [1]} : vector<16xf32> to vector<1xf32>
        %squeeze3A_527 = vector.extract %slice3A_526[0] : f32 from vector<1xf32>
        %mul3A_528 = vector.broadcast %squeeze3A_527 : f32 to vector<16xf32>
        %mul3A_529 = arith.mulf %mul3A_528, %get3A_41 : vector<16xf32>
        %slice3A_530 = vector.extract_strided_slice %mul3A_482 {offsets = [0], sizes = [1], strides = [1]} : vector<16xf32> to vector<1xf32>
        %squeeze3A_531 = vector.extract %slice3A_530[0] : f32 from vector<1xf32>
        %mul3A_532 = vector.broadcast %squeeze3A_531 : f32 to vector<16xf32>
        %mul3A_533 = arith.mulf %mul3A_532, %get3A_45 : vector<16xf32>
        %slice3A_534 = vector.extract_strided_slice %mul3A_483 {offsets = [0], sizes = [1], strides = [1]} : vector<16xf32> to vector<1xf32>
        %squeeze3A_535 = vector.extract %slice3A_534[0] : f32 from vector<1xf32>
        %mul3A_536 = vector.broadcast %squeeze3A_535 : f32 to vector<16xf32>
        %mul3A_537 = arith.mulf %mul3A_536, %get3A_49 : vector<16xf32>
        %slice3A_538 = vector.extract_strided_slice %mul3A_484 {offsets = [0], sizes = [1], strides = [1]} : vector<16xf32> to vector<1xf32>
        %squeeze3A_539 = vector.extract %slice3A_538[0] : f32 from vector<1xf32>
        %mul3A_540 = vector.broadcast %squeeze3A_539 : f32 to vector<16xf32>
        %mul3A_541 = arith.mulf %mul3A_540, %get3A_53 : vector<16xf32>
        %slice3A_542 = vector.extract_strided_slice %mul3A_485 {offsets = [0], sizes = [1], strides = [1]} : vector<16xf32> to vector<1xf32>
        %squeeze3A_543 = vector.extract %slice3A_542[0] : f32 from vector<1xf32>
        %mul3A_544 = vector.broadcast %squeeze3A_543 : f32 to vector<16xf32>
        %mul3A_545 = arith.mulf %mul3A_544, %get3A_57 : vector<16xf32>
        %slice3A_546 = vector.extract_strided_slice %mul3A_486 {offsets = [0], sizes = [1], strides = [1]} : vector<16xf32> to vector<1xf32>
        %squeeze3A_547 = vector.extract %slice3A_546[0] : f32 from vector<1xf32>
        %mul3A_548 = vector.broadcast %squeeze3A_547 : f32 to vector<16xf32>
        %mul3A_549 = arith.mulf %mul3A_548, %get3A_61 : vector<16xf32>
        %slice3A_550 = vector.extract_strided_slice %mul3A_487 {offsets = [0], sizes = [1], strides = [1]} : vector<16xf32> to vector<1xf32>
        %squeeze3A_551 = vector.extract %slice3A_550[0] : f32 from vector<1xf32>
        %mul3A_552 = vector.broadcast %squeeze3A_551 : f32 to vector<16xf32>
        %mul3A_553 = arith.mulf %mul3A_552, %get3A_65 : vector<16xf32>
        %add3A_554 = arith.addf %mul3A_493, %mul3A_497 : vector<16xf32>
        %add3A_555 = arith.addf %mul3A_501, %mul3A_505 : vector<16xf32>
        %add3A_556 = arith.addf %add3A_554, %add3A_555 : vector<16xf32>
        %add3A_557 = arith.addf %mul3A_509, %mul3A_513 : vector<16xf32>
        %add3A_558 = arith.addf %mul3A_517, %mul3A_521 : vector<16xf32>
        %add3A_559 = arith.addf %add3A_557, %add3A_558 : vector<16xf32>
        %add3A_560 = arith.addf %add3A_556, %add3A_559 : vector<16xf32>
        %add3A_561 = arith.addf %mul3A_525, %mul3A_529 : vector<16xf32>
        %add3A_562 = arith.addf %mul3A_533, %mul3A_537 : vector<16xf32>
        %add3A_563 = arith.addf %add3A_561, %add3A_562 : vector<16xf32>
        %add3A_564 = arith.addf %mul3A_541, %mul3A_545 : vector<16xf32>
        %add3A_565 = arith.addf %mul3A_549, %mul3A_553 : vector<16xf32>
        %add3A_566 = arith.addf %add3A_564, %add3A_565 : vector<16xf32>
        %add3A_567 = arith.addf %add3A_563, %add3A_566 : vector<16xf32>
        %get3A_568 = arith.constant 1 : i32
        %get3A_569 = arith.index_cast %get3A_568 : i32 to index
        %get3A_570 = arith.index_cast %add3A_491 : i32 to index
        %get3A_571 = arith.constant 0 : index
        %get3A_572 = tpu.vector_load %arg8[%get3A_569, %get3A_570, %get3A_571] {strides = array<i32>} : memref<2x512x32xf32, #tpu.memory_space<vmem>>, vector<16xf32>,
        %swap3A = arith.index_cast %add3A_491 : i32 to index
        %swap3A_573 = arith.constant 0 : index
        %swap3A_574 = tpu.vector_load %arg10[%swap3A, %swap3A_573] {strides = array<i32>} : memref<512x64xf32, #tpu.memory_space<vmem>>, vector<16xf32>,
        tpu.vector_store %arg10[%swap3A, %swap3A_573], %get3A_572 {strides = array<i32>} : memref<512x64xf32, #tpu.memory_space<vmem>>, vector<16xf32>,
        %get3A_575 = arith.constant 1 : i32
        %get3A_576 = arith.index_cast %get3A_575 : i32 to index
        %get3A_577 = arith.index_cast %add3A_491 : i32 to index
        %get3A_578 = arith.constant 16 : index
        %get3A_579 = tpu.vector_load %arg8[%get3A_576, %get3A_577, %get3A_578] {strides = array<i32>} : memref<2x512x32xf32, #tpu.memory_space<vmem>>, vector<16xf32>,
        %swap3A_580 = arith.index_cast %add3A_491 : i32 to index
        %swap3A_581 = arith.constant 16 : index
        %swap3A_582 = tpu.vector_load %arg10[%swap3A_580, %swap3A_581] {strides = array<i32>} : memref<512x64xf32, #tpu.memory_space<vmem>>, vector<16xf32>,
        tpu.vector_store %arg10[%swap3A_580, %swap3A_581], %get3A_579 {strides = array<i32>} : memref<512x64xf32, #tpu.memory_space<vmem>>, vector<16xf32>,
        %swap3A_583 = arith.index_cast %add3A_491 : i32 to index
        %swap3A_584 = arith.constant 32 : index
        %swap3A_585 = tpu.vector_load %arg10[%swap3A_583, %swap3A_584] {strides = array<i32>} : memref<512x64xf32, #tpu.memory_space<vmem>>, vector<16xf32>,
        tpu.vector_store %arg10[%swap3A_583, %swap3A_584], %add3A_560 {strides = array<i32>} : memref<512x64xf32, #tpu.memory_space<vmem>>, vector<16xf32>,
        %swap3A_586 = arith.index_cast %add3A_491 : i32 to index
        %swap3A_587 = arith.constant 48 : index
        %swap3A_588 = tpu.vector_load %arg10[%swap3A_586, %swap3A_587] {strides = array<i32>} : memref<512x64xf32, #tpu.memory_space<vmem>>, vector<16xf32>,
        tpu.vector_store %arg10[%swap3A_586, %swap3A_587], %add3A_567 {strides = array<i32>} : memref<512x64xf32, #tpu.memory_space<vmem>>, vector<16xf32>,
        %mul3A_589 = arith.constant 16 : i32
        %mul3A_590 = arith.muli %scan3A_422, %mul3A_589 : i32
        %add3A_591 = arith.constant 1 : i32
        %add3A_592 = arith.addi %mul3A_590, %add3A_591 : i32
        %slice3A_593 = vector.extract_strided_slice %mul3A_480 {offsets = [1], sizes = [1], strides = [1]} : vector<16xf32> to vector<1xf32>
        %squeeze3A_594 = vector.extract %slice3A_593[0] : f32 from vector<1xf32>
        %mul3A_595 = vector.broadcast %squeeze3A_594 : f32 to vector<16xf32>
        %mul3A_596 = arith.mulf %mul3A_595, %get3A_5 : vector<16xf32>
        %slice3A_597 = vector.extract_strided_slice %mul3A_481 {offsets = [1], sizes = [1], strides = [1]} : vector<16xf32> to vector<1xf32>
        %squeeze3A_598 = vector.extract %slice3A_597[0] : f32 from vector<1xf32>
        %mul3A_599 = vector.broadcast %squeeze3A_598 : f32 to vector<16xf32>
        %mul3A_600 = arith.mulf %mul3A_599, %get3A_9 : vector<16xf32>
        %slice3A_601 = vector.extract_strided_slice %mul3A_482 {offsets = [1], sizes = [1], strides = [1]} : vector<16xf32> to vector<1xf32>
        %squeeze3A_602 = vector.extract %slice3A_601[0] : f32 from vector<1xf32>
        %mul3A_603 = vector.broadcast %squeeze3A_602 : f32 to vector<16xf32>
        %mul3A_604 = arith.mulf %mul3A_603, %get3A_13 : vector<16xf32>
        %slice3A_605 = vector.extract_strided_slice %mul3A_483 {offsets = [1], sizes = [1], strides = [1]} : vector<16xf32> to vector<1xf32>
        %squeeze3A_606 = vector.extract %slice3A_605[0] : f32 from vector<1xf32>
        %mul3A_607 = vector.broadcast %squeeze3A_606 : f32 to vector<16xf32>
        %mul3A_608 = arith.mulf %mul3A_607, %get3A_17 : vector<16xf32>
        %slice3A_609 = vector.extract_strided_slice %mul3A_484 {offsets = [1], sizes = [1], strides = [1]} : vector<16xf32> to vector<1xf32>
        %squeeze3A_610 = vector.extract %slice3A_609[0] : f32 from vector<1xf32>
        %mul3A_611 = vector.broadcast %squeeze3A_610 : f32 to vector<16xf32>
        %mul3A_612 = arith.mulf %mul3A_611, %get3A_21 : vector<16xf32>
        %slice3A_613 = vector.extract_strided_slice %mul3A_485 {offsets = [1], sizes = [1], strides = [1]} : vector<16xf32> to vector<1xf32>
        %squeeze3A_614 = vector.extract %slice3A_613[0] : f32 from vector<1xf32>
        %mul3A_615 = vector.broadcast %squeeze3A_614 : f32 to vector<16xf32>
        %mul3A_616 = arith.mulf %mul3A_615, %get3A_25 : vector<16xf32>
        %slice3A_617 = vector.extract_strided_slice %mul3A_486 {offsets = [1], sizes = [1], strides = [1]} : vector<16xf32> to vector<1xf32>
        %squeeze3A_618 = vector.extract %slice3A_617[0] : f32 from vector<1xf32>
        %mul3A_619 = vector.broadcast %squeeze3A_618 : f32 to vector<16xf32>
        %mul3A_620 = arith.mulf %mul3A_619, %get3A_29 : vector<16xf32>
        %slice3A_621 = vector.extract_strided_slice %mul3A_487 {offsets = [1], sizes = [1], strides = [1]} : vector<16xf32> to vector<1xf32>
        %squeeze3A_622 = vector.extract %slice3A_621[0] : f32 from vector<1xf32>
        %mul3A_623 = vector.broadcast %squeeze3A_622 : f32 to vector<16xf32>
        %mul3A_624 = arith.mulf %mul3A_623, %get3A_33 : vector<16xf32>
        %slice3A_625 = vector.extract_strided_slice %mul3A_480 {offsets = [1], sizes = [1], strides = [1]} : vector<16xf32> to vector<1xf32>
        %squeeze3A_626 = vector.extract %slice3A_625[0] : f32 from vector<1xf32>
        %mul3A_627 = vector.broadcast %squeeze3A_626 : f32 to vector<16xf32>
        %mul3A_628 = arith.mulf %mul3A_627, %get3A_37 : vector<16xf32>
        %slice3A_629 = vector.extract_strided_slice %mul3A_481 {offsets = [1], sizes = [1], strides = [1]} : vector<16xf32> to vector<1xf32>
        %squeeze3A_630 = vector.extract %slice3A_629[0] : f32 from vector<1xf32>
        %mul3A_631 = vector.broadcast %squeeze3A_630 : f32 to vector<16xf32>
        %mul3A_632 = arith.mulf %mul3A_631, %get3A_41 : vector<16xf32>
        %slice3A_633 = vector.extract_strided_slice %mul3A_482 {offsets = [1], sizes = [1], strides = [1]} : vector<16xf32> to vector<1xf32>
        %squeeze3A_634 = vector.extract %slice3A_633[0] : f32 from vector<1xf32>
        %mul3A_635 = vector.broadcast %squeeze3A_634 : f32 to vector<16xf32>
        %mul3A_636 = arith.mulf %mul3A_635, %get3A_45 : vector<16xf32>
        %slice3A_637 = vector.extract_strided_slice %mul3A_483 {offsets = [1], sizes = [1], strides = [1]} : vector<16xf32> to vector<1xf32>
        %squeeze3A_638 = vector.extract %slice3A_637[0] : f32 from vector<1xf32>
        %mul3A_639 = vector.broadcast %squeeze3A_638 : f32 to vector<16xf32>
        %mul3A_640 = arith.mulf %mul3A_639, %get3A_49 : vector<16xf32>
        %slice3A_641 = vector.extract_strided_slice %mul3A_484 {offsets = [1], sizes = [1], strides = [1]} : vector<16xf32> to vector<1xf32>
        %squeeze3A_642 = vector.extract %slice3A_641[0] : f32 from vector<1xf32>
        %mul3A_643 = vector.broadcast %squeeze3A_642 : f32 to vector<16xf32>
        %mul3A_644 = arith.mulf %mul3A_643, %get3A_53 : vector<16xf32>
        %slice3A_645 = vector.extract_strided_slice %mul3A_485 {offsets = [1], sizes = [1], strides = [1]} : vector<16xf32> to vector<1xf32>
        %squeeze3A_646 = vector.extract %slice3A_645[0] : f32 from vector<1xf32>
        %mul3A_647 = vector.broadcast %squeeze3A_646 : f32 to vector<16xf32>
        %mul3A_648 = arith.mulf %mul3A_647, %get3A_57 : vector<16xf32>
        %slice3A_649 = vector.extract_strided_slice %mul3A_486 {offsets = [1], sizes = [1], strides = [1]} : vector<16xf32> to vector<1xf32>
        %squeeze3A_650 = vector.extract %slice3A_649[0] : f32 from vector<1xf32>
        %mul3A_651 = vector.broadcast %squeeze3A_650 : f32 to vector<16xf32>
        %mul3A_652 = arith.mulf %mul3A_651, %get3A_61 : vector<16xf32>
        %slice3A_653 = vector.extract_strided_slice %mul3A_487 {offsets = [1], sizes = [1], strides = [1]} : vector<16xf32> to vector<1xf32>
        %squeeze3A_654 = vector.extract %slice3A_653[0] : f32 from vector<1xf32>
        %mul3A_655 = vector.broadcast %squeeze3A_654 : f32 to vector<16xf32>
        %mul3A_656 = arith.mulf %mul3A_655, %get3A_65 : vector<16xf32>
        %add3A_657 = arith.addf %mul3A_596, %mul3A_600 : vector<16xf32>
        %add3A_658 = arith.addf %mul3A_604, %mul3A_608 : vector<16xf32>
        %add3A_659 = arith.addf %add3A_657, %add3A_658 : vector<16xf32>
        %add3A_660 = arith.addf %mul3A_612, %mul3A_616 : vector<16xf32>
        %add3A_661 = arith.addf %mul3A_620, %mul3A_624 : vector<16xf32>
        %add3A_662 = arith.addf %add3A_660, %add3A_661 : vector<16xf32>
        %add3A_663 = arith.addf %add3A_659, %add3A_662 : vector<16xf32>
        %add3A_664 = arith.addf %mul3A_628, %mul3A_632 : vector<16xf32>
        %add3A_665 = arith.addf %mul3A_636, %mul3A_640 : vector<16xf32>
        %add3A_666 = arith.addf %add3A_664, %add3A_665 : vector<16xf32>
        %add3A_667 = arith.addf %mul3A_644, %mul3A_648 : vector<16xf32>
        %add3A_668 = arith.addf %mul3A_652, %mul3A_656 : vector<16xf32>
        %add3A_669 = arith.addf %add3A_667, %add3A_668 : vector<16xf32>
        %add3A_670 = arith.addf %add3A_666, %add3A_669 : vector<16xf32>
        %get3A_671 = arith.constant 1 : i32
        %get3A_672 = arith.index_cast %get3A_671 : i32 to index
        %get3A_673 = arith.index_cast %add3A_592 : i32 to index
        %get3A_674 = arith.constant 0 : index
        %get3A_675 = tpu.vector_load %arg8[%get3A_672, %get3A_673, %get3A_674] {strides = array<i32>} : memref<2x512x32xf32, #tpu.memory_space<vmem>>, vector<16xf32>,
        %swap3A_676 = arith.index_cast %add3A_592 : i32 to index
        %swap3A_677 = arith.constant 0 : index
        %swap3A_678 = tpu.vector_load %arg10[%swap3A_676, %swap3A_677] {strides = array<i32>} : memref<512x64xf32, #tpu.memory_space<vmem>>, vector<16xf32>,
        tpu.vector_store %arg10[%swap3A_676, %swap3A_677], %get3A_675 {strides = array<i32>} : memref<512x64xf32, #tpu.memory_space<vmem>>, vector<16xf32>,
        %get3A_679 = arith.constant 1 : i32
        %get3A_680 = arith.index_cast %get3A_679 : i32 to index
        %get3A_681 = arith.index_cast %add3A_592 : i32 to index
        %get3A_682 = arith.constant 16 : index
        %get3A_683 = tpu.vector_load %arg8[%get3A_680, %get3A_681, %get3A_682] {strides = array<i32>} : memref<2x512x32xf32, #tpu.memory_space<vmem>>, vector<16xf32>,
        %swap3A_684 = arith.index_cast %add3A_592 : i32 to index
        %swap3A_685 = arith.constant 16 : index
        %swap3A_686 = tpu.vector_load %arg10[%swap3A_684, %swap3A_685] {strides = array<i32>} : memref<512x64xf32, #tpu.memory_space<vmem>>, vector<16xf32>,
        tpu.vector_store %arg10[%swap3A_684, %swap3A_685], %get3A_683 {strides = array<i32>} : memref<512x64xf32, #tpu.memory_space<vmem>>, vector<16xf32>,
        %swap3A_687 = arith.index_cast %add3A_592 : i32 to index
        %swap3A_688 = arith.constant 32 : index
        %swap3A_689 = tpu.vector_load %arg10[%swap3A_687, %swap3A_688] {strides = array<i32>} : memref<512x64xf32, #tpu.memory_space<vmem>>, vector<16xf32>,
        tpu.vector_store %arg10[%swap3A_687, %swap3A_688], %add3A_663 {strides = array<i32>} : memref<512x64xf32, #tpu.memory_space<vmem>>, vector<16xf32>,
        %swap3A_690 = arith.index_cast %add3A_592 : i32 to index
        %swap3A_691 = arith.constant 48 : index
        %swap3A_692 = tpu.vector_load %arg10[%swap3A_690, %swap3A_691] {strides = array<i32>} : memref<512x64xf32, #tpu.memory_space<vmem>>, vector<16xf32>,
        tpu.vector_store %arg10[%swap3A_690, %swap3A_691], %add3A_670 {strides = array<i32>} : memref<512x64xf32, #tpu.memory_space<vmem>>, vector<16xf32>,
        %mul3A_693 = arith.constant 16 : i32
        %mul3A_694 = arith.muli %scan3A_422, %mul3A_693 : i32
        %add3A_695 = arith.constant 2 : i32
        %add3A_696 = arith.addi %mul3A_694, %add3A_695 : i32
        %slice3A_697 = vector.extract_strided_slice %mul3A_480 {offsets = [2], sizes = [1], strides = [1]} : vector<16xf32> to vector<1xf32>
        %squeeze3A_698 = vector.extract %slice3A_697[0] : f32 from vector<1xf32>
        %mul3A_699 = vector.broadcast %squeeze3A_698 : f32 to vector<16xf32>
        %mul3A_700 = arith.mulf %mul3A_699, %get3A_5 : vector<16xf32>
        %slice3A_701 = vector.extract_strided_slice %mul3A_481 {offsets = [2], sizes = [1], strides = [1]} : vector<16xf32> to vector<1xf32>
        %squeeze3A_702 = vector.extract %slice3A_701[0] : f32 from vector<1xf32>
        %mul3A_703 = vector.broadcast %squeeze3A_702 : f32 to vector<16xf32>
        %mul3A_704 = arith.mulf %mul3A_703, %get3A_9 : vector<16xf32>
        %slice3A_705 = vector.extract_strided_slice %mul3A_482 {offsets = [2], sizes = [1], strides = [1]} : vector<16xf32> to vector<1xf32>
        %squeeze3A_706 = vector.extract %slice3A_705[0] : f32 from vector<1xf32>
        %mul3A_707 = vector.broadcast %squeeze3A_706 : f32 to vector<16xf32>
        %mul3A_708 = arith.mulf %mul3A_707, %get3A_13 : vector<16xf32>
        %slice3A_709 = vector.extract_strided_slice %mul3A_483 {offsets = [2], sizes = [1], strides = [1]} : vector<16xf32> to vector<1xf32>
        %squeeze3A_710 = vector.extract %slice3A_709[0] : f32 from vector<1xf32>
        %mul3A_711 = vector.broadcast %squeeze3A_710 : f32 to vector<16xf32>
        %mul3A_712 = arith.mulf %mul3A_711, %get3A_17 : vector<16xf32>
        %slice3A_713 = vector.extract_strided_slice %mul3A_484 {offsets = [2], sizes = [1], strides = [1]} : vector<16xf32> to vector<1xf32>
        %squeeze3A_714 = vector.extract %slice3A_713[0] : f32 from vector<1xf32>
        %mul3A_715 = vector.broadcast %squeeze3A_714 : f32 to vector<16xf32>
        %mul3A_716 = arith.mulf %mul3A_715, %get3A_21 : vector<16xf32>
        %slice3A_717 = vector.extract_strided_slice %mul3A_485 {offsets = [2], sizes = [1], strides = [1]} : vector<16xf32> to vector<1xf32>
        %squeeze3A_718 = vector.extract %slice3A_717[0] : f32 from vector<1xf32>
        %mul3A_719 = vector.broadcast %squeeze3A_718 : f32 to vector<16xf32>
        %mul3A_720 = arith.mulf %mul3A_719, %get3A_25 : vector<16xf32>
        %slice3A_721 = vector.extract_strided_slice %mul3A_486 {offsets = [2], sizes = [1], strides = [1]} : vector<16xf32> to vector<1xf32>
        %squeeze3A_722 = vector.extract %slice3A_721[0] : f32 from vector<1xf32>
        %mul3A_723 = vector.broadcast %squeeze3A_722 : f32 to vector<16xf32>
        %mul3A_724 = arith.mulf %mul3A_723, %get3A_29 : vector<16xf32>
        %slice3A_725 = vector.extract_strided_slice %mul3A_487 {offsets = [2], sizes = [1], strides = [1]} : vector<16xf32> to vector<1xf32>
        %squeeze3A_726 = vector.extract %slice3A_725[0] : f32 from vector<1xf32>
        %mul3A_727 = vector.broadcast %squeeze3A_726 : f32 to vector<16xf32>
        %mul3A_728 = arith.mulf %mul3A_727, %get3A_33 : vector<16xf32>
        %slice3A_729 = vector.extract_strided_slice %mul3A_480 {offsets = [2], sizes = [1], strides = [1]} : vector<16xf32> to vector<1xf32>
        %squeeze3A_730 = vector.extract %slice3A_729[0] : f32 from vector<1xf32>
        %mul3A_731 = vector.broadcast %squeeze3A_730 : f32 to vector<16xf32>
        %mul3A_732 = arith.mulf %mul3A_731, %get3A_37 : vector<16xf32>
        %slice3A_733 = vector.extract_strided_slice %mul3A_481 {offsets = [2], sizes = [1], strides = [1]} : vector<16xf32> to vector<1xf32>
        %squeeze3A_734 = vector.extract %slice3A_733[0] : f32 from vector<1xf32>
        %mul3A_735 = vector.broadcast %squeeze3A_734 : f32 to vector<16xf32>
        %mul3A_736 = arith.mulf %mul3A_735, %get3A_41 : vector<16xf32>
        %slice3A_737 = vector.extract_strided_slice %mul3A_482 {offsets = [2], sizes = [1], strides = [1]} : vector<16xf32> to vector<1xf32>
        %squeeze3A_738 = vector.extract %slice3A_737[0] : f32 from vector<1xf32>
        %mul3A_739 = vector.broadcast %squeeze3A_738 : f32 to vector<16xf32>
        %mul3A_740 = arith.mulf %mul3A_739, %get3A_45 : vector<16xf32>
        %slice3A_741 = vector.extract_strided_slice %mul3A_483 {offsets = [2], sizes = [1], strides = [1]} : vector<16xf32> to vector<1xf32>
        %squeeze3A_742 = vector.extract %slice3A_741[0] : f32 from vector<1xf32>
        %mul3A_743 = vector.broadcast %squeeze3A_742 : f32 to vector<16xf32>
        %mul3A_744 = arith.mulf %mul3A_743, %get3A_49 : vector<16xf32>
        %slice3A_745 = vector.extract_strided_slice %mul3A_484 {offsets = [2], sizes = [1], strides = [1]} : vector<16xf32> to vector<1xf32>
        %squeeze3A_746 = vector.extract %slice3A_745[0] : f32 from vector<1xf32>
        %mul3A_747 = vector.broadcast %squeeze3A_746 : f32 to vector<16xf32>
        %mul3A_748 = arith.mulf %mul3A_747, %get3A_53 : vector<16xf32>
        %slice3A_749 = vector.extract_strided_slice %mul3A_485 {offsets = [2], sizes = [1], strides = [1]} : vector<16xf32> to vector<1xf32>
        %squeeze3A_750 = vector.extract %slice3A_749[0] : f32 from vector<1xf32>
        %mul3A_751 = vector.broadcast %squeeze3A_750 : f32 to vector<16xf32>
        %mul3A_752 = arith.mulf %mul3A_751, %get3A_57 : vector<16xf32>
        %slice3A_753 = vector.extract_strided_slice %mul3A_486 {offsets = [2], sizes = [1], strides = [1]} : vector<16xf32> to vector<1xf32>
        %squeeze3A_754 = vector.extract %slice3A_753[0] : f32 from vector<1xf32>
        %mul3A_755 = vector.broadcast %squeeze3A_754 : f32 to vector<16xf32>
        %mul3A_756 = arith.mulf %mul3A_755, %get3A_61 : vector<16xf32>
        %slice3A_757 = vector.extract_strided_slice %mul3A_487 {offsets = [2], sizes = [1], strides = [1]} : vector<16xf32> to vector<1xf32>
        %squeeze3A_758 = vector.extract %slice3A_757[0] : f32 from vector<1xf32>
        %mul3A_759 = vector.broadcast %squeeze3A_758 : f32 to vector<16xf32>
        %mul3A_760 = arith.mulf %mul3A_759, %get3A_65 : vector<16xf32>
        %add3A_761 = arith.addf %mul3A_700, %mul3A_704 : vector<16xf32>
        %add3A_762 = arith.addf %mul3A_708, %mul3A_712 : vector<16xf32>
        %add3A_763 = arith.addf %add3A_761, %add3A_762 : vector<16xf32>
        %add3A_764 = arith.addf %mul3A_716, %mul3A_720 : vector<16xf32>
        %add3A_765 = arith.addf %mul3A_724, %mul3A_728 : vector<16xf32>
        %add3A_766 = arith.addf %add3A_764, %add3A_765 : vector<16xf32>
        %add3A_767 = arith.addf %add3A_763, %add3A_766 : vector<16xf32>
        %add3A_768 = arith.addf %mul3A_732, %mul3A_736 : vector<16xf32>
        %add3A_769 = arith.addf %mul3A_740, %mul3A_744 : vector<16xf32>
        %add3A_770 = arith.addf %add3A_768, %add3A_769 : vector<16xf32>
        %add3A_771 = arith.addf %mul3A_748, %mul3A_752 : vector<16xf32>
        %add3A_772 = arith.addf %mul3A_756, %mul3A_760 : vector<16xf32>
        %add3A_773 = arith.addf %add3A_771, %add3A_772 : vector<16xf32>
        %add3A_774 = arith.addf %add3A_770, %add3A_773 : vector<16xf32>
        %get3A_775 = arith.constant 1 : i32
        %get3A_776 = arith.index_cast %get3A_775 : i32 to index
        %get3A_777 = arith.index_cast %add3A_696 : i32 to index
        %get3A_778 = arith.constant 0 : index
        %get3A_779 = tpu.vector_load %arg8[%get3A_776, %get3A_777, %get3A_778] {strides = array<i32>} : memref<2x512x32xf32, #tpu.memory_space<vmem>>, vector<16xf32>,
        %swap3A_780 = arith.index_cast %add3A_696 : i32 to index
        %swap3A_781 = arith.constant 0 : index
        %swap3A_782 = tpu.vector_load %arg10[%swap3A_780, %swap3A_781] {strides = array<i32>} : memref<512x64xf32, #tpu.memory_space<vmem>>, vector<16xf32>,
        tpu.vector_store %arg10[%swap3A_780, %swap3A_781], %get3A_779 {strides = array<i32>} : memref<512x64xf32, #tpu.memory_space<vmem>>, vector<16xf32>,
        %get3A_783 = arith.constant 1 : i32
        %get3A_784 = arith.index_cast %get3A_783 : i32 to index
        %get3A_785 = arith.index_cast %add3A_696 : i32 to index
        %get3A_786 = arith.constant 16 : index
        %get3A_787 = tpu.vector_load %arg8[%get3A_784, %get3A_785, %get3A_786] {strides = array<i32>} : memref<2x512x32xf32, #tpu.memory_space<vmem>>, vector<16xf32>,
        %swap3A_788 = arith.index_cast %add3A_696 : i32 to index
        %swap3A_789 = arith.constant 16 : index
        %swap3A_790 = tpu.vector_load %arg10[%swap3A_788, %swap3A_789] {strides = array<i32>} : memref<512x64xf32, #tpu.memory_space<vmem>>, vector<16xf32>,
        tpu.vector_store %arg10[%swap3A_788, %swap3A_789], %get3A_787 {strides = array<i32>} : memref<512x64xf32, #tpu.memory_space<vmem>>, vector<16xf32>,
        %swap3A_791 = arith.index_cast %add3A_696 : i32 to index
        %swap3A_792 = arith.constant 32 : index
        %swap3A_793 = tpu.vector_load %arg10[%swap3A_791, %swap3A_792] {strides = array<i32>} : memref<512x64xf32, #tpu.memory_space<vmem>>, vector<16xf32>,
        tpu.vector_store %arg10[%swap3A_791, %swap3A_792], %add3A_767 {strides = array<i32>} : memref<512x64xf32, #tpu.memory_space<vmem>>, vector<16xf32>,
        %swap3A_794 = arith.index_cast %add3A_696 : i32 to index
        %swap3A_795 = arith.constant 48 : index
        %swap3A_796 = tpu.vector_load %arg10[%swap3A_794, %swap3A_795] {strides = array<i32>} : memref<512x64xf32, #tpu.memory_space<vmem>>, vector<16xf32>,
        tpu.vector_store %arg10[%swap3A_794, %swap3A_795], %add3A_774 {strides = array<i32>} : memref<512x64xf32, #tpu.memory_space<vmem>>, vector<16xf32>,
        %mul3A_797 = arith.constant 16 : i32
        %mul3A_798 = arith.muli %scan3A_422, %mul3A_797 : i32
        %add3A_799 = arith.constant 3 : i32
        %add3A_800 = arith.addi %mul3A_798, %add3A_799 : i32
        %slice3A_801 = vector.extract_strided_slice %mul3A_480 {offsets = [3], sizes = [1], strides = [1]} : vector<16xf32> to vector<1xf32>
        %squeeze3A_802 = vector.extract %slice3A_801[0] : f32 from vector<1xf32>
        %mul3A_803 = vector.broadcast %squeeze3A_802 : f32 to vector<16xf32>
        %mul3A_804 = arith.mulf %mul3A_803, %get3A_5 : vector<16xf32>
        %slice3A_805 = vector.extract_strided_slice %mul3A_481 {offsets = [3], sizes = [1], strides = [1]} : vector<16xf32> to vector<1xf32>
        %squeeze3A_806 = vector.extract %slice3A_805[0] : f32 from vector<1xf32>
        %mul3A_807 = vector.broadcast %squeeze3A_806 : f32 to vector<16xf32>
        %mul3A_808 = arith.mulf %mul3A_807, %get3A_9 : vector<16xf32>
        %slice3A_809 = vector.extract_strided_slice %mul3A_482 {offsets = [3], sizes = [1], strides = [1]} : vector<16xf32> to vector<1xf32>
        %squeeze3A_810 = vector.extract %slice3A_809[0] : f32 from vector<1xf32>
        %mul3A_811 = vector.broadcast %squeeze3A_810 : f32 to vector<16xf32>
        %mul3A_812 = arith.mulf %mul3A_811, %get3A_13 : vector<16xf32>
        %slice3A_813 = vector.extract_strided_slice %mul3A_483 {offsets = [3], sizes = [1], strides = [1]} : vector<16xf32> to vector<1xf32>
        %squeeze3A_814 = vector.extract %slice3A_813[0] : f32 from vector<1xf32>
        %mul3A_815 = vector.broadcast %squeeze3A_814 : f32 to vector<16xf32>
        %mul3A_816 = arith.mulf %mul3A_815, %get3A_17 : vector<16xf32>
        %slice3A_817 = vector.extract_strided_slice %mul3A_484 {offsets = [3], sizes = [1], strides = [1]} : vector<16xf32> to vector<1xf32>
        %squeeze3A_818 = vector.extract %slice3A_817[0] : f32 from vector<1xf32>
        %mul3A_819 = vector.broadcast %squeeze3A_818 : f32 to vector<16xf32>
        %mul3A_820 = arith.mulf %mul3A_819, %get3A_21 : vector<16xf32>
        %slice3A_821 = vector.extract_strided_slice %mul3A_485 {offsets = [3], sizes = [1], strides = [1]} : vector<16xf32> to vector<1xf32>
        %squeeze3A_822 = vector.extract %slice3A_821[0] : f32 from vector<1xf32>
        %mul3A_823 = vector.broadcast %squeeze3A_822 : f32 to vector<16xf32>
        %mul3A_824 = arith.mulf %mul3A_823, %get3A_25 : vector<16xf32>
        %slice3A_825 = vector.extract_strided_slice %mul3A_486 {offsets = [3], sizes = [1], strides = [1]} : vector<16xf32> to vector<1xf32>
        %squeeze3A_826 = vector.extract %slice3A_825[0] : f32 from vector<1xf32>
        %mul3A_827 = vector.broadcast %squeeze3A_826 : f32 to vector<16xf32>
        %mul3A_828 = arith.mulf %mul3A_827, %get3A_29 : vector<16xf32>
        %slice3A_829 = vector.extract_strided_slice %mul3A_487 {offsets = [3], sizes = [1], strides = [1]} : vector<16xf32> to vector<1xf32>
        %squeeze3A_830 = vector.extract %slice3A_829[0] : f32 from vector<1xf32>
        %mul3A_831 = vector.broadcast %squeeze3A_830 : f32 to vector<16xf32>
        %mul3A_832 = arith.mulf %mul3A_831, %get3A_33 : vector<16xf32>
        %slice3A_833 = vector.extract_strided_slice %mul3A_480 {offsets = [3], sizes = [1], strides = [1]} : vector<16xf32> to vector<1xf32>
        %squeeze3A_834 = vector.extract %slice3A_833[0] : f32 from vector<1xf32>
        %mul3A_835 = vector.broadcast %squeeze3A_834 : f32 to vector<16xf32>
        %mul3A_836 = arith.mulf %mul3A_835, %get3A_37 : vector<16xf32>
        %slice3A_837 = vector.extract_strided_slice %mul3A_481 {offsets = [3], sizes = [1], strides = [1]} : vector<16xf32> to vector<1xf32>
        %squeeze3A_838 = vector.extract %slice3A_837[0] : f32 from vector<1xf32>
        %mul3A_839 = vector.broadcast %squeeze3A_838 : f32 to vector<16xf32>
        %mul3A_840 = arith.mulf %mul3A_839, %get3A_41 : vector<16xf32>
        %slice3A_841 = vector.extract_strided_slice %mul3A_482 {offsets = [3], sizes = [1], strides = [1]} : vector<16xf32> to vector<1xf32>
        %squeeze3A_842 = vector.extract %slice3A_841[0] : f32 from vector<1xf32>
        %mul3A_843 = vector.broadcast %squeeze3A_842 : f32 to vector<16xf32>
        %mul3A_844 = arith.mulf %mul3A_843, %get3A_45 : vector<16xf32>
        %slice3A_845 = vector.extract_strided_slice %mul3A_483 {offsets = [3], sizes = [1], strides = [1]} : vector<16xf32> to vector<1xf32>
        %squeeze3A_846 = vector.extract %slice3A_845[0] : f32 from vector<1xf32>
        %mul3A_847 = vector.broadcast %squeeze3A_846 : f32 to vector<16xf32>
        %mul3A_848 = arith.mulf %mul3A_847, %get3A_49 : vector<16xf32>
        %slice3A_849 = vector.extract_strided_slice %mul3A_484 {offsets = [3], sizes = [1], strides = [1]} : vector<16xf32> to vector<1xf32>
        %squeeze3A_850 = vector.extract %slice3A_849[0] : f32 from vector<1xf32>
        %mul3A_851 = vector.broadcast %squeeze3A_850 : f32 to vector<16xf32>
        %mul3A_852 = arith.mulf %mul3A_851, %get3A_53 : vector<16xf32>
        %slice3A_853 = vector.extract_strided_slice %mul3A_485 {offsets = [3], sizes = [1], strides = [1]} : vector<16xf32> to vector<1xf32>
        %squeeze3A_854 = vector.extract %slice3A_853[0] : f32 from vector<1xf32>
        %mul3A_855 = vector.broadcast %squeeze3A_854 : f32 to vector<16xf32>
        %mul3A_856 = arith.mulf %mul3A_855, %get3A_57 : vector<16xf32>
        %slice3A_857 = vector.extract_strided_slice %mul3A_486 {offsets = [3], sizes = [1], strides = [1]} : vector<16xf32> to vector<1xf32>
        %squeeze3A_858 = vector.extract %slice3A_857[0] : f32 from vector<1xf32>
        %mul3A_859 = vector.broadcast %squeeze3A_858 : f32 to vector<16xf32>
        %mul3A_860 = arith.mulf %mul3A_859, %get3A_61 : vector<16xf32>
        %slice3A_861 = vector.extract_strided_slice %mul3A_487 {offsets = [3], sizes = [1], strides = [1]} : vector<16xf32> to vector<1xf32>
        %squeeze3A_862 = vector.extract %slice3A_861[0] : f32 from vector<1xf32>
        %mul3A_863 = vector.broadcast %squeeze3A_862 : f32 to vector<16xf32>
        %mul3A_864 = arith.mulf %mul3A_863, %get3A_65 : vector<16xf32>
        %add3A_865 = arith.addf %mul3A_804, %mul3A_808 : vector<16xf32>
        %add3A_866 = arith.addf %mul3A_812, %mul3A_816 : vector<16xf32>
        %add3A_867 = arith.addf %add3A_865, %add3A_866 : vector<16xf32>
        %add3A_868 = arith.addf %mul3A_820, %mul3A_824 : vector<16xf32>
        %add3A_869 = arith.addf %mul3A_828, %mul3A_832 : vector<16xf32>
        %add3A_870 = arith.addf %add3A_868, %add3A_869 : vector<16xf32>
        %add3A_871 = arith.addf %add3A_867, %add3A_870 : vector<16xf32>
        %add3A_872 = arith.addf %mul3A_836, %mul3A_840 : vector<16xf32>
        %add3A_873 = arith.addf %mul3A_844, %mul3A_848 : vector<16xf32>
        %add3A_874 = arith.addf %add3A_872, %add3A_873 : vector<16xf32>
        %add3A_875 = arith.addf %mul3A_852, %mul3A_856 : vector<16xf32>
        %add3A_876 = arith.addf %mul3A_860, %mul3A_864 : vector<16xf32>
        %add3A_877 = arith.addf %add3A_875, %add3A_876 : vector<16xf32>
        %add3A_878 = arith.addf %add3A_874, %add3A_877 : vector<16xf32>
        %get3A_879 = arith.constant 1 : i32
        %get3A_880 = arith.index_cast %get3A_879 : i32 to index
        %get3A_881 = arith.index_cast %add3A_800 : i32 to index
        %get3A_882 = arith.constant 0 : index
        %get3A_883 = tpu.vector_load %arg8[%get3A_880, %get3A_881, %get3A_882] {strides = array<i32>} : memref<2x512x32xf32, #tpu.memory_space<vmem>>, vector<16xf32>,
        %swap3A_884 = arith.index_cast %add3A_800 : i32 to index
        %swap3A_885 = arith.constant 0 : index
        %swap3A_886 = tpu.vector_load %arg10[%swap3A_884, %swap3A_885] {strides = array<i32>} : memref<512x64xf32, #tpu.memory_space<vmem>>, vector<16xf32>,
        tpu.vector_store %arg10[%swap3A_884, %swap3A_885], %get3A_883 {strides = array<i32>} : memref<512x64xf32, #tpu.memory_space<vmem>>, vector<16xf32>,
        %get3A_887 = arith.constant 1 : i32
        %get3A_888 = arith.index_cast %get3A_887 : i32 to index
        %get3A_889 = arith.index_cast %add3A_800 : i32 to index
        %get3A_890 = arith.constant 16 : index
        %get3A_891 = tpu.vector_load %arg8[%get3A_888, %get3A_889, %get3A_890] {strides = array<i32>} : memref<2x512x32xf32, #tpu.memory_space<vmem>>, vector<16xf32>,
        %swap3A_892 = arith.index_cast %add3A_800 : i32 to index
        %swap3A_893 = arith.constant 16 : index
        %swap3A_894 = tpu.vector_load %arg10[%swap3A_892, %swap3A_893] {strides = array<i32>} : memref<512x64xf32, #tpu.memory_space<vmem>>, vector<16xf32>,
        tpu.vector_store %arg10[%swap3A_892, %swap3A_893], %get3A_891 {strides = array<i32>} : memref<512x64xf32, #tpu.memory_space<vmem>>, vector<16xf32>,
        %swap3A_895 = arith.index_cast %add3A_800 : i32 to index
        %swap3A_896 = arith.constant 32 : index
        %swap3A_897 = tpu.vector_load %arg10[%swap3A_895, %swap3A_896] {strides = array<i32>} : memref<512x64xf32, #tpu.memory_space<vmem>>, vector<16xf32>,
        tpu.vector_store %arg10[%swap3A_895, %swap3A_896], %add3A_871 {strides = array<i32>} : memref<512x64xf32, #tpu.memory_space<vmem>>, vector<16xf32>,
        %swap3A_898 = arith.index_cast %add3A_800 : i32 to index
        %swap3A_899 = arith.constant 48 : index
        %swap3A_900 = tpu.vector_load %arg10[%swap3A_898, %swap3A_899] {strides = array<i32>} : memref<512x64xf32, #tpu.memory_space<vmem>>, vector<16xf32>,
        tpu.vector_store %arg10[%swap3A_898, %swap3A_899], %add3A_878 {strides = array<i32>} : memref<512x64xf32, #tpu.memory_space<vmem>>, vector<16xf32>,
        %mul3A_901 = arith.constant 16 : i32
        %mul3A_902 = arith.muli %scan3A_422, %mul3A_901 : i32
        %add3A_903 = arith.constant 4 : i32
        %add3A_904 = arith.addi %mul3A_902, %add3A_903 : i32
        %slice3A_905 = vector.extract_strided_slice %mul3A_480 {offsets = [4], sizes = [1], strides = [1]} : vector<16xf32> to vector<1xf32>
        %squeeze3A_906 = vector.extract %slice3A_905[0] : f32 from vector<1xf32>
        %mul3A_907 = vector.broadcast %squeeze3A_906 : f32 to vector<16xf32>
        %mul3A_908 = arith.mulf %mul3A_907, %get3A_5 : vector<16xf32>
        %slice3A_909 = vector.extract_strided_slice %mul3A_481 {offsets = [4], sizes = [1], strides = [1]} : vector<16xf32> to vector<1xf32>
        %squeeze3A_910 = vector.extract %slice3A_909[0] : f32 from vector<1xf32>
        %mul3A_911 = vector.broadcast %squeeze3A_910 : f32 to vector<16xf32>
        %mul3A_912 = arith.mulf %mul3A_911, %get3A_9 : vector<16xf32>
        %slice3A_913 = vector.extract_strided_slice %mul3A_482 {offsets = [4], sizes = [1], strides = [1]} : vector<16xf32> to vector<1xf32>
        %squeeze3A_914 = vector.extract %slice3A_913[0] : f32 from vector<1xf32>
        %mul3A_915 = vector.broadcast %squeeze3A_914 : f32 to vector<16xf32>
        %mul3A_916 = arith.mulf %mul3A_915, %get3A_13 : vector<16xf32>
        %slice3A_917 = vector.extract_strided_slice %mul3A_483 {offsets = [4], sizes = [1], strides = [1]} : vector<16xf32> to vector<1xf32>
        %squeeze3A_918 = vector.extract %slice3A_917[0] : f32 from vector<1xf32>
        %mul3A_919 = vector.broadcast %squeeze3A_918 : f32 to vector<16xf32>
        %mul3A_920 = arith.mulf %mul3A_919, %get3A_17 : vector<16xf32>
        %slice3A_921 = vector.extract_strided_slice %mul3A_484 {offsets = [4], sizes = [1], strides = [1]} : vector<16xf32> to vector<1xf32>
        %squeeze3A_922 = vector.extract %slice3A_921[0] : f32 from vector<1xf32>
        %mul3A_923 = vector.broadcast %squeeze3A_922 : f32 to vector<16xf32>
        %mul3A_924 = arith.mulf %mul3A_923, %get3A_21 : vector<16xf32>
        %slice3A_925 = vector.extract_strided_slice %mul3A_485 {offsets = [4], sizes = [1], strides = [1]} : vector<16xf32> to vector<1xf32>
        %squeeze3A_926 = vector.extract %slice3A_925[0] : f32 from vector<1xf32>
        %mul3A_927 = vector.broadcast %squeeze3A_926 : f32 to vector<16xf32>
        %mul3A_928 = arith.mulf %mul3A_927, %get3A_25 : vector<16xf32>
        %slice3A_929 = vector.extract_strided_slice %mul3A_486 {offsets = [4], sizes = [1], strides = [1]} : vector<16xf32> to vector<1xf32>
        %squeeze3A_930 = vector.extract %slice3A_929[0] : f32 from vector<1xf32>
        %mul3A_931 = vector.broadcast %squeeze3A_930 : f32 to vector<16xf32>
        %mul3A_932 = arith.mulf %mul3A_931, %get3A_29 : vector<16xf32>
        %slice3A_933 = vector.extract_strided_slice %mul3A_487 {offsets = [4], sizes = [1], strides = [1]} : vector<16xf32> to vector<1xf32>
        %squeeze3A_934 = vector.extract %slice3A_933[0] : f32 from vector<1xf32>
        %mul3A_935 = vector.broadcast %squeeze3A_934 : f32 to vector<16xf32>
        %mul3A_936 = arith.mulf %mul3A_935, %get3A_33 : vector<16xf32>
        %slice3A_937 = vector.extract_strided_slice %mul3A_480 {offsets = [4], sizes = [1], strides = [1]} : vector<16xf32> to vector<1xf32>
        %squeeze3A_938 = vector.extract %slice3A_937[0] : f32 from vector<1xf32>
        %mul3A_939 = vector.broadcast %squeeze3A_938 : f32 to vector<16xf32>
        %mul3A_940 = arith.mulf %mul3A_939, %get3A_37 : vector<16xf32>
        %slice3A_941 = vector.extract_strided_slice %mul3A_481 {offsets = [4], sizes = [1], strides = [1]} : vector<16xf32> to vector<1xf32>
        %squeeze3A_942 = vector.extract %slice3A_941[0] : f32 from vector<1xf32>
        %mul3A_943 = vector.broadcast %squeeze3A_942 : f32 to vector<16xf32>
        %mul3A_944 = arith.mulf %mul3A_943, %get3A_41 : vector<16xf32>
        %slice3A_945 = vector.extract_strided_slice %mul3A_482 {offsets = [4], sizes = [1], strides = [1]} : vector<16xf32> to vector<1xf32>
        %squeeze3A_946 = vector.extract %slice3A_945[0] : f32 from vector<1xf32>
        %mul3A_947 = vector.broadcast %squeeze3A_946 : f32 to vector<16xf32>
        %mul3A_948 = arith.mulf %mul3A_947, %get3A_45 : vector<16xf32>
        %slice3A_949 = vector.extract_strided_slice %mul3A_483 {offsets = [4], sizes = [1], strides = [1]} : vector<16xf32> to vector<1xf32>
        %squeeze3A_950 = vector.extract %slice3A_949[0] : f32 from vector<1xf32>
        %mul3A_951 = vector.broadcast %squeeze3A_950 : f32 to vector<16xf32>
        %mul3A_952 = arith.mulf %mul3A_951, %get3A_49 : vector<16xf32>
        %slice3A_953 = vector.extract_strided_slice %mul3A_484 {offsets = [4], sizes = [1], strides = [1]} : vector<16xf32> to vector<1xf32>
        %squeeze3A_954 = vector.extract %slice3A_953[0] : f32 from vector<1xf32>
        %mul3A_955 = vector.broadcast %squeeze3A_954 : f32 to vector<16xf32>
        %mul3A_956 = arith.mulf %mul3A_955, %get3A_53 : vector<16xf32>
        %slice3A_957 = vector.extract_strided_slice %mul3A_485 {offsets = [4], sizes = [1], strides = [1]} : vector<16xf32> to vector<1xf32>
        %squeeze3A_958 = vector.extract %slice3A_957[0] : f32 from vector<1xf32>
        %mul3A_959 = vector.broadcast %squeeze3A_958 : f32 to vector<16xf32>
        %mul3A_960 = arith.mulf %mul3A_959, %get3A_57 : vector<16xf32>
        %slice3A_961 = vector.extract_strided_slice %mul3A_486 {offsets = [4], sizes = [1], strides = [1]} : vector<16xf32> to vector<1xf32>
        %squeeze3A_962 = vector.extract %slice3A_961[0] : f32 from vector<1xf32>
        %mul3A_963 = vector.broadcast %squeeze3A_962 : f32 to vector<16xf32>
        %mul3A_964 = arith.mulf %mul3A_963, %get3A_61 : vector<16xf32>
        %slice3A_965 = vector.extract_strided_slice %mul3A_487 {offsets = [4], sizes = [1], strides = [1]} : vector<16xf32> to vector<1xf32>
        %squeeze3A_966 = vector.extract %slice3A_965[0] : f32 from vector<1xf32>
        %mul3A_967 = vector.broadcast %squeeze3A_966 : f32 to vector<16xf32>
        %mul3A_968 = arith.mulf %mul3A_967, %get3A_65 : vector<16xf32>
        %add3A_969 = arith.addf %mul3A_908, %mul3A_912 : vector<16xf32>
        %add3A_970 = arith.addf %mul3A_916, %mul3A_920 : vector<16xf32>
        %add3A_971 = arith.addf %add3A_969, %add3A_970 : vector<16xf32>
        %add3A_972 = arith.addf %mul3A_924, %mul3A_928 : vector<16xf32>
        %add3A_973 = arith.addf %mul3A_932, %mul3A_936 : vector<16xf32>
        %add3A_974 = arith.addf %add3A_972, %add3A_973 : vector<16xf32>
        %add3A_975 = arith.addf %add3A_971, %add3A_974 : vector<16xf32>
        %add3A_976 = arith.addf %mul3A_940, %mul3A_944 : vector<16xf32>
        %add3A_977 = arith.addf %mul3A_948, %mul3A_952 : vector<16xf32>
        %add3A_978 = arith.addf %add3A_976, %add3A_977 : vector<16xf32>
        %add3A_979 = arith.addf %mul3A_956, %mul3A_960 : vector<16xf32>
        %add3A_980 = arith.addf %mul3A_964, %mul3A_968 : vector<16xf32>
        %add3A_981 = arith.addf %add3A_979, %add3A_980 : vector<16xf32>
        %add3A_982 = arith.addf %add3A_978, %add3A_981 : vector<16xf32>
        %get3A_983 = arith.constant 1 : i32
        %get3A_984 = arith.index_cast %get3A_983 : i32 to index
        %get3A_985 = arith.index_cast %add3A_904 : i32 to index
        %get3A_986 = arith.constant 0 : index
        %get3A_987 = tpu.vector_load %arg8[%get3A_984, %get3A_985, %get3A_986] {strides = array<i32>} : memref<2x512x32xf32, #tpu.memory_space<vmem>>, vector<16xf32>,
        %swap3A_988 = arith.index_cast %add3A_904 : i32 to index
        %swap3A_989 = arith.constant 0 : index
        %swap3A_990 = tpu.vector_load %arg10[%swap3A_988, %swap3A_989] {strides = array<i32>} : memref<512x64xf32, #tpu.memory_space<vmem>>, vector<16xf32>,
        tpu.vector_store %arg10[%swap3A_988, %swap3A_989], %get3A_987 {strides = array<i32>} : memref<512x64xf32, #tpu.memory_space<vmem>>, vector<16xf32>,
        %get3A_991 = arith.constant 1 : i32
        %get3A_992 = arith.index_cast %get3A_991 : i32 to index
        %get3A_993 = arith.index_cast %add3A_904 : i32 to index
        %get3A_994 = arith.constant 16 : index
        %get3A_995 = tpu.vector_load %arg8[%get3A_992, %get3A_993, %get3A_994] {strides = array<i32>} : memref<2x512x32xf32, #tpu.memory_space<vmem>>, vector<16xf32>,
        %swap3A_996 = arith.index_cast %add3A_904 : i32 to index
        %swap3A_997 = arith.constant 16 : index
        %swap3A_998 = tpu.vector_load %arg10[%swap3A_996, %swap3A_997] {strides = array<i32>} : memref<512x64xf32, #tpu.memory_space<vmem>>, vector<16xf32>,
        tpu.vector_store %arg10[%swap3A_996, %swap3A_997], %get3A_995 {strides = array<i32>} : memref<512x64xf32, #tpu.memory_space<vmem>>, vector<16xf32>,
        %swap3A_999 = arith.index_cast %add3A_904 : i32 to index
        %swap3A_1000 = arith.constant 32 : index
        %swap3A_1001 = tpu.vector_load %arg10[%swap3A_999, %swap3A_1000] {strides = array<i32>} : memref<512x64xf32, #tpu.memory_space<vmem>>, vector<16xf32>,
        tpu.vector_store %arg10[%swap3A_999, %swap3A_1000], %add3A_975 {strides = array<i32>} : memref<512x64xf32, #tpu.memory_space<vmem>>, vector<16xf32>,
        %swap3A_1002 = arith.index_cast %add3A_904 : i32 to index
        %swap3A_1003 = arith.constant 48 : index
        %swap3A_1004 = tpu.vector_load %arg10[%swap3A_1002, %swap3A_1003] {strides = array<i32>} : memref<512x64xf32, #tpu.memory_space<vmem>>, vector<16xf32>,
        tpu.vector_store %arg10[%swap3A_1002, %swap3A_1003], %add3A_982 {strides = array<i32>} : memref<512x64xf32, #tpu.memory_space<vmem>>, vector<16xf32>,
        %mul3A_1005 = arith.constant 16 : i32
        %mul3A_1006 = arith.muli %scan3A_422, %mul3A_1005 : i32
        %add3A_1007 = arith.constant 5 : i32
        %add3A_1008 = arith.addi %mul3A_1006, %add3A_1007 : i32
        %slice3A_1009 = vector.extract_strided_slice %mul3A_480 {offsets = [5], sizes = [1], strides = [1]} : vector<16xf32> to vector<1xf32>
        %squeeze3A_1010 = vector.extract %slice3A_1009[0] : f32 from vector<1xf32>
        %mul3A_1011 = vector.broadcast %squeeze3A_1010 : f32 to vector<16xf32>
        %mul3A_1012 = arith.mulf %mul3A_1011, %get3A_5 : vector<16xf32>
        %slice3A_1013 = vector.extract_strided_slice %mul3A_481 {offsets = [5], sizes = [1], strides = [1]} : vector<16xf32> to vector<1xf32>
        %squeeze3A_1014 = vector.extract %slice3A_1013[0] : f32 from vector<1xf32>
        %mul3A_1015 = vector.broadcast %squeeze3A_1014 : f32 to vector<16xf32>
        %mul3A_1016 = arith.mulf %mul3A_1015, %get3A_9 : vector<16xf32>
        %slice3A_1017 = vector.extract_strided_slice %mul3A_482 {offsets = [5], sizes = [1], strides = [1]} : vector<16xf32> to vector<1xf32>
        %squeeze3A_1018 = vector.extract %slice3A_1017[0] : f32 from vector<1xf32>
        %mul3A_1019 = vector.broadcast %squeeze3A_1018 : f32 to vector<16xf32>
        %mul3A_1020 = arith.mulf %mul3A_1019, %get3A_13 : vector<16xf32>
        %slice3A_1021 = vector.extract_strided_slice %mul3A_483 {offsets = [5], sizes = [1], strides = [1]} : vector<16xf32> to vector<1xf32>
        %squeeze3A_1022 = vector.extract %slice3A_1021[0] : f32 from vector<1xf32>
        %mul3A_1023 = vector.broadcast %squeeze3A_1022 : f32 to vector<16xf32>
        %mul3A_1024 = arith.mulf %mul3A_1023, %get3A_17 : vector<16xf32>
        %slice3A_1025 = vector.extract_strided_slice %mul3A_484 {offsets = [5], sizes = [1], strides = [1]} : vector<16xf32> to vector<1xf32>
        %squeeze3A_1026 = vector.extract %slice3A_1025[0] : f32 from vector<1xf32>
        %mul3A_1027 = vector.broadcast %squeeze3A_1026 : f32 to vector<16xf32>
        %mul3A_1028 = arith.mulf %mul3A_1027, %get3A_21 : vector<16xf32>
        %slice3A_1029 = vector.extract_strided_slice %mul3A_485 {offsets = [5], sizes = [1], strides = [1]} : vector<16xf32> to vector<1xf32>
        %squeeze3A_1030 = vector.extract %slice3A_1029[0] : f32 from vector<1xf32>
        %mul3A_1031 = vector.broadcast %squeeze3A_1030 : f32 to vector<16xf32>
        %mul3A_1032 = arith.mulf %mul3A_1031, %get3A_25 : vector<16xf32>
        %slice3A_1033 = vector.extract_strided_slice %mul3A_486 {offsets = [5], sizes = [1], strides = [1]} : vector<16xf32> to vector<1xf32>
        %squeeze3A_1034 = vector.extract %slice3A_1033[0] : f32 from vector<1xf32>
        %mul3A_1035 = vector.broadcast %squeeze3A_1034 : f32 to vector<16xf32>
        %mul3A_1036 = arith.mulf %mul3A_1035, %get3A_29 : vector<16xf32>
        %slice3A_1037 = vector.extract_strided_slice %mul3A_487 {offsets = [5], sizes = [1], strides = [1]} : vector<16xf32> to vector<1xf32>
        %squeeze3A_1038 = vector.extract %slice3A_1037[0] : f32 from vector<1xf32>
        %mul3A_1039 = vector.broadcast %squeeze3A_1038 : f32 to vector<16xf32>
        %mul3A_1040 = arith.mulf %mul3A_1039, %get3A_33 : vector<16xf32>
        %slice3A_1041 = vector.extract_strided_slice %mul3A_480 {offsets = [5], sizes = [1], strides = [1]} : vector<16xf32> to vector<1xf32>
        %squeeze3A_1042 = vector.extract %slice3A_1041[0] : f32 from vector<1xf32>
        %mul3A_1043 = vector.broadcast %squeeze3A_1042 : f32 to vector<16xf32>
        %mul3A_1044 = arith.mulf %mul3A_1043, %get3A_37 : vector<16xf32>
        %slice3A_1045 = vector.extract_strided_slice %mul3A_481 {offsets = [5], sizes = [1], strides = [1]} : vector<16xf32> to vector<1xf32>
        %squeeze3A_1046 = vector.extract %slice3A_1045[0] : f32 from vector<1xf32>
        %mul3A_1047 = vector.broadcast %squeeze3A_1046 : f32 to vector<16xf32>
        %mul3A_1048 = arith.mulf %mul3A_1047, %get3A_41 : vector<16xf32>
        %slice3A_1049 = vector.extract_strided_slice %mul3A_482 {offsets = [5], sizes = [1], strides = [1]} : vector<16xf32> to vector<1xf32>
        %squeeze3A_1050 = vector.extract %slice3A_1049[0] : f32 from vector<1xf32>
        %mul3A_1051 = vector.broadcast %squeeze3A_1050 : f32 to vector<16xf32>
        %mul3A_1052 = arith.mulf %mul3A_1051, %get3A_45 : vector<16xf32>
        %slice3A_1053 = vector.extract_strided_slice %mul3A_483 {offsets = [5], sizes = [1], strides = [1]} : vector<16xf32> to vector<1xf32>
        %squeeze3A_1054 = vector.extract %slice3A_1053[0] : f32 from vector<1xf32>
        %mul3A_1055 = vector.broadcast %squeeze3A_1054 : f32 to vector<16xf32>
        %mul3A_1056 = arith.mulf %mul3A_1055, %get3A_49 : vector<16xf32>
        %slice3A_1057 = vector.extract_strided_slice %mul3A_484 {offsets = [5], sizes = [1], strides = [1]} : vector<16xf32> to vector<1xf32>
        %squeeze3A_1058 = vector.extract %slice3A_1057[0] : f32 from vector<1xf32>
        %mul3A_1059 = vector.broadcast %squeeze3A_1058 : f32 to vector<16xf32>
        %mul3A_1060 = arith.mulf %mul3A_1059, %get3A_53 : vector<16xf32>
        %slice3A_1061 = vector.extract_strided_slice %mul3A_485 {offsets = [5], sizes = [1], strides = [1]} : vector<16xf32> to vector<1xf32>
        %squeeze3A_1062 = vector.extract %slice3A_1061[0] : f32 from vector<1xf32>
        %mul3A_1063 = vector.broadcast %squeeze3A_1062 : f32 to vector<16xf32>
        %mul3A_1064 = arith.mulf %mul3A_1063, %get3A_57 : vector<16xf32>
        %slice3A_1065 = vector.extract_strided_slice %mul3A_486 {offsets = [5], sizes = [1], strides = [1]} : vector<16xf32> to vector<1xf32>
        %squeeze3A_1066 = vector.extract %slice3A_1065[0] : f32 from vector<1xf32>
        %mul3A_1067 = vector.broadcast %squeeze3A_1066 : f32 to vector<16xf32>
        %mul3A_1068 = arith.mulf %mul3A_1067, %get3A_61 : vector<16xf32>
        %slice3A_1069 = vector.extract_strided_slice %mul3A_487 {offsets = [5], sizes = [1], strides = [1]} : vector<16xf32> to vector<1xf32>
        %squeeze3A_1070 = vector.extract %slice3A_1069[0] : f32 from vector<1xf32>
        %mul3A_1071 = vector.broadcast %squeeze3A_1070 : f32 to vector<16xf32>
        %mul3A_1072 = arith.mulf %mul3A_1071, %get3A_65 : vector<16xf32>
        %add3A_1073 = arith.addf %mul3A_1012, %mul3A_1016 : vector<16xf32>
        %add3A_1074 = arith.addf %mul3A_1020, %mul3A_1024 : vector<16xf32>
        %add3A_1075 = arith.addf %add3A_1073, %add3A_1074 : vector<16xf32>
        %add3A_1076 = arith.addf %mul3A_1028, %mul3A_1032 : vector<16xf32>
        %add3A_1077 = arith.addf %mul3A_1036, %mul3A_1040 : vector<16xf32>
        %add3A_1078 = arith.addf %add3A_1076, %add3A_1077 : vector<16xf32>
        %add3A_1079 = arith.addf %add3A_1075, %add3A_1078 : vector<16xf32>
        %add3A_1080 = arith.addf %mul3A_1044, %mul3A_1048 : vector<16xf32>
        %add3A_1081 = arith.addf %mul3A_1052, %mul3A_1056 : vector<16xf32>
        %add3A_1082 = arith.addf %add3A_1080, %add3A_1081 : vector<16xf32>
        %add3A_1083 = arith.addf %mul3A_1060, %mul3A_1064 : vector<16xf32>
        %add3A_1084 = arith.addf %mul3A_1068, %mul3A_1072 : vector<16xf32>
        %add3A_1085 = arith.addf %add3A_1083, %add3A_1084 : vector<16xf32>
        %add3A_1086 = arith.addf %add3A_1082, %add3A_1085 : vector<16xf32>
        %get3A_1087 = arith.constant 1 : i32
        %get3A_1088 = arith.index_cast %get3A_1087 : i32 to index
        %get3A_1089 = arith.index_cast %add3A_1008 : i32 to index
        %get3A_1090 = arith.constant 0 : index
        %get3A_1091 = tpu.vector_load %arg8[%get3A_1088, %get3A_1089, %get3A_1090] {strides = array<i32>} : memref<2x512x32xf32, #tpu.memory_space<vmem>>, vector<16xf32>,
        %swap3A_1092 = arith.index_cast %add3A_1008 : i32 to index
        %swap3A_1093 = arith.constant 0 : index
        %swap3A_1094 = tpu.vector_load %arg10[%swap3A_1092, %swap3A_1093] {strides = array<i32>} : memref<512x64xf32, #tpu.memory_space<vmem>>, vector<16xf32>,
        tpu.vector_store %arg10[%swap3A_1092, %swap3A_1093], %get3A_1091 {strides = array<i32>} : memref<512x64xf32, #tpu.memory_space<vmem>>, vector<16xf32>,
        %get3A_1095 = arith.constant 1 : i32
        %get3A_1096 = arith.index_cast %get3A_1095 : i32 to index
        %get3A_1097 = arith.index_cast %add3A_1008 : i32 to index
        %get3A_1098 = arith.constant 16 : index
        %get3A_1099 = tpu.vector_load %arg8[%get3A_1096, %get3A_1097, %get3A_1098] {strides = array<i32>} : memref<2x512x32xf32, #tpu.memory_space<vmem>>, vector<16xf32>,
        %swap3A_1100 = arith.index_cast %add3A_1008 : i32 to index
        %swap3A_1101 = arith.constant 16 : index
        %swap3A_1102 = tpu.vector_load %arg10[%swap3A_1100, %swap3A_1101] {strides = array<i32>} : memref<512x64xf32, #tpu.memory_space<vmem>>, vector<16xf32>,
        tpu.vector_store %arg10[%swap3A_1100, %swap3A_1101], %get3A_1099 {strides = array<i32>} : memref<512x64xf32, #tpu.memory_space<vmem>>, vector<16xf32>,
        %swap3A_1103 = arith.index_cast %add3A_1008 : i32 to index
        %swap3A_1104 = arith.constant 32 : index
        %swap3A_1105 = tpu.vector_load %arg10[%swap3A_1103, %swap3A_1104] {strides = array<i32>} : memref<512x64xf32, #tpu.memory_space<vmem>>, vector<16xf32>,
        tpu.vector_store %arg10[%swap3A_1103, %swap3A_1104], %add3A_1079 {strides = array<i32>} : memref<512x64xf32, #tpu.memory_space<vmem>>, vector<16xf32>,
        %swap3A_1106 = arith.index_cast %add3A_1008 : i32 to index
        %swap3A_1107 = arith.constant 48 : index
        %swap3A_1108 = tpu.vector_load %arg10[%swap3A_1106, %swap3A_1107] {strides = array<i32>} : memref<512x64xf32, #tpu.memory_space<vmem>>, vector<16xf32>,
        tpu.vector_store %arg10[%swap3A_1106, %swap3A_1107], %add3A_1086 {strides = array<i32>} : memref<512x64xf32, #tpu.memory_space<vmem>>, vector<16xf32>,
        %mul3A_1109 = arith.constant 16 : i32
        %mul3A_1110 = arith.muli %scan3A_422, %mul3A_1109 : i32
        %add3A_1111 = arith.constant 6 : i32
        %add3A_1112 = arith.addi %mul3A_1110, %add3A_1111 : i32
        %slice3A_1113 = vector.extract_strided_slice %mul3A_480 {offsets = [6], sizes = [1], strides = [1]} : vector<16xf32> to vector<1xf32>
        %squeeze3A_1114 = vector.extract %slice3A_1113[0] : f32 from vector<1xf32>
        %mul3A_1115 = vector.broadcast %squeeze3A_1114 : f32 to vector<16xf32>
        %mul3A_1116 = arith.mulf %mul3A_1115, %get3A_5 : vector<16xf32>
        %slice3A_1117 = vector.extract_strided_slice %mul3A_481 {offsets = [6], sizes = [1], strides = [1]} : vector<16xf32> to vector<1xf32>
        %squeeze3A_1118 = vector.extract %slice3A_1117[0] : f32 from vector<1xf32>
        %mul3A_1119 = vector.broadcast %squeeze3A_1118 : f32 to vector<16xf32>
        %mul3A_1120 = arith.mulf %mul3A_1119, %get3A_9 : vector<16xf32>
        %slice3A_1121 = vector.extract_strided_slice %mul3A_482 {offsets = [6], sizes = [1], strides = [1]} : vector<16xf32> to vector<1xf32>
        %squeeze3A_1122 = vector.extract %slice3A_1121[0] : f32 from vector<1xf32>
        %mul3A_1123 = vector.broadcast %squeeze3A_1122 : f32 to vector<16xf32>
        %mul3A_1124 = arith.mulf %mul3A_1123, %get3A_13 : vector<16xf32>
        %slice3A_1125 = vector.extract_strided_slice %mul3A_483 {offsets = [6], sizes = [1], strides = [1]} : vector<16xf32> to vector<1xf32>
        %squeeze3A_1126 = vector.extract %slice3A_1125[0] : f32 from vector<1xf32>
        %mul3A_1127 = vector.broadcast %squeeze3A_1126 : f32 to vector<16xf32>
        %mul3A_1128 = arith.mulf %mul3A_1127, %get3A_17 : vector<16xf32>
        %slice3A_1129 = vector.extract_strided_slice %mul3A_484 {offsets = [6], sizes = [1], strides = [1]} : vector<16xf32> to vector<1xf32>
        %squeeze3A_1130 = vector.extract %slice3A_1129[0] : f32 from vector<1xf32>
        %mul3A_1131 = vector.broadcast %squeeze3A_1130 : f32 to vector<16xf32>
        %mul3A_1132 = arith.mulf %mul3A_1131, %get3A_21 : vector<16xf32>
        %slice3A_1133 = vector.extract_strided_slice %mul3A_485 {offsets = [6], sizes = [1], strides = [1]} : vector<16xf32> to vector<1xf32>
        %squeeze3A_1134 = vector.extract %slice3A_1133[0] : f32 from vector<1xf32>
        %mul3A_1135 = vector.broadcast %squeeze3A_1134 : f32 to vector<16xf32>
        %mul3A_1136 = arith.mulf %mul3A_1135, %get3A_25 : vector<16xf32>
        %slice3A_1137 = vector.extract_strided_slice %mul3A_486 {offsets = [6], sizes = [1], strides = [1]} : vector<16xf32> to vector<1xf32>
        %squeeze3A_1138 = vector.extract %slice3A_1137[0] : f32 from vector<1xf32>
        %mul3A_1139 = vector.broadcast %squeeze3A_1138 : f32 to vector<16xf32>
        %mul3A_1140 = arith.mulf %mul3A_1139, %get3A_29 : vector<16xf32>
        %slice3A_1141 = vector.extract_strided_slice %mul3A_487 {offsets = [6], sizes = [1], strides = [1]} : vector<16xf32> to vector<1xf32>
        %squeeze3A_1142 = vector.extract %slice3A_1141[0] : f32 from vector<1xf32>
        %mul3A_1143 = vector.broadcast %squeeze3A_1142 : f32 to vector<16xf32>
        %mul3A_1144 = arith.mulf %mul3A_1143, %get3A_33 : vector<16xf32>
        %slice3A_1145 = vector.extract_strided_slice %mul3A_480 {offsets = [6], sizes = [1], strides = [1]} : vector<16xf32> to vector<1xf32>
        %squeeze3A_1146 = vector.extract %slice3A_1145[0] : f32 from vector<1xf32>
        %mul3A_1147 = vector.broadcast %squeeze3A_1146 : f32 to vector<16xf32>
        %mul3A_1148 = arith.mulf %mul3A_1147, %get3A_37 : vector<16xf32>
        %slice3A_1149 = vector.extract_strided_slice %mul3A_481 {offsets = [6], sizes = [1], strides = [1]} : vector<16xf32> to vector<1xf32>
        %squeeze3A_1150 = vector.extract %slice3A_1149[0] : f32 from vector<1xf32>
        %mul3A_1151 = vector.broadcast %squeeze3A_1150 : f32 to vector<16xf32>
        %mul3A_1152 = arith.mulf %mul3A_1151, %get3A_41 : vector<16xf32>
        %slice3A_1153 = vector.extract_strided_slice %mul3A_482 {offsets = [6], sizes = [1], strides = [1]} : vector<16xf32> to vector<1xf32>
        %squeeze3A_1154 = vector.extract %slice3A_1153[0] : f32 from vector<1xf32>
        %mul3A_1155 = vector.broadcast %squeeze3A_1154 : f32 to vector<16xf32>
        %mul3A_1156 = arith.mulf %mul3A_1155, %get3A_45 : vector<16xf32>
        %slice3A_1157 = vector.extract_strided_slice %mul3A_483 {offsets = [6], sizes = [1], strides = [1]} : vector<16xf32> to vector<1xf32>
        %squeeze3A_1158 = vector.extract %slice3A_1157[0] : f32 from vector<1xf32>
        %mul3A_1159 = vector.broadcast %squeeze3A_1158 : f32 to vector<16xf32>
        %mul3A_1160 = arith.mulf %mul3A_1159, %get3A_49 : vector<16xf32>
        %slice3A_1161 = vector.extract_strided_slice %mul3A_484 {offsets = [6], sizes = [1], strides = [1]} : vector<16xf32> to vector<1xf32>
        %squeeze3A_1162 = vector.extract %slice3A_1161[0] : f32 from vector<1xf32>
        %mul3A_1163 = vector.broadcast %squeeze3A_1162 : f32 to vector<16xf32>
        %mul3A_1164 = arith.mulf %mul3A_1163, %get3A_53 : vector<16xf32>
        %slice3A_1165 = vector.extract_strided_slice %mul3A_485 {offsets = [6], sizes = [1], strides = [1]} : vector<16xf32> to vector<1xf32>
        %squeeze3A_1166 = vector.extract %slice3A_1165[0] : f32 from vector<1xf32>
        %mul3A_1167 = vector.broadcast %squeeze3A_1166 : f32 to vector<16xf32>
        %mul3A_1168 = arith.mulf %mul3A_1167, %get3A_57 : vector<16xf32>
        %slice3A_1169 = vector.extract_strided_slice %mul3A_486 {offsets = [6], sizes = [1], strides = [1]} : vector<16xf32> to vector<1xf32>
        %squeeze3A_1170 = vector.extract %slice3A_1169[0] : f32 from vector<1xf32>
        %mul3A_1171 = vector.broadcast %squeeze3A_1170 : f32 to vector<16xf32>
        %mul3A_1172 = arith.mulf %mul3A_1171, %get3A_61 : vector<16xf32>
        %slice3A_1173 = vector.extract_strided_slice %mul3A_487 {offsets = [6], sizes = [1], strides = [1]} : vector<16xf32> to vector<1xf32>
        %squeeze3A_1174 = vector.extract %slice3A_1173[0] : f32 from vector<1xf32>
        %mul3A_1175 = vector.broadcast %squeeze3A_1174 : f32 to vector<16xf32>
        %mul3A_1176 = arith.mulf %mul3A_1175, %get3A_65 : vector<16xf32>
        %add3A_1177 = arith.addf %mul3A_1116, %mul3A_1120 : vector<16xf32>
        %add3A_1178 = arith.addf %mul3A_1124, %mul3A_1128 : vector<16xf32>
        %add3A_1179 = arith.addf %add3A_1177, %add3A_1178 : vector<16xf32>
        %add3A_1180 = arith.addf %mul3A_1132, %mul3A_1136 : vector<16xf32>
        %add3A_1181 = arith.addf %mul3A_1140, %mul3A_1144 : vector<16xf32>
        %add3A_1182 = arith.addf %add3A_1180, %add3A_1181 : vector<16xf32>
        %add3A_1183 = arith.addf %add3A_1179, %add3A_1182 : vector<16xf32>
        %add3A_1184 = arith.addf %mul3A_1148, %mul3A_1152 : vector<16xf32>
        %add3A_1185 = arith.addf %mul3A_1156, %mul3A_1160 : vector<16xf32>
        %add3A_1186 = arith.addf %add3A_1184, %add3A_1185 : vector<16xf32>
        %add3A_1187 = arith.addf %mul3A_1164, %mul3A_1168 : vector<16xf32>
        %add3A_1188 = arith.addf %mul3A_1172, %mul3A_1176 : vector<16xf32>
        %add3A_1189 = arith.addf %add3A_1187, %add3A_1188 : vector<16xf32>
        %add3A_1190 = arith.addf %add3A_1186, %add3A_1189 : vector<16xf32>
        %get3A_1191 = arith.constant 1 : i32
        %get3A_1192 = arith.index_cast %get3A_1191 : i32 to index
        %get3A_1193 = arith.index_cast %add3A_1112 : i32 to index
        %get3A_1194 = arith.constant 0 : index
        %get3A_1195 = tpu.vector_load %arg8[%get3A_1192, %get3A_1193, %get3A_1194] {strides = array<i32>} : memref<2x512x32xf32, #tpu.memory_space<vmem>>, vector<16xf32>,
        %swap3A_1196 = arith.index_cast %add3A_1112 : i32 to index
        %swap3A_1197 = arith.constant 0 : index
        %swap3A_1198 = tpu.vector_load %arg10[%swap3A_1196, %swap3A_1197] {strides = array<i32>} : memref<512x64xf32, #tpu.memory_space<vmem>>, vector<16xf32>,
        tpu.vector_store %arg10[%swap3A_1196, %swap3A_1197], %get3A_1195 {strides = array<i32>} : memref<512x64xf32, #tpu.memory_space<vmem>>, vector<16xf32>,
        %get3A_1199 = arith.constant 1 : i32
        %get3A_1200 = arith.index_cast %get3A_1199 : i32 to index
        %get3A_1201 = arith.index_cast %add3A_1112 : i32 to index
        %get3A_1202 = arith.constant 16 : index
        %get3A_1203 = tpu.vector_load %arg8[%get3A_1200, %get3A_1201, %get3A_1202] {strides = array<i32>} : memref<2x512x32xf32, #tpu.memory_space<vmem>>, vector<16xf32>,
        %swap3A_1204 = arith.index_cast %add3A_1112 : i32 to index
        %swap3A_1205 = arith.constant 16 : index
        %swap3A_1206 = tpu.vector_load %arg10[%swap3A_1204, %swap3A_1205] {strides = array<i32>} : memref<512x64xf32, #tpu.memory_space<vmem>>, vector<16xf32>,
        tpu.vector_store %arg10[%swap3A_1204, %swap3A_1205], %get3A_1203 {strides = array<i32>} : memref<512x64xf32, #tpu.memory_space<vmem>>, vector<16xf32>,
        %swap3A_1207 = arith.index_cast %add3A_1112 : i32 to index
        %swap3A_1208 = arith.constant 32 : index
        %swap3A_1209 = tpu.vector_load %arg10[%swap3A_1207, %swap3A_1208] {strides = array<i32>} : memref<512x64xf32, #tpu.memory_space<vmem>>, vector<16xf32>,
        tpu.vector_store %arg10[%swap3A_1207, %swap3A_1208], %add3A_1183 {strides = array<i32>} : memref<512x64xf32, #tpu.memory_space<vmem>>, vector<16xf32>,
        %swap3A_1210 = arith.index_cast %add3A_1112 : i32 to index
        %swap3A_1211 = arith.constant 48 : index
        %swap3A_1212 = tpu.vector_load %arg10[%swap3A_1210, %swap3A_1211] {strides = array<i32>} : memref<512x64xf32, #tpu.memory_space<vmem>>, vector<16xf32>,
        tpu.vector_store %arg10[%swap3A_1210, %swap3A_1211], %add3A_1190 {strides = array<i32>} : memref<512x64xf32, #tpu.memory_space<vmem>>, vector<16xf32>,
        %mul3A_1213 = arith.constant 16 : i32
        %mul3A_1214 = arith.muli %scan3A_422, %mul3A_1213 : i32
        %add3A_1215 = arith.constant 7 : i32
        %add3A_1216 = arith.addi %mul3A_1214, %add3A_1215 : i32
        %slice3A_1217 = vector.extract_strided_slice %mul3A_480 {offsets = [7], sizes = [1], strides = [1]} : vector<16xf32> to vector<1xf32>
        %squeeze3A_1218 = vector.extract %slice3A_1217[0] : f32 from vector<1xf32>
        %mul3A_1219 = vector.broadcast %squeeze3A_1218 : f32 to vector<16xf32>
        %mul3A_1220 = arith.mulf %mul3A_1219, %get3A_5 : vector<16xf32>
        %slice3A_1221 = vector.extract_strided_slice %mul3A_481 {offsets = [7], sizes = [1], strides = [1]} : vector<16xf32> to vector<1xf32>
        %squeeze3A_1222 = vector.extract %slice3A_1221[0] : f32 from vector<1xf32>
        %mul3A_1223 = vector.broadcast %squeeze3A_1222 : f32 to vector<16xf32>
        %mul3A_1224 = arith.mulf %mul3A_1223, %get3A_9 : vector<16xf32>
        %slice3A_1225 = vector.extract_strided_slice %mul3A_482 {offsets = [7], sizes = [1], strides = [1]} : vector<16xf32> to vector<1xf32>
        %squeeze3A_1226 = vector.extract %slice3A_1225[0] : f32 from vector<1xf32>
        %mul3A_1227 = vector.broadcast %squeeze3A_1226 : f32 to vector<16xf32>
        %mul3A_1228 = arith.mulf %mul3A_1227, %get3A_13 : vector<16xf32>
        %slice3A_1229 = vector.extract_strided_slice %mul3A_483 {offsets = [7], sizes = [1], strides = [1]} : vector<16xf32> to vector<1xf32>
        %squeeze3A_1230 = vector.extract %slice3A_1229[0] : f32 from vector<1xf32>
        %mul3A_1231 = vector.broadcast %squeeze3A_1230 : f32 to vector<16xf32>
        %mul3A_1232 = arith.mulf %mul3A_1231, %get3A_17 : vector<16xf32>
        %slice3A_1233 = vector.extract_strided_slice %mul3A_484 {offsets = [7], sizes = [1], strides = [1]} : vector<16xf32> to vector<1xf32>
        %squeeze3A_1234 = vector.extract %slice3A_1233[0] : f32 from vector<1xf32>
        %mul3A_1235 = vector.broadcast %squeeze3A_1234 : f32 to vector<16xf32>
        %mul3A_1236 = arith.mulf %mul3A_1235, %get3A_21 : vector<16xf32>
        %slice3A_1237 = vector.extract_strided_slice %mul3A_485 {offsets = [7], sizes = [1], strides = [1]} : vector<16xf32> to vector<1xf32>
        %squeeze3A_1238 = vector.extract %slice3A_1237[0] : f32 from vector<1xf32>
        %mul3A_1239 = vector.broadcast %squeeze3A_1238 : f32 to vector<16xf32>
        %mul3A_1240 = arith.mulf %mul3A_1239, %get3A_25 : vector<16xf32>
        %slice3A_1241 = vector.extract_strided_slice %mul3A_486 {offsets = [7], sizes = [1], strides = [1]} : vector<16xf32> to vector<1xf32>
        %squeeze3A_1242 = vector.extract %slice3A_1241[0] : f32 from vector<1xf32>
        %mul3A_1243 = vector.broadcast %squeeze3A_1242 : f32 to vector<16xf32>
        %mul3A_1244 = arith.mulf %mul3A_1243, %get3A_29 : vector<16xf32>
        %slice3A_1245 = vector.extract_strided_slice %mul3A_487 {offsets = [7], sizes = [1], strides = [1]} : vector<16xf32> to vector<1xf32>
        %squeeze3A_1246 = vector.extract %slice3A_1245[0] : f32 from vector<1xf32>
        %mul3A_1247 = vector.broadcast %squeeze3A_1246 : f32 to vector<16xf32>
        %mul3A_1248 = arith.mulf %mul3A_1247, %get3A_33 : vector<16xf32>
        %slice3A_1249 = vector.extract_strided_slice %mul3A_480 {offsets = [7], sizes = [1], strides = [1]} : vector<16xf32> to vector<1xf32>
        %squeeze3A_1250 = vector.extract %slice3A_1249[0] : f32 from vector<1xf32>
        %mul3A_1251 = vector.broadcast %squeeze3A_1250 : f32 to vector<16xf32>
        %mul3A_1252 = arith.mulf %mul3A_1251, %get3A_37 : vector<16xf32>
        %slice3A_1253 = vector.extract_strided_slice %mul3A_481 {offsets = [7], sizes = [1], strides = [1]} : vector<16xf32> to vector<1xf32>
        %squeeze3A_1254 = vector.extract %slice3A_1253[0] : f32 from vector<1xf32>
        %mul3A_1255 = vector.broadcast %squeeze3A_1254 : f32 to vector<16xf32>
        %mul3A_1256 = arith.mulf %mul3A_1255, %get3A_41 : vector<16xf32>
        %slice3A_1257 = vector.extract_strided_slice %mul3A_482 {offsets = [7], sizes = [1], strides = [1]} : vector<16xf32> to vector<1xf32>
        %squeeze3A_1258 = vector.extract %slice3A_1257[0] : f32 from vector<1xf32>
        %mul3A_1259 = vector.broadcast %squeeze3A_1258 : f32 to vector<16xf32>
        %mul3A_1260 = arith.mulf %mul3A_1259, %get3A_45 : vector<16xf32>
        %slice3A_1261 = vector.extract_strided_slice %mul3A_483 {offsets = [7], sizes = [1], strides = [1]} : vector<16xf32> to vector<1xf32>
        %squeeze3A_1262 = vector.extract %slice3A_1261[0] : f32 from vector<1xf32>
        %mul3A_1263 = vector.broadcast %squeeze3A_1262 : f32 to vector<16xf32>
        %mul3A_1264 = arith.mulf %mul3A_1263, %get3A_49 : vector<16xf32>
        %slice3A_1265 = vector.extract_strided_slice %mul3A_484 {offsets = [7], sizes = [1], strides = [1]} : vector<16xf32> to vector<1xf32>
        %squeeze3A_1266 = vector.extract %slice3A_1265[0] : f32 from vector<1xf32>
        %mul3A_1267 = vector.broadcast %squeeze3A_1266 : f32 to vector<16xf32>
        %mul3A_1268 = arith.mulf %mul3A_1267, %get3A_53 : vector<16xf32>
        %slice3A_1269 = vector.extract_strided_slice %mul3A_485 {offsets = [7], sizes = [1], strides = [1]} : vector<16xf32> to vector<1xf32>
        %squeeze3A_1270 = vector.extract %slice3A_1269[0] : f32 from vector<1xf32>
        %mul3A_1271 = vector.broadcast %squeeze3A_1270 : f32 to vector<16xf32>
        %mul3A_1272 = arith.mulf %mul3A_1271, %get3A_57 : vector<16xf32>
        %slice3A_1273 = vector.extract_strided_slice %mul3A_486 {offsets = [7], sizes = [1], strides = [1]} : vector<16xf32> to vector<1xf32>
        %squeeze3A_1274 = vector.extract %slice3A_1273[0] : f32 from vector<1xf32>
        %mul3A_1275 = vector.broadcast %squeeze3A_1274 : f32 to vector<16xf32>
        %mul3A_1276 = arith.mulf %mul3A_1275, %get3A_61 : vector<16xf32>
        %slice3A_1277 = vector.extract_strided_slice %mul3A_487 {offsets = [7], sizes = [1], strides = [1]} : vector<16xf32> to vector<1xf32>
        %squeeze3A_1278 = vector.extract %slice3A_1277[0] : f32 from vector<1xf32>
        %mul3A_1279 = vector.broadcast %squeeze3A_1278 : f32 to vector<16xf32>
        %mul3A_1280 = arith.mulf %mul3A_1279, %get3A_65 : vector<16xf32>
        %add3A_1281 = arith.addf %mul3A_1220, %mul3A_1224 : vector<16xf32>
        %add3A_1282 = arith.addf %mul3A_1228, %mul3A_1232 : vector<16xf32>
        %add3A_1283 = arith.addf %add3A_1281, %add3A_1282 : vector<16xf32>
        %add3A_1284 = arith.addf %mul3A_1236, %mul3A_1240 : vector<16xf32>
        %add3A_1285 = arith.addf %mul3A_1244, %mul3A_1248 : vector<16xf32>
        %add3A_1286 = arith.addf %add3A_1284, %add3A_1285 : vector<16xf32>
        %add3A_1287 = arith.addf %add3A_1283, %add3A_1286 : vector<16xf32>
        %add3A_1288 = arith.addf %mul3A_1252, %mul3A_1256 : vector<16xf32>
        %add3A_1289 = arith.addf %mul3A_1260, %mul3A_1264 : vector<16xf32>
        %add3A_1290 = arith.addf %add3A_1288, %add3A_1289 : vector<16xf32>
        %add3A_1291 = arith.addf %mul3A_1268, %mul3A_1272 : vector<16xf32>
        %add3A_1292 = arith.addf %mul3A_1276, %mul3A_1280 : vector<16xf32>
        %add3A_1293 = arith.addf %add3A_1291, %add3A_1292 : vector<16xf32>
        %add3A_1294 = arith.addf %add3A_1290, %add3A_1293 : vector<16xf32>
        %get3A_1295 = arith.constant 1 : i32
        %get3A_1296 = arith.index_cast %get3A_1295 : i32 to index
        %get3A_1297 = arith.index_cast %add3A_1216 : i32 to index
        %get3A_1298 = arith.constant 0 : index
        %get3A_1299 = tpu.vector_load %arg8[%get3A_1296, %get3A_1297, %get3A_1298] {strides = array<i32>} : memref<2x512x32xf32, #tpu.memory_space<vmem>>, vector<16xf32>,
        %swap3A_1300 = arith.index_cast %add3A_1216 : i32 to index
        %swap3A_1301 = arith.constant 0 : index
        %swap3A_1302 = tpu.vector_load %arg10[%swap3A_1300, %swap3A_1301] {strides = array<i32>} : memref<512x64xf32, #tpu.memory_space<vmem>>, vector<16xf32>,
        tpu.vector_store %arg10[%swap3A_1300, %swap3A_1301], %get3A_1299 {strides = array<i32>} : memref<512x64xf32, #tpu.memory_space<vmem>>, vector<16xf32>,
        %get3A_1303 = arith.constant 1 : i32
        %get3A_1304 = arith.index_cast %get3A_1303 : i32 to index
        %get3A_1305 = arith.index_cast %add3A_1216 : i32 to index
        %get3A_1306 = arith.constant 16 : index
        %get3A_1307 = tpu.vector_load %arg8[%get3A_1304, %get3A_1305, %get3A_1306] {strides = array<i32>} : memref<2x512x32xf32, #tpu.memory_space<vmem>>, vector<16xf32>,
        %swap3A_1308 = arith.index_cast %add3A_1216 : i32 to index
        %swap3A_1309 = arith.constant 16 : index
        %swap3A_1310 = tpu.vector_load %arg10[%swap3A_1308, %swap3A_1309] {strides = array<i32>} : memref<512x64xf32, #tpu.memory_space<vmem>>, vector<16xf32>,
        tpu.vector_store %arg10[%swap3A_1308, %swap3A_1309], %get3A_1307 {strides = array<i32>} : memref<512x64xf32, #tpu.memory_space<vmem>>, vector<16xf32>,
        %swap3A_1311 = arith.index_cast %add3A_1216 : i32 to index
        %swap3A_1312 = arith.constant 32 : index
        %swap3A_1313 = tpu.vector_load %arg10[%swap3A_1311, %swap3A_1312] {strides = array<i32>} : memref<512x64xf32, #tpu.memory_space<vmem>>, vector<16xf32>,
        tpu.vector_store %arg10[%swap3A_1311, %swap3A_1312], %add3A_1287 {strides = array<i32>} : memref<512x64xf32, #tpu.memory_space<vmem>>, vector<16xf32>,
        %swap3A_1314 = arith.index_cast %add3A_1216 : i32 to index
        %swap3A_1315 = arith.constant 48 : index
        %swap3A_1316 = tpu.vector_load %arg10[%swap3A_1314, %swap3A_1315] {strides = array<i32>} : memref<512x64xf32, #tpu.memory_space<vmem>>, vector<16xf32>,
        tpu.vector_store %arg10[%swap3A_1314, %swap3A_1315], %add3A_1294 {strides = array<i32>} : memref<512x64xf32, #tpu.memory_space<vmem>>, vector<16xf32>,
        %mul3A_1317 = arith.constant 16 : i32
        %mul3A_1318 = arith.muli %scan3A_422, %mul3A_1317 : i32
        %add3A_1319 = arith.constant 8 : i32
        %add3A_1320 = arith.addi %mul3A_1318, %add3A_1319 : i32
        %slice3A_1321 = vector.extract_strided_slice %mul3A_480 {offsets = [8], sizes = [1], strides = [1]} : vector<16xf32> to vector<1xf32>
        %squeeze3A_1322 = vector.extract %slice3A_1321[0] : f32 from vector<1xf32>
        %mul3A_1323 = vector.broadcast %squeeze3A_1322 : f32 to vector<16xf32>
        %mul3A_1324 = arith.mulf %mul3A_1323, %get3A_5 : vector<16xf32>
        %slice3A_1325 = vector.extract_strided_slice %mul3A_481 {offsets = [8], sizes = [1], strides = [1]} : vector<16xf32> to vector<1xf32>
        %squeeze3A_1326 = vector.extract %slice3A_1325[0] : f32 from vector<1xf32>
        %mul3A_1327 = vector.broadcast %squeeze3A_1326 : f32 to vector<16xf32>
        %mul3A_1328 = arith.mulf %mul3A_1327, %get3A_9 : vector<16xf32>
        %slice3A_1329 = vector.extract_strided_slice %mul3A_482 {offsets = [8], sizes = [1], strides = [1]} : vector<16xf32> to vector<1xf32>
        %squeeze3A_1330 = vector.extract %slice3A_1329[0] : f32 from vector<1xf32>
        %mul3A_1331 = vector.broadcast %squeeze3A_1330 : f32 to vector<16xf32>
        %mul3A_1332 = arith.mulf %mul3A_1331, %get3A_13 : vector<16xf32>
        %slice3A_1333 = vector.extract_strided_slice %mul3A_483 {offsets = [8], sizes = [1], strides = [1]} : vector<16xf32> to vector<1xf32>
        %squeeze3A_1334 = vector.extract %slice3A_1333[0] : f32 from vector<1xf32>
        %mul3A_1335 = vector.broadcast %squeeze3A_1334 : f32 to vector<16xf32>
        %mul3A_1336 = arith.mulf %mul3A_1335, %get3A_17 : vector<16xf32>
        %slice3A_1337 = vector.extract_strided_slice %mul3A_484 {offsets = [8], sizes = [1], strides = [1]} : vector<16xf32> to vector<1xf32>
        %squeeze3A_1338 = vector.extract %slice3A_1337[0] : f32 from vector<1xf32>
        %mul3A_1339 = vector.broadcast %squeeze3A_1338 : f32 to vector<16xf32>
        %mul3A_1340 = arith.mulf %mul3A_1339, %get3A_21 : vector<16xf32>
        %slice3A_1341 = vector.extract_strided_slice %mul3A_485 {offsets = [8], sizes = [1], strides = [1]} : vector<16xf32> to vector<1xf32>
        %squeeze3A_1342 = vector.extract %slice3A_1341[0] : f32 from vector<1xf32>
        %mul3A_1343 = vector.broadcast %squeeze3A_1342 : f32 to vector<16xf32>
        %mul3A_1344 = arith.mulf %mul3A_1343, %get3A_25 : vector<16xf32>
        %slice3A_1345 = vector.extract_strided_slice %mul3A_486 {offsets = [8], sizes = [1], strides = [1]} : vector<16xf32> to vector<1xf32>
        %squeeze3A_1346 = vector.extract %slice3A_1345[0] : f32 from vector<1xf32>
        %mul3A_1347 = vector.broadcast %squeeze3A_1346 : f32 to vector<16xf32>
        %mul3A_1348 = arith.mulf %mul3A_1347, %get3A_29 : vector<16xf32>
        %slice3A_1349 = vector.extract_strided_slice %mul3A_487 {offsets = [8], sizes = [1], strides = [1]} : vector<16xf32> to vector<1xf32>
        %squeeze3A_1350 = vector.extract %slice3A_1349[0] : f32 from vector<1xf32>
        %mul3A_1351 = vector.broadcast %squeeze3A_1350 : f32 to vector<16xf32>
        %mul3A_1352 = arith.mulf %mul3A_1351, %get3A_33 : vector<16xf32>
        %slice3A_1353 = vector.extract_strided_slice %mul3A_480 {offsets = [8], sizes = [1], strides = [1]} : vector<16xf32> to vector<1xf32>
        %squeeze3A_1354 = vector.extract %slice3A_1353[0] : f32 from vector<1xf32>
        %mul3A_1355 = vector.broadcast %squeeze3A_1354 : f32 to vector<16xf32>
        %mul3A_1356 = arith.mulf %mul3A_1355, %get3A_37 : vector<16xf32>
        %slice3A_1357 = vector.extract_strided_slice %mul3A_481 {offsets = [8], sizes = [1], strides = [1]} : vector<16xf32> to vector<1xf32>
        %squeeze3A_1358 = vector.extract %slice3A_1357[0] : f32 from vector<1xf32>
        %mul3A_1359 = vector.broadcast %squeeze3A_1358 : f32 to vector<16xf32>
        %mul3A_1360 = arith.mulf %mul3A_1359, %get3A_41 : vector<16xf32>
        %slice3A_1361 = vector.extract_strided_slice %mul3A_482 {offsets = [8], sizes = [1], strides = [1]} : vector<16xf32> to vector<1xf32>
        %squeeze3A_1362 = vector.extract %slice3A_1361[0] : f32 from vector<1xf32>
        %mul3A_1363 = vector.broadcast %squeeze3A_1362 : f32 to vector<16xf32>
        %mul3A_1364 = arith.mulf %mul3A_1363, %get3A_45 : vector<16xf32>
        %slice3A_1365 = vector.extract_strided_slice %mul3A_483 {offsets = [8], sizes = [1], strides = [1]} : vector<16xf32> to vector<1xf32>
        %squeeze3A_1366 = vector.extract %slice3A_1365[0] : f32 from vector<1xf32>
        %mul3A_1367 = vector.broadcast %squeeze3A_1366 : f32 to vector<16xf32>
        %mul3A_1368 = arith.mulf %mul3A_1367, %get3A_49 : vector<16xf32>
        %slice3A_1369 = vector.extract_strided_slice %mul3A_484 {offsets = [8], sizes = [1], strides = [1]} : vector<16xf32> to vector<1xf32>
        %squeeze3A_1370 = vector.extract %slice3A_1369[0] : f32 from vector<1xf32>
        %mul3A_1371 = vector.broadcast %squeeze3A_1370 : f32 to vector<16xf32>
        %mul3A_1372 = arith.mulf %mul3A_1371, %get3A_53 : vector<16xf32>
        %slice3A_1373 = vector.extract_strided_slice %mul3A_485 {offsets = [8], sizes = [1], strides = [1]} : vector<16xf32> to vector<1xf32>
        %squeeze3A_1374 = vector.extract %slice3A_1373[0] : f32 from vector<1xf32>
        %mul3A_1375 = vector.broadcast %squeeze3A_1374 : f32 to vector<16xf32>
        %mul3A_1376 = arith.mulf %mul3A_1375, %get3A_57 : vector<16xf32>
        %slice3A_1377 = vector.extract_strided_slice %mul3A_486 {offsets = [8], sizes = [1], strides = [1]} : vector<16xf32> to vector<1xf32>
        %squeeze3A_1378 = vector.extract %slice3A_1377[0] : f32 from vector<1xf32>
        %mul3A_1379 = vector.broadcast %squeeze3A_1378 : f32 to vector<16xf32>
        %mul3A_1380 = arith.mulf %mul3A_1379, %get3A_61 : vector<16xf32>
        %slice3A_1381 = vector.extract_strided_slice %mul3A_487 {offsets = [8], sizes = [1], strides = [1]} : vector<16xf32> to vector<1xf32>
        %squeeze3A_1382 = vector.extract %slice3A_1381[0] : f32 from vector<1xf32>
        %mul3A_1383 = vector.broadcast %squeeze3A_1382 : f32 to vector<16xf32>
        %mul3A_1384 = arith.mulf %mul3A_1383, %get3A_65 : vector<16xf32>
        %add3A_1385 = arith.addf %mul3A_1324, %mul3A_1328 : vector<16xf32>
        %add3A_1386 = arith.addf %mul3A_1332, %mul3A_1336 : vector<16xf32>
        %add3A_1387 = arith.addf %add3A_1385, %add3A_1386 : vector<16xf32>
        %add3A_1388 = arith.addf %mul3A_1340, %mul3A_1344 : vector<16xf32>
        %add3A_1389 = arith.addf %mul3A_1348, %mul3A_1352 : vector<16xf32>
        %add3A_1390 = arith.addf %add3A_1388, %add3A_1389 : vector<16xf32>
        %add3A_1391 = arith.addf %add3A_1387, %add3A_1390 : vector<16xf32>
        %add3A_1392 = arith.addf %mul3A_1356, %mul3A_1360 : vector<16xf32>
        %add3A_1393 = arith.addf %mul3A_1364, %mul3A_1368 : vector<16xf32>
        %add3A_1394 = arith.addf %add3A_1392, %add3A_1393 : vector<16xf32>
        %add3A_1395 = arith.addf %mul3A_1372, %mul3A_1376 : vector<16xf32>
        %add3A_1396 = arith.addf %mul3A_1380, %mul3A_1384 : vector<16xf32>
        %add3A_1397 = arith.addf %add3A_1395, %add3A_1396 : vector<16xf32>
        %add3A_1398 = arith.addf %add3A_1394, %add3A_1397 : vector<16xf32>
        %get3A_1399 = arith.constant 1 : i32
        %get3A_1400 = arith.index_cast %get3A_1399 : i32 to index
        %get3A_1401 = arith.index_cast %add3A_1320 : i32 to index
        %get3A_1402 = arith.constant 0 : index
        %get3A_1403 = tpu.vector_load %arg8[%get3A_1400, %get3A_1401, %get3A_1402] {strides = array<i32>} : memref<2x512x32xf32, #tpu.memory_space<vmem>>, vector<16xf32>,
        %swap3A_1404 = arith.index_cast %add3A_1320 : i32 to index
        %swap3A_1405 = arith.constant 0 : index
        %swap3A_1406 = tpu.vector_load %arg10[%swap3A_1404, %swap3A_1405] {strides = array<i32>} : memref<512x64xf32, #tpu.memory_space<vmem>>, vector<16xf32>,
        tpu.vector_store %arg10[%swap3A_1404, %swap3A_1405], %get3A_1403 {strides = array<i32>} : memref<512x64xf32, #tpu.memory_space<vmem>>, vector<16xf32>,
        %get3A_1407 = arith.constant 1 : i32
        %get3A_1408 = arith.index_cast %get3A_1407 : i32 to index
        %get3A_1409 = arith.index_cast %add3A_1320 : i32 to index
        %get3A_1410 = arith.constant 16 : index
        %get3A_1411 = tpu.vector_load %arg8[%get3A_1408, %get3A_1409, %get3A_1410] {strides = array<i32>} : memref<2x512x32xf32, #tpu.memory_space<vmem>>, vector<16xf32>,
        %swap3A_1412 = arith.index_cast %add3A_1320 : i32 to index
        %swap3A_1413 = arith.constant 16 : index
        %swap3A_1414 = tpu.vector_load %arg10[%swap3A_1412, %swap3A_1413] {strides = array<i32>} : memref<512x64xf32, #tpu.memory_space<vmem>>, vector<16xf32>,
        tpu.vector_store %arg10[%swap3A_1412, %swap3A_1413], %get3A_1411 {strides = array<i32>} : memref<512x64xf32, #tpu.memory_space<vmem>>, vector<16xf32>,
        %swap3A_1415 = arith.index_cast %add3A_1320 : i32 to index
        %swap3A_1416 = arith.constant 32 : index
        %swap3A_1417 = tpu.vector_load %arg10[%swap3A_1415, %swap3A_1416] {strides = array<i32>} : memref<512x64xf32, #tpu.memory_space<vmem>>, vector<16xf32>,
        tpu.vector_store %arg10[%swap3A_1415, %swap3A_1416], %add3A_1391 {strides = array<i32>} : memref<512x64xf32, #tpu.memory_space<vmem>>, vector<16xf32>,
        %swap3A_1418 = arith.index_cast %add3A_1320 : i32 to index
        %swap3A_1419 = arith.constant 48 : index
        %swap3A_1420 = tpu.vector_load %arg10[%swap3A_1418, %swap3A_1419] {strides = array<i32>} : memref<512x64xf32, #tpu.memory_space<vmem>>, vector<16xf32>,
        tpu.vector_store %arg10[%swap3A_1418, %swap3A_1419], %add3A_1398 {strides = array<i32>} : memref<512x64xf32, #tpu.memory_space<vmem>>, vector<16xf32>,
        %mul3A_1421 = arith.constant 16 : i32
        %mul3A_1422 = arith.muli %scan3A_422, %mul3A_1421 : i32
        %add3A_1423 = arith.constant 9 : i32
        %add3A_1424 = arith.addi %mul3A_1422, %add3A_1423 : i32
        %slice3A_1425 = vector.extract_strided_slice %mul3A_480 {offsets = [9], sizes = [1], strides = [1]} : vector<16xf32> to vector<1xf32>
        %squeeze3A_1426 = vector.extract %slice3A_1425[0] : f32 from vector<1xf32>
        %mul3A_1427 = vector.broadcast %squeeze3A_1426 : f32 to vector<16xf32>
        %mul3A_1428 = arith.mulf %mul3A_1427, %get3A_5 : vector<16xf32>
        %slice3A_1429 = vector.extract_strided_slice %mul3A_481 {offsets = [9], sizes = [1], strides = [1]} : vector<16xf32> to vector<1xf32>
        %squeeze3A_1430 = vector.extract %slice3A_1429[0] : f32 from vector<1xf32>
        %mul3A_1431 = vector.broadcast %squeeze3A_1430 : f32 to vector<16xf32>
        %mul3A_1432 = arith.mulf %mul3A_1431, %get3A_9 : vector<16xf32>
        %slice3A_1433 = vector.extract_strided_slice %mul3A_482 {offsets = [9], sizes = [1], strides = [1]} : vector<16xf32> to vector<1xf32>
        %squeeze3A_1434 = vector.extract %slice3A_1433[0] : f32 from vector<1xf32>
        %mul3A_1435 = vector.broadcast %squeeze3A_1434 : f32 to vector<16xf32>
        %mul3A_1436 = arith.mulf %mul3A_1435, %get3A_13 : vector<16xf32>
        %slice3A_1437 = vector.extract_strided_slice %mul3A_483 {offsets = [9], sizes = [1], strides = [1]} : vector<16xf32> to vector<1xf32>
        %squeeze3A_1438 = vector.extract %slice3A_1437[0] : f32 from vector<1xf32>
        %mul3A_1439 = vector.broadcast %squeeze3A_1438 : f32 to vector<16xf32>
        %mul3A_1440 = arith.mulf %mul3A_1439, %get3A_17 : vector<16xf32>
        %slice3A_1441 = vector.extract_strided_slice %mul3A_484 {offsets = [9], sizes = [1], strides = [1]} : vector<16xf32> to vector<1xf32>
        %squeeze3A_1442 = vector.extract %slice3A_1441[0] : f32 from vector<1xf32>
        %mul3A_1443 = vector.broadcast %squeeze3A_1442 : f32 to vector<16xf32>
        %mul3A_1444 = arith.mulf %mul3A_1443, %get3A_21 : vector<16xf32>
        %slice3A_1445 = vector.extract_strided_slice %mul3A_485 {offsets = [9], sizes = [1], strides = [1]} : vector<16xf32> to vector<1xf32>
        %squeeze3A_1446 = vector.extract %slice3A_1445[0] : f32 from vector<1xf32>
        %mul3A_1447 = vector.broadcast %squeeze3A_1446 : f32 to vector<16xf32>
        %mul3A_1448 = arith.mulf %mul3A_1447, %get3A_25 : vector<16xf32>
        %slice3A_1449 = vector.extract_strided_slice %mul3A_486 {offsets = [9], sizes = [1], strides = [1]} : vector<16xf32> to vector<1xf32>
        %squeeze3A_1450 = vector.extract %slice3A_1449[0] : f32 from vector<1xf32>
        %mul3A_1451 = vector.broadcast %squeeze3A_1450 : f32 to vector<16xf32>
        %mul3A_1452 = arith.mulf %mul3A_1451, %get3A_29 : vector<16xf32>
        %slice3A_1453 = vector.extract_strided_slice %mul3A_487 {offsets = [9], sizes = [1], strides = [1]} : vector<16xf32> to vector<1xf32>
        %squeeze3A_1454 = vector.extract %slice3A_1453[0] : f32 from vector<1xf32>
        %mul3A_1455 = vector.broadcast %squeeze3A_1454 : f32 to vector<16xf32>
        %mul3A_1456 = arith.mulf %mul3A_1455, %get3A_33 : vector<16xf32>
        %slice3A_1457 = vector.extract_strided_slice %mul3A_480 {offsets = [9], sizes = [1], strides = [1]} : vector<16xf32> to vector<1xf32>
        %squeeze3A_1458 = vector.extract %slice3A_1457[0] : f32 from vector<1xf32>
        %mul3A_1459 = vector.broadcast %squeeze3A_1458 : f32 to vector<16xf32>
        %mul3A_1460 = arith.mulf %mul3A_1459, %get3A_37 : vector<16xf32>
        %slice3A_1461 = vector.extract_strided_slice %mul3A_481 {offsets = [9], sizes = [1], strides = [1]} : vector<16xf32> to vector<1xf32>
        %squeeze3A_1462 = vector.extract %slice3A_1461[0] : f32 from vector<1xf32>
        %mul3A_1463 = vector.broadcast %squeeze3A_1462 : f32 to vector<16xf32>
        %mul3A_1464 = arith.mulf %mul3A_1463, %get3A_41 : vector<16xf32>
        %slice3A_1465 = vector.extract_strided_slice %mul3A_482 {offsets = [9], sizes = [1], strides = [1]} : vector<16xf32> to vector<1xf32>
        %squeeze3A_1466 = vector.extract %slice3A_1465[0] : f32 from vector<1xf32>
        %mul3A_1467 = vector.broadcast %squeeze3A_1466 : f32 to vector<16xf32>
        %mul3A_1468 = arith.mulf %mul3A_1467, %get3A_45 : vector<16xf32>
        %slice3A_1469 = vector.extract_strided_slice %mul3A_483 {offsets = [9], sizes = [1], strides = [1]} : vector<16xf32> to vector<1xf32>
        %squeeze3A_1470 = vector.extract %slice3A_1469[0] : f32 from vector<1xf32>
        %mul3A_1471 = vector.broadcast %squeeze3A_1470 : f32 to vector<16xf32>
        %mul3A_1472 = arith.mulf %mul3A_1471, %get3A_49 : vector<16xf32>
        %slice3A_1473 = vector.extract_strided_slice %mul3A_484 {offsets = [9], sizes = [1], strides = [1]} : vector<16xf32> to vector<1xf32>
        %squeeze3A_1474 = vector.extract %slice3A_1473[0] : f32 from vector<1xf32>
        %mul3A_1475 = vector.broadcast %squeeze3A_1474 : f32 to vector<16xf32>
        %mul3A_1476 = arith.mulf %mul3A_1475, %get3A_53 : vector<16xf32>
        %slice3A_1477 = vector.extract_strided_slice %mul3A_485 {offsets = [9], sizes = [1], strides = [1]} : vector<16xf32> to vector<1xf32>
        %squeeze3A_1478 = vector.extract %slice3A_1477[0] : f32 from vector<1xf32>
        %mul3A_1479 = vector.broadcast %squeeze3A_1478 : f32 to vector<16xf32>
        %mul3A_1480 = arith.mulf %mul3A_1479, %get3A_57 : vector<16xf32>
        %slice3A_1481 = vector.extract_strided_slice %mul3A_486 {offsets = [9], sizes = [1], strides = [1]} : vector<16xf32> to vector<1xf32>
        %squeeze3A_1482 = vector.extract %slice3A_1481[0] : f32 from vector<1xf32>
        %mul3A_1483 = vector.broadcast %squeeze3A_1482 : f32 to vector<16xf32>
        %mul3A_1484 = arith.mulf %mul3A_1483, %get3A_61 : vector<16xf32>
        %slice3A_1485 = vector.extract_strided_slice %mul3A_487 {offsets = [9], sizes = [1], strides = [1]} : vector<16xf32> to vector<1xf32>
        %squeeze3A_1486 = vector.extract %slice3A_1485[0] : f32 from vector<1xf32>
        %mul3A_1487 = vector.broadcast %squeeze3A_1486 : f32 to vector<16xf32>
        %mul3A_1488 = arith.mulf %mul3A_1487, %get3A_65 : vector<16xf32>
        %add3A_1489 = arith.addf %mul3A_1428, %mul3A_1432 : vector<16xf32>
        %add3A_1490 = arith.addf %mul3A_1436, %mul3A_1440 : vector<16xf32>
        %add3A_1491 = arith.addf %add3A_1489, %add3A_1490 : vector<16xf32>
        %add3A_1492 = arith.addf %mul3A_1444, %mul3A_1448 : vector<16xf32>
        %add3A_1493 = arith.addf %mul3A_1452, %mul3A_1456 : vector<16xf32>
        %add3A_1494 = arith.addf %add3A_1492, %add3A_1493 : vector<16xf32>
        %add3A_1495 = arith.addf %add3A_1491, %add3A_1494 : vector<16xf32>
        %add3A_1496 = arith.addf %mul3A_1460, %mul3A_1464 : vector<16xf32>
        %add3A_1497 = arith.addf %mul3A_1468, %mul3A_1472 : vector<16xf32>
        %add3A_1498 = arith.addf %add3A_1496, %add3A_1497 : vector<16xf32>
        %add3A_1499 = arith.addf %mul3A_1476, %mul3A_1480 : vector<16xf32>
        %add3A_1500 = arith.addf %mul3A_1484, %mul3A_1488 : vector<16xf32>
        %add3A_1501 = arith.addf %add3A_1499, %add3A_1500 : vector<16xf32>
        %add3A_1502 = arith.addf %add3A_1498, %add3A_1501 : vector<16xf32>
        %get3A_1503 = arith.constant 1 : i32
        %get3A_1504 = arith.index_cast %get3A_1503 : i32 to index
        %get3A_1505 = arith.index_cast %add3A_1424 : i32 to index
        %get3A_1506 = arith.constant 0 : index
        %get3A_1507 = tpu.vector_load %arg8[%get3A_1504, %get3A_1505, %get3A_1506] {strides = array<i32>} : memref<2x512x32xf32, #tpu.memory_space<vmem>>, vector<16xf32>,
        %swap3A_1508 = arith.index_cast %add3A_1424 : i32 to index
        %swap3A_1509 = arith.constant 0 : index
        %swap3A_1510 = tpu.vector_load %arg10[%swap3A_1508, %swap3A_1509] {strides = array<i32>} : memref<512x64xf32, #tpu.memory_space<vmem>>, vector<16xf32>,
        tpu.vector_store %arg10[%swap3A_1508, %swap3A_1509], %get3A_1507 {strides = array<i32>} : memref<512x64xf32, #tpu.memory_space<vmem>>, vector<16xf32>,
        %get3A_1511 = arith.constant 1 : i32
        %get3A_1512 = arith.index_cast %get3A_1511 : i32 to index
        %get3A_1513 = arith.index_cast %add3A_1424 : i32 to index
        %get3A_1514 = arith.constant 16 : index
        %get3A_1515 = tpu.vector_load %arg8[%get3A_1512, %get3A_1513, %get3A_1514] {strides = array<i32>} : memref<2x512x32xf32, #tpu.memory_space<vmem>>, vector<16xf32>,
        %swap3A_1516 = arith.index_cast %add3A_1424 : i32 to index
        %swap3A_1517 = arith.constant 16 : index
        %swap3A_1518 = tpu.vector_load %arg10[%swap3A_1516, %swap3A_1517] {strides = array<i32>} : memref<512x64xf32, #tpu.memory_space<vmem>>, vector<16xf32>,
        tpu.vector_store %arg10[%swap3A_1516, %swap3A_1517], %get3A_1515 {strides = array<i32>} : memref<512x64xf32, #tpu.memory_space<vmem>>, vector<16xf32>,
        %swap3A_1519 = arith.index_cast %add3A_1424 : i32 to index
        %swap3A_1520 = arith.constant 32 : index
        %swap3A_1521 = tpu.vector_load %arg10[%swap3A_1519, %swap3A_1520] {strides = array<i32>} : memref<512x64xf32, #tpu.memory_space<vmem>>, vector<16xf32>,
        tpu.vector_store %arg10[%swap3A_1519, %swap3A_1520], %add3A_1495 {strides = array<i32>} : memref<512x64xf32, #tpu.memory_space<vmem>>, vector<16xf32>,
        %swap3A_1522 = arith.index_cast %add3A_1424 : i32 to index
        %swap3A_1523 = arith.constant 48 : index
        %swap3A_1524 = tpu.vector_load %arg10[%swap3A_1522, %swap3A_1523] {strides = array<i32>} : memref<512x64xf32, #tpu.memory_space<vmem>>, vector<16xf32>,
        tpu.vector_store %arg10[%swap3A_1522, %swap3A_1523], %add3A_1502 {strides = array<i32>} : memref<512x64xf32, #tpu.memory_space<vmem>>, vector<16xf32>,
        %mul3A_1525 = arith.constant 16 : i32
        %mul3A_1526 = arith.muli %scan3A_422, %mul3A_1525 : i32
        %add3A_1527 = arith.constant 10 : i32
        %add3A_1528 = arith.addi %mul3A_1526, %add3A_1527 : i32
        %slice3A_1529 = vector.extract_strided_slice %mul3A_480 {offsets = [10], sizes = [1], strides = [1]} : vector<16xf32> to vector<1xf32>
        %squeeze3A_1530 = vector.extract %slice3A_1529[0] : f32 from vector<1xf32>
        %mul3A_1531 = vector.broadcast %squeeze3A_1530 : f32 to vector<16xf32>
        %mul3A_1532 = arith.mulf %mul3A_1531, %get3A_5 : vector<16xf32>
        %slice3A_1533 = vector.extract_strided_slice %mul3A_481 {offsets = [10], sizes = [1], strides = [1]} : vector<16xf32> to vector<1xf32>
        %squeeze3A_1534 = vector.extract %slice3A_1533[0] : f32 from vector<1xf32>
        %mul3A_1535 = vector.broadcast %squeeze3A_1534 : f32 to vector<16xf32>
        %mul3A_1536 = arith.mulf %mul3A_1535, %get3A_9 : vector<16xf32>
        %slice3A_1537 = vector.extract_strided_slice %mul3A_482 {offsets = [10], sizes = [1], strides = [1]} : vector<16xf32> to vector<1xf32>
        %squeeze3A_1538 = vector.extract %slice3A_1537[0] : f32 from vector<1xf32>
        %mul3A_1539 = vector.broadcast %squeeze3A_1538 : f32 to vector<16xf32>
        %mul3A_1540 = arith.mulf %mul3A_1539, %get3A_13 : vector<16xf32>
        %slice3A_1541 = vector.extract_strided_slice %mul3A_483 {offsets = [10], sizes = [1], strides = [1]} : vector<16xf32> to vector<1xf32>
        %squeeze3A_1542 = vector.extract %slice3A_1541[0] : f32 from vector<1xf32>
        %mul3A_1543 = vector.broadcast %squeeze3A_1542 : f32 to vector<16xf32>
        %mul3A_1544 = arith.mulf %mul3A_1543, %get3A_17 : vector<16xf32>
        %slice3A_1545 = vector.extract_strided_slice %mul3A_484 {offsets = [10], sizes = [1], strides = [1]} : vector<16xf32> to vector<1xf32>
        %squeeze3A_1546 = vector.extract %slice3A_1545[0] : f32 from vector<1xf32>
        %mul3A_1547 = vector.broadcast %squeeze3A_1546 : f32 to vector<16xf32>
        %mul3A_1548 = arith.mulf %mul3A_1547, %get3A_21 : vector<16xf32>
        %slice3A_1549 = vector.extract_strided_slice %mul3A_485 {offsets = [10], sizes = [1], strides = [1]} : vector<16xf32> to vector<1xf32>
        %squeeze3A_1550 = vector.extract %slice3A_1549[0] : f32 from vector<1xf32>
        %mul3A_1551 = vector.broadcast %squeeze3A_1550 : f32 to vector<16xf32>
        %mul3A_1552 = arith.mulf %mul3A_1551, %get3A_25 : vector<16xf32>
        %slice3A_1553 = vector.extract_strided_slice %mul3A_486 {offsets = [10], sizes = [1], strides = [1]} : vector<16xf32> to vector<1xf32>
        %squeeze3A_1554 = vector.extract %slice3A_1553[0] : f32 from vector<1xf32>
        %mul3A_1555 = vector.broadcast %squeeze3A_1554 : f32 to vector<16xf32>
        %mul3A_1556 = arith.mulf %mul3A_1555, %get3A_29 : vector<16xf32>
        %slice3A_1557 = vector.extract_strided_slice %mul3A_487 {offsets = [10], sizes = [1], strides = [1]} : vector<16xf32> to vector<1xf32>
        %squeeze3A_1558 = vector.extract %slice3A_1557[0] : f32 from vector<1xf32>
        %mul3A_1559 = vector.broadcast %squeeze3A_1558 : f32 to vector<16xf32>
        %mul3A_1560 = arith.mulf %mul3A_1559, %get3A_33 : vector<16xf32>
        %slice3A_1561 = vector.extract_strided_slice %mul3A_480 {offsets = [10], sizes = [1], strides = [1]} : vector<16xf32> to vector<1xf32>
        %squeeze3A_1562 = vector.extract %slice3A_1561[0] : f32 from vector<1xf32>
        %mul3A_1563 = vector.broadcast %squeeze3A_1562 : f32 to vector<16xf32>
        %mul3A_1564 = arith.mulf %mul3A_1563, %get3A_37 : vector<16xf32>
        %slice3A_1565 = vector.extract_strided_slice %mul3A_481 {offsets = [10], sizes = [1], strides = [1]} : vector<16xf32> to vector<1xf32>
        %squeeze3A_1566 = vector.extract %slice3A_1565[0] : f32 from vector<1xf32>
        %mul3A_1567 = vector.broadcast %squeeze3A_1566 : f32 to vector<16xf32>
        %mul3A_1568 = arith.mulf %mul3A_1567, %get3A_41 : vector<16xf32>
        %slice3A_1569 = vector.extract_strided_slice %mul3A_482 {offsets = [10], sizes = [1], strides = [1]} : vector<16xf32> to vector<1xf32>
        %squeeze3A_1570 = vector.extract %slice3A_1569[0] : f32 from vector<1xf32>
        %mul3A_1571 = vector.broadcast %squeeze3A_1570 : f32 to vector<16xf32>
        %mul3A_1572 = arith.mulf %mul3A_1571, %get3A_45 : vector<16xf32>
        %slice3A_1573 = vector.extract_strided_slice %mul3A_483 {offsets = [10], sizes = [1], strides = [1]} : vector<16xf32> to vector<1xf32>
        %squeeze3A_1574 = vector.extract %slice3A_1573[0] : f32 from vector<1xf32>
        %mul3A_1575 = vector.broadcast %squeeze3A_1574 : f32 to vector<16xf32>
        %mul3A_1576 = arith.mulf %mul3A_1575, %get3A_49 : vector<16xf32>
        %slice3A_1577 = vector.extract_strided_slice %mul3A_484 {offsets = [10], sizes = [1], strides = [1]} : vector<16xf32> to vector<1xf32>
        %squeeze3A_1578 = vector.extract %slice3A_1577[0] : f32 from vector<1xf32>
        %mul3A_1579 = vector.broadcast %squeeze3A_1578 : f32 to vector<16xf32>
        %mul3A_1580 = arith.mulf %mul3A_1579, %get3A_53 : vector<16xf32>
        %slice3A_1581 = vector.extract_strided_slice %mul3A_485 {offsets = [10], sizes = [1], strides = [1]} : vector<16xf32> to vector<1xf32>
        %squeeze3A_1582 = vector.extract %slice3A_1581[0] : f32 from vector<1xf32>
        %mul3A_1583 = vector.broadcast %squeeze3A_1582 : f32 to vector<16xf32>
        %mul3A_1584 = arith.mulf %mul3A_1583, %get3A_57 : vector<16xf32>
        %slice3A_1585 = vector.extract_strided_slice %mul3A_486 {offsets = [10], sizes = [1], strides = [1]} : vector<16xf32> to vector<1xf32>
        %squeeze3A_1586 = vector.extract %slice3A_1585[0] : f32 from vector<1xf32>
        %mul3A_1587 = vector.broadcast %squeeze3A_1586 : f32 to vector<16xf32>
        %mul3A_1588 = arith.mulf %mul3A_1587, %get3A_61 : vector<16xf32>
        %slice3A_1589 = vector.extract_strided_slice %mul3A_487 {offsets = [10], sizes = [1], strides = [1]} : vector<16xf32> to vector<1xf32>
        %squeeze3A_1590 = vector.extract %slice3A_1589[0] : f32 from vector<1xf32>
        %mul3A_1591 = vector.broadcast %squeeze3A_1590 : f32 to vector<16xf32>
        %mul3A_1592 = arith.mulf %mul3A_1591, %get3A_65 : vector<16xf32>
        %add3A_1593 = arith.addf %mul3A_1532, %mul3A_1536 : vector<16xf32>
        %add3A_1594 = arith.addf %mul3A_1540, %mul3A_1544 : vector<16xf32>
        %add3A_1595 = arith.addf %add3A_1593, %add3A_1594 : vector<16xf32>
        %add3A_1596 = arith.addf %mul3A_1548, %mul3A_1552 : vector<16xf32>
        %add3A_1597 = arith.addf %mul3A_1556, %mul3A_1560 : vector<16xf32>
        %add3A_1598 = arith.addf %add3A_1596, %add3A_1597 : vector<16xf32>
        %add3A_1599 = arith.addf %add3A_1595, %add3A_1598 : vector<16xf32>
        %add3A_1600 = arith.addf %mul3A_1564, %mul3A_1568 : vector<16xf32>
        %add3A_1601 = arith.addf %mul3A_1572, %mul3A_1576 : vector<16xf32>
        %add3A_1602 = arith.addf %add3A_1600, %add3A_1601 : vector<16xf32>
        %add3A_1603 = arith.addf %mul3A_1580, %mul3A_1584 : vector<16xf32>
        %add3A_1604 = arith.addf %mul3A_1588, %mul3A_1592 : vector<16xf32>
        %add3A_1605 = arith.addf %add3A_1603, %add3A_1604 : vector<16xf32>
        %add3A_1606 = arith.addf %add3A_1602, %add3A_1605 : vector<16xf32>
        %get3A_1607 = arith.constant 1 : i32
        %get3A_1608 = arith.index_cast %get3A_1607 : i32 to index
        %get3A_1609 = arith.index_cast %add3A_1528 : i32 to index
        %get3A_1610 = arith.constant 0 : index
        %get3A_1611 = tpu.vector_load %arg8[%get3A_1608, %get3A_1609, %get3A_1610] {strides = array<i32>} : memref<2x512x32xf32, #tpu.memory_space<vmem>>, vector<16xf32>,
        %swap3A_1612 = arith.index_cast %add3A_1528 : i32 to index
        %swap3A_1613 = arith.constant 0 : index
        %swap3A_1614 = tpu.vector_load %arg10[%swap3A_1612, %swap3A_1613] {strides = array<i32>} : memref<512x64xf32, #tpu.memory_space<vmem>>, vector<16xf32>,
        tpu.vector_store %arg10[%swap3A_1612, %swap3A_1613], %get3A_1611 {strides = array<i32>} : memref<512x64xf32, #tpu.memory_space<vmem>>, vector<16xf32>,
        %get3A_1615 = arith.constant 1 : i32
        %get3A_1616 = arith.index_cast %get3A_1615 : i32 to index
        %get3A_1617 = arith.index_cast %add3A_1528 : i32 to index
        %get3A_1618 = arith.constant 16 : index
        %get3A_1619 = tpu.vector_load %arg8[%get3A_1616, %get3A_1617, %get3A_1618] {strides = array<i32>} : memref<2x512x32xf32, #tpu.memory_space<vmem>>, vector<16xf32>,
        %swap3A_1620 = arith.index_cast %add3A_1528 : i32 to index
        %swap3A_1621 = arith.constant 16 : index
        %swap3A_1622 = tpu.vector_load %arg10[%swap3A_1620, %swap3A_1621] {strides = array<i32>} : memref<512x64xf32, #tpu.memory_space<vmem>>, vector<16xf32>,
        tpu.vector_store %arg10[%swap3A_1620, %swap3A_1621], %get3A_1619 {strides = array<i32>} : memref<512x64xf32, #tpu.memory_space<vmem>>, vector<16xf32>,
        %swap3A_1623 = arith.index_cast %add3A_1528 : i32 to index
        %swap3A_1624 = arith.constant 32 : index
        %swap3A_1625 = tpu.vector_load %arg10[%swap3A_1623, %swap3A_1624] {strides = array<i32>} : memref<512x64xf32, #tpu.memory_space<vmem>>, vector<16xf32>,
        tpu.vector_store %arg10[%swap3A_1623, %swap3A_1624], %add3A_1599 {strides = array<i32>} : memref<512x64xf32, #tpu.memory_space<vmem>>, vector<16xf32>,
        %swap3A_1626 = arith.index_cast %add3A_1528 : i32 to index
        %swap3A_1627 = arith.constant 48 : index
        %swap3A_1628 = tpu.vector_load %arg10[%swap3A_1626, %swap3A_1627] {strides = array<i32>} : memref<512x64xf32, #tpu.memory_space<vmem>>, vector<16xf32>,
        tpu.vector_store %arg10[%swap3A_1626, %swap3A_1627], %add3A_1606 {strides = array<i32>} : memref<512x64xf32, #tpu.memory_space<vmem>>, vector<16xf32>,
        %mul3A_1629 = arith.constant 16 : i32
        %mul3A_1630 = arith.muli %scan3A_422, %mul3A_1629 : i32
        %add3A_1631 = arith.constant 11 : i32
        %add3A_1632 = arith.addi %mul3A_1630, %add3A_1631 : i32
        %slice3A_1633 = vector.extract_strided_slice %mul3A_480 {offsets = [11], sizes = [1], strides = [1]} : vector<16xf32> to vector<1xf32>
        %squeeze3A_1634 = vector.extract %slice3A_1633[0] : f32 from vector<1xf32>
        %mul3A_1635 = vector.broadcast %squeeze3A_1634 : f32 to vector<16xf32>
        %mul3A_1636 = arith.mulf %mul3A_1635, %get3A_5 : vector<16xf32>
        %slice3A_1637 = vector.extract_strided_slice %mul3A_481 {offsets = [11], sizes = [1], strides = [1]} : vector<16xf32> to vector<1xf32>
        %squeeze3A_1638 = vector.extract %slice3A_1637[0] : f32 from vector<1xf32>
        %mul3A_1639 = vector.broadcast %squeeze3A_1638 : f32 to vector<16xf32>
        %mul3A_1640 = arith.mulf %mul3A_1639, %get3A_9 : vector<16xf32>
        %slice3A_1641 = vector.extract_strided_slice %mul3A_482 {offsets = [11], sizes = [1], strides = [1]} : vector<16xf32> to vector<1xf32>
        %squeeze3A_1642 = vector.extract %slice3A_1641[0] : f32 from vector<1xf32>
        %mul3A_1643 = vector.broadcast %squeeze3A_1642 : f32 to vector<16xf32>
        %mul3A_1644 = arith.mulf %mul3A_1643, %get3A_13 : vector<16xf32>
        %slice3A_1645 = vector.extract_strided_slice %mul3A_483 {offsets = [11], sizes = [1], strides = [1]} : vector<16xf32> to vector<1xf32>
        %squeeze3A_1646 = vector.extract %slice3A_1645[0] : f32 from vector<1xf32>
        %mul3A_1647 = vector.broadcast %squeeze3A_1646 : f32 to vector<16xf32>
        %mul3A_1648 = arith.mulf %mul3A_1647, %get3A_17 : vector<16xf32>
        %slice3A_1649 = vector.extract_strided_slice %mul3A_484 {offsets = [11], sizes = [1], strides = [1]} : vector<16xf32> to vector<1xf32>
        %squeeze3A_1650 = vector.extract %slice3A_1649[0] : f32 from vector<1xf32>
        %mul3A_1651 = vector.broadcast %squeeze3A_1650 : f32 to vector<16xf32>
        %mul3A_1652 = arith.mulf %mul3A_1651, %get3A_21 : vector<16xf32>
        %slice3A_1653 = vector.extract_strided_slice %mul3A_485 {offsets = [11], sizes = [1], strides = [1]} : vector<16xf32> to vector<1xf32>
        %squeeze3A_1654 = vector.extract %slice3A_1653[0] : f32 from vector<1xf32>
        %mul3A_1655 = vector.broadcast %squeeze3A_1654 : f32 to vector<16xf32>
        %mul3A_1656 = arith.mulf %mul3A_1655, %get3A_25 : vector<16xf32>
        %slice3A_1657 = vector.extract_strided_slice %mul3A_486 {offsets = [11], sizes = [1], strides = [1]} : vector<16xf32> to vector<1xf32>
        %squeeze3A_1658 = vector.extract %slice3A_1657[0] : f32 from vector<1xf32>
        %mul3A_1659 = vector.broadcast %squeeze3A_1658 : f32 to vector<16xf32>
        %mul3A_1660 = arith.mulf %mul3A_1659, %get3A_29 : vector<16xf32>
        %slice3A_1661 = vector.extract_strided_slice %mul3A_487 {offsets = [11], sizes = [1], strides = [1]} : vector<16xf32> to vector<1xf32>
        %squeeze3A_1662 = vector.extract %slice3A_1661[0] : f32 from vector<1xf32>
        %mul3A_1663 = vector.broadcast %squeeze3A_1662 : f32 to vector<16xf32>
        %mul3A_1664 = arith.mulf %mul3A_1663, %get3A_33 : vector<16xf32>
        %slice3A_1665 = vector.extract_strided_slice %mul3A_480 {offsets = [11], sizes = [1], strides = [1]} : vector<16xf32> to vector<1xf32>
        %squeeze3A_1666 = vector.extract %slice3A_1665[0] : f32 from vector<1xf32>
        %mul3A_1667 = vector.broadcast %squeeze3A_1666 : f32 to vector<16xf32>
        %mul3A_1668 = arith.mulf %mul3A_1667, %get3A_37 : vector<16xf32>
        %slice3A_1669 = vector.extract_strided_slice %mul3A_481 {offsets = [11], sizes = [1], strides = [1]} : vector<16xf32> to vector<1xf32>
        %squeeze3A_1670 = vector.extract %slice3A_1669[0] : f32 from vector<1xf32>
        %mul3A_1671 = vector.broadcast %squeeze3A_1670 : f32 to vector<16xf32>
        %mul3A_1672 = arith.mulf %mul3A_1671, %get3A_41 : vector<16xf32>
        %slice3A_1673 = vector.extract_strided_slice %mul3A_482 {offsets = [11], sizes = [1], strides = [1]} : vector<16xf32> to vector<1xf32>
        %squeeze3A_1674 = vector.extract %slice3A_1673[0] : f32 from vector<1xf32>
        %mul3A_1675 = vector.broadcast %squeeze3A_1674 : f32 to vector<16xf32>
        %mul3A_1676 = arith.mulf %mul3A_1675, %get3A_45 : vector<16xf32>
        %slice3A_1677 = vector.extract_strided_slice %mul3A_483 {offsets = [11], sizes = [1], strides = [1]} : vector<16xf32> to vector<1xf32>
        %squeeze3A_1678 = vector.extract %slice3A_1677[0] : f32 from vector<1xf32>
        %mul3A_1679 = vector.broadcast %squeeze3A_1678 : f32 to vector<16xf32>
        %mul3A_1680 = arith.mulf %mul3A_1679, %get3A_49 : vector<16xf32>
        %slice3A_1681 = vector.extract_strided_slice %mul3A_484 {offsets = [11], sizes = [1], strides = [1]} : vector<16xf32> to vector<1xf32>
        %squeeze3A_1682 = vector.extract %slice3A_1681[0] : f32 from vector<1xf32>
        %mul3A_1683 = vector.broadcast %squeeze3A_1682 : f32 to vector<16xf32>
        %mul3A_1684 = arith.mulf %mul3A_1683, %get3A_53 : vector<16xf32>
        %slice3A_1685 = vector.extract_strided_slice %mul3A_485 {offsets = [11], sizes = [1], strides = [1]} : vector<16xf32> to vector<1xf32>
        %squeeze3A_1686 = vector.extract %slice3A_1685[0] : f32 from vector<1xf32>
        %mul3A_1687 = vector.broadcast %squeeze3A_1686 : f32 to vector<16xf32>
        %mul3A_1688 = arith.mulf %mul3A_1687, %get3A_57 : vector<16xf32>
        %slice3A_1689 = vector.extract_strided_slice %mul3A_486 {offsets = [11], sizes = [1], strides = [1]} : vector<16xf32> to vector<1xf32>
        %squeeze3A_1690 = vector.extract %slice3A_1689[0] : f32 from vector<1xf32>
        %mul3A_1691 = vector.broadcast %squeeze3A_1690 : f32 to vector<16xf32>
        %mul3A_1692 = arith.mulf %mul3A_1691, %get3A_61 : vector<16xf32>
        %slice3A_1693 = vector.extract_strided_slice %mul3A_487 {offsets = [11], sizes = [1], strides = [1]} : vector<16xf32> to vector<1xf32>
        %squeeze3A_1694 = vector.extract %slice3A_1693[0] : f32 from vector<1xf32>
        %mul3A_1695 = vector.broadcast %squeeze3A_1694 : f32 to vector<16xf32>
        %mul3A_1696 = arith.mulf %mul3A_1695, %get3A_65 : vector<16xf32>
        %add3A_1697 = arith.addf %mul3A_1636, %mul3A_1640 : vector<16xf32>
        %add3A_1698 = arith.addf %mul3A_1644, %mul3A_1648 : vector<16xf32>
        %add3A_1699 = arith.addf %add3A_1697, %add3A_1698 : vector<16xf32>
        %add3A_1700 = arith.addf %mul3A_1652, %mul3A_1656 : vector<16xf32>
        %add3A_1701 = arith.addf %mul3A_1660, %mul3A_1664 : vector<16xf32>
        %add3A_1702 = arith.addf %add3A_1700, %add3A_1701 : vector<16xf32>
        %add3A_1703 = arith.addf %add3A_1699, %add3A_1702 : vector<16xf32>
        %add3A_1704 = arith.addf %mul3A_1668, %mul3A_1672 : vector<16xf32>
        %add3A_1705 = arith.addf %mul3A_1676, %mul3A_1680 : vector<16xf32>
        %add3A_1706 = arith.addf %add3A_1704, %add3A_1705 : vector<16xf32>
        %add3A_1707 = arith.addf %mul3A_1684, %mul3A_1688 : vector<16xf32>
        %add3A_1708 = arith.addf %mul3A_1692, %mul3A_1696 : vector<16xf32>
        %add3A_1709 = arith.addf %add3A_1707, %add3A_1708 : vector<16xf32>
        %add3A_1710 = arith.addf %add3A_1706, %add3A_1709 : vector<16xf32>
        %get3A_1711 = arith.constant 1 : i32
        %get3A_1712 = arith.index_cast %get3A_1711 : i32 to index
        %get3A_1713 = arith.index_cast %add3A_1632 : i32 to index
        %get3A_1714 = arith.constant 0 : index
        %get3A_1715 = tpu.vector_load %arg8[%get3A_1712, %get3A_1713, %get3A_1714] {strides = array<i32>} : memref<2x512x32xf32, #tpu.memory_space<vmem>>, vector<16xf32>,
        %swap3A_1716 = arith.index_cast %add3A_1632 : i32 to index
        %swap3A_1717 = arith.constant 0 : index
        %swap3A_1718 = tpu.vector_load %arg10[%swap3A_1716, %swap3A_1717] {strides = array<i32>} : memref<512x64xf32, #tpu.memory_space<vmem>>, vector<16xf32>,
        tpu.vector_store %arg10[%swap3A_1716, %swap3A_1717], %get3A_1715 {strides = array<i32>} : memref<512x64xf32, #tpu.memory_space<vmem>>, vector<16xf32>,
        %get3A_1719 = arith.constant 1 : i32
        %get3A_1720 = arith.index_cast %get3A_1719 : i32 to index
        %get3A_1721 = arith.index_cast %add3A_1632 : i32 to index
        %get3A_1722 = arith.constant 16 : index
        %get3A_1723 = tpu.vector_load %arg8[%get3A_1720, %get3A_1721, %get3A_1722] {strides = array<i32>} : memref<2x512x32xf32, #tpu.memory_space<vmem>>, vector<16xf32>,
        %swap3A_1724 = arith.index_cast %add3A_1632 : i32 to index
        %swap3A_1725 = arith.constant 16 : index
        %swap3A_1726 = tpu.vector_load %arg10[%swap3A_1724, %swap3A_1725] {strides = array<i32>} : memref<512x64xf32, #tpu.memory_space<vmem>>, vector<16xf32>,
        tpu.vector_store %arg10[%swap3A_1724, %swap3A_1725], %get3A_1723 {strides = array<i32>} : memref<512x64xf32, #tpu.memory_space<vmem>>, vector<16xf32>,
        %swap3A_1727 = arith.index_cast %add3A_1632 : i32 to index
        %swap3A_1728 = arith.constant 32 : index
        %swap3A_1729 = tpu.vector_load %arg10[%swap3A_1727, %swap3A_1728] {strides = array<i32>} : memref<512x64xf32, #tpu.memory_space<vmem>>, vector<16xf32>,
        tpu.vector_store %arg10[%swap3A_1727, %swap3A_1728], %add3A_1703 {strides = array<i32>} : memref<512x64xf32, #tpu.memory_space<vmem>>, vector<16xf32>,
        %swap3A_1730 = arith.index_cast %add3A_1632 : i32 to index
        %swap3A_1731 = arith.constant 48 : index
        %swap3A_1732 = tpu.vector_load %arg10[%swap3A_1730, %swap3A_1731] {strides = array<i32>} : memref<512x64xf32, #tpu.memory_space<vmem>>, vector<16xf32>,
        tpu.vector_store %arg10[%swap3A_1730, %swap3A_1731], %add3A_1710 {strides = array<i32>} : memref<512x64xf32, #tpu.memory_space<vmem>>, vector<16xf32>,
        %mul3A_1733 = arith.constant 16 : i32
        %mul3A_1734 = arith.muli %scan3A_422, %mul3A_1733 : i32
        %add3A_1735 = arith.constant 12 : i32
        %add3A_1736 = arith.addi %mul3A_1734, %add3A_1735 : i32
        %slice3A_1737 = vector.extract_strided_slice %mul3A_480 {offsets = [12], sizes = [1], strides = [1]} : vector<16xf32> to vector<1xf32>
        %squeeze3A_1738 = vector.extract %slice3A_1737[0] : f32 from vector<1xf32>
        %mul3A_1739 = vector.broadcast %squeeze3A_1738 : f32 to vector<16xf32>
        %mul3A_1740 = arith.mulf %mul3A_1739, %get3A_5 : vector<16xf32>
        %slice3A_1741 = vector.extract_strided_slice %mul3A_481 {offsets = [12], sizes = [1], strides = [1]} : vector<16xf32> to vector<1xf32>
        %squeeze3A_1742 = vector.extract %slice3A_1741[0] : f32 from vector<1xf32>
        %mul3A_1743 = vector.broadcast %squeeze3A_1742 : f32 to vector<16xf32>
        %mul3A_1744 = arith.mulf %mul3A_1743, %get3A_9 : vector<16xf32>
        %slice3A_1745 = vector.extract_strided_slice %mul3A_482 {offsets = [12], sizes = [1], strides = [1]} : vector<16xf32> to vector<1xf32>
        %squeeze3A_1746 = vector.extract %slice3A_1745[0] : f32 from vector<1xf32>
        %mul3A_1747 = vector.broadcast %squeeze3A_1746 : f32 to vector<16xf32>
        %mul3A_1748 = arith.mulf %mul3A_1747, %get3A_13 : vector<16xf32>
        %slice3A_1749 = vector.extract_strided_slice %mul3A_483 {offsets = [12], sizes = [1], strides = [1]} : vector<16xf32> to vector<1xf32>
        %squeeze3A_1750 = vector.extract %slice3A_1749[0] : f32 from vector<1xf32>
        %mul3A_1751 = vector.broadcast %squeeze3A_1750 : f32 to vector<16xf32>
        %mul3A_1752 = arith.mulf %mul3A_1751, %get3A_17 : vector<16xf32>
        %slice3A_1753 = vector.extract_strided_slice %mul3A_484 {offsets = [12], sizes = [1], strides = [1]} : vector<16xf32> to vector<1xf32>
        %squeeze3A_1754 = vector.extract %slice3A_1753[0] : f32 from vector<1xf32>
        %mul3A_1755 = vector.broadcast %squeeze3A_1754 : f32 to vector<16xf32>
        %mul3A_1756 = arith.mulf %mul3A_1755, %get3A_21 : vector<16xf32>
        %slice3A_1757 = vector.extract_strided_slice %mul3A_485 {offsets = [12], sizes = [1], strides = [1]} : vector<16xf32> to vector<1xf32>
        %squeeze3A_1758 = vector.extract %slice3A_1757[0] : f32 from vector<1xf32>
        %mul3A_1759 = vector.broadcast %squeeze3A_1758 : f32 to vector<16xf32>
        %mul3A_1760 = arith.mulf %mul3A_1759, %get3A_25 : vector<16xf32>
        %slice3A_1761 = vector.extract_strided_slice %mul3A_486 {offsets = [12], sizes = [1], strides = [1]} : vector<16xf32> to vector<1xf32>
        %squeeze3A_1762 = vector.extract %slice3A_1761[0] : f32 from vector<1xf32>
        %mul3A_1763 = vector.broadcast %squeeze3A_1762 : f32 to vector<16xf32>
        %mul3A_1764 = arith.mulf %mul3A_1763, %get3A_29 : vector<16xf32>
        %slice3A_1765 = vector.extract_strided_slice %mul3A_487 {offsets = [12], sizes = [1], strides = [1]} : vector<16xf32> to vector<1xf32>
        %squeeze3A_1766 = vector.extract %slice3A_1765[0] : f32 from vector<1xf32>
        %mul3A_1767 = vector.broadcast %squeeze3A_1766 : f32 to vector<16xf32>
        %mul3A_1768 = arith.mulf %mul3A_1767, %get3A_33 : vector<16xf32>
        %slice3A_1769 = vector.extract_strided_slice %mul3A_480 {offsets = [12], sizes = [1], strides = [1]} : vector<16xf32> to vector<1xf32>
        %squeeze3A_1770 = vector.extract %slice3A_1769[0] : f32 from vector<1xf32>
        %mul3A_1771 = vector.broadcast %squeeze3A_1770 : f32 to vector<16xf32>
        %mul3A_1772 = arith.mulf %mul3A_1771, %get3A_37 : vector<16xf32>
        %slice3A_1773 = vector.extract_strided_slice %mul3A_481 {offsets = [12], sizes = [1], strides = [1]} : vector<16xf32> to vector<1xf32>
        %squeeze3A_1774 = vector.extract %slice3A_1773[0] : f32 from vector<1xf32>
        %mul3A_1775 = vector.broadcast %squeeze3A_1774 : f32 to vector<16xf32>
        %mul3A_1776 = arith.mulf %mul3A_1775, %get3A_41 : vector<16xf32>
        %slice3A_1777 = vector.extract_strided_slice %mul3A_482 {offsets = [12], sizes = [1], strides = [1]} : vector<16xf32> to vector<1xf32>
        %squeeze3A_1778 = vector.extract %slice3A_1777[0] : f32 from vector<1xf32>
        %mul3A_1779 = vector.broadcast %squeeze3A_1778 : f32 to vector<16xf32>
        %mul3A_1780 = arith.mulf %mul3A_1779, %get3A_45 : vector<16xf32>
        %slice3A_1781 = vector.extract_strided_slice %mul3A_483 {offsets = [12], sizes = [1], strides = [1]} : vector<16xf32> to vector<1xf32>
        %squeeze3A_1782 = vector.extract %slice3A_1781[0] : f32 from vector<1xf32>
        %mul3A_1783 = vector.broadcast %squeeze3A_1782 : f32 to vector<16xf32>
        %mul3A_1784 = arith.mulf %mul3A_1783, %get3A_49 : vector<16xf32>
        %slice3A_1785 = vector.extract_strided_slice %mul3A_484 {offsets = [12], sizes = [1], strides = [1]} : vector<16xf32> to vector<1xf32>
        %squeeze3A_1786 = vector.extract %slice3A_1785[0] : f32 from vector<1xf32>
        %mul3A_1787 = vector.broadcast %squeeze3A_1786 : f32 to vector<16xf32>
        %mul3A_1788 = arith.mulf %mul3A_1787, %get3A_53 : vector<16xf32>
        %slice3A_1789 = vector.extract_strided_slice %mul3A_485 {offsets = [12], sizes = [1], strides = [1]} : vector<16xf32> to vector<1xf32>
        %squeeze3A_1790 = vector.extract %slice3A_1789[0] : f32 from vector<1xf32>
        %mul3A_1791 = vector.broadcast %squeeze3A_1790 : f32 to vector<16xf32>
        %mul3A_1792 = arith.mulf %mul3A_1791, %get3A_57 : vector<16xf32>
        %slice3A_1793 = vector.extract_strided_slice %mul3A_486 {offsets = [12], sizes = [1], strides = [1]} : vector<16xf32> to vector<1xf32>
        %squeeze3A_1794 = vector.extract %slice3A_1793[0] : f32 from vector<1xf32>
        %mul3A_1795 = vector.broadcast %squeeze3A_1794 : f32 to vector<16xf32>
        %mul3A_1796 = arith.mulf %mul3A_1795, %get3A_61 : vector<16xf32>
        %slice3A_1797 = vector.extract_strided_slice %mul3A_487 {offsets = [12], sizes = [1], strides = [1]} : vector<16xf32> to vector<1xf32>
        %squeeze3A_1798 = vector.extract %slice3A_1797[0] : f32 from vector<1xf32>
        %mul3A_1799 = vector.broadcast %squeeze3A_1798 : f32 to vector<16xf32>
        %mul3A_1800 = arith.mulf %mul3A_1799, %get3A_65 : vector<16xf32>
        %add3A_1801 = arith.addf %mul3A_1740, %mul3A_1744 : vector<16xf32>
        %add3A_1802 = arith.addf %mul3A_1748, %mul3A_1752 : vector<16xf32>
        %add3A_1803 = arith.addf %add3A_1801, %add3A_1802 : vector<16xf32>
        %add3A_1804 = arith.addf %mul3A_1756, %mul3A_1760 : vector<16xf32>
        %add3A_1805 = arith.addf %mul3A_1764, %mul3A_1768 : vector<16xf32>
        %add3A_1806 = arith.addf %add3A_1804, %add3A_1805 : vector<16xf32>
        %add3A_1807 = arith.addf %add3A_1803, %add3A_1806 : vector<16xf32>
        %add3A_1808 = arith.addf %mul3A_1772, %mul3A_1776 : vector<16xf32>
        %add3A_1809 = arith.addf %mul3A_1780, %mul3A_1784 : vector<16xf32>
        %add3A_1810 = arith.addf %add3A_1808, %add3A_1809 : vector<16xf32>
        %add3A_1811 = arith.addf %mul3A_1788, %mul3A_1792 : vector<16xf32>
        %add3A_1812 = arith.addf %mul3A_1796, %mul3A_1800 : vector<16xf32>
        %add3A_1813 = arith.addf %add3A_1811, %add3A_1812 : vector<16xf32>
        %add3A_1814 = arith.addf %add3A_1810, %add3A_1813 : vector<16xf32>
        %get3A_1815 = arith.constant 1 : i32
        %get3A_1816 = arith.index_cast %get3A_1815 : i32 to index
        %get3A_1817 = arith.index_cast %add3A_1736 : i32 to index
        %get3A_1818 = arith.constant 0 : index
        %get3A_1819 = tpu.vector_load %arg8[%get3A_1816, %get3A_1817, %get3A_1818] {strides = array<i32>} : memref<2x512x32xf32, #tpu.memory_space<vmem>>, vector<16xf32>,
        %swap3A_1820 = arith.index_cast %add3A_1736 : i32 to index
        %swap3A_1821 = arith.constant 0 : index
        %swap3A_1822 = tpu.vector_load %arg10[%swap3A_1820, %swap3A_1821] {strides = array<i32>} : memref<512x64xf32, #tpu.memory_space<vmem>>, vector<16xf32>,
        tpu.vector_store %arg10[%swap3A_1820, %swap3A_1821], %get3A_1819 {strides = array<i32>} : memref<512x64xf32, #tpu.memory_space<vmem>>, vector<16xf32>,
        %get3A_1823 = arith.constant 1 : i32
        %get3A_1824 = arith.index_cast %get3A_1823 : i32 to index
        %get3A_1825 = arith.index_cast %add3A_1736 : i32 to index
        %get3A_1826 = arith.constant 16 : index
        %get3A_1827 = tpu.vector_load %arg8[%get3A_1824, %get3A_1825, %get3A_1826] {strides = array<i32>} : memref<2x512x32xf32, #tpu.memory_space<vmem>>, vector<16xf32>,
        %swap3A_1828 = arith.index_cast %add3A_1736 : i32 to index
        %swap3A_1829 = arith.constant 16 : index
        %swap3A_1830 = tpu.vector_load %arg10[%swap3A_1828, %swap3A_1829] {strides = array<i32>} : memref<512x64xf32, #tpu.memory_space<vmem>>, vector<16xf32>,
        tpu.vector_store %arg10[%swap3A_1828, %swap3A_1829], %get3A_1827 {strides = array<i32>} : memref<512x64xf32, #tpu.memory_space<vmem>>, vector<16xf32>,
        %swap3A_1831 = arith.index_cast %add3A_1736 : i32 to index
        %swap3A_1832 = arith.constant 32 : index
        %swap3A_1833 = tpu.vector_load %arg10[%swap3A_1831, %swap3A_1832] {strides = array<i32>} : memref<512x64xf32, #tpu.memory_space<vmem>>, vector<16xf32>,
        tpu.vector_store %arg10[%swap3A_1831, %swap3A_1832], %add3A_1807 {strides = array<i32>} : memref<512x64xf32, #tpu.memory_space<vmem>>, vector<16xf32>,
        %swap3A_1834 = arith.index_cast %add3A_1736 : i32 to index
        %swap3A_1835 = arith.constant 48 : index
        %swap3A_1836 = tpu.vector_load %arg10[%swap3A_1834, %swap3A_1835] {strides = array<i32>} : memref<512x64xf32, #tpu.memory_space<vmem>>, vector<16xf32>,
        tpu.vector_store %arg10[%swap3A_1834, %swap3A_1835], %add3A_1814 {strides = array<i32>} : memref<512x64xf32, #tpu.memory_space<vmem>>, vector<16xf32>,
        %mul3A_1837 = arith.constant 16 : i32
        %mul3A_1838 = arith.muli %scan3A_422, %mul3A_1837 : i32
        %add3A_1839 = arith.constant 13 : i32
        %add3A_1840 = arith.addi %mul3A_1838, %add3A_1839 : i32
        %slice3A_1841 = vector.extract_strided_slice %mul3A_480 {offsets = [13], sizes = [1], strides = [1]} : vector<16xf32> to vector<1xf32>
        %squeeze3A_1842 = vector.extract %slice3A_1841[0] : f32 from vector<1xf32>
        %mul3A_1843 = vector.broadcast %squeeze3A_1842 : f32 to vector<16xf32>
        %mul3A_1844 = arith.mulf %mul3A_1843, %get3A_5 : vector<16xf32>
        %slice3A_1845 = vector.extract_strided_slice %mul3A_481 {offsets = [13], sizes = [1], strides = [1]} : vector<16xf32> to vector<1xf32>
        %squeeze3A_1846 = vector.extract %slice3A_1845[0] : f32 from vector<1xf32>
        %mul3A_1847 = vector.broadcast %squeeze3A_1846 : f32 to vector<16xf32>
        %mul3A_1848 = arith.mulf %mul3A_1847, %get3A_9 : vector<16xf32>
        %slice3A_1849 = vector.extract_strided_slice %mul3A_482 {offsets = [13], sizes = [1], strides = [1]} : vector<16xf32> to vector<1xf32>
        %squeeze3A_1850 = vector.extract %slice3A_1849[0] : f32 from vector<1xf32>
        %mul3A_1851 = vector.broadcast %squeeze3A_1850 : f32 to vector<16xf32>
        %mul3A_1852 = arith.mulf %mul3A_1851, %get3A_13 : vector<16xf32>
        %slice3A_1853 = vector.extract_strided_slice %mul3A_483 {offsets = [13], sizes = [1], strides = [1]} : vector<16xf32> to vector<1xf32>
        %squeeze3A_1854 = vector.extract %slice3A_1853[0] : f32 from vector<1xf32>
        %mul3A_1855 = vector.broadcast %squeeze3A_1854 : f32 to vector<16xf32>
        %mul3A_1856 = arith.mulf %mul3A_1855, %get3A_17 : vector<16xf32>
        %slice3A_1857 = vector.extract_strided_slice %mul3A_484 {offsets = [13], sizes = [1], strides = [1]} : vector<16xf32> to vector<1xf32>
        %squeeze3A_1858 = vector.extract %slice3A_1857[0] : f32 from vector<1xf32>
        %mul3A_1859 = vector.broadcast %squeeze3A_1858 : f32 to vector<16xf32>
        %mul3A_1860 = arith.mulf %mul3A_1859, %get3A_21 : vector<16xf32>
        %slice3A_1861 = vector.extract_strided_slice %mul3A_485 {offsets = [13], sizes = [1], strides = [1]} : vector<16xf32> to vector<1xf32>
        %squeeze3A_1862 = vector.extract %slice3A_1861[0] : f32 from vector<1xf32>
        %mul3A_1863 = vector.broadcast %squeeze3A_1862 : f32 to vector<16xf32>
        %mul3A_1864 = arith.mulf %mul3A_1863, %get3A_25 : vector<16xf32>
        %slice3A_1865 = vector.extract_strided_slice %mul3A_486 {offsets = [13], sizes = [1], strides = [1]} : vector<16xf32> to vector<1xf32>
        %squeeze3A_1866 = vector.extract %slice3A_1865[0] : f32 from vector<1xf32>
        %mul3A_1867 = vector.broadcast %squeeze3A_1866 : f32 to vector<16xf32>
        %mul3A_1868 = arith.mulf %mul3A_1867, %get3A_29 : vector<16xf32>
        %slice3A_1869 = vector.extract_strided_slice %mul3A_487 {offsets = [13], sizes = [1], strides = [1]} : vector<16xf32> to vector<1xf32>
        %squeeze3A_1870 = vector.extract %slice3A_1869[0] : f32 from vector<1xf32>
        %mul3A_1871 = vector.broadcast %squeeze3A_1870 : f32 to vector<16xf32>
        %mul3A_1872 = arith.mulf %mul3A_1871, %get3A_33 : vector<16xf32>
        %slice3A_1873 = vector.extract_strided_slice %mul3A_480 {offsets = [13], sizes = [1], strides = [1]} : vector<16xf32> to vector<1xf32>
        %squeeze3A_1874 = vector.extract %slice3A_1873[0] : f32 from vector<1xf32>
        %mul3A_1875 = vector.broadcast %squeeze3A_1874 : f32 to vector<16xf32>
        %mul3A_1876 = arith.mulf %mul3A_1875, %get3A_37 : vector<16xf32>
        %slice3A_1877 = vector.extract_strided_slice %mul3A_481 {offsets = [13], sizes = [1], strides = [1]} : vector<16xf32> to vector<1xf32>
        %squeeze3A_1878 = vector.extract %slice3A_1877[0] : f32 from vector<1xf32>
        %mul3A_1879 = vector.broadcast %squeeze3A_1878 : f32 to vector<16xf32>
        %mul3A_1880 = arith.mulf %mul3A_1879, %get3A_41 : vector<16xf32>
        %slice3A_1881 = vector.extract_strided_slice %mul3A_482 {offsets = [13], sizes = [1], strides = [1]} : vector<16xf32> to vector<1xf32>
        %squeeze3A_1882 = vector.extract %slice3A_1881[0] : f32 from vector<1xf32>
        %mul3A_1883 = vector.broadcast %squeeze3A_1882 : f32 to vector<16xf32>
        %mul3A_1884 = arith.mulf %mul3A_1883, %get3A_45 : vector<16xf32>
        %slice3A_1885 = vector.extract_strided_slice %mul3A_483 {offsets = [13], sizes = [1], strides = [1]} : vector<16xf32> to vector<1xf32>
        %squeeze3A_1886 = vector.extract %slice3A_1885[0] : f32 from vector<1xf32>
        %mul3A_1887 = vector.broadcast %squeeze3A_1886 : f32 to vector<16xf32>
        %mul3A_1888 = arith.mulf %mul3A_1887, %get3A_49 : vector<16xf32>
        %slice3A_1889 = vector.extract_strided_slice %mul3A_484 {offsets = [13], sizes = [1], strides = [1]} : vector<16xf32> to vector<1xf32>
        %squeeze3A_1890 = vector.extract %slice3A_1889[0] : f32 from vector<1xf32>
        %mul3A_1891 = vector.broadcast %squeeze3A_1890 : f32 to vector<16xf32>
        %mul3A_1892 = arith.mulf %mul3A_1891, %get3A_53 : vector<16xf32>
        %slice3A_1893 = vector.extract_strided_slice %mul3A_485 {offsets = [13], sizes = [1], strides = [1]} : vector<16xf32> to vector<1xf32>
        %squeeze3A_1894 = vector.extract %slice3A_1893[0] : f32 from vector<1xf32>
        %mul3A_1895 = vector.broadcast %squeeze3A_1894 : f32 to vector<16xf32>
        %mul3A_1896 = arith.mulf %mul3A_1895, %get3A_57 : vector<16xf32>
        %slice3A_1897 = vector.extract_strided_slice %mul3A_486 {offsets = [13], sizes = [1], strides = [1]} : vector<16xf32> to vector<1xf32>
        %squeeze3A_1898 = vector.extract %slice3A_1897[0] : f32 from vector<1xf32>
        %mul3A_1899 = vector.broadcast %squeeze3A_1898 : f32 to vector<16xf32>
        %mul3A_1900 = arith.mulf %mul3A_1899, %get3A_61 : vector<16xf32>
        %slice3A_1901 = vector.extract_strided_slice %mul3A_487 {offsets = [13], sizes = [1], strides = [1]} : vector<16xf32> to vector<1xf32>
        %squeeze3A_1902 = vector.extract %slice3A_1901[0] : f32 from vector<1xf32>
        %mul3A_1903 = vector.broadcast %squeeze3A_1902 : f32 to vector<16xf32>
        %mul3A_1904 = arith.mulf %mul3A_1903, %get3A_65 : vector<16xf32>
        %add3A_1905 = arith.addf %mul3A_1844, %mul3A_1848 : vector<16xf32>
        %add3A_1906 = arith.addf %mul3A_1852, %mul3A_1856 : vector<16xf32>
        %add3A_1907 = arith.addf %add3A_1905, %add3A_1906 : vector<16xf32>
        %add3A_1908 = arith.addf %mul3A_1860, %mul3A_1864 : vector<16xf32>
        %add3A_1909 = arith.addf %mul3A_1868, %mul3A_1872 : vector<16xf32>
        %add3A_1910 = arith.addf %add3A_1908, %add3A_1909 : vector<16xf32>
        %add3A_1911 = arith.addf %add3A_1907, %add3A_1910 : vector<16xf32>
        %add3A_1912 = arith.addf %mul3A_1876, %mul3A_1880 : vector<16xf32>
        %add3A_1913 = arith.addf %mul3A_1884, %mul3A_1888 : vector<16xf32>
        %add3A_1914 = arith.addf %add3A_1912, %add3A_1913 : vector<16xf32>
        %add3A_1915 = arith.addf %mul3A_1892, %mul3A_1896 : vector<16xf32>
        %add3A_1916 = arith.addf %mul3A_1900, %mul3A_1904 : vector<16xf32>
        %add3A_1917 = arith.addf %add3A_1915, %add3A_1916 : vector<16xf32>
        %add3A_1918 = arith.addf %add3A_1914, %add3A_1917 : vector<16xf32>
        %get3A_1919 = arith.constant 1 : i32
        %get3A_1920 = arith.index_cast %get3A_1919 : i32 to index
        %get3A_1921 = arith.index_cast %add3A_1840 : i32 to index
        %get3A_1922 = arith.constant 0 : index
        %get3A_1923 = tpu.vector_load %arg8[%get3A_1920, %get3A_1921, %get3A_1922] {strides = array<i32>} : memref<2x512x32xf32, #tpu.memory_space<vmem>>, vector<16xf32>,
        %swap3A_1924 = arith.index_cast %add3A_1840 : i32 to index
        %swap3A_1925 = arith.constant 0 : index
        %swap3A_1926 = tpu.vector_load %arg10[%swap3A_1924, %swap3A_1925] {strides = array<i32>} : memref<512x64xf32, #tpu.memory_space<vmem>>, vector<16xf32>,
        tpu.vector_store %arg10[%swap3A_1924, %swap3A_1925], %get3A_1923 {strides = array<i32>} : memref<512x64xf32, #tpu.memory_space<vmem>>, vector<16xf32>,
        %get3A_1927 = arith.constant 1 : i32
        %get3A_1928 = arith.index_cast %get3A_1927 : i32 to index
        %get3A_1929 = arith.index_cast %add3A_1840 : i32 to index
        %get3A_1930 = arith.constant 16 : index
        %get3A_1931 = tpu.vector_load %arg8[%get3A_1928, %get3A_1929, %get3A_1930] {strides = array<i32>} : memref<2x512x32xf32, #tpu.memory_space<vmem>>, vector<16xf32>,
        %swap3A_1932 = arith.index_cast %add3A_1840 : i32 to index
        %swap3A_1933 = arith.constant 16 : index
        %swap3A_1934 = tpu.vector_load %arg10[%swap3A_1932, %swap3A_1933] {strides = array<i32>} : memref<512x64xf32, #tpu.memory_space<vmem>>, vector<16xf32>,
        tpu.vector_store %arg10[%swap3A_1932, %swap3A_1933], %get3A_1931 {strides = array<i32>} : memref<512x64xf32, #tpu.memory_space<vmem>>, vector<16xf32>,
        %swap3A_1935 = arith.index_cast %add3A_1840 : i32 to index
        %swap3A_1936 = arith.constant 32 : index
        %swap3A_1937 = tpu.vector_load %arg10[%swap3A_1935, %swap3A_1936] {strides = array<i32>} : memref<512x64xf32, #tpu.memory_space<vmem>>, vector<16xf32>,
        tpu.vector_store %arg10[%swap3A_1935, %swap3A_1936], %add3A_1911 {strides = array<i32>} : memref<512x64xf32, #tpu.memory_space<vmem>>, vector<16xf32>,
        %swap3A_1938 = arith.index_cast %add3A_1840 : i32 to index
        %swap3A_1939 = arith.constant 48 : index
        %swap3A_1940 = tpu.vector_load %arg10[%swap3A_1938, %swap3A_1939] {strides = array<i32>} : memref<512x64xf32, #tpu.memory_space<vmem>>, vector<16xf32>,
        tpu.vector_store %arg10[%swap3A_1938, %swap3A_1939], %add3A_1918 {strides = array<i32>} : memref<512x64xf32, #tpu.memory_space<vmem>>, vector<16xf32>,
        %mul3A_1941 = arith.constant 16 : i32
        %mul3A_1942 = arith.muli %scan3A_422, %mul3A_1941 : i32
        %add3A_1943 = arith.constant 14 : i32
        %add3A_1944 = arith.addi %mul3A_1942, %add3A_1943 : i32
        %slice3A_1945 = vector.extract_strided_slice %mul3A_480 {offsets = [14], sizes = [1], strides = [1]} : vector<16xf32> to vector<1xf32>
        %squeeze3A_1946 = vector.extract %slice3A_1945[0] : f32 from vector<1xf32>
        %mul3A_1947 = vector.broadcast %squeeze3A_1946 : f32 to vector<16xf32>
        %mul3A_1948 = arith.mulf %mul3A_1947, %get3A_5 : vector<16xf32>
        %slice3A_1949 = vector.extract_strided_slice %mul3A_481 {offsets = [14], sizes = [1], strides = [1]} : vector<16xf32> to vector<1xf32>
        %squeeze3A_1950 = vector.extract %slice3A_1949[0] : f32 from vector<1xf32>
        %mul3A_1951 = vector.broadcast %squeeze3A_1950 : f32 to vector<16xf32>
        %mul3A_1952 = arith.mulf %mul3A_1951, %get3A_9 : vector<16xf32>
        %slice3A_1953 = vector.extract_strided_slice %mul3A_482 {offsets = [14], sizes = [1], strides = [1]} : vector<16xf32> to vector<1xf32>
        %squeeze3A_1954 = vector.extract %slice3A_1953[0] : f32 from vector<1xf32>
        %mul3A_1955 = vector.broadcast %squeeze3A_1954 : f32 to vector<16xf32>
        %mul3A_1956 = arith.mulf %mul3A_1955, %get3A_13 : vector<16xf32>
        %slice3A_1957 = vector.extract_strided_slice %mul3A_483 {offsets = [14], sizes = [1], strides = [1]} : vector<16xf32> to vector<1xf32>
        %squeeze3A_1958 = vector.extract %slice3A_1957[0] : f32 from vector<1xf32>
        %mul3A_1959 = vector.broadcast %squeeze3A_1958 : f32 to vector<16xf32>
        %mul3A_1960 = arith.mulf %mul3A_1959, %get3A_17 : vector<16xf32>
        %slice3A_1961 = vector.extract_strided_slice %mul3A_484 {offsets = [14], sizes = [1], strides = [1]} : vector<16xf32> to vector<1xf32>
        %squeeze3A_1962 = vector.extract %slice3A_1961[0] : f32 from vector<1xf32>
        %mul3A_1963 = vector.broadcast %squeeze3A_1962 : f32 to vector<16xf32>
        %mul3A_1964 = arith.mulf %mul3A_1963, %get3A_21 : vector<16xf32>
        %slice3A_1965 = vector.extract_strided_slice %mul3A_485 {offsets = [14], sizes = [1], strides = [1]} : vector<16xf32> to vector<1xf32>
        %squeeze3A_1966 = vector.extract %slice3A_1965[0] : f32 from vector<1xf32>
        %mul3A_1967 = vector.broadcast %squeeze3A_1966 : f32 to vector<16xf32>
        %mul3A_1968 = arith.mulf %mul3A_1967, %get3A_25 : vector<16xf32>
        %slice3A_1969 = vector.extract_strided_slice %mul3A_486 {offsets = [14], sizes = [1], strides = [1]} : vector<16xf32> to vector<1xf32>
        %squeeze3A_1970 = vector.extract %slice3A_1969[0] : f32 from vector<1xf32>
        %mul3A_1971 = vector.broadcast %squeeze3A_1970 : f32 to vector<16xf32>
        %mul3A_1972 = arith.mulf %mul3A_1971, %get3A_29 : vector<16xf32>
        %slice3A_1973 = vector.extract_strided_slice %mul3A_487 {offsets = [14], sizes = [1], strides = [1]} : vector<16xf32> to vector<1xf32>
        %squeeze3A_1974 = vector.extract %slice3A_1973[0] : f32 from vector<1xf32>
        %mul3A_1975 = vector.broadcast %squeeze3A_1974 : f32 to vector<16xf32>
        %mul3A_1976 = arith.mulf %mul3A_1975, %get3A_33 : vector<16xf32>
        %slice3A_1977 = vector.extract_strided_slice %mul3A_480 {offsets = [14], sizes = [1], strides = [1]} : vector<16xf32> to vector<1xf32>
        %squeeze3A_1978 = vector.extract %slice3A_1977[0] : f32 from vector<1xf32>
        %mul3A_1979 = vector.broadcast %squeeze3A_1978 : f32 to vector<16xf32>
        %mul3A_1980 = arith.mulf %mul3A_1979, %get3A_37 : vector<16xf32>
        %slice3A_1981 = vector.extract_strided_slice %mul3A_481 {offsets = [14], sizes = [1], strides = [1]} : vector<16xf32> to vector<1xf32>
        %squeeze3A_1982 = vector.extract %slice3A_1981[0] : f32 from vector<1xf32>
        %mul3A_1983 = vector.broadcast %squeeze3A_1982 : f32 to vector<16xf32>
        %mul3A_1984 = arith.mulf %mul3A_1983, %get3A_41 : vector<16xf32>
        %slice3A_1985 = vector.extract_strided_slice %mul3A_482 {offsets = [14], sizes = [1], strides = [1]} : vector<16xf32> to vector<1xf32>
        %squeeze3A_1986 = vector.extract %slice3A_1985[0] : f32 from vector<1xf32>
        %mul3A_1987 = vector.broadcast %squeeze3A_1986 : f32 to vector<16xf32>
        %mul3A_1988 = arith.mulf %mul3A_1987, %get3A_45 : vector<16xf32>
        %slice3A_1989 = vector.extract_strided_slice %mul3A_483 {offsets = [14], sizes = [1], strides = [1]} : vector<16xf32> to vector<1xf32>
        %squeeze3A_1990 = vector.extract %slice3A_1989[0] : f32 from vector<1xf32>
        %mul3A_1991 = vector.broadcast %squeeze3A_1990 : f32 to vector<16xf32>
        %mul3A_1992 = arith.mulf %mul3A_1991, %get3A_49 : vector<16xf32>
        %slice3A_1993 = vector.extract_strided_slice %mul3A_484 {offsets = [14], sizes = [1], strides = [1]} : vector<16xf32> to vector<1xf32>
        %squeeze3A_1994 = vector.extract %slice3A_1993[0] : f32 from vector<1xf32>
        %mul3A_1995 = vector.broadcast %squeeze3A_1994 : f32 to vector<16xf32>
        %mul3A_1996 = arith.mulf %mul3A_1995, %get3A_53 : vector<16xf32>
        %slice3A_1997 = vector.extract_strided_slice %mul3A_485 {offsets = [14], sizes = [1], strides = [1]} : vector<16xf32> to vector<1xf32>
        %squeeze3A_1998 = vector.extract %slice3A_1997[0] : f32 from vector<1xf32>
        %mul3A_1999 = vector.broadcast %squeeze3A_1998 : f32 to vector<16xf32>
        %mul3A_2000 = arith.mulf %mul3A_1999, %get3A_57 : vector<16xf32>
        %slice3A_2001 = vector.extract_strided_slice %mul3A_486 {offsets = [14], sizes = [1], strides = [1]} : vector<16xf32> to vector<1xf32>
        %squeeze3A_2002 = vector.extract %slice3A_2001[0] : f32 from vector<1xf32>
        %mul3A_2003 = vector.broadcast %squeeze3A_2002 : f32 to vector<16xf32>
        %mul3A_2004 = arith.mulf %mul3A_2003, %get3A_61 : vector<16xf32>
        %slice3A_2005 = vector.extract_strided_slice %mul3A_487 {offsets = [14], sizes = [1], strides = [1]} : vector<16xf32> to vector<1xf32>
        %squeeze3A_2006 = vector.extract %slice3A_2005[0] : f32 from vector<1xf32>
        %mul3A_2007 = vector.broadcast %squeeze3A_2006 : f32 to vector<16xf32>
        %mul3A_2008 = arith.mulf %mul3A_2007, %get3A_65 : vector<16xf32>
        %add3A_2009 = arith.addf %mul3A_1948, %mul3A_1952 : vector<16xf32>
        %add3A_2010 = arith.addf %mul3A_1956, %mul3A_1960 : vector<16xf32>
        %add3A_2011 = arith.addf %add3A_2009, %add3A_2010 : vector<16xf32>
        %add3A_2012 = arith.addf %mul3A_1964, %mul3A_1968 : vector<16xf32>
        %add3A_2013 = arith.addf %mul3A_1972, %mul3A_1976 : vector<16xf32>
        %add3A_2014 = arith.addf %add3A_2012, %add3A_2013 : vector<16xf32>
        %add3A_2015 = arith.addf %add3A_2011, %add3A_2014 : vector<16xf32>
        %add3A_2016 = arith.addf %mul3A_1980, %mul3A_1984 : vector<16xf32>
        %add3A_2017 = arith.addf %mul3A_1988, %mul3A_1992 : vector<16xf32>
        %add3A_2018 = arith.addf %add3A_2016, %add3A_2017 : vector<16xf32>
        %add3A_2019 = arith.addf %mul3A_1996, %mul3A_2000 : vector<16xf32>
        %add3A_2020 = arith.addf %mul3A_2004, %mul3A_2008 : vector<16xf32>
        %add3A_2021 = arith.addf %add3A_2019, %add3A_2020 : vector<16xf32>
        %add3A_2022 = arith.addf %add3A_2018, %add3A_2021 : vector<16xf32>
        %get3A_2023 = arith.constant 1 : i32
        %get3A_2024 = arith.index_cast %get3A_2023 : i32 to index
        %get3A_2025 = arith.index_cast %add3A_1944 : i32 to index
        %get3A_2026 = arith.constant 0 : index
        %get3A_2027 = tpu.vector_load %arg8[%get3A_2024, %get3A_2025, %get3A_2026] {strides = array<i32>} : memref<2x512x32xf32, #tpu.memory_space<vmem>>, vector<16xf32>,
        %swap3A_2028 = arith.index_cast %add3A_1944 : i32 to index
        %swap3A_2029 = arith.constant 0 : index
        %swap3A_2030 = tpu.vector_load %arg10[%swap3A_2028, %swap3A_2029] {strides = array<i32>} : memref<512x64xf32, #tpu.memory_space<vmem>>, vector<16xf32>,
        tpu.vector_store %arg10[%swap3A_2028, %swap3A_2029], %get3A_2027 {strides = array<i32>} : memref<512x64xf32, #tpu.memory_space<vmem>>, vector<16xf32>,
        %get3A_2031 = arith.constant 1 : i32
        %get3A_2032 = arith.index_cast %get3A_2031 : i32 to index
        %get3A_2033 = arith.index_cast %add3A_1944 : i32 to index
        %get3A_2034 = arith.constant 16 : index
        %get3A_2035 = tpu.vector_load %arg8[%get3A_2032, %get3A_2033, %get3A_2034] {strides = array<i32>} : memref<2x512x32xf32, #tpu.memory_space<vmem>>, vector<16xf32>,
        %swap3A_2036 = arith.index_cast %add3A_1944 : i32 to index
        %swap3A_2037 = arith.constant 16 : index
        %swap3A_2038 = tpu.vector_load %arg10[%swap3A_2036, %swap3A_2037] {strides = array<i32>} : memref<512x64xf32, #tpu.memory_space<vmem>>, vector<16xf32>,
        tpu.vector_store %arg10[%swap3A_2036, %swap3A_2037], %get3A_2035 {strides = array<i32>} : memref<512x64xf32, #tpu.memory_space<vmem>>, vector<16xf32>,
        %swap3A_2039 = arith.index_cast %add3A_1944 : i32 to index
        %swap3A_2040 = arith.constant 32 : index
        %swap3A_2041 = tpu.vector_load %arg10[%swap3A_2039, %swap3A_2040] {strides = array<i32>} : memref<512x64xf32, #tpu.memory_space<vmem>>, vector<16xf32>,
        tpu.vector_store %arg10[%swap3A_2039, %swap3A_2040], %add3A_2015 {strides = array<i32>} : memref<512x64xf32, #tpu.memory_space<vmem>>, vector<16xf32>,
        %swap3A_2042 = arith.index_cast %add3A_1944 : i32 to index
        %swap3A_2043 = arith.constant 48 : index
        %swap3A_2044 = tpu.vector_load %arg10[%swap3A_2042, %swap3A_2043] {strides = array<i32>} : memref<512x64xf32, #tpu.memory_space<vmem>>, vector<16xf32>,
        tpu.vector_store %arg10[%swap3A_2042, %swap3A_2043], %add3A_2022 {strides = array<i32>} : memref<512x64xf32, #tpu.memory_space<vmem>>, vector<16xf32>,
        %mul3A_2045 = arith.constant 16 : i32
        %mul3A_2046 = arith.muli %scan3A_422, %mul3A_2045 : i32
        %add3A_2047 = arith.constant 15 : i32
        %add3A_2048 = arith.addi %mul3A_2046, %add3A_2047 : i32
        %slice3A_2049 = vector.extract_strided_slice %mul3A_480 {offsets = [15], sizes = [1], strides = [1]} : vector<16xf32> to vector<1xf32>
        %squeeze3A_2050 = vector.extract %slice3A_2049[0] : f32 from vector<1xf32>
        %mul3A_2051 = vector.broadcast %squeeze3A_2050 : f32 to vector<16xf32>
        %mul3A_2052 = arith.mulf %mul3A_2051, %get3A_5 : vector<16xf32>
        %slice3A_2053 = vector.extract_strided_slice %mul3A_481 {offsets = [15], sizes = [1], strides = [1]} : vector<16xf32> to vector<1xf32>
        %squeeze3A_2054 = vector.extract %slice3A_2053[0] : f32 from vector<1xf32>
        %mul3A_2055 = vector.broadcast %squeeze3A_2054 : f32 to vector<16xf32>
        %mul3A_2056 = arith.mulf %mul3A_2055, %get3A_9 : vector<16xf32>
        %slice3A_2057 = vector.extract_strided_slice %mul3A_482 {offsets = [15], sizes = [1], strides = [1]} : vector<16xf32> to vector<1xf32>
        %squeeze3A_2058 = vector.extract %slice3A_2057[0] : f32 from vector<1xf32>
        %mul3A_2059 = vector.broadcast %squeeze3A_2058 : f32 to vector<16xf32>
        %mul3A_2060 = arith.mulf %mul3A_2059, %get3A_13 : vector<16xf32>
        %slice3A_2061 = vector.extract_strided_slice %mul3A_483 {offsets = [15], sizes = [1], strides = [1]} : vector<16xf32> to vector<1xf32>
        %squeeze3A_2062 = vector.extract %slice3A_2061[0] : f32 from vector<1xf32>
        %mul3A_2063 = vector.broadcast %squeeze3A_2062 : f32 to vector<16xf32>
        %mul3A_2064 = arith.mulf %mul3A_2063, %get3A_17 : vector<16xf32>
        %slice3A_2065 = vector.extract_strided_slice %mul3A_484 {offsets = [15], sizes = [1], strides = [1]} : vector<16xf32> to vector<1xf32>
        %squeeze3A_2066 = vector.extract %slice3A_2065[0] : f32 from vector<1xf32>
        %mul3A_2067 = vector.broadcast %squeeze3A_2066 : f32 to vector<16xf32>
        %mul3A_2068 = arith.mulf %mul3A_2067, %get3A_21 : vector<16xf32>
        %slice3A_2069 = vector.extract_strided_slice %mul3A_485 {offsets = [15], sizes = [1], strides = [1]} : vector<16xf32> to vector<1xf32>
        %squeeze3A_2070 = vector.extract %slice3A_2069[0] : f32 from vector<1xf32>
        %mul3A_2071 = vector.broadcast %squeeze3A_2070 : f32 to vector<16xf32>
        %mul3A_2072 = arith.mulf %mul3A_2071, %get3A_25 : vector<16xf32>
        %slice3A_2073 = vector.extract_strided_slice %mul3A_486 {offsets = [15], sizes = [1], strides = [1]} : vector<16xf32> to vector<1xf32>
        %squeeze3A_2074 = vector.extract %slice3A_2073[0] : f32 from vector<1xf32>
        %mul3A_2075 = vector.broadcast %squeeze3A_2074 : f32 to vector<16xf32>
        %mul3A_2076 = arith.mulf %mul3A_2075, %get3A_29 : vector<16xf32>
        %slice3A_2077 = vector.extract_strided_slice %mul3A_487 {offsets = [15], sizes = [1], strides = [1]} : vector<16xf32> to vector<1xf32>
        %squeeze3A_2078 = vector.extract %slice3A_2077[0] : f32 from vector<1xf32>
        %mul3A_2079 = vector.broadcast %squeeze3A_2078 : f32 to vector<16xf32>
        %mul3A_2080 = arith.mulf %mul3A_2079, %get3A_33 : vector<16xf32>
        %slice3A_2081 = vector.extract_strided_slice %mul3A_480 {offsets = [15], sizes = [1], strides = [1]} : vector<16xf32> to vector<1xf32>
        %squeeze3A_2082 = vector.extract %slice3A_2081[0] : f32 from vector<1xf32>
        %mul3A_2083 = vector.broadcast %squeeze3A_2082 : f32 to vector<16xf32>
        %mul3A_2084 = arith.mulf %mul3A_2083, %get3A_37 : vector<16xf32>
        %slice3A_2085 = vector.extract_strided_slice %mul3A_481 {offsets = [15], sizes = [1], strides = [1]} : vector<16xf32> to vector<1xf32>
        %squeeze3A_2086 = vector.extract %slice3A_2085[0] : f32 from vector<1xf32>
        %mul3A_2087 = vector.broadcast %squeeze3A_2086 : f32 to vector<16xf32>
        %mul3A_2088 = arith.mulf %mul3A_2087, %get3A_41 : vector<16xf32>
        %slice3A_2089 = vector.extract_strided_slice %mul3A_482 {offsets = [15], sizes = [1], strides = [1]} : vector<16xf32> to vector<1xf32>
        %squeeze3A_2090 = vector.extract %slice3A_2089[0] : f32 from vector<1xf32>
        %mul3A_2091 = vector.broadcast %squeeze3A_2090 : f32 to vector<16xf32>
        %mul3A_2092 = arith.mulf %mul3A_2091, %get3A_45 : vector<16xf32>
        %slice3A_2093 = vector.extract_strided_slice %mul3A_483 {offsets = [15], sizes = [1], strides = [1]} : vector<16xf32> to vector<1xf32>
        %squeeze3A_2094 = vector.extract %slice3A_2093[0] : f32 from vector<1xf32>
        %mul3A_2095 = vector.broadcast %squeeze3A_2094 : f32 to vector<16xf32>
        %mul3A_2096 = arith.mulf %mul3A_2095, %get3A_49 : vector<16xf32>
        %slice3A_2097 = vector.extract_strided_slice %mul3A_484 {offsets = [15], sizes = [1], strides = [1]} : vector<16xf32> to vector<1xf32>
        %squeeze3A_2098 = vector.extract %slice3A_2097[0] : f32 from vector<1xf32>
        %mul3A_2099 = vector.broadcast %squeeze3A_2098 : f32 to vector<16xf32>
        %mul3A_2100 = arith.mulf %mul3A_2099, %get3A_53 : vector<16xf32>
        %slice3A_2101 = vector.extract_strided_slice %mul3A_485 {offsets = [15], sizes = [1], strides = [1]} : vector<16xf32> to vector<1xf32>
        %squeeze3A_2102 = vector.extract %slice3A_2101[0] : f32 from vector<1xf32>
        %mul3A_2103 = vector.broadcast %squeeze3A_2102 : f32 to vector<16xf32>
        %mul3A_2104 = arith.mulf %mul3A_2103, %get3A_57 : vector<16xf32>
        %slice3A_2105 = vector.extract_strided_slice %mul3A_486 {offsets = [15], sizes = [1], strides = [1]} : vector<16xf32> to vector<1xf32>
        %squeeze3A_2106 = vector.extract %slice3A_2105[0] : f32 from vector<1xf32>
        %mul3A_2107 = vector.broadcast %squeeze3A_2106 : f32 to vector<16xf32>
        %mul3A_2108 = arith.mulf %mul3A_2107, %get3A_61 : vector<16xf32>
        %slice3A_2109 = vector.extract_strided_slice %mul3A_487 {offsets = [15], sizes = [1], strides = [1]} : vector<16xf32> to vector<1xf32>
        %squeeze3A_2110 = vector.extract %slice3A_2109[0] : f32 from vector<1xf32>
        %mul3A_2111 = vector.broadcast %squeeze3A_2110 : f32 to vector<16xf32>
        %mul3A_2112 = arith.mulf %mul3A_2111, %get3A_65 : vector<16xf32>
        %add3A_2113 = arith.addf %mul3A_2052, %mul3A_2056 : vector<16xf32>
        %add3A_2114 = arith.addf %mul3A_2060, %mul3A_2064 : vector<16xf32>
        %add3A_2115 = arith.addf %add3A_2113, %add3A_2114 : vector<16xf32>
        %add3A_2116 = arith.addf %mul3A_2068, %mul3A_2072 : vector<16xf32>
        %add3A_2117 = arith.addf %mul3A_2076, %mul3A_2080 : vector<16xf32>
        %add3A_2118 = arith.addf %add3A_2116, %add3A_2117 : vector<16xf32>
        %add3A_2119 = arith.addf %add3A_2115, %add3A_2118 : vector<16xf32>
        %add3A_2120 = arith.addf %mul3A_2084, %mul3A_2088 : vector<16xf32>
        %add3A_2121 = arith.addf %mul3A_2092, %mul3A_2096 : vector<16xf32>
        %add3A_2122 = arith.addf %add3A_2120, %add3A_2121 : vector<16xf32>
        %add3A_2123 = arith.addf %mul3A_2100, %mul3A_2104 : vector<16xf32>
        %add3A_2124 = arith.addf %mul3A_2108, %mul3A_2112 : vector<16xf32>
        %add3A_2125 = arith.addf %add3A_2123, %add3A_2124 : vector<16xf32>
        %add3A_2126 = arith.addf %add3A_2122, %add3A_2125 : vector<16xf32>
        %get3A_2127 = arith.constant 1 : i32
        %get3A_2128 = arith.index_cast %get3A_2127 : i32 to index
        %get3A_2129 = arith.index_cast %add3A_2048 : i32 to index
        %get3A_2130 = arith.constant 0 : index
        %get3A_2131 = tpu.vector_load %arg8[%get3A_2128, %get3A_2129, %get3A_2130] {strides = array<i32>} : memref<2x512x32xf32, #tpu.memory_space<vmem>>, vector<16xf32>,
        %swap3A_2132 = arith.index_cast %add3A_2048 : i32 to index
        %swap3A_2133 = arith.constant 0 : index
        %swap3A_2134 = tpu.vector_load %arg10[%swap3A_2132, %swap3A_2133] {strides = array<i32>} : memref<512x64xf32, #tpu.memory_space<vmem>>, vector<16xf32>,
        tpu.vector_store %arg10[%swap3A_2132, %swap3A_2133], %get3A_2131 {strides = array<i32>} : memref<512x64xf32, #tpu.memory_space<vmem>>, vector<16xf32>,
        %get3A_2135 = arith.constant 1 : i32
        %get3A_2136 = arith.index_cast %get3A_2135 : i32 to index
        %get3A_2137 = arith.index_cast %add3A_2048 : i32 to index
        %get3A_2138 = arith.constant 16 : index
        %get3A_2139 = tpu.vector_load %arg8[%get3A_2136, %get3A_2137, %get3A_2138] {strides = array<i32>} : memref<2x512x32xf32, #tpu.memory_space<vmem>>, vector<16xf32>,
        %swap3A_2140 = arith.index_cast %add3A_2048 : i32 to index
        %swap3A_2141 = arith.constant 16 : index
        %swap3A_2142 = tpu.vector_load %arg10[%swap3A_2140, %swap3A_2141] {strides = array<i32>} : memref<512x64xf32, #tpu.memory_space<vmem>>, vector<16xf32>,
        tpu.vector_store %arg10[%swap3A_2140, %swap3A_2141], %get3A_2139 {strides = array<i32>} : memref<512x64xf32, #tpu.memory_space<vmem>>, vector<16xf32>,
        %swap3A_2143 = arith.index_cast %add3A_2048 : i32 to index
        %swap3A_2144 = arith.constant 32 : index
        %swap3A_2145 = tpu.vector_load %arg10[%swap3A_2143, %swap3A_2144] {strides = array<i32>} : memref<512x64xf32, #tpu.memory_space<vmem>>, vector<16xf32>,
        tpu.vector_store %arg10[%swap3A_2143, %swap3A_2144], %add3A_2119 {strides = array<i32>} : memref<512x64xf32, #tpu.memory_space<vmem>>, vector<16xf32>,
        %swap3A_2146 = arith.index_cast %add3A_2048 : i32 to index
        %swap3A_2147 = arith.constant 48 : index
        %swap3A_2148 = tpu.vector_load %arg10[%swap3A_2146, %swap3A_2147] {strides = array<i32>} : memref<512x64xf32, #tpu.memory_space<vmem>>, vector<16xf32>,
        tpu.vector_store %arg10[%swap3A_2146, %swap3A_2147], %add3A_2126 {strides = array<i32>} : memref<512x64xf32, #tpu.memory_space<vmem>>, vector<16xf32>,
      }
      %scan3A_417 = arith.constant 32 : i32
      %mul3A_418 = arith.constant 512 : i32
      %mul3A_419 = arith.muli %add3A_302, %mul3A_418 : i32
      %add3A_420 = arith.addi %mul3A_2, %mul3A_419 : i32
      %multiple_of3A_421 = tpu.assume_multiple %add3A_420, 512 : i32
      "tpu.region"() ({
        %run_scoped3A_422 = tpu.sem_alloc : memref<!tpu.dma_semaphore, #tpu.memory_space<semaphore_mem>>
        %dma_start3A_423 = arith.constant 0 : i32
        %dma_start3A_424 = tpu.memref_slice %arg6[%multiple_of3A_421, %dma_start3A_423] : memref<819200x64xf32, #tpu.memory_space<hbm>> -> memref<512x64xf32, #tpu.memory_space<hbm>>
        %dma_start3A_425 = arith.constant 0 : i32
        %dma_start3A_426 = tpu.memref_slice %arg6[%multiple_of3A_421, %dma_start3A_425] : memref<819200x64xf32, #tpu.memory_space<hbm>> -> memref<512x64xf32, #tpu.memory_space<hbm>>
        tpu.enqueue_dma source(%arg10 : memref<512x64xf32, #tpu.memory_space<vmem>>) target(%dma_start3A_426 : memref<512x64xf32, #tpu.memory_space<hbm>>) target_semaphore(%run_scoped3A_422 : memref<!tpu.dma_semaphore, #tpu.memory_space<semaphore_mem>>)
        %dma_wait3A_427 = arith.constant 0 : i32
        %dma_wait3A_428 = tpu.memref_slice %arg6[%multiple_of3A_421, %dma_wait3A_427] : memref<819200x64xf32, #tpu.memory_space<hbm>> -> memref<512x64xf32, #tpu.memory_space<hbm>>
        %dma_wait3A_429 = arith.constant 0 : i32
        %dma_wait3A_430 = tpu.memref_slice %arg6[%multiple_of3A_421, %dma_wait3A_429] : memref<819200x64xf32, #tpu.memory_space<hbm>> -> memref<512x64xf32, #tpu.memory_space<hbm>>
        tpu.wait_dma2 semaphore(%run_scoped3A_422 : memref<!tpu.dma_semaphore, #tpu.memory_space<semaphore_mem>>) src(%arg10 : memref<512x64xf32, #tpu.memory_space<vmem>>) dst(%dma_wait3A_430 : memref<512x64xf32, #tpu.memory_space<hbm>>)
        tpu.yield
      }) : () -> ()
    }
    %scan3A_178 = arith.constant 25 : i32
    return
  }
}

</mosaic_0001>

<sc_bundles>
// kernel: _emb_call.3.cloned.1.call-start
scs
__scs_entry_jumppad:
0x0: {  	(pc) =	sbr.rel $0x88, $3  }
0x1: {  	(tag) =	ssettag $0x0;
	lr =	simm.s32 $0x1  }
0x2: {  	[smem:$0x3F9D] =	sst lr;
	_ =	strace $0xD0000000  }
0x3: {  	_ = 	snop  }
0x4: {  	_ = 	snop  }
0x5: {  	_ = 	snop  }
0x6: {  	_ = 	snop  }
0x7: {  	_ = 	snop  }
__scs_overlays_trampoline_lowered:
0x8: {  	[smem:$0x3FAC] =	sst s0  }
0x9: {  	[smem:$0x3FAD] =	sst s1  }
0xa: {  	[smem:$0x3FAE] =	sst s2  }
0xb: {  	[smem:$0x3FAF] =	sst s3  }
0xc: {  	[smem:$0x3FB0] =	sst s4  }
0xd: {  	[smem:$0x3FB1] =	sst s5  }
0xe: {  	[smem:$0x3FB2] =	sst s6  }
0xf: {  	[smem:$0x3FB3] =	sst s7  }
0x10: {  	[smem:$0x3FB4] =	sst s8  }
0x11: {  	[smem:$0x3FB5] =	sst s9;
	s0 =	simm.s32 @!p0 $0x0  }
0x12: {  	s1 =	sld [smem:$0x3F9B];
	s0 =	simm.s32 @p0 $0x1  }
0x13: {  	[smem:$0x3FB6] =	sst s0;
	s0 =	simm.s32 @!p1 $0x0  }
0x14: {  	s2 =	sld [smem:$0x3F9A];
	s0 =	simm.s32 @p1 $0x1  }
0x15: {  	[smem:$0x3FB7] =	sst s0;
	s0 =	simm.s32 @!p2 $0x0  }
0x16: {  	s3 =	sld [smem:$0x3FDB];
	s0 =	simm.s32 @p2 $0x1  }
0x17: {  	s4 =	simm.s32 $0x1BF5;
	[smem:$0x3FB9] =	sst s0  }
0x18: {  	s0 =	sld [smem:$0x3F9C];
	_ =	swait.ge [sflag:s4], $0x0  }
0x19: {  	s7 =	sld [smem:$0x3F9D]  }
0x1a: {  	s8 =	sadd.s32 $0xFFFFE003, lr  }
0x1b: {  	s9 =	sadd.s32 $0xFFFFFEF7, lr;
	s5 =	simm.s32 $0xFFFFFFFF;
	p2 =	slt.u32 s8, $0xFFFFF086  }
0x1c: {  	p1 =	slt.u32 s9, $0xF7A;
	s5 =	simm.s32 @!p2 $0x0  }
0x1d: {  	s5 =	simm.s32 @p1 $0x1;
	p0 =	seq.s32 s7, s2  }
0x1e: {  	s7 =	smul.u32 @!p0 $0xF7A, s2;
	p2 =	seq.s32 @!p0 s5, $0x0  }
0x1f: {  	s9 =	smul.u32 $0xF7A, s1;
	s8 =	simm.s32 @!p0 $0x1BF5;
	p2 =	por !p2, p0  }
0x20: {  	[sflag:s8] =	ssyncset.s32 @!p0 $0xFFFFF086;
	s6 =	sadd.s32 @!p0 s3, s7;
	s7 =	simm.s32 @!p0 $0x108  }
0x21: {  	s3 =	sadd.s32 s3, s9;
	s6 =	sadd.s32 @!p0 $0x88, s6;
	s7 =	simm.s32 @p2 $0x1082  }
0x22: {  	[simem:s7], [sflag:s8] =	dma.local @!p0 [hbm:s6], $0xF7A  }
0x23: {  	s9 =	sor.u32 $0xD0000000, s2;
	s6 =	simm.s32 $0x108;
	_ =	swait.ge @!p0 [sflag:s8], $0x0  }
0x24: {  	s3 =	sadd.s32 $0x88, s3;
	s6 =	simm.s32 @!p1 $0x1082;
	[sflag:s4] =	ssyncset.s32 $0xFFFFF086  }
0x25: {  	[simem:s6], [sflag:s4] =	dma.local [hbm:s3], $0xF7A  }
0x26: {  	[smem:$0x3F9D] =	sst s1;
	(tag) =	ssettag s2;
	_ =	strace s9  }
0x27: {  	s1 =	sld [smem:$0x3FAD]  }
0x28: {  	s2 =	sld [smem:$0x3FAE]  }
0x29: {  	s4 =	sld [smem:$0x3FB0]  }
0x2a: {  	p0 =	seq.s32 s5, $0x0;
	s5 =	sld [smem:$0x3FB1]  }
0x2b: {  	s6 =	sld [smem:$0x3FB2]  }
0x2c: {  	s7 =	sld [smem:$0x3FB3]  }
0x2d: {  	s3 =	simm.s32 $0x108;
	s8 =	sld [smem:$0x3FB4]  }
0x2e: {  	s3 =	simm.s32 @!p0 $0x1082;
	s9 =	sld [smem:$0x3FB5]  }
0x2f: {  	lr =	sadd.s32 s0, s3;
	s0 =	sld [smem:$0x3FAC]  }
0x30: {  	s3 =	sld [smem:$0x3FAF]  }
0x31: {  	[smem:$0x3FB8] =	sst s10  }
0x32: {  	s10 =	sld [smem:$0x3FB6];
	_ =	sdelay $0x3  }
0x33: {  	p0 =	seq.s32 s10, $0x1;
	s10 =	sld [smem:$0x3FB8];
	_ =	sdelay $0x3  }
0x34: {  	[smem:$0x3FB8] =	sst s10  }
0x35: {  	s10 =	sld [smem:$0x3FB7];
	_ =	sdelay $0x3  }
0x36: {  	p1 =	seq.s32 s10, $0x1;
	s10 =	sld [smem:$0x3FB8];
	_ =	sdelay $0x3  }
0x37: {  	[smem:$0x3FB8] =	sst s10  }
0x38: {  	s10 =	sld [smem:$0x3FB9]  }
0x39: {  	_ = 	snop;
	(pc) =	sbr.ind lr, $3  }
0x3a: {  	_ = 	snop  }
0x3b: {  	_ = 	snop  }
0x3c: {  	p2 =	seq.s32 s10, $0x1;
	s10 =	sld [smem:$0x3FB8]  }
0x3d: {  	_ =	shalt  }
0x3e: {  	_ =	shalt  }
0x3f: {  	_ =	shalt  }
0x40: {  	_ =	shalt  }
0x41: {  	_ =	shalt  }
0x42: {  	_ =	shalt  }
0x43: {  	_ =	shalt  }
0x44: {  	_ =	shalt  }
0x45: {  	_ =	shalt  }
0x46: {  	_ =	shalt  }
0x47: {  	_ =	shalt  }
0x48: {  	_ =	shalt  }
0x49: {  	_ =	shalt  }
0x4a: {  	_ =	shalt  }
0x4b: {  	_ =	shalt  }
0x4c: {  	_ =	shalt  }
0x4d: {  	_ =	shalt  }
0x4e: {  	_ =	shalt  }
0x4f: {  	_ =	shalt  }
0x50: {  	_ =	shalt  }
0x51: {  	_ =	shalt  }
0x52: {  	_ =	shalt  }
0x53: {  	_ =	shalt  }
0x54: {  	_ =	shalt  }
0x55: {  	_ =	shalt  }
0x56: {  	_ =	shalt  }
0x57: {  	_ =	shalt  }
0x58: {  	_ =	shalt  }
0x59: {  	_ =	shalt  }
0x5a: {  	_ =	shalt  }
0x5b: {  	_ =	shalt  }
0x5c: {  	_ =	shalt  }
0x5d: {  	_ =	shalt  }
0x5e: {  	_ =	shalt  }
0x5f: {  	_ =	shalt  }
0x60: {  	_ =	shalt  }
0x61: {  	_ =	shalt  }
0x62: {  	_ =	shalt  }
0x63: {  	_ =	shalt  }
0x64: {  	_ =	shalt  }
0x65: {  	_ =	shalt  }
0x66: {  	_ =	shalt  }
0x67: {  	_ =	shalt  }
0x68: {  	_ =	shalt  }
0x69: {  	_ =	shalt  }
0x6a: {  	_ =	shalt  }
0x6b: {  	_ =	shalt  }
0x6c: {  	_ =	shalt  }
0x6d: {  	_ =	shalt  }
0x6e: {  	_ =	shalt  }
0x6f: {  	_ =	shalt  }
0x70: {  	_ =	shalt  }
0x71: {  	_ =	shalt  }
0x72: {  	_ =	shalt  }
0x73: {  	_ =	shalt  }
0x74: {  	_ =	shalt  }
0x75: {  	_ =	shalt  }
0x76: {  	_ =	shalt  }
0x77: {  	_ =	shalt  }
0x78: {  	_ =	shalt  }
0x79: {  	_ =	shalt  }
0x7a: {  	_ =	shalt  }
0x7b: {  	_ =	shalt  }
0x7c: {  	_ =	shalt  }
0x7d: {  	_ =	shalt  }
0x7e: {  	_ =	shalt  }
0x7f: {  	_ =	shalt  }
0x80: {  	_ =	shalt  }
0x81: {  	_ =	shalt  }
0x82: {  	_ =	shalt  }
0x83: {  	_ =	shalt  }
0x84: {  	_ =	shalt  }
0x85: {  	_ =	shalt  }
0x86: {  	_ =	shalt  }
0x87: {  	_ =	shalt  }
.Lfunc_end0:
.L_simem_size_0:
called_computation.1_lowered:
.L_overlay_start_0:
0x88: {  	s2 =	sld [smem:$0x3FD9]  }
0x89: {  	s3 =	sld [smem:$0x3FFE];
	_ =	sdelay $0x1  }
0x8a: {  	s1 =	srdreg.scid  }
0x8b: {  	s0 =	sand.u32 $0x1, s1  }
0x8c: {  	s17 =	sshll.u32 s0, $0xA;
	s2 =	sadd.s32 s3, s2  }
0x8d: {  	s2 =	sadd.s32 s2, s17  }
0x8e: {  	[smem:$0x3FC4] =	sst s2  }
0x8f: {  	_ = 	snop  }
0x90: {  	s2 =	sld [smem:$0x3FC9]  }
0x91: {  	s18 =	sld [smem:$0x3FD0];
	(tm) =	ssettm $0x1  }
0x92: {  	s4 =	sld [smem:$0x3FFB];
	_ =	sdelay $0x3  }
0x93: {  	_ =	strace s4  }
0x94: {  	s4 =	sld [smem:$0x3FFC];
	_ =	sdelay $0x3  }
0x95: {  	_ =	strace s4  }
0x96: {  	s4 =	sld [smem:$0x3FFD];
	_ =	sdelay $0x3  }
0x97: {  	_ =	strace s4  }
0x98: {  	_ =	strace $0x8FFFFFFF  }
0x99: {  	s19 =	sld [smem:$0x3FDB];
	_ =	sdelay $0x1  }
0x9a: {  	s5 =	simm.s32 $_scs_section_size  }
0x9b: {  	s6 =	simm.s32 $_size__tile_overlayer_lowered;
	s7 =	simm.s32 $_tile_overlayer_lowered  }
0x9c: {  	s22 =	simm.s32 $0x1BFF;
	s21 =	sshll.u32 s7, $0x1;
	s4 =	sadd.s32 s5, s19  }
0x9d: {  	s8 =	simm.s32 $0x0;
	s20 =	sshll.u32 s6, $0x1;
	s6 =	sadd.s32 s21, s4  }
0x9e: {  	[timem:s8], [sflag:s22] =	dma.local [hbm:s6], s20  }
0x9f: {  	_ =	swait.ge [sflag:s22], s20  }
0xa0: {  	s5 =	ssub.s32 $0x0, s20;
	[sflag:s22] =	ssyncset.done $0x0  }
0xa1: {  	[sflag:s22] =	ssyncadd.s32 s5;
	_ =	sdelay $0x1  }
0xa2: {  	s23 =	simm.s32 $0x1B8B  }
0xa3: {  	_ =	swait.ge [sflag:s23], $0x1  }
0xa4: {  	[sflag:s23] =	ssyncset.done $0x0  }
0xa5: {  	s25 =	simm.s32 $0x1B8E;
	s24 =	sld [smem:$0x3FFE];
	[sflag:s23] =	ssyncadd.s32 $0xFFFFFFFF  }
0xa6: {  	s26 =	simm.s32 $execute0_lowered;
	[smem:$0x3FD2] =	sst s25  }
0xa7: {  	s6 =	sshll.u32 s26, $0x1;
	_ =	strace $0x80000046;
	[dreg:$0x1] =	wrdreg $0xFFFFFFFF  }
0xa8: {  	s28 =	simm.s32 $_size_execute0_lowered;
	s4 =	sadd.s32 s4, s6;
	[dreg:$0x0] =	wrdreg $0x0  }
0xa9: {  	s6 =	sshll.u32 s28, $0x1;
	[dreg:$0x2] =	wrdreg s4  }
0xaa: {  	[dreg:$0x3] =	wrdreg s6  }
0xab: {  	[dreg:$0x4] =	wrdreg $0xC0  }
0xac: {  	_ =	task [dreg:s8], $0x5FFFF  }
0xad: {  	[dreg:$0x1] =	wrdreg $0xFFFFFFFF  }
0xae: {  	[dreg:$0x0] =	wrdreg $0x60  }
0xaf: {  	[dreg:$0x2] =	wrdreg s2  }
0xb0: {  	[dreg:$0x3] =	wrdreg s24  }
0xb1: {  	[dreg:$0x4] =	wrdreg s18  }
0xb2: {  	[dreg:$0x5] =	wrdreg $0x9  }
0xb3: {  	_ =	task.clear_ibuf [dreg:s8], $0x6FFFF;
	_ =	strace $0x90000046  }
0xb4: {  	s29 =	simm.s32 $0x9;
	_ =	strace $0x80000048  }
0xb5: {  	_ =	swait.ge [sflag:s29], $0x1  }
0xb6: {  	[sflag:s29] =	ssyncadd.s32 $0xFFFFFFFF  }
0xb7: {  	_ =	strace $0x90000048  }
0xb8: {  	_ =	sfence  }
0xb9: {  	s30 =	sld [smem:$0x0];
	_ =	sdelay $0x2  }
0xba: {  	s31 =	sshll.u32 s1, $0xD;
	s1 =	sshrl.u32 s1, $0x2  }
0xbb: {  	s3 =	sand.u32 $0x4000, s31;
	s1 =	sadd.s32 s1, s30  }
0xbc: {  	s0 =	sor.u32 s3, s0;
	s1 =	sshll.u32 s1, $0x11  }
0xbd: {  	s0 =	sor.u32 s1, s0  }
0xbe: {  	s0 =	sadd.s32 $0x8F2B, s0  }
0xbf: {  	[sflag:s0] =	ssyncadd.remote.s32 $0x1  }
0xc0: {  	_ =	sfence.sel $0xFFFF  }
0xc1: {  	[dreg:$0x0] =	wrdreg $0xFFFFFFFF;
	(pc) =	sbr.abs _section_cstart, $3  }
0xc2: {  	[dreg:$0x1] =	wrdreg $0xFFFFFFFF  }
0xc3: {  	_ =	task.clear_ibuf [dreg:s8], $0x2FFFF;
	_ =	strace $0x9FFFFFFF  }
0xc4: {  	(tm) =	ssettm $0x7FFFFFFF  }
0xc5: {  	_ =	shalt  }
tec
execute0_lowered:
.L_overlay_start_1:
0x0: {  	(tag) =	ssettag $0x1  }
0x1: {  	s1 =	rddreg [dreg:$0x0]  }
0x2: {  	s0 =	rddreg [dreg:$0x1]  }
0x3: {  	s3 =	rddreg [dreg:$0x2];
	s2 =	srdreg.scid  }
0x4: {  	s5 =	stileid.u32;
	s4 =	simm.s32 $0x0;
	s16 =	simm.s32 $0x4  }
0x5: {  	s17 =	simm.s32 $0x80;
	s19 =	simm.s32 $0x8400;
	s29 =	simm.s32 $0x200  }
0x6: {  	s30 =	simm.s32 $0x1;
	s20 =	simm.s32 $0x300;
	s21 =	simm.s32 $0x6400  }
0x7: {  	s23 =	simm.s32 $0x9C00;
	s24 =	simm.s32 $0x380;
	s28 =	simm.s32 $0xA000  }
0x8: {  	s22 =	simm.s32 $0x2;
	s25 =	simm.s32 $0x3;
	s2 =	sand.u32 $0x1, s2  }
0x9: {  	s5 =	sshll.u32 s5, $0x1;
	[smem:$0x7FF] =	sst s4;
	s6 =	sadd.s32 $0x1313A00, s0  }
0xa: {  	s7 =	sor.u32 s2, s5;
	_ =	strace $0x80000047;
	s5 =	sadd.s32 $0xF43000, s0  }
0xb: {  	s0 =	sadd.s32 $0xC00, s0;
	s26 =	ssub.s32 $0x2, s2;
	s8 =	smul.u32 $0x6400, s7  }
0xc: {  	[dreg:$0x4] =	wrdreg s0;
	s10 =	sshrl.u32 s26, $0x1;
	s9 =	smul.u32 $0x190000, s7  }
0xd: {  	s7 =	simm.s32 $0xA400;
	s0 =	ssub.s32 s26, s10;
	s26 =	simm.s32 $0x7400  }
0xe: {  	s31 =	sshrl.u32 s8, $0x3;
	s11 =	sadd.s32 $0x400, s8;
	s0 =	smax.u32 s0, $0x1  }
0xf: {  	s12 =	sadd.s32 $0x600, s8;
	s2 =	sadd.s32 s1, s31;
	[dreg:$0x7] =	wrdreg s0  }
0x10: {  	v0 =	vlaneseq.u32;
	s13 =	sor.u32 $0x8000, s9;
	[dreg:$0x5] =	wrdreg s2;
	s2 =	sadd.s32 $0x40, s2  }
0x11: {  	v0 =	vmul.u32 $0x8, v0;
	s8 =	simm.s32 $0x0;
	[dreg:$0x6] =	wrdreg s2;
	s2 =	simm.s32 $0x280  }
.LBB2_1:
0x12: {  	[dreg:$0x8] =	wrdreg s8  }
0x13: {  	s0 =	rddreg [dreg:$0x4];
	s31 =	simm.s32 $0x12400  }
0x14: {  	[tilespmem:s31], [sflag:$0x4] =	stream.linear.gather [hbm4b:s0+s4], $0x100, $0x38;
	[tilespmem:$0x12500] =	vst v63  }
0x15: {  	_ =	swait.ge [sflag:s16], $0x100  }
0x16: {  	[sflag:s16] =	ssyncset.done $0x0  }
0x17: {  	[sflag:s16] =	ssyncadd.s32 $0xFFFFFF00  }
0x18: {  	v1 =	vld [tilespmem:$0x12400]  }
0x19: {  	v2 =	vld [tilespmem:$0x12420]  }
0x1a: {  	v3 =	vld [tilespmem:$0x12440]  }
0x1b: {  	v4 =	vld [tilespmem:$0x12460]  }
0x1c: {  	v5 =	vld [tilespmem:$0x12480]  }
0x1d: {  	v6 =	vld [tilespmem:$0x124A0]  }
0x1e: {  	v7 =	vld [tilespmem:$0x124C0]  }
0x1f: {  	v8 =	vld [tilespmem:$0x124E0]  }
0x20: {  	v9 =	vld [tilespmem:$0x12410]  }
0x21: {  	v10 =	vld [tilespmem:$0x12430]  }
0x22: {  	v11 =	vld [tilespmem:$0x12450]  }
0x23: {  	v12 =	vld [tilespmem:$0x12470]  }
0x24: {  	v13 =	vld [tilespmem:$0x12490]  }
0x25: {  	v14 =	vld [tilespmem:$0x124B0]  }
0x26: {  	s8 =	rddreg [dreg:$0x5];
	v15 =	vld [tilespmem:$0x124D0]  }
0x27: {  	v16 =	vld [tilespmem:$0x124F0];
	[tilespmem:s4], [sflag:$0x4] =	stream.linear.gather [hbm4b:s8+s4], $0x200, $0x38  }
0x28: {  	_ =	swait.ge [sflag:s16], $0x200  }
0x29: {  	[sflag:s16] =	ssyncset.done $0x0  }
0x2a: {  	s10 =	simm.s32 $0x400;
	[sflag:s16] =	ssyncadd.s32 $0xFFFFFE00  }
0x2b: {  	[tilespmem:s10], [sflag:$0x2] =	stream.indirect.gather [hbm4b:s5+s17], $0x20, s4, s17, $0xb8;
	[tilespmem:$0x12500] =	vst v63  }
0x2c: {  	_ = 	snop  }
0x2d: {  	[tilespmem:s19], [sflag:$0x3] =	stream.indirect.gather [hbm4b:s6+s17], $0x8, s4, s17, $0xb8;
	[tilespmem:$0x12500] =	vst v63  }
0x2e: {  	s14 =	simm.s32 $0x1400  }
0x2f: {  	[tilespmem:s14], [sflag:$0x2] =	stream.indirect.gather [hbm4b:s5+s17], $0x20, s17, s17, $0xb8;
	[tilespmem:$0x12500] =	vst v63  }
0x30: {  	s15 =	simm.s32 $0x8800  }
0x31: {  	[tilespmem:s15], [sflag:$0x3] =	stream.indirect.gather [hbm4b:s6+s17], $0x8, s17, s17, $0xb8;
	[tilespmem:$0x12500] =	vst v63  }
0x32: {  	s18 =	simm.s32 $0x100;
	s31 =	simm.s32 $0x2400  }
0x33: {  	[tilespmem:s31], [sflag:$0x2] =	stream.indirect.gather [hbm4b:s5+s17], $0x20, s18, s17, $0xb8;
	[tilespmem:$0x12500] =	vst v63  }
0x34: {  	s10 =	simm.s32 $0x8C00  }
0x35: {  	[tilespmem:s10], [sflag:$0x3] =	stream.indirect.gather [hbm4b:s6+s17], $0x8, s18, s17, $0xb8;
	[tilespmem:$0x12500] =	vst v63  }
0x36: {  	s14 =	simm.s32 $0x180;
	s15 =	simm.s32 $0x3400  }
0x37: {  	[tilespmem:s15], [sflag:$0x2] =	stream.indirect.gather [hbm4b:s5+s17], $0x20, s14, s17, $0xb8;
	[tilespmem:$0x12500] =	vst v63  }
0x38: {  	s18 =	simm.s32 $0x9000  }
0x39: {  	[tilespmem:s18], [sflag:$0x3] =	stream.indirect.gather [hbm4b:s6+s17], $0x8, s14, s17, $0xb8;
	[tilespmem:$0x12500] =	vst v63  }
0x3a: {  	s31 =	rddreg [dreg:$0x6];
	s14 =	simm.s32 $0x0  }
0x3b: {  	[tilespmem:s29], [sflag:$0x1] =	stream.linear.gather [hbm4b:s31+s4], $0x200, $0x38;
	[tilespmem:$0x12500] =	vst v63  }
.LBB2_2:
0x3c: {  	_ =	swait.ge [sflag:s30], $0x200  }
0x3d: {  	[sflag:s30] =	ssyncset.done $0x0  }
0x3e: {  	s0 =	simm.s32 $0x4400;
	[sflag:s30] =	ssyncadd.s32 $0xFFFFFE00  }
0x3f: {  	[tilespmem:s0], [sflag:$0x2] =	stream.indirect.gather [hbm4b:s5+s17], $0x20, s29, s17, $0xb8;
	[tilespmem:$0x12500] =	vst v63  }
0x40: {  	s10 =	simm.s32 $0x9400  }
0x41: {  	[tilespmem:s10], [sflag:$0x3] =	stream.indirect.gather [hbm4b:s6+s17], $0x8, s29, s17, $0xb8;
	[tilespmem:$0x12500] =	vst v63  }
0x42: {  	s15 =	simm.s32 $0x5400  }
0x43: {  	[tilespmem:s15], [sflag:$0x2] =	stream.indirect.gather [hbm4b:s5+s17], $0x20, s2, s17, $0xb8;
	[tilespmem:$0x12500] =	vst v63  }
0x44: {  	s18 =	simm.s32 $0x9800  }
0x45: {  	[tilespmem:s18], [sflag:$0x3] =	stream.indirect.gather [hbm4b:s6+s17], $0x8, s2, s17, $0xb8;
	[tilespmem:$0x12500] =	vst v63  }
0x46: {  	_ = 	snop  }
0x47: {  	[tilespmem:s21], [sflag:$0x2] =	stream.indirect.gather [hbm4b:s5+s17], $0x20, s20, s17, $0xb8;
	[tilespmem:$0x12500] =	vst v63  }
0x48: {  	_ = 	snop  }
0x49: {  	[tilespmem:s23], [sflag:$0x3] =	stream.indirect.gather [hbm4b:s6+s17], $0x8, s20, s17, $0xb8;
	[tilespmem:$0x12500] =	vst v63  }
0x4a: {  	_ = 	snop  }
0x4b: {  	[tilespmem:s26], [sflag:$0x2] =	stream.indirect.gather [hbm4b:s5+s17], $0x20, s24, s17, $0xb8;
	[tilespmem:$0x12500] =	vst v63  }
0x4c: {  	_ = 	snop  }
0x4d: {  	[tilespmem:s28], [sflag:$0x3] =	stream.indirect.gather [hbm4b:s6+s17], $0x8, s24, s17, $0xb8;
	[tilespmem:$0x12500] =	vst v63  }
0x4e: {  	_ =	swait.ge [sflag:s22], $0x1000  }
0x4f: {  	[sflag:s22] =	ssyncset.done $0x0  }
0x50: {  	[sflag:s22] =	ssyncadd.s32 $0xFFFFF000  }
0x51: {  	_ =	swait.ge [sflag:s25], $0x400  }
0x52: {  	[sflag:s25] =	ssyncset.done $0x0  }
0x53: {  	[sflag:s25] =	ssyncadd.s32 $0xFFFFFC00  }
0x54: {  	_ =	swait.ge [sflag:s22], $0x1000  }
0x55: {  	[sflag:s22] =	ssyncset.done $0x0  }
0x56: {  	[sflag:s22] =	ssyncadd.s32 $0xFFFFF000  }
0x57: {  	_ =	swait.ge [sflag:s25], $0x400  }
0x58: {  	[sflag:s25] =	ssyncset.done $0x0  }
0x59: {  	[sflag:s25] =	ssyncadd.s32 $0xFFFFFC00  }
0x5a: {  	_ =	swait.ge [sflag:s22], $0x1000  }
0x5b: {  	[sflag:s22] =	ssyncset.done $0x0  }
0x5c: {  	[sflag:s22] =	ssyncadd.s32 $0xFFFFF000  }
0x5d: {  	_ =	swait.ge [sflag:s25], $0x400  }
0x5e: {  	[sflag:s25] =	ssyncset.done $0x0  }
0x5f: {  	[sflag:s25] =	ssyncadd.s32 $0xFFFFFC00  }
0x60: {  	_ =	swait.ge [sflag:s22], $0x1000  }
0x61: {  	p0 =	seq.s32 s14, $0x18;
	[sflag:s22] =	ssyncset.done $0x0  }
0x62: {  	s10 =	sshll.u32 @!p0 s14, $0xA;
	[sflag:s22] =	ssyncadd.s32 $0xFFFFF000  }
0x63: {  	s0 =	sadd.s32 @!p0 s10, s11;
	_ =	swait.ge [sflag:s25], $0x400  }
0x64: {  	s31 =	simm.s32 $0x0;
	s0 =	sshrl.u32 @!p0 s0, $0x3;
	[sflag:s25] =	ssyncset.done $0x0  }
0x65: {  	s8 =	simm.s32 @!p0 $0x0;
	s0 =	sadd.s32 @!p0 s1, s0;
	[sflag:s25] =	ssyncadd.s32 $0xFFFFFC00  }
0x66: {  	[tilespmem:s8], [sflag:$0x1] =	stream.linear.gather @!p0 [hbm4b:s0+s8], $0x200, $0x38;
	[tilespmem:$0x12500] =	vst v63  }
0x67: {  	s15 =	simm.s32 $0xA600;
	s8 =	sshll.u32 s14, $0x10;
	s0 =	simm.s32 $0x500  }
.LBB2_3:
0x68: {  	v17 =	vmov s31  }
0x69: {  	v17 =	vshll.u32 v17, $0x3  }
0x6a: {  	v17 =	vor.u32 v0, v17  }
0x6b: {  	v18 =	vor.u32 $0x1, v17  }
0x6c: {  	v19 =	vor.u32 $0x2, v17  }
0x6d: {  	v20 =	vor.u32 $0x3, v17  }
0x6e: {  	v21 =	vor.u32 $0x4, v17  }
0x6f: {  	v23 =	vor.u32 $0x5, v17;
	v22 =	vld.idx.msk [tilespmem:v17+s19+$0x0], $0xffff  }
0x70: {  	v24 =	vor.u32 $0x6, v17;
	v18 =	vld.idx.msk [tilespmem:v18+s19+$0x0], $0xffff  }
0x71: {  	v17 =	vor.u32 $0x7, v17;
	v19 =	vld.idx.msk [tilespmem:v19+s19+$0x0], $0xffff  }
0x72: {  	v20 =	vld.idx.msk [tilespmem:v20+s19+$0x0], $0xffff  }
0x73: {  	v21 =	vld.idx.msk [tilespmem:v21+s19+$0x0], $0xffff  }
0x74: {  	v23 =	vld.idx.msk [tilespmem:v23+s19+$0x0], $0xffff  }
0x75: {  	v24 =	vld.idx.msk [tilespmem:v24+s19+$0x0], $0xffff  }
0x76: {  	v17 =	vld.idx.msk [tilespmem:v17+s19+$0x0], $0xffff;
	_ =	sdelay $0x3  }
0x77: {  	v25 =	vmax.f32 v22, v18  }
0x78: {  	v26 =	vmax.f32 v19, v20;
	v27 =	vmax.f32 v21, v23;
	v28 =	vmax.f32 v24, v17  }
0x79: {  	v25 =	vmax.f32 v25, v26;
	v44 =	vmax.f32 v27, v28  }
0x7a: {  	v25 =	vmax.f32 v25, v44  }
0x7b: {  	v22 =	vsub.f32 v22, v25  }
0x7c: {  	v18 =	vsub.f32 v18, v25  }
0x7d: {  	v19 =	vsub.f32 v19, v25;
	v22 =	vmul.f32 $1.442695020e+00, v22  }
0x7e: {  	v20 =	vsub.f32 v20, v25;
	v18 =	vmul.f32 $1.442695020e+00, v18  }
0x7f: {  	v21 =	vsub.f32 v21, v25;
	v19 =	vmul.f32 $1.442695020e+00, v19;
	(erf) = vpow2.f32 v22  }
0x80: {  	v45 =	vsub.f32 v23, v25;
	(erf) = vpow2.f32 v18;
	v18 =	vmul.f32 $1.442695020e+00, v20  }
0x81: {  	v46 =	vsub.f32 v24, v25;
	(erf) = vpow2.f32 v19;
	v19 =	vmul.f32 $1.442695020e+00, v21  }
0x82: {  	v17 =	vsub.f32 v17, v25;
	(erf) = vpow2.f32 v18;
	v18 =	vmul.f32 $1.442695020e+00, v45  }
0x83: {  	(erf) = vpow2.f32 v19;
	v19 =	vmul.f32 $1.442695020e+00, v46  }
0x84: {  	v17 =	vmul.f32 $1.442695020e+00, v17;
	(erf) = vpow2.f32 v18  }
0x85: {  	(erf) = vpow2.f32 v19  }
0x86: {  	(erf) = vpow2.f32 v17;
	_ =	sdelay $0x1  }
0x87: {  	v17 =	vpop (erf)  }
0x88: {  	v18 =	vpop (erf)  }
0x89: {  	v19 =	vpop (erf)  }
0x8a: {  	v47 =	vpop (erf)  }
0x8b: {  	v48 =	vpop (erf)  }
0x8c: {  	v49 =	vpop (erf)  }
0x8d: {  	v50 =	vpop (erf)  }
0x8e: {  	v52 =	vadd.f32 v18, v17;
	v53 =	vadd.f32 v47, v19;
	v51 =	vpop (erf)  }
0x8f: {  	v54 =	vadd.f32 v49, v48;
	v55 =	vadd.f32 v51, v50;
	_ =	sdelay $0x1  }
0x90: {  	v21 =	vadd.f32 v53, v52;
	v56 =	vadd.f32 v55, v54;
	_ =	sdelay $0x1  }
0x91: {  	v21 =	vadd.f32 v56, v21;
	_ =	sdelay $0x1  }
0x92: {  	(erf) = vrcp.f32 v21;
	_ =	sdelay $0x8  }
0x93: {  	v29 =	vpop (erf)  }
0x94: {  	v23 =	vmul.f32 v29, v17;
	v24 =	vmul.f32 v29, v18  }
0x95: {  	v21 =	vmul.f32 v29, v19;
	v22 =	vmul.f32 v29, v47  }
0x96: {  	v19 =	vmul.f32 v29, v48;
	v20 =	vmul.f32 v29, v49  }
0x97: {  	v17 =	vmul.f32 v29, v50;
	v18 =	vmul.f32 v29, v51  }
0x98: {  	v57 =	vbroadcast v23, $0x0;
	v58 =	vbroadcast v24, $0x0  }
0x99: {  	v59 =	vbroadcast v21, $0x0;
	v61 =	vbroadcast v22, $0x0  }
0x9a: {  	v33 =	vbroadcast v19, $0x0;
	v34 =	vbroadcast v20, $0x0  }
0x9b: {  	v35 =	vbroadcast v17, $0x0;
	v37 =	vbroadcast v18, $0x0  }
0x9c: {  	v48 =	vbroadcast v23, $0x1;
	v49 =	vbroadcast v24, $0x1  }
0x9d: {  	v50 =	vbroadcast v21, $0x1;
	v52 =	vbroadcast v22, $0x1  }
0x9e: {  	v56 =	vbroadcast v19, $0x1;
	v60 =	vmul.f32 v57, v1  }
0x9f: {  	v30 =	vmul.f32 v58, v2;
	v31 =	vmul.f32 v59, v3  }
0xa0: {  	v32 =	vmul.f32 v61, v4;
	v36 =	vmul.f32 v33, v5  }
0xa1: {  	v38 =	vmul.f32 v34, v6;
	v39 =	vmul.f32 v35, v7  }
0xa2: {  	v40 =	vmul.f32 v37, v8;
	v25 =	vmul.f32 v57, v9  }
0xa3: {  	v26 =	vmul.f32 v58, v10;
	v27 =	vmul.f32 v59, v11  }
0xa4: {  	v29 =	vmul.f32 v61, v12;
	v63 =	vmul.f32 v33, v13  }
0xa5: {  	v34 =	vmul.f32 v34, v14;
	v35 =	vmul.f32 v35, v15  }
0xa6: {  	v44 =	vmul.f32 v37, v16;
	v51 =	vmul.f32 v48, v1  }
0xa7: {  	v53 =	vmul.f32 v49, v2;
	v54 =	vmul.f32 v50, v3  }
0xa8: {  	v55 =	vmul.f32 v52, v4;
	v57 =	vbroadcast v20, $0x1  }
0xa9: {  	v58 =	vbroadcast v17, $0x1;
	v59 =	vmul.f32 v56, v5  }
0xaa: {  	v33 =	vmul.f32 v49, v10;
	v28 =	vadd.f32 v30, v60;
	v62 =	vadd.f32 v32, v31  }
0xab: {  	v49 =	vbroadcast v24, $0x2;
	v42 =	vadd.f32 v38, v36;
	v43 =	vadd.f32 v40, v39  }
0xac: {  	v45 =	vadd.f32 v29, v27;
	v60 =	vbroadcast v18, $0x1;
	v61 =	vmul.f32 v57, v6  }
0xad: {  	v46 =	vadd.f32 v34, v63;
	v31 =	vmul.f32 v48, v9;
	v34 =	vmul.f32 v50, v11  }
0xae: {  	v30 =	vadd.f32 v44, v35;
	v35 =	vmul.f32 v52, v12;
	v29 =	vmul.f32 v58, v15  }
0xaf: {  	v25 =	vadd.f32 v26, v25;
	v48 =	vbroadcast v23, $0x2;
	v50 =	vbroadcast v21, $0x2  }
0xb0: {  	v26 =	vadd.f32 v53, v51;
	v52 =	vbroadcast v22, $0x2;
	v53 =	vmul.f32 v49, v2  }
0xb1: {  	v28 =	vadd.f32 v62, v28;
	v62 =	vmul.f32 v58, v7;
	v63 =	vmul.f32 v60, v8  }
0xb2: {  	v32 =	vadd.f32 v43, v42;
	v42 =	vmul.f32 v56, v13;
	v44 =	vmul.f32 v60, v16  }
0xb3: {  	v36 =	vadd.f32 v55, v54;
	v51 =	vmul.f32 v48, v1;
	v54 =	vmul.f32 v50, v3  }
0xb4: {  	v25 =	vadd.f32 v45, v25;
	v55 =	vmul.f32 v52, v4;
	v56 =	vbroadcast v19, $0x2  }
0xb5: {  	v27 =	vadd.f32 v30, v46;
	v58 =	vbroadcast v17, $0x2;
	v60 =	vbroadcast v18, $0x2  }
0xb6: {  	v45 =	vadd.f32 v33, v31;
	v33 =	vmul.f32 v48, v9;
	v30 =	vmul.f32 v49, v10  }
0xb7: {  	v46 =	vadd.f32 v35, v34;
	v34 =	vmul.f32 v50, v11;
	v35 =	vmul.f32 v52, v12  }
0xb8: {  	v41 =	vld [tilespmem:s0+$0xFFFFFF00];
	v48 =	vbroadcast v23, $0x3;
	v49 =	vbroadcast v24, $0x3  }
0xb9: {  	v50 =	vbroadcast v21, $0x3;
	v52 =	vbroadcast v22, $0x3;
	v28 =	vadd.f32 v32, v28  }
0xba: {  	v25 =	vadd.f32 v27, v25;
	v27 =	vmul.f32 v57, v14;
	v57 =	vbroadcast v20, $0x2  }
0xbb: {  	v43 =	vadd.f32 v63, v62;
	v62 =	vmul.f32 v58, v7;
	v63 =	vmul.f32 v60, v8  }
0xbc: {  	v29 =	vadd.f32 v44, v29;
	v32 =	vmul.f32 v58, v15;
	v44 =	vmul.f32 v60, v16  }
0xbd: {  	[tilespmem:s15+$0xFFFFFE00] =	vst v41;
	v26 =	vadd.f32 v36, v26;
	v58 =	vbroadcast v17, $0x3;
	v60 =	vbroadcast v18, $0x3  }
0xbe: {  	v47 =	vld [tilespmem:s0+$0xFFFFFF10];
	[tilespmem:s15+$0xFFFFFE30] =	vst v25;
	v25 =	vadd.f32 v61, v59;
	v27 =	vadd.f32 v27, v42;
	v59 =	vmul.f32 v56, v5  }
0xbf: {  	[tilespmem:s15+$0xFFFFFE20] =	vst v28;
	v28 =	vadd.f32 v46, v45;
	v61 =	vmul.f32 v57, v6;
	v42 =	vmul.f32 v56, v13  }
0xc0: {  	v45 =	vadd.f32 v30, v33;
	v56 =	vbroadcast v19, $0x3;
	v33 =	vmul.f32 v48, v9  }
0xc1: {  	v46 =	vadd.f32 v35, v34;
	v34 =	vmul.f32 v50, v11;
	v35 =	vmul.f32 v52, v12  }
0xc2: {  	v31 =	vmul.f32 v58, v15;
	v25 =	vadd.f32 v43, v25;
	v27 =	vadd.f32 v29, v27  }
0xc3: {  	v29 =	vadd.f32 v53, v51;
	v51 =	vmul.f32 v48, v1;
	v53 =	vmul.f32 v49, v2  }
0xc4: {  	v43 =	vadd.f32 v63, v62;
	v62 =	vmul.f32 v58, v7;
	v63 =	vmul.f32 v60, v8  }
0xc5: {  	[tilespmem:s15+$0xFFFFFE10] =	vst v47;
	v48 =	vbroadcast v23, $0x4;
	v58 =	vbroadcast v17, $0x4  }
0xc6: {  	v41 =	vld [tilespmem:s0+$0xFFFFFF20];
	v25 =	vadd.f32 v25, v26;
	v27 =	vadd.f32 v27, v28;
	v28 =	vmul.f32 v57, v14  }
0xc7: {  	v26 =	vadd.f32 v55, v54;
	v54 =	vmul.f32 v50, v3;
	v55 =	vmul.f32 v52, v4  }
0xc8: {  	v57 =	vbroadcast v20, $0x3;
	v50 =	vbroadcast v21, $0x4  }
0xc9: {  	v52 =	vbroadcast v22, $0x4;
	v30 =	vmul.f32 v58, v15  }
0xca: {  	v26 =	vadd.f32 v26, v29;
	v29 =	vadd.f32 v44, v32;
	v32 =	vmul.f32 v49, v10  }
0xcb: {  	[tilespmem:s15+$0xFFFFFE40] =	vst v41;
	v28 =	vadd.f32 v28, v42;
	v42 =	vmul.f32 v56, v13;
	v44 =	vmul.f32 v60, v16  }
0xcc: {  	v49 =	vbroadcast v24, $0x4;
	v60 =	vbroadcast v18, $0x4;
	v47 =	vld [tilespmem:s0+$0xFFFFFF30];
	[tilespmem:s15+$0xFFFFFE60] =	vst v25  }
0xcd: {  	[tilespmem:s15+$0xFFFFFE70] =	vst v27;
	v25 =	vadd.f32 v61, v59;
	v27 =	vadd.f32 v46, v45;
	v59 =	vmul.f32 v56, v5  }
0xce: {  	v61 =	vmul.f32 v57, v6;
	v46 =	vadd.f32 v35, v34;
	v56 =	vbroadcast v19, $0x4  }
0xcf: {  	v34 =	vmul.f32 v50, v11;
	v35 =	vmul.f32 v52, v12;
	v28 =	vadd.f32 v29, v28  }
0xd0: {  	v29 =	vadd.f32 v53, v51;
	v51 =	vmul.f32 v48, v1;
	v53 =	vmul.f32 v49, v2  }
0xd1: {  	v45 =	vadd.f32 v32, v33;
	v33 =	vmul.f32 v48, v9;
	v48 =	vbroadcast v23, $0x5  }
0xd2: {  	v25 =	vadd.f32 v43, v25;
	v43 =	vadd.f32 v63, v62;
	v62 =	vmul.f32 v58, v7;
	[tilespmem:s15+$0xFFFFFE50] =	vst v47  }
0xd3: {  	v63 =	vmul.f32 v60, v8;
	v58 =	vbroadcast v17, $0x5;
	v41 =	vld [tilespmem:s0+$0xFFFFFF40]  }
0xd4: {  	v27 =	vadd.f32 v28, v27;
	v28 =	vmul.f32 v57, v14;
	v57 =	vbroadcast v20, $0x4  }
0xd5: {  	v25 =	vadd.f32 v25, v26;
	v26 =	vadd.f32 v55, v54;
	v54 =	vmul.f32 v50, v3  }
0xd6: {  	v55 =	vmul.f32 v52, v4;
	v50 =	vbroadcast v21, $0x5  }
0xd7: {  	v52 =	vbroadcast v22, $0x5;
	v32 =	vmul.f32 v58, v15;
	v28 =	vadd.f32 v28, v42  }
0xd8: {  	v42 =	vmul.f32 v56, v13;
	v26 =	vadd.f32 v26, v29;
	v29 =	vadd.f32 v44, v31;
	[tilespmem:s15+$0xFFFFFE80] =	vst v41  }
0xd9: {  	v31 =	vmul.f32 v49, v10;
	v49 =	vbroadcast v24, $0x5;
	v47 =	vld [tilespmem:s0+$0xFFFFFF50]  }
0xda: {  	v44 =	vmul.f32 v60, v16;
	v60 =	vbroadcast v18, $0x5;
	v28 =	vadd.f32 v29, v28  }
0xdb: {  	v29 =	vadd.f32 v53, v51;
	v51 =	vmul.f32 v48, v1;
	v53 =	vmul.f32 v49, v2;
	[tilespmem:s15+$0xFFFFFEA0] =	vst v25  }
0xdc: {  	[tilespmem:s15+$0xFFFFFEB0] =	vst v27;
	v25 =	vadd.f32 v61, v59;
	v27 =	vadd.f32 v46, v45;
	v59 =	vmul.f32 v56, v5  }
0xdd: {  	v61 =	vmul.f32 v57, v6;
	v45 =	vadd.f32 v31, v33;
	v56 =	vbroadcast v19, $0x5  }
0xde: {  	v46 =	vadd.f32 v35, v34;
	v33 =	vmul.f32 v48, v9;
	v34 =	vmul.f32 v50, v11;
	[tilespmem:s15+$0xFFFFFE90] =	vst v47  }
0xdf: {  	v35 =	vmul.f32 v52, v12;
	v48 =	vbroadcast v23, $0x6;
	v41 =	vld [tilespmem:s0+$0xFFFFFF60]  }
0xe0: {  	v25 =	vadd.f32 v43, v25;
	v27 =	vadd.f32 v28, v27;
	v28 =	vmul.f32 v57, v14  }
0xe1: {  	v43 =	vadd.f32 v63, v62;
	v57 =	vbroadcast v20, $0x5;
	v62 =	vmul.f32 v58, v7  }
0xe2: {  	v63 =	vmul.f32 v60, v8;
	v58 =	vbroadcast v17, $0x6  }
0xe3: {  	v25 =	vadd.f32 v25, v26;
	v26 =	vadd.f32 v55, v54;
	v54 =	vmul.f32 v50, v3  }
0xe4: {  	v28 =	vadd.f32 v28, v42;
	v55 =	vmul.f32 v52, v4;
	v42 =	vmul.f32 v56, v13;
	[tilespmem:s15+$0xFFFFFEC0] =	vst v41  }
0xe5: {  	v50 =	vbroadcast v21, $0x6;
	v52 =	vbroadcast v22, $0x6;
	v47 =	vld [tilespmem:s0+$0xFFFFFF70]  }
0xe6: {  	v31 =	vmul.f32 v58, v15;
	v26 =	vadd.f32 v26, v29;
	v29 =	vadd.f32 v44, v30  }
0xe7: {  	v30 =	vmul.f32 v49, v10;
	v49 =	vbroadcast v24, $0x6  }
0xe8: {  	v44 =	vmul.f32 v60, v16;
	v60 =	vbroadcast v18, $0x6;
	v28 =	vadd.f32 v29, v28;
	[tilespmem:s15+$0xFFFFFEE0] =	vst v25  }
0xe9: {  	v29 =	vadd.f32 v53, v51;
	v51 =	vmul.f32 v48, v1;
	v53 =	vmul.f32 v49, v2;
	[tilespmem:s15+$0xFFFFFEF0] =	vst v27  }
0xea: {  	v25 =	vadd.f32 v61, v59;
	v27 =	vadd.f32 v46, v45;
	v59 =	vmul.f32 v56, v5;
	[tilespmem:s15+$0xFFFFFED0] =	vst v47  }
0xeb: {  	v61 =	vmul.f32 v57, v6;
	v45 =	vadd.f32 v30, v33;
	v56 =	vbroadcast v19, $0x6;
	v41 =	vld [tilespmem:s0+$0xFFFFFF80]  }
0xec: {  	v46 =	vadd.f32 v35, v34;
	v33 =	vmul.f32 v48, v9;
	v34 =	vmul.f32 v50, v11  }
0xed: {  	v35 =	vmul.f32 v52, v12;
	v48 =	vbroadcast v23, $0x7  }
0xee: {  	v25 =	vadd.f32 v43, v25;
	v27 =	vadd.f32 v28, v27;
	v28 =	vmul.f32 v57, v14  }
0xef: {  	v43 =	vadd.f32 v63, v62;
	v57 =	vbroadcast v20, $0x6;
	v62 =	vmul.f32 v58, v7  }
0xf0: {  	v63 =	vmul.f32 v60, v8;
	v58 =	vbroadcast v17, $0x7;
	[tilespmem:s15+$0xFFFFFF00] =	vst v41  }
0xf1: {  	v25 =	vadd.f32 v25, v26;
	v26 =	vadd.f32 v55, v54;
	v54 =	vmul.f32 v50, v3;
	v47 =	vld [tilespmem:s0+$0xFFFFFF90]  }
0xf2: {  	v28 =	vadd.f32 v28, v42;
	v55 =	vmul.f32 v52, v4;
	v42 =	vmul.f32 v56, v13  }
0xf3: {  	v50 =	vbroadcast v21, $0x7;
	v52 =	vbroadcast v22, $0x7  }
0xf4: {  	v30 =	vmul.f32 v58, v15;
	v26 =	vadd.f32 v26, v29;
	v29 =	vadd.f32 v44, v32;
	[tilespmem:s15+$0xFFFFFF20] =	vst v25  }
0xf5: {  	v32 =	vmul.f32 v49, v10;
	v49 =	vbroadcast v24, $0x7;
	[tilespmem:s15+$0xFFFFFF30] =	vst v27  }
0xf6: {  	v44 =	vmul.f32 v60, v16;
	v60 =	vbroadcast v18, $0x7;
	v28 =	vadd.f32 v29, v28;
	[tilespmem:s15+$0xFFFFFF10] =	vst v47  }
0xf7: {  	v29 =	vadd.f32 v53, v51;
	v51 =	vmul.f32 v48, v1;
	v53 =	vmul.f32 v49, v2;
	v41 =	vld [tilespmem:s0+$0xFFFFFFA0]  }
0xf8: {  	v25 =	vadd.f32 v61, v59;
	v27 =	vadd.f32 v46, v45;
	v59 =	vmul.f32 v56, v5  }
0xf9: {  	v61 =	vmul.f32 v57, v6;
	v45 =	vadd.f32 v32, v33;
	v56 =	vbroadcast v19, $0x7  }
0xfa: {  	v46 =	vadd.f32 v35, v34;
	v33 =	vmul.f32 v48, v9;
	v34 =	vmul.f32 v50, v11  }
0xfb: {  	v35 =	vmul.f32 v52, v12;
	v48 =	vbroadcast v23, $0x8  }
0xfc: {  	v25 =	vadd.f32 v43, v25;
	v27 =	vadd.f32 v28, v27;
	v28 =	vmul.f32 v57, v14;
	[tilespmem:s15+$0xFFFFFF40] =	vst v41  }
0xfd: {  	v43 =	vadd.f32 v63, v62;
	v57 =	vbroadcast v20, $0x7;
	v62 =	vmul.f32 v58, v7;
	v47 =	vld [tilespmem:s0+$0xFFFFFFB0]  }
0xfe: {  	v63 =	vmul.f32 v60, v8;
	v58 =	vbroadcast v17, $0x8;
	v25 =	vadd.f32 v25, v26  }
0xff: {  	v26 =	vadd.f32 v55, v54;
	v54 =	vmul.f32 v50, v3;
	v55 =	vmul.f32 v52, v4  }
0x100: {  	v28 =	vadd.f32 v28, v42;
	v42 =	vmul.f32 v56, v13;
	v50 =	vbroadcast v21, $0x8;
	[tilespmem:s15+$0xFFFFFF60] =	vst v25  }
0x101: {  	v52 =	vbroadcast v22, $0x8;
	v32 =	vmul.f32 v58, v15;
	[tilespmem:s15+$0xFFFFFF70] =	vst v27  }
0x102: {  	v26 =	vadd.f32 v26, v29;
	v29 =	vadd.f32 v44, v31;
	v31 =	vmul.f32 v49, v10;
	[tilespmem:s15+$0xFFFFFF50] =	vst v47  }
0x103: {  	v44 =	vmul.f32 v60, v16;
	v49 =	vbroadcast v24, $0x8;
	v41 =	vld [tilespmem:s0+$0xFFFFFFC0]  }
0x104: {  	v60 =	vbroadcast v18, $0x8;
	v28 =	vadd.f32 v29, v28;
	v29 =	vadd.f32 v53, v51  }
0x105: {  	v51 =	vmul.f32 v48, v1;
	v53 =	vmul.f32 v49, v2;
	v25 =	vadd.f32 v61, v59  }
0x106: {  	v27 =	vadd.f32 v46, v45;
	v59 =	vmul.f32 v56, v5;
	v61 =	vmul.f32 v57, v6  }
0x107: {  	v45 =	vadd.f32 v31, v33;
	v46 =	vadd.f32 v35, v34;
	v56 =	vbroadcast v19, $0x8  }
0x108: {  	v33 =	vmul.f32 v48, v9;
	v34 =	vmul.f32 v50, v11;
	v25 =	vadd.f32 v43, v25;
	[tilespmem:s15+$0xFFFFFF80] =	vst v41  }
0x109: {  	v35 =	vmul.f32 v52, v12;
	v48 =	vbroadcast v23, $0x9;
	v47 =	vld [tilespmem:s0+$0xFFFFFFD0]  }
0x10a: {  	v27 =	vadd.f32 v28, v27;
	v28 =	vmul.f32 v57, v14;
	v25 =	vadd.f32 v25, v26  }
0x10b: {  	v43 =	vadd.f32 v63, v62;
	v57 =	vbroadcast v20, $0x8;
	v62 =	vmul.f32 v58, v7  }
0x10c: {  	v63 =	vmul.f32 v60, v8;
	v58 =	vbroadcast v17, $0x9;
	[tilespmem:s15+$0xFFFFFFA0] =	vst v25  }
0x10d: {  	v26 =	vadd.f32 v55, v54;
	v54 =	vmul.f32 v50, v3;
	v55 =	vmul.f32 v52, v4;
	[tilespmem:s15+$0xFFFFFFB0] =	vst v27  }
0x10e: {  	v28 =	vadd.f32 v28, v42;
	v42 =	vmul.f32 v56, v13;
	v50 =	vbroadcast v21, $0x9;
	[tilespmem:s15+$0xFFFFFF90] =	vst v47  }
0x10f: {  	v52 =	vbroadcast v22, $0x9;
	v26 =	vadd.f32 v26, v29;
	v29 =	vadd.f32 v44, v30;
	v41 =	vld [tilespmem:s0+$0xFFFFFFE0]  }
0x110: {  	v31 =	vmul.f32 v58, v15;
	v30 =	vmul.f32 v49, v10  }
0x111: {  	v44 =	vmul.f32 v60, v16;
	v49 =	vbroadcast v24, $0x9;
	v28 =	vadd.f32 v29, v28  }
0x112: {  	v60 =	vbroadcast v18, $0x9;
	v29 =	vadd.f32 v53, v51;
	v25 =	vadd.f32 v61, v59  }
0x113: {  	v51 =	vmul.f32 v48, v1;
	v53 =	vmul.f32 v49, v2;
	v27 =	vadd.f32 v46, v45  }
0x114: {  	v59 =	vmul.f32 v56, v5;
	v61 =	vmul.f32 v57, v6;
	v25 =	vadd.f32 v43, v25;
	[tilespmem:s15+$0xFFFFFFC0] =	vst v41  }
0x115: {  	v45 =	vadd.f32 v30, v33;
	v46 =	vadd.f32 v35, v34;
	v56 =	vbroadcast v19, $0x9;
	v47 =	vld [tilespmem:s0+$0xFFFFFFF0]  }
0x116: {  	v33 =	vmul.f32 v48, v9;
	v34 =	vmul.f32 v50, v11;
	v25 =	vadd.f32 v25, v26  }
0x117: {  	v35 =	vmul.f32 v52, v12;
	v48 =	vbroadcast v23, $0xA;
	v27 =	vadd.f32 v28, v27  }
0x118: {  	v28 =	vmul.f32 v57, v14;
	v57 =	vbroadcast v20, $0x9;
	[tilespmem:s15+$0xFFFFFFE0] =	vst v25  }
0x119: {  	v43 =	vadd.f32 v63, v62;
	v62 =	vmul.f32 v58, v7;
	v63 =	vmul.f32 v60, v8;
	[tilespmem:s15+$0xFFFFFFF0] =	vst v27  }
0x11a: {  	v58 =	vbroadcast v17, $0xA;
	v26 =	vadd.f32 v55, v54;
	v54 =	vmul.f32 v50, v3;
	[tilespmem:s15+$0xFFFFFFD0] =	vst v47  }
0x11b: {  	v28 =	vadd.f32 v28, v42;
	v55 =	vmul.f32 v52, v4;
	v42 =	vmul.f32 v56, v13;
	v41 =	vld [tilespmem:s0+$0x0]  }
0x11c: {  	v50 =	vbroadcast v21, $0xA;
	v52 =	vbroadcast v22, $0xA  }
0x11d: {  	v30 =	vmul.f32 v58, v15;
	v26 =	vadd.f32 v26, v29;
	v29 =	vadd.f32 v44, v32  }
0x11e: {  	v32 =	vmul.f32 v49, v10;
	v44 =	vmul.f32 v60, v16;
	v25 =	vadd.f32 v61, v59  }
0x11f: {  	v49 =	vbroadcast v24, $0xA;
	v60 =	vbroadcast v18, $0xA;
	v28 =	vadd.f32 v29, v28  }
0x120: {  	v29 =	vadd.f32 v53, v51;
	v51 =	vmul.f32 v48, v1;
	v25 =	vadd.f32 v43, v25;
	[tilespmem:s15+$0x0] =	vst v41  }
0x121: {  	v53 =	vmul.f32 v49, v2;
	v27 =	vadd.f32 v46, v45;
	v59 =	vmul.f32 v56, v5;
	v47 =	vld [tilespmem:s0+$0x10]  }
0x122: {  	v61 =	vmul.f32 v57, v6;
	v45 =	vadd.f32 v32, v33;
	v25 =	vadd.f32 v25, v26  }
0x123: {  	v56 =	vbroadcast v19, $0xA;
	v33 =	vmul.f32 v48, v9;
	v27 =	vadd.f32 v28, v27  }
0x124: {  	v46 =	vadd.f32 v35, v34;
	v34 =	vmul.f32 v50, v11;
	v35 =	vmul.f32 v52, v12;
	[tilespmem:s15+$0x20] =	vst v25  }
0x125: {  	v48 =	vbroadcast v23, $0xB;
	v28 =	vmul.f32 v57, v14;
	[tilespmem:s15+$0x30] =	vst v27  }
0x126: {  	v43 =	vadd.f32 v63, v62;
	v57 =	vbroadcast v20, $0xA;
	v62 =	vmul.f32 v58, v7;
	[tilespmem:s15+$0x10] =	vst v47  }
0x127: {  	v63 =	vmul.f32 v60, v8;
	v58 =	vbroadcast v17, $0xB;
	v41 =	vld [tilespmem:s0+$0x20]  }
0x128: {  	v26 =	vadd.f32 v55, v54;
	v54 =	vmul.f32 v50, v3;
	v55 =	vmul.f32 v52, v4  }
0x129: {  	v28 =	vadd.f32 v28, v42;
	v42 =	vmul.f32 v56, v13;
	v50 =	vbroadcast v21, $0xB  }
0x12a: {  	v52 =	vbroadcast v22, $0xB;
	v32 =	vmul.f32 v58, v15;
	v25 =	vadd.f32 v61, v59  }
0x12b: {  	v26 =	vadd.f32 v26, v29;
	v29 =	vadd.f32 v44, v31;
	v31 =	vmul.f32 v49, v10  }
0x12c: {  	v44 =	vmul.f32 v60, v16;
	v49 =	vbroadcast v24, $0xB;
	v25 =	vadd.f32 v43, v25;
	[tilespmem:s15+$0x40] =	vst v41  }
0x12d: {  	v60 =	vbroadcast v18, $0xB;
	v28 =	vadd.f32 v29, v28;
	v27 =	vadd.f32 v46, v45;
	v47 =	vld [tilespmem:s0+$0x30]  }
0x12e: {  	v29 =	vadd.f32 v53, v51;
	v51 =	vmul.f32 v48, v1;
	v25 =	vadd.f32 v25, v26  }
0x12f: {  	v53 =	vmul.f32 v49, v2;
	v59 =	vmul.f32 v56, v5;
	v27 =	vadd.f32 v28, v27  }
0x130: {  	v61 =	vmul.f32 v57, v6;
	v45 =	vadd.f32 v31, v33;
	v56 =	vbroadcast v19, $0xB;
	[tilespmem:s15+$0x60] =	vst v25  }
0x131: {  	v46 =	vadd.f32 v35, v34;
	v33 =	vmul.f32 v48, v9;
	v34 =	vmul.f32 v50, v11;
	[tilespmem:s15+$0x70] =	vst v27  }
0x132: {  	v35 =	vmul.f32 v52, v12;
	v48 =	vbroadcast v23, $0xC;
	[tilespmem:s15+$0x50] =	vst v47  }
0x133: {  	v28 =	vmul.f32 v57, v14;
	v57 =	vbroadcast v20, $0xB;
	v41 =	vld [tilespmem:s0+$0x40]  }
0x134: {  	v43 =	vadd.f32 v63, v62;
	v62 =	vmul.f32 v58, v7;
	v63 =	vmul.f32 v60, v8  }
0x135: {  	v58 =	vbroadcast v17, $0xC;
	v26 =	vadd.f32 v55, v54;
	v28 =	vadd.f32 v28, v42  }
0x136: {  	v54 =	vmul.f32 v50, v3;
	v55 =	vmul.f32 v52, v4;
	v25 =	vadd.f32 v61, v59  }
0x137: {  	v42 =	vmul.f32 v56, v13;
	v26 =	vadd.f32 v26, v29;
	v29 =	vadd.f32 v44, v30  }
0x138: {  	v50 =	vbroadcast v21, $0xC;
	v52 =	vbroadcast v22, $0xC;
	v25 =	vadd.f32 v43, v25;
	[tilespmem:s15+$0x80] =	vst v41  }
0x139: {  	v31 =	vmul.f32 v58, v15;
	v28 =	vadd.f32 v29, v28;
	v27 =	vadd.f32 v46, v45;
	v47 =	vld [tilespmem:s0+$0x50]  }
0x13a: {  	v30 =	vmul.f32 v49, v10;
	v49 =	vbroadcast v24, $0xC;
	v25 =	vadd.f32 v25, v26  }
0x13b: {  	v44 =	vmul.f32 v60, v16;
	v60 =	vbroadcast v18, $0xC;
	v27 =	vadd.f32 v28, v27  }
0x13c: {  	v29 =	vadd.f32 v53, v51;
	v51 =	vmul.f32 v48, v1;
	v53 =	vmul.f32 v49, v2;
	[tilespmem:s15+$0xA0] =	vst v25  }
0x13d: {  	v59 =	vmul.f32 v56, v5;
	v61 =	vmul.f32 v57, v6;
	[tilespmem:s15+$0xB0] =	vst v27  }
0x13e: {  	v45 =	vadd.f32 v30, v33;
	v56 =	vbroadcast v19, $0xC;
	v33 =	vmul.f32 v48, v9;
	[tilespmem:s15+$0x90] =	vst v47  }
0x13f: {  	v46 =	vadd.f32 v35, v34;
	v34 =	vmul.f32 v50, v11;
	v35 =	vmul.f32 v52, v12;
	v41 =	vld [tilespmem:s0+$0x60]  }
0x140: {  	v43 =	vadd.f32 v63, v62;
	v28 =	vmul.f32 v57, v14;
	v57 =	vbroadcast v20, $0xC  }
0x141: {  	v62 =	vmul.f32 v58, v7;
	v48 =	vadd.f32 v35, v34;
	v26 =	vadd.f32 v55, v54  }
0x142: {  	v63 =	vmul.f32 v60, v8;
	v28 =	vadd.f32 v28, v42;
	v25 =	vadd.f32 v61, v59  }
0x143: {  	v58 =	vbroadcast v19, $0xD;
	v26 =	vadd.f32 v26, v29;
	v29 =	vadd.f32 v44, v32  }
0x144: {  	v54 =	vmul.f32 v50, v3;
	v55 =	vmul.f32 v52, v4;
	v25 =	vadd.f32 v43, v25;
	[tilespmem:s15+$0xC0] =	vst v41  }
0x145: {  	v52 =	vbroadcast v21, $0xD;
	v28 =	vadd.f32 v29, v28;
	v27 =	vadd.f32 v46, v45;
	v47 =	vld [tilespmem:s0+$0x70]  }
0x146: {  	v50 =	vbroadcast v23, $0xD;
	v32 =	vmul.f32 v49, v10;
	v25 =	vadd.f32 v25, v26  }
0x147: {  	v44 =	vmul.f32 v56, v13;
	v34 =	vmul.f32 v52, v11;
	v27 =	vadd.f32 v28, v27  }
0x148: {  	v29 =	vadd.f32 v53, v51;
	v51 =	vbroadcast v24, $0xD;
	v53 =	vmul.f32 v50, v1;
	[tilespmem:s15+$0xE0] =	vst v25  }
0x149: {  	v59 =	vmul.f32 v56, v5;
	v61 =	vmul.f32 v57, v6;
	[tilespmem:s15+$0xF0] =	vst v27  }
0x14a: {  	v46 =	vmul.f32 v60, v16;
	v56 =	vmul.f32 v52, v3;
	[tilespmem:s15+$0xD0] =	vst v47  }
0x14b: {  	v45 =	vadd.f32 v63, v62;
	v60 =	vbroadcast v17, $0xD;
	v28 =	vmul.f32 v57, v14;
	v41 =	vld [tilespmem:s0+$0x80]  }
0x14c: {  	v62 =	vbroadcast v18, $0xD;
	v52 =	vbroadcast v23, $0xE;
	v26 =	vadd.f32 v55, v54  }
0x14d: {  	v23 =	vbroadcast v23, $0xF;
	v30 =	vmul.f32 v60, v15;
	v28 =	vadd.f32 v28, v44  }
0x14e: {  	v54 =	vbroadcast v22, $0xD;
	v26 =	vadd.f32 v26, v29;
	v25 =	vadd.f32 v61, v59  }
0x14f: {  	v55 =	vmul.f32 v51, v2;
	v29 =	vadd.f32 v46, v31;
	v47 =	vadd.f32 v32, v33  }
0x150: {  	v44 =	vmul.f32 v60, v7;
	v60 =	vbroadcast v19, $0xE;
	v25 =	vadd.f32 v45, v25;
	[tilespmem:s15+$0x100] =	vst v41  }
0x151: {  	v19 =	vbroadcast v19, $0xF;
	v28 =	vadd.f32 v29, v28;
	v27 =	vadd.f32 v48, v47;
	v49 =	vld [tilespmem:s0+$0x90]  }
0x152: {  	v57 =	vmul.f32 v54, v4;
	v31 =	vmul.f32 v51, v10;
	v25 =	vadd.f32 v25, v26  }
0x153: {  	v35 =	vmul.f32 v54, v12;
	v46 =	vmul.f32 v58, v13;
	v27 =	vadd.f32 v28, v27  }
0x154: {  	v54 =	vbroadcast v21, $0xE;
	v21 =	vbroadcast v21, $0xF;
	[tilespmem:s15+$0x120] =	vst v25  }
0x155: {  	v29 =	vadd.f32 v55, v53;
	v53 =	vbroadcast v24, $0xE;
	v59 =	vbroadcast v20, $0xD;
	[tilespmem:s15+$0x130] =	vst v27  }
0x156: {  	v55 =	vbroadcast v22, $0xE;
	v61 =	vmul.f32 v58, v5;
	[tilespmem:s15+$0x110] =	vst v49  }
0x157: {  	v63 =	vmul.f32 v59, v6;
	v45 =	vmul.f32 v62, v8;
	v26 =	vadd.f32 v57, v56;
	v41 =	vld [tilespmem:s0+$0xA0]  }
0x158: {  	v33 =	vmul.f32 v50, v9;
	v50 =	vadd.f32 v35, v34;
	v48 =	vmul.f32 v62, v16  }
0x159: {  	v26 =	vadd.f32 v26, v29;
	v47 =	vadd.f32 v45, v44;
	v28 =	vmul.f32 v59, v14  }
0x15a: {  	v24 =	vbroadcast v24, $0xF;
	v29 =	vadd.f32 v48, v30;
	v25 =	vadd.f32 v63, v61  }
0x15b: {  	v22 =	vbroadcast v22, $0xF;
	v28 =	vadd.f32 v28, v46;
	v49 =	vadd.f32 v31, v33  }
0x15c: {  	v58 =	vmul.f32 v54, v3;
	v56 =	vmul.f32 v52, v1;
	v25 =	vadd.f32 v47, v25;
	[tilespmem:s15+$0x140] =	vst v41  }
0x15d: {  	v57 =	vmul.f32 v53, v2;
	v28 =	vadd.f32 v29, v28;
	v27 =	vadd.f32 v50, v49;
	v51 =	vld [tilespmem:s0+$0xB0]  }
0x15e: {  	v34 =	vmul.f32 v55, v12;
	v62 =	vbroadcast v17, $0xE;
	v25 =	vadd.f32 v25, v26  }
0x15f: {  	v44 =	vmul.f32 v60, v5;
	v59 =	vmul.f32 v55, v4;
	v27 =	vadd.f32 v28, v27  }
0x160: {  	v61 =	vbroadcast v20, $0xE;
	v63 =	vbroadcast v18, $0xE;
	[tilespmem:s15+$0x160] =	vst v25  }
0x161: {  	v30 =	vmul.f32 v52, v9;
	v46 =	vmul.f32 v62, v7;
	[tilespmem:s15+$0x170] =	vst v27  }
0x162: {  	v29 =	vadd.f32 v57, v56;
	v45 =	vmul.f32 v61, v6;
	v47 =	vmul.f32 v63, v8;
	[tilespmem:s15+$0x150] =	vst v51  }
0x163: {  	v32 =	vmul.f32 v61, v14;
	v26 =	vadd.f32 v59, v58;
	v33 =	vmul.f32 v53, v10;
	v41 =	vld [tilespmem:s0+$0xC0]  }
0x164: {  	v48 =	vadd.f32 v47, v46;
	v31 =	vmul.f32 v54, v11;
	v49 =	vmul.f32 v63, v16  }
0x165: {  	v30 =	vadd.f32 v33, v30;
	v28 =	vmul.f32 v60, v13;
	v25 =	vmul.f32 v62, v15  }
0x166: {  	v17 =	vbroadcast v17, $0xF;
	v31 =	vadd.f32 v34, v31;
	v27 =	vadd.f32 v45, v44  }
0x167: {  	v52 =	vmul.f32 v23, v1;
	v28 =	vadd.f32 v32, v28;
	v25 =	vadd.f32 v49, v25  }
0x168: {  	v55 =	vmul.f32 v22, v4;
	v26 =	vadd.f32 v26, v29;
	v27 =	vadd.f32 v48, v27;
	[tilespmem:s15+$0x180] =	vst v41  }
0x169: {  	v23 =	vmul.f32 v23, v9;
	v25 =	vadd.f32 v25, v28;
	v51 =	vadd.f32 v31, v30;
	v50 =	vld [tilespmem:s0+$0xD0]  }
0x16a: {  	v22 =	vmul.f32 v22, v12;
	v20 =	vbroadcast v20, $0xF;
	v26 =	vadd.f32 v27, v26  }
0x16b: {  	v18 =	vbroadcast v18, $0xF;
	v56 =	vmul.f32 v19, v5;
	v25 =	vadd.f32 v25, v51  }
0x16c: {  	v19 =	vmul.f32 v19, v13;
	v57 =	vmul.f32 v20, v6;
	[tilespmem:s15+$0x1A0] =	vst v26  }
0x16d: {  	v20 =	vmul.f32 v20, v14;
	v58 =	vmul.f32 v17, v7;
	[tilespmem:s15+$0x1B0] =	vst v25  }
0x16e: {  	v59 =	vmul.f32 v18, v8;
	v17 =	vmul.f32 v17, v15;
	[tilespmem:s15+$0x190] =	vst v50  }
0x16f: {  	v18 =	vmul.f32 v18, v16;
	v19 =	vadd.f32 v20, v19;
	v53 =	vmul.f32 v24, v2;
	v60 =	vld [tilespmem:s0+$0xE0]  }
0x170: {  	v54 =	vmul.f32 v21, v3;
	v24 =	vmul.f32 v24, v10;
	v61 =	vadd.f32 v59, v58  }
0x171: {  	v21 =	vmul.f32 v21, v11;
	v17 =	vadd.f32 v18, v17;
	v28 =	vadd.f32 v53, v52  }
0x172: {  	v27 =	vadd.f32 v55, v54;
	v25 =	vadd.f32 v57, v56  }
0x173: {  	v23 =	vadd.f32 v24, v23;
	v21 =	vadd.f32 v22, v21  }
0x174: {  	v18 =	vadd.f32 v27, v28;
	v63 =	vadd.f32 v61, v25;
	[tilespmem:s15+$0x1C0] =	vst v60  }
0x175: {  	p1 =	sne.s32 s31, $0x1F0;
	v17 =	vadd.f32 v17, v19;
	v21 =	vadd.f32 v21, v23;
	v62 =	vld [tilespmem:s0+$0xF0]  }
.Ltmp0:
0x176: {  	v18 =	vadd.f32 v63, v18;
	(pc) =	sbr.rel @p1 .LBB2_3-.Ltmp0, $4  }
0x177: {  	v17 =	vadd.f32 v17, v21  }
0x178: {  	[tilespmem:s15+$0x1E0] =	vst v18  }
0x179: {  	[tilespmem:s15+$0x1F0] =	vst v17  }
0x17a: {  	s31 =	sadd.s32 $0x10, s31;
	s0 =	sadd.s32 $0x200, s0;
	[tilespmem:s15+$0x1D0] =	vst v62;
	s15 =	sadd.s32 $0x400, s15  }
0x17b: {  	s0 =	sadd.s32 s9, s8  }
0x17c: {  	s0 =	sshrl.u32 s0, $0x3  }
0x17d: {  	s0 =	sadd.s32 s3, s0  }
0x17e: {  	[hbm4b:s0+s4] =	stream.linear.scatter [tilespmem:s7], [sflag:$0x4], $0x8000, $0x38;
	[tilespmem:$0x12500] =	vst v63  }
0x17f: {  	_ =	swait.ge [sflag:s16], $0x8000  }
0x180: {  	[sflag:s16] =	ssyncset.done $0x0  }
0x181: {  	s0 =	simm.s32 @!p0 $0x1;
	[sflag:s16] =	ssyncadd.s32 $0xFFFF8000  }
0x182: {  	_ =	swait.ge @!p0 [sflag:s0], $0x200  }
0x183: {  	s15 =	simm.s32 @!p0 $0x0;
	[sflag:s0] =	ssyncset.done @!p0 $0x0  }
0x184: {  	s31 =	simm.s32 @!p0 $0x400;
	[sflag:s0] =	ssyncadd.s32 @!p0 $0xFFFFFE00;
	s0 =	simm.s32 @!p0 $0x80  }
0x185: {  	[tilespmem:s31], [sflag:$0x2] =	stream.indirect.gather @!p0 [hbm4b:s5+s0], $0x20, s15, s0, $0xb8;
	[tilespmem:$0x12500] =	vst v63  }
0x186: {  	s31 =	simm.s32 @!p0 $0x8400  }
0x187: {  	[tilespmem:s31], [sflag:$0x3] =	stream.indirect.gather @!p0 [hbm4b:s6+s0], $0x8, s15, s0, $0xb8;
	[tilespmem:$0x12500] =	vst v63  }
0x188: {  	s31 =	simm.s32 @!p0 $0x1400  }
0x189: {  	[tilespmem:s31], [sflag:$0x2] =	stream.indirect.gather @!p0 [hbm4b:s5+s0], $0x20, s0, s0, $0xb8;
	[tilespmem:$0x12500] =	vst v63  }
0x18a: {  	s31 =	simm.s32 @!p0 $0x8800  }
0x18b: {  	[tilespmem:s31], [sflag:$0x3] =	stream.indirect.gather @!p0 [hbm4b:s6+s0], $0x8, s0, s0, $0xb8;
	[tilespmem:$0x12500] =	vst v63  }
0x18c: {  	s18 =	simm.s32 @!p0 $0x2400;
	s31 =	simm.s32 @!p0 $0x100  }
0x18d: {  	[tilespmem:s18], [sflag:$0x2] =	stream.indirect.gather @!p0 [hbm4b:s5+s0], $0x20, s31, s0, $0xb8;
	[tilespmem:$0x12500] =	vst v63  }
0x18e: {  	s18 =	simm.s32 @!p0 $0x8C00  }
0x18f: {  	[tilespmem:s18], [sflag:$0x3] =	stream.indirect.gather @!p0 [hbm4b:s6+s0], $0x8, s31, s0, $0xb8;
	[tilespmem:$0x12500] =	vst v63  }
0x190: {  	s18 =	simm.s32 @!p0 $0x180;
	s31 =	simm.s32 @!p0 $0x3400  }
0x191: {  	[tilespmem:s31], [sflag:$0x2] =	stream.indirect.gather @!p0 [hbm4b:s5+s0], $0x20, s18, s0, $0xb8;
	[tilespmem:$0x12500] =	vst v63  }
0x192: {  	s31 =	simm.s32 @!p0 $0x9000  }
0x193: {  	[tilespmem:s31], [sflag:$0x3] =	stream.indirect.gather @!p0 [hbm4b:s6+s0], $0x8, s18, s0, $0xb8;
	[tilespmem:$0x12500] =	vst v63  }
0x194: {  	_ =	swait.ge [sflag:s22], $0x1000  }
0x195: {  	[sflag:s22] =	ssyncset.done $0x0  }
0x196: {  	[sflag:s22] =	ssyncadd.s32 $0xFFFFF000  }
0x197: {  	_ =	swait.ge [sflag:s25], $0x400  }
0x198: {  	[sflag:s25] =	ssyncset.done $0x0  }
0x199: {  	[sflag:s25] =	ssyncadd.s32 $0xFFFFFC00  }
0x19a: {  	_ =	swait.ge [sflag:s22], $0x1000  }
0x19b: {  	[sflag:s22] =	ssyncset.done $0x0  }
0x19c: {  	[sflag:s22] =	ssyncadd.s32 $0xFFFFF000  }
0x19d: {  	_ =	swait.ge [sflag:s25], $0x400  }
0x19e: {  	[sflag:s25] =	ssyncset.done $0x0  }
0x19f: {  	[sflag:s25] =	ssyncadd.s32 $0xFFFFFC00  }
0x1a0: {  	_ =	swait.ge [sflag:s22], $0x1000  }
0x1a1: {  	[sflag:s22] =	ssyncset.done $0x0  }
0x1a2: {  	[sflag:s22] =	ssyncadd.s32 $0xFFFFF000  }
0x1a3: {  	_ =	swait.ge [sflag:s25], $0x400  }
0x1a4: {  	[sflag:s25] =	ssyncset.done $0x0  }
0x1a5: {  	[sflag:s25] =	ssyncadd.s32 $0xFFFFFC00  }
0x1a6: {  	_ =	swait.ge [sflag:s22], $0x1000  }
0x1a7: {  	[sflag:s22] =	ssyncset.done $0x0  }
0x1a8: {  	[sflag:s22] =	ssyncadd.s32 $0xFFFFF000  }
0x1a9: {  	s0 =	sadd.s32 @!p0 s10, s12;
	_ =	swait.ge [sflag:s25], $0x400  }
0x1aa: {  	s0 =	sshrl.u32 @!p0 s0, $0x3;
	[sflag:s25] =	ssyncset.done $0x0  }
0x1ab: {  	s10 =	simm.s32 @!p0 $0x200;
	s0 =	sadd.s32 @!p0 s1, s0;
	[sflag:s25] =	ssyncadd.s32 $0xFFFFFC00  }
0x1ac: {  	[tilespmem:s10], [sflag:$0x1] =	stream.linear.gather @!p0 [hbm4b:s0+s15], $0x200, $0x38;
	[tilespmem:$0x12500] =	vst v63  }
0x1ad: {  	s31 =	simm.s32 $0xA600;
	s10 =	simm.s32 $0x0;
	s0 =	simm.s32 $0x0  }
.LBB2_5:
0x1ae: {  	v17 =	vmov s10  }
0x1af: {  	v17 =	vshll.u32 v17, $0x3  }
0x1b0: {  	v17 =	vor.u32 v0, v17  }
0x1b1: {  	v18 =	vor.u32 $0x1000, v17  }
0x1b2: {  	v19 =	vor.u32 $0x1001, v17  }
0x1b3: {  	v20 =	vor.u32 $0x1002, v17  }
0x1b4: {  	v21 =	vor.u32 $0x1003, v17  }
0x1b5: {  	v22 =	vor.u32 $0x1004, v17  }
0x1b6: {  	v23 =	vor.u32 $0x1005, v17;
	v18 =	vld.idx.msk [tilespmem:v18+s19+$0x0], $0xffff  }
0x1b7: {  	v24 =	vor.u32 $0x1006, v17;
	v19 =	vld.idx.msk [tilespmem:v19+s19+$0x0], $0xffff  }
0x1b8: {  	v17 =	vor.u32 $0x1007, v17;
	v20 =	vld.idx.msk [tilespmem:v20+s19+$0x0], $0xffff  }
0x1b9: {  	v21 =	vld.idx.msk [tilespmem:v21+s19+$0x0], $0xffff  }
0x1ba: {  	v22 =	vld.idx.msk [tilespmem:v22+s19+$0x0], $0xffff  }
0x1bb: {  	v23 =	vld.idx.msk [tilespmem:v23+s19+$0x0], $0xffff  }
0x1bc: {  	v24 =	vld.idx.msk [tilespmem:v24+s19+$0x0], $0xffff  }
0x1bd: {  	v17 =	vld.idx.msk [tilespmem:v17+s19+$0x0], $0xffff;
	_ =	sdelay $0x3  }
0x1be: {  	v25 =	vmax.f32 v18, v19  }
0x1bf: {  	v26 =	vmax.f32 v20, v21;
	v27 =	vmax.f32 v22, v23;
	v28 =	vmax.f32 v24, v17  }
0x1c0: {  	v25 =	vmax.f32 v25, v26;
	v43 =	vmax.f32 v27, v28  }
0x1c1: {  	v25 =	vmax.f32 v25, v43  }
0x1c2: {  	v18 =	vsub.f32 v18, v25  }
0x1c3: {  	v19 =	vsub.f32 v19, v25  }
0x1c4: {  	v20 =	vsub.f32 v20, v25;
	v18 =	vmul.f32 $1.442695020e+00, v18  }
0x1c5: {  	v21 =	vsub.f32 v21, v25;
	v19 =	vmul.f32 $1.442695020e+00, v19  }
0x1c6: {  	v44 =	vsub.f32 v22, v25;
	(erf) = vpow2.f32 v18;
	v18 =	vmul.f32 $1.442695020e+00, v20  }
0x1c7: {  	v45 =	vsub.f32 v23, v25;
	(erf) = vpow2.f32 v19;
	v19 =	vmul.f32 $1.442695020e+00, v21  }
0x1c8: {  	v46 =	vsub.f32 v24, v25;
	(erf) = vpow2.f32 v18;
	v18 =	vmul.f32 $1.442695020e+00, v44  }
0x1c9: {  	v17 =	vsub.f32 v17, v25;
	(erf) = vpow2.f32 v19;
	v19 =	vmul.f32 $1.442695020e+00, v45  }
0x1ca: {  	(erf) = vpow2.f32 v18;
	v18 =	vmul.f32 $1.442695020e+00, v46  }
0x1cb: {  	v17 =	vmul.f32 $1.442695020e+00, v17;
	(erf) = vpow2.f32 v19  }
0x1cc: {  	(erf) = vpow2.f32 v18  }
0x1cd: {  	(erf) = vpow2.f32 v17;
	_ =	sdelay $0x1  }
0x1ce: {  	v17 =	vpop (erf)  }
0x1cf: {  	v18 =	vpop (erf)  }
0x1d0: {  	v19 =	vpop (erf)  }
0x1d1: {  	v47 =	vpop (erf)  }
0x1d2: {  	v48 =	vpop (erf)  }
0x1d3: {  	v49 =	vpop (erf)  }
0x1d4: {  	v50 =	vpop (erf)  }
0x1d5: {  	v52 =	vadd.f32 v18, v17;
	v53 =	vadd.f32 v47, v19;
	v51 =	vpop (erf)  }
0x1d6: {  	v54 =	vadd.f32 v49, v48;
	v55 =	vadd.f32 v51, v50;
	_ =	sdelay $0x1  }
0x1d7: {  	v21 =	vadd.f32 v53, v52;
	v56 =	vadd.f32 v55, v54;
	_ =	sdelay $0x1  }
0x1d8: {  	v21 =	vadd.f32 v56, v21;
	_ =	sdelay $0x1  }
0x1d9: {  	(erf) = vrcp.f32 v21;
	_ =	sdelay $0x8  }
0x1da: {  	v29 =	vpop (erf)  }
0x1db: {  	v23 =	vmul.f32 v29, v17;
	v24 =	vmul.f32 v29, v18  }
0x1dc: {  	v21 =	vmul.f32 v29, v19;
	v22 =	vmul.f32 v29, v47  }
0x1dd: {  	v19 =	vmul.f32 v29, v48;
	v20 =	vmul.f32 v29, v49  }
0x1de: {  	v17 =	vmul.f32 v29, v50;
	v18 =	vmul.f32 v29, v51  }
0x1df: {  	v57 =	vbroadcast v23, $0x0;
	v58 =	vbroadcast v24, $0x0  }
0x1e0: {  	v59 =	vbroadcast v21, $0x0;
	v61 =	vbroadcast v22, $0x0  }
0x1e1: {  	v33 =	vbroadcast v19, $0x0;
	v34 =	vbroadcast v20, $0x0  }
0x1e2: {  	v35 =	vbroadcast v17, $0x0;
	v37 =	vbroadcast v18, $0x0  }
0x1e3: {  	v48 =	vbroadcast v23, $0x1;
	v49 =	vbroadcast v24, $0x1  }
0x1e4: {  	v50 =	vbroadcast v21, $0x1;
	v52 =	vbroadcast v22, $0x1  }
0x1e5: {  	v56 =	vbroadcast v19, $0x1;
	v60 =	vmul.f32 v57, v1  }
0x1e6: {  	v30 =	vmul.f32 v58, v2;
	v31 =	vmul.f32 v59, v3  }
0x1e7: {  	v32 =	vmul.f32 v61, v4;
	v36 =	vmul.f32 v33, v5  }
0x1e8: {  	v38 =	vmul.f32 v34, v6;
	v39 =	vmul.f32 v35, v7  }
0x1e9: {  	v40 =	vmul.f32 v37, v8;
	v25 =	vmul.f32 v57, v9  }
0x1ea: {  	v26 =	vmul.f32 v58, v10;
	v27 =	vmul.f32 v59, v11  }
0x1eb: {  	v29 =	vmul.f32 v61, v12;
	v63 =	vmul.f32 v33, v13  }
0x1ec: {  	v34 =	vmul.f32 v34, v14;
	v35 =	vmul.f32 v35, v15  }
0x1ed: {  	v44 =	vmul.f32 v37, v16;
	v51 =	vmul.f32 v48, v1  }
0x1ee: {  	v53 =	vmul.f32 v49, v2;
	v54 =	vmul.f32 v50, v3  }
0x1ef: {  	v55 =	vmul.f32 v52, v4;
	v57 =	vbroadcast v20, $0x1  }
0x1f0: {  	v58 =	vbroadcast v17, $0x1;
	v59 =	vmul.f32 v56, v5  }
0x1f1: {  	v33 =	vmul.f32 v49, v10;
	v28 =	vadd.f32 v30, v60;
	v62 =	vadd.f32 v32, v31  }
0x1f2: {  	v49 =	vbroadcast v24, $0x2;
	v42 =	vadd.f32 v38, v36;
	v43 =	vadd.f32 v40, v39  }
0x1f3: {  	v45 =	vadd.f32 v29, v27;
	v60 =	vbroadcast v18, $0x1;
	v61 =	vmul.f32 v57, v6  }
0x1f4: {  	v46 =	vadd.f32 v34, v63;
	v31 =	vmul.f32 v48, v9;
	v34 =	vmul.f32 v50, v11  }
0x1f5: {  	v30 =	vadd.f32 v44, v35;
	v35 =	vmul.f32 v52, v12;
	v29 =	vmul.f32 v58, v15  }
0x1f6: {  	v25 =	vadd.f32 v26, v25;
	v48 =	vbroadcast v23, $0x2;
	v50 =	vbroadcast v21, $0x2  }
0x1f7: {  	v26 =	vadd.f32 v53, v51;
	v52 =	vbroadcast v22, $0x2;
	v53 =	vmul.f32 v49, v2  }
0x1f8: {  	v28 =	vadd.f32 v62, v28;
	v62 =	vmul.f32 v58, v7;
	v63 =	vmul.f32 v60, v8  }
0x1f9: {  	v32 =	vadd.f32 v43, v42;
	v42 =	vmul.f32 v56, v13;
	v44 =	vmul.f32 v60, v16  }
0x1fa: {  	v36 =	vadd.f32 v55, v54;
	v51 =	vmul.f32 v48, v1;
	v54 =	vmul.f32 v50, v3  }
0x1fb: {  	v25 =	vadd.f32 v45, v25;
	v55 =	vmul.f32 v52, v4;
	v56 =	vbroadcast v19, $0x2  }
0x1fc: {  	v27 =	vadd.f32 v30, v46;
	v58 =	vbroadcast v17, $0x2;
	v60 =	vbroadcast v18, $0x2  }
0x1fd: {  	v45 =	vadd.f32 v33, v31;
	v33 =	vmul.f32 v48, v9;
	v30 =	vmul.f32 v49, v10  }
0x1fe: {  	s15 =	sshra.s32 s0, $0x2;
	v46 =	vadd.f32 v35, v34;
	v34 =	vmul.f32 v50, v11;
	v35 =	vmul.f32 v52, v12  }
0x1ff: {  	v41 =	vld [tilespmem:s15+$0x4400];
	v48 =	vbroadcast v23, $0x3;
	v49 =	vbroadcast v24, $0x3  }
0x200: {  	v50 =	vbroadcast v21, $0x3;
	v52 =	vbroadcast v22, $0x3;
	v28 =	vadd.f32 v32, v28  }
0x201: {  	v25 =	vadd.f32 v27, v25;
	v27 =	vmul.f32 v57, v14;
	v57 =	vbroadcast v20, $0x2  }
0x202: {  	v43 =	vadd.f32 v63, v62;
	v62 =	vmul.f32 v58, v7;
	v63 =	vmul.f32 v60, v8  }
0x203: {  	v29 =	vadd.f32 v44, v29;
	v32 =	vmul.f32 v58, v15;
	v44 =	vmul.f32 v60, v16  }
0x204: {  	[tilespmem:s31+$0xFFFFFE00] =	vst v41;
	v26 =	vadd.f32 v36, v26;
	v58 =	vbroadcast v17, $0x3;
	v60 =	vbroadcast v18, $0x3  }
0x205: {  	v47 =	vld [tilespmem:s15+$0x4410];
	[tilespmem:s31+$0xFFFFFE30] =	vst v25;
	v25 =	vadd.f32 v61, v59;
	v27 =	vadd.f32 v27, v42;
	v59 =	vmul.f32 v56, v5  }
0x206: {  	[tilespmem:s31+$0xFFFFFE20] =	vst v28;
	v28 =	vadd.f32 v46, v45;
	v61 =	vmul.f32 v57, v6;
	v42 =	vmul.f32 v56, v13  }
0x207: {  	v45 =	vadd.f32 v30, v33;
	v56 =	vbroadcast v19, $0x3;
	v33 =	vmul.f32 v48, v9  }
0x208: {  	v46 =	vadd.f32 v35, v34;
	v34 =	vmul.f32 v50, v11;
	v35 =	vmul.f32 v52, v12  }
0x209: {  	v31 =	vmul.f32 v58, v15;
	v25 =	vadd.f32 v43, v25;
	v27 =	vadd.f32 v29, v27  }
0x20a: {  	v29 =	vadd.f32 v53, v51;
	v51 =	vmul.f32 v48, v1;
	v53 =	vmul.f32 v49, v2  }
0x20b: {  	v43 =	vadd.f32 v63, v62;
	v62 =	vmul.f32 v58, v7;
	v63 =	vmul.f32 v60, v8  }
0x20c: {  	[tilespmem:s31+$0xFFFFFE10] =	vst v47;
	v48 =	vbroadcast v23, $0x4;
	v58 =	vbroadcast v17, $0x4  }
0x20d: {  	v41 =	vld [tilespmem:s15+$0x4420];
	v25 =	vadd.f32 v25, v26;
	v27 =	vadd.f32 v27, v28;
	v28 =	vmul.f32 v57, v14  }
0x20e: {  	v26 =	vadd.f32 v55, v54;
	v54 =	vmul.f32 v50, v3;
	v55 =	vmul.f32 v52, v4  }
0x20f: {  	v57 =	vbroadcast v20, $0x3;
	v50 =	vbroadcast v21, $0x4  }
0x210: {  	v52 =	vbroadcast v22, $0x4;
	v30 =	vmul.f32 v58, v15  }
0x211: {  	v26 =	vadd.f32 v26, v29;
	v29 =	vadd.f32 v44, v32;
	v32 =	vmul.f32 v49, v10  }
0x212: {  	[tilespmem:s31+$0xFFFFFE40] =	vst v41;
	v28 =	vadd.f32 v28, v42;
	v42 =	vmul.f32 v56, v13;
	v44 =	vmul.f32 v60, v16  }
0x213: {  	v49 =	vbroadcast v24, $0x4;
	v60 =	vbroadcast v18, $0x4;
	v47 =	vld [tilespmem:s15+$0x4430];
	[tilespmem:s31+$0xFFFFFE60] =	vst v25  }
0x214: {  	[tilespmem:s31+$0xFFFFFE70] =	vst v27;
	v25 =	vadd.f32 v61, v59;
	v27 =	vadd.f32 v46, v45;
	v59 =	vmul.f32 v56, v5  }
0x215: {  	v61 =	vmul.f32 v57, v6;
	v46 =	vadd.f32 v35, v34;
	v56 =	vbroadcast v19, $0x4  }
0x216: {  	v34 =	vmul.f32 v50, v11;
	v35 =	vmul.f32 v52, v12;
	v28 =	vadd.f32 v29, v28  }
0x217: {  	v29 =	vadd.f32 v53, v51;
	v51 =	vmul.f32 v48, v1;
	v53 =	vmul.f32 v49, v2  }
0x218: {  	v45 =	vadd.f32 v32, v33;
	v33 =	vmul.f32 v48, v9;
	v48 =	vbroadcast v23, $0x5  }
0x219: {  	v25 =	vadd.f32 v43, v25;
	v43 =	vadd.f32 v63, v62;
	v62 =	vmul.f32 v58, v7;
	[tilespmem:s31+$0xFFFFFE50] =	vst v47  }
0x21a: {  	v63 =	vmul.f32 v60, v8;
	v58 =	vbroadcast v17, $0x5;
	v41 =	vld [tilespmem:s15+$0x4440]  }
0x21b: {  	v27 =	vadd.f32 v28, v27;
	v28 =	vmul.f32 v57, v14;
	v57 =	vbroadcast v20, $0x4  }
0x21c: {  	v25 =	vadd.f32 v25, v26;
	v26 =	vadd.f32 v55, v54;
	v54 =	vmul.f32 v50, v3  }
0x21d: {  	v55 =	vmul.f32 v52, v4;
	v50 =	vbroadcast v21, $0x5  }
0x21e: {  	v52 =	vbroadcast v22, $0x5;
	v32 =	vmul.f32 v58, v15;
	v28 =	vadd.f32 v28, v42  }
0x21f: {  	v42 =	vmul.f32 v56, v13;
	v26 =	vadd.f32 v26, v29;
	v29 =	vadd.f32 v44, v31;
	[tilespmem:s31+$0xFFFFFE80] =	vst v41  }
0x220: {  	v31 =	vmul.f32 v49, v10;
	v49 =	vbroadcast v24, $0x5;
	v47 =	vld [tilespmem:s15+$0x4450]  }
0x221: {  	v44 =	vmul.f32 v60, v16;
	v60 =	vbroadcast v18, $0x5;
	v28 =	vadd.f32 v29, v28  }
0x222: {  	v29 =	vadd.f32 v53, v51;
	v51 =	vmul.f32 v48, v1;
	v53 =	vmul.f32 v49, v2;
	[tilespmem:s31+$0xFFFFFEA0] =	vst v25  }
0x223: {  	[tilespmem:s31+$0xFFFFFEB0] =	vst v27;
	v25 =	vadd.f32 v61, v59;
	v27 =	vadd.f32 v46, v45;
	v59 =	vmul.f32 v56, v5  }
0x224: {  	v61 =	vmul.f32 v57, v6;
	v45 =	vadd.f32 v31, v33;
	v56 =	vbroadcast v19, $0x5  }
0x225: {  	v46 =	vadd.f32 v35, v34;
	v33 =	vmul.f32 v48, v9;
	v34 =	vmul.f32 v50, v11;
	[tilespmem:s31+$0xFFFFFE90] =	vst v47  }
0x226: {  	v35 =	vmul.f32 v52, v12;
	v48 =	vbroadcast v23, $0x6;
	v41 =	vld [tilespmem:s15+$0x4460]  }
0x227: {  	v25 =	vadd.f32 v43, v25;
	v27 =	vadd.f32 v28, v27;
	v28 =	vmul.f32 v57, v14  }
0x228: {  	v43 =	vadd.f32 v63, v62;
	v57 =	vbroadcast v20, $0x5;
	v62 =	vmul.f32 v58, v7  }
0x229: {  	v63 =	vmul.f32 v60, v8;
	v58 =	vbroadcast v17, $0x6  }
0x22a: {  	v25 =	vadd.f32 v25, v26;
	v26 =	vadd.f32 v55, v54;
	v54 =	vmul.f32 v50, v3  }
0x22b: {  	v28 =	vadd.f32 v28, v42;
	v55 =	vmul.f32 v52, v4;
	v42 =	vmul.f32 v56, v13;
	[tilespmem:s31+$0xFFFFFEC0] =	vst v41  }
0x22c: {  	v50 =	vbroadcast v21, $0x6;
	v52 =	vbroadcast v22, $0x6;
	v47 =	vld [tilespmem:s15+$0x4470]  }
0x22d: {  	v31 =	vmul.f32 v58, v15;
	v26 =	vadd.f32 v26, v29;
	v29 =	vadd.f32 v44, v30  }
0x22e: {  	v30 =	vmul.f32 v49, v10;
	v49 =	vbroadcast v24, $0x6  }
0x22f: {  	v44 =	vmul.f32 v60, v16;
	v60 =	vbroadcast v18, $0x6;
	v28 =	vadd.f32 v29, v28;
	[tilespmem:s31+$0xFFFFFEE0] =	vst v25  }
0x230: {  	v29 =	vadd.f32 v53, v51;
	v51 =	vmul.f32 v48, v1;
	v53 =	vmul.f32 v49, v2;
	[tilespmem:s31+$0xFFFFFEF0] =	vst v27  }
0x231: {  	v25 =	vadd.f32 v61, v59;
	v27 =	vadd.f32 v46, v45;
	v59 =	vmul.f32 v56, v5;
	[tilespmem:s31+$0xFFFFFED0] =	vst v47  }
0x232: {  	v61 =	vmul.f32 v57, v6;
	v45 =	vadd.f32 v30, v33;
	v56 =	vbroadcast v19, $0x6;
	v41 =	vld [tilespmem:s15+$0x4480]  }
0x233: {  	v46 =	vadd.f32 v35, v34;
	v33 =	vmul.f32 v48, v9;
	v34 =	vmul.f32 v50, v11  }
0x234: {  	v35 =	vmul.f32 v52, v12;
	v48 =	vbroadcast v23, $0x7  }
0x235: {  	v25 =	vadd.f32 v43, v25;
	v27 =	vadd.f32 v28, v27;
	v28 =	vmul.f32 v57, v14  }
0x236: {  	v43 =	vadd.f32 v63, v62;
	v57 =	vbroadcast v20, $0x6;
	v62 =	vmul.f32 v58, v7  }
0x237: {  	v63 =	vmul.f32 v60, v8;
	v58 =	vbroadcast v17, $0x7;
	[tilespmem:s31+$0xFFFFFF00] =	vst v41  }
0x238: {  	v25 =	vadd.f32 v25, v26;
	v26 =	vadd.f32 v55, v54;
	v54 =	vmul.f32 v50, v3;
	v47 =	vld [tilespmem:s15+$0x4490]  }
0x239: {  	v28 =	vadd.f32 v28, v42;
	v55 =	vmul.f32 v52, v4;
	v42 =	vmul.f32 v56, v13  }
0x23a: {  	v50 =	vbroadcast v21, $0x7;
	v52 =	vbroadcast v22, $0x7  }
0x23b: {  	v30 =	vmul.f32 v58, v15;
	v26 =	vadd.f32 v26, v29;
	v29 =	vadd.f32 v44, v32;
	[tilespmem:s31+$0xFFFFFF20] =	vst v25  }
0x23c: {  	v32 =	vmul.f32 v49, v10;
	v49 =	vbroadcast v24, $0x7;
	[tilespmem:s31+$0xFFFFFF30] =	vst v27  }
0x23d: {  	v44 =	vmul.f32 v60, v16;
	v60 =	vbroadcast v18, $0x7;
	v28 =	vadd.f32 v29, v28;
	[tilespmem:s31+$0xFFFFFF10] =	vst v47  }
0x23e: {  	v29 =	vadd.f32 v53, v51;
	v51 =	vmul.f32 v48, v1;
	v53 =	vmul.f32 v49, v2;
	v41 =	vld [tilespmem:s15+$0x44A0]  }
0x23f: {  	v25 =	vadd.f32 v61, v59;
	v27 =	vadd.f32 v46, v45;
	v59 =	vmul.f32 v56, v5  }
0x240: {  	v61 =	vmul.f32 v57, v6;
	v45 =	vadd.f32 v32, v33;
	v56 =	vbroadcast v19, $0x7  }
0x241: {  	v46 =	vadd.f32 v35, v34;
	v33 =	vmul.f32 v48, v9;
	v34 =	vmul.f32 v50, v11  }
0x242: {  	v35 =	vmul.f32 v52, v12;
	v48 =	vbroadcast v23, $0x8  }
0x243: {  	v25 =	vadd.f32 v43, v25;
	v27 =	vadd.f32 v28, v27;
	v28 =	vmul.f32 v57, v14;
	[tilespmem:s31+$0xFFFFFF40] =	vst v41  }
0x244: {  	v43 =	vadd.f32 v63, v62;
	v57 =	vbroadcast v20, $0x7;
	v62 =	vmul.f32 v58, v7;
	v47 =	vld [tilespmem:s15+$0x44B0]  }
0x245: {  	v63 =	vmul.f32 v60, v8;
	v58 =	vbroadcast v17, $0x8;
	v25 =	vadd.f32 v25, v26  }
0x246: {  	v26 =	vadd.f32 v55, v54;
	v54 =	vmul.f32 v50, v3;
	v55 =	vmul.f32 v52, v4  }
0x247: {  	v28 =	vadd.f32 v28, v42;
	v42 =	vmul.f32 v56, v13;
	v50 =	vbroadcast v21, $0x8;
	[tilespmem:s31+$0xFFFFFF60] =	vst v25  }
0x248: {  	v52 =	vbroadcast v22, $0x8;
	v32 =	vmul.f32 v58, v15;
	[tilespmem:s31+$0xFFFFFF70] =	vst v27  }
0x249: {  	v26 =	vadd.f32 v26, v29;
	v29 =	vadd.f32 v44, v31;
	v31 =	vmul.f32 v49, v10;
	[tilespmem:s31+$0xFFFFFF50] =	vst v47  }
0x24a: {  	v44 =	vmul.f32 v60, v16;
	v49 =	vbroadcast v24, $0x8;
	v41 =	vld [tilespmem:s15+$0x44C0]  }
0x24b: {  	v60 =	vbroadcast v18, $0x8;
	v28 =	vadd.f32 v29, v28;
	v29 =	vadd.f32 v53, v51  }
0x24c: {  	v51 =	vmul.f32 v48, v1;
	v53 =	vmul.f32 v49, v2;
	v25 =	vadd.f32 v61, v59  }
0x24d: {  	v27 =	vadd.f32 v46, v45;
	v59 =	vmul.f32 v56, v5;
	v61 =	vmul.f32 v57, v6  }
0x24e: {  	v45 =	vadd.f32 v31, v33;
	v46 =	vadd.f32 v35, v34;
	v56 =	vbroadcast v19, $0x8  }
0x24f: {  	v33 =	vmul.f32 v48, v9;
	v34 =	vmul.f32 v50, v11;
	v25 =	vadd.f32 v43, v25;
	[tilespmem:s31+$0xFFFFFF80] =	vst v41  }
0x250: {  	v35 =	vmul.f32 v52, v12;
	v48 =	vbroadcast v23, $0x9;
	v47 =	vld [tilespmem:s15+$0x44D0]  }
0x251: {  	v27 =	vadd.f32 v28, v27;
	v28 =	vmul.f32 v57, v14;
	v25 =	vadd.f32 v25, v26  }
0x252: {  	v43 =	vadd.f32 v63, v62;
	v57 =	vbroadcast v20, $0x8;
	v62 =	vmul.f32 v58, v7  }
0x253: {  	v63 =	vmul.f32 v60, v8;
	v58 =	vbroadcast v17, $0x9;
	[tilespmem:s31+$0xFFFFFFA0] =	vst v25  }
0x254: {  	v26 =	vadd.f32 v55, v54;
	v54 =	vmul.f32 v50, v3;
	v55 =	vmul.f32 v52, v4;
	[tilespmem:s31+$0xFFFFFFB0] =	vst v27  }
0x255: {  	v28 =	vadd.f32 v28, v42;
	v42 =	vmul.f32 v56, v13;
	v50 =	vbroadcast v21, $0x9;
	[tilespmem:s31+$0xFFFFFF90] =	vst v47  }
0x256: {  	v52 =	vbroadcast v22, $0x9;
	v26 =	vadd.f32 v26, v29;
	v29 =	vadd.f32 v44, v30;
	v41 =	vld [tilespmem:s15+$0x44E0]  }
0x257: {  	v31 =	vmul.f32 v58, v15;
	v30 =	vmul.f32 v49, v10  }
0x258: {  	v44 =	vmul.f32 v60, v16;
	v49 =	vbroadcast v24, $0x9;
	v28 =	vadd.f32 v29, v28  }
0x259: {  	v60 =	vbroadcast v18, $0x9;
	v29 =	vadd.f32 v53, v51;
	v25 =	vadd.f32 v61, v59  }
0x25a: {  	v51 =	vmul.f32 v48, v1;
	v53 =	vmul.f32 v49, v2;
	v27 =	vadd.f32 v46, v45  }
0x25b: {  	v59 =	vmul.f32 v56, v5;
	v61 =	vmul.f32 v57, v6;
	v25 =	vadd.f32 v43, v25;
	[tilespmem:s31+$0xFFFFFFC0] =	vst v41  }
0x25c: {  	v45 =	vadd.f32 v30, v33;
	v46 =	vadd.f32 v35, v34;
	v56 =	vbroadcast v19, $0x9;
	v47 =	vld [tilespmem:s15+$0x44F0]  }
0x25d: {  	v33 =	vmul.f32 v48, v9;
	v34 =	vmul.f32 v50, v11;
	v25 =	vadd.f32 v25, v26  }
0x25e: {  	v35 =	vmul.f32 v52, v12;
	v48 =	vbroadcast v23, $0xA;
	v27 =	vadd.f32 v28, v27  }
0x25f: {  	v28 =	vmul.f32 v57, v14;
	v57 =	vbroadcast v20, $0x9;
	[tilespmem:s31+$0xFFFFFFE0] =	vst v25  }
0x260: {  	v43 =	vadd.f32 v63, v62;
	v62 =	vmul.f32 v58, v7;
	v63 =	vmul.f32 v60, v8;
	[tilespmem:s31+$0xFFFFFFF0] =	vst v27  }
0x261: {  	v58 =	vbroadcast v17, $0xA;
	v26 =	vadd.f32 v55, v54;
	v54 =	vmul.f32 v50, v3;
	[tilespmem:s31+$0xFFFFFFD0] =	vst v47  }
0x262: {  	v28 =	vadd.f32 v28, v42;
	v55 =	vmul.f32 v52, v4;
	v42 =	vmul.f32 v56, v13;
	v41 =	vld [tilespmem:s15+$0x4500]  }
0x263: {  	v50 =	vbroadcast v21, $0xA;
	v52 =	vbroadcast v22, $0xA  }
0x264: {  	v30 =	vmul.f32 v58, v15;
	v26 =	vadd.f32 v26, v29;
	v29 =	vadd.f32 v44, v32  }
0x265: {  	v32 =	vmul.f32 v49, v10;
	v44 =	vmul.f32 v60, v16;
	v25 =	vadd.f32 v61, v59  }
0x266: {  	v49 =	vbroadcast v24, $0xA;
	v60 =	vbroadcast v18, $0xA;
	v28 =	vadd.f32 v29, v28  }
0x267: {  	v29 =	vadd.f32 v53, v51;
	v51 =	vmul.f32 v48, v1;
	v25 =	vadd.f32 v43, v25;
	[tilespmem:s31+$0x0] =	vst v41  }
0x268: {  	v53 =	vmul.f32 v49, v2;
	v27 =	vadd.f32 v46, v45;
	v59 =	vmul.f32 v56, v5;
	v47 =	vld [tilespmem:s15+$0x4510]  }
0x269: {  	v61 =	vmul.f32 v57, v6;
	v45 =	vadd.f32 v32, v33;
	v25 =	vadd.f32 v25, v26  }
0x26a: {  	v56 =	vbroadcast v19, $0xA;
	v33 =	vmul.f32 v48, v9;
	v27 =	vadd.f32 v28, v27  }
0x26b: {  	v46 =	vadd.f32 v35, v34;
	v34 =	vmul.f32 v50, v11;
	v35 =	vmul.f32 v52, v12;
	[tilespmem:s31+$0x20] =	vst v25  }
0x26c: {  	v48 =	vbroadcast v23, $0xB;
	v28 =	vmul.f32 v57, v14;
	[tilespmem:s31+$0x30] =	vst v27  }
0x26d: {  	v43 =	vadd.f32 v63, v62;
	v57 =	vbroadcast v20, $0xA;
	v62 =	vmul.f32 v58, v7;
	[tilespmem:s31+$0x10] =	vst v47  }
0x26e: {  	v63 =	vmul.f32 v60, v8;
	v58 =	vbroadcast v17, $0xB;
	v41 =	vld [tilespmem:s15+$0x4520]  }
0x26f: {  	v26 =	vadd.f32 v55, v54;
	v54 =	vmul.f32 v50, v3;
	v55 =	vmul.f32 v52, v4  }
0x270: {  	v28 =	vadd.f32 v28, v42;
	v42 =	vmul.f32 v56, v13;
	v50 =	vbroadcast v21, $0xB  }
0x271: {  	v52 =	vbroadcast v22, $0xB;
	v32 =	vmul.f32 v58, v15;
	v25 =	vadd.f32 v61, v59  }
0x272: {  	v26 =	vadd.f32 v26, v29;
	v29 =	vadd.f32 v44, v31;
	v31 =	vmul.f32 v49, v10  }
0x273: {  	v44 =	vmul.f32 v60, v16;
	v49 =	vbroadcast v24, $0xB;
	v25 =	vadd.f32 v43, v25;
	[tilespmem:s31+$0x40] =	vst v41  }
0x274: {  	v60 =	vbroadcast v18, $0xB;
	v28 =	vadd.f32 v29, v28;
	v27 =	vadd.f32 v46, v45;
	v47 =	vld [tilespmem:s15+$0x4530]  }
0x275: {  	v29 =	vadd.f32 v53, v51;
	v51 =	vmul.f32 v48, v1;
	v25 =	vadd.f32 v25, v26  }
0x276: {  	v53 =	vmul.f32 v49, v2;
	v59 =	vmul.f32 v56, v5;
	v27 =	vadd.f32 v28, v27  }
0x277: {  	v61 =	vmul.f32 v57, v6;
	v45 =	vadd.f32 v31, v33;
	v56 =	vbroadcast v19, $0xB;
	[tilespmem:s31+$0x60] =	vst v25  }
0x278: {  	v46 =	vadd.f32 v35, v34;
	v33 =	vmul.f32 v48, v9;
	v34 =	vmul.f32 v50, v11;
	[tilespmem:s31+$0x70] =	vst v27  }
0x279: {  	v35 =	vmul.f32 v52, v12;
	v48 =	vbroadcast v23, $0xC;
	[tilespmem:s31+$0x50] =	vst v47  }
0x27a: {  	v28 =	vmul.f32 v57, v14;
	v57 =	vbroadcast v20, $0xB;
	v41 =	vld [tilespmem:s15+$0x4540]  }
0x27b: {  	v43 =	vadd.f32 v63, v62;
	v62 =	vmul.f32 v58, v7;
	v63 =	vmul.f32 v60, v8  }
0x27c: {  	v58 =	vbroadcast v17, $0xC;
	v26 =	vadd.f32 v55, v54;
	v28 =	vadd.f32 v28, v42  }
0x27d: {  	v54 =	vmul.f32 v50, v3;
	v55 =	vmul.f32 v52, v4;
	v25 =	vadd.f32 v61, v59  }
0x27e: {  	v42 =	vmul.f32 v56, v13;
	v26 =	vadd.f32 v26, v29;
	v29 =	vadd.f32 v44, v30  }
0x27f: {  	v50 =	vbroadcast v21, $0xC;
	v52 =	vbroadcast v22, $0xC;
	v25 =	vadd.f32 v43, v25;
	[tilespmem:s31+$0x80] =	vst v41  }
0x280: {  	v31 =	vmul.f32 v58, v15;
	v28 =	vadd.f32 v29, v28;
	v27 =	vadd.f32 v46, v45;
	v47 =	vld [tilespmem:s15+$0x4550]  }
0x281: {  	v30 =	vmul.f32 v49, v10;
	v49 =	vbroadcast v24, $0xC;
	v25 =	vadd.f32 v25, v26  }
0x282: {  	v44 =	vmul.f32 v60, v16;
	v60 =	vbroadcast v18, $0xC;
	v27 =	vadd.f32 v28, v27  }
0x283: {  	v29 =	vadd.f32 v53, v51;
	v51 =	vmul.f32 v48, v1;
	v53 =	vmul.f32 v49, v2;
	[tilespmem:s31+$0xA0] =	vst v25  }
0x284: {  	v59 =	vmul.f32 v56, v5;
	v61 =	vmul.f32 v57, v6;
	[tilespmem:s31+$0xB0] =	vst v27  }
0x285: {  	v45 =	vadd.f32 v30, v33;
	v56 =	vbroadcast v19, $0xC;
	v33 =	vmul.f32 v48, v9;
	[tilespmem:s31+$0x90] =	vst v47  }
0x286: {  	v46 =	vadd.f32 v35, v34;
	v34 =	vmul.f32 v50, v11;
	v35 =	vmul.f32 v52, v12;
	v41 =	vld [tilespmem:s15+$0x4560]  }
0x287: {  	v43 =	vadd.f32 v63, v62;
	v28 =	vmul.f32 v57, v14;
	v57 =	vbroadcast v20, $0xC  }
0x288: {  	v62 =	vmul.f32 v58, v7;
	v48 =	vadd.f32 v35, v34;
	v26 =	vadd.f32 v55, v54  }
0x289: {  	v63 =	vmul.f32 v60, v8;
	v28 =	vadd.f32 v28, v42;
	v25 =	vadd.f32 v61, v59  }
0x28a: {  	v58 =	vbroadcast v19, $0xD;
	v26 =	vadd.f32 v26, v29;
	v29 =	vadd.f32 v44, v32  }
0x28b: {  	v54 =	vmul.f32 v50, v3;
	v55 =	vmul.f32 v52, v4;
	v25 =	vadd.f32 v43, v25;
	[tilespmem:s31+$0xC0] =	vst v41  }
0x28c: {  	v52 =	vbroadcast v21, $0xD;
	v28 =	vadd.f32 v29, v28;
	v27 =	vadd.f32 v46, v45;
	v47 =	vld [tilespmem:s15+$0x4570]  }
0x28d: {  	v50 =	vbroadcast v23, $0xD;
	v32 =	vmul.f32 v49, v10;
	v25 =	vadd.f32 v25, v26  }
0x28e: {  	v44 =	vmul.f32 v56, v13;
	v34 =	vmul.f32 v52, v11;
	v27 =	vadd.f32 v28, v27  }
0x28f: {  	v29 =	vadd.f32 v53, v51;
	v51 =	vbroadcast v24, $0xD;
	v53 =	vmul.f32 v50, v1;
	[tilespmem:s31+$0xE0] =	vst v25  }
0x290: {  	v59 =	vmul.f32 v56, v5;
	v61 =	vmul.f32 v57, v6;
	[tilespmem:s31+$0xF0] =	vst v27  }
0x291: {  	v46 =	vmul.f32 v60, v16;
	v56 =	vmul.f32 v52, v3;
	[tilespmem:s31+$0xD0] =	vst v47  }
0x292: {  	v45 =	vadd.f32 v63, v62;
	v60 =	vbroadcast v17, $0xD;
	v28 =	vmul.f32 v57, v14;
	v41 =	vld [tilespmem:s15+$0x4580]  }
0x293: {  	v62 =	vbroadcast v18, $0xD;
	v52 =	vbroadcast v23, $0xE;
	v26 =	vadd.f32 v55, v54  }
0x294: {  	v23 =	vbroadcast v23, $0xF;
	v30 =	vmul.f32 v60, v15;
	v28 =	vadd.f32 v28, v44  }
0x295: {  	v54 =	vbroadcast v22, $0xD;
	v26 =	vadd.f32 v26, v29;
	v25 =	vadd.f32 v61, v59  }
0x296: {  	v55 =	vmul.f32 v51, v2;
	v29 =	vadd.f32 v46, v31;
	v47 =	vadd.f32 v32, v33  }
0x297: {  	v44 =	vmul.f32 v60, v7;
	v60 =	vbroadcast v19, $0xE;
	v25 =	vadd.f32 v45, v25;
	[tilespmem:s31+$0x100] =	vst v41  }
0x298: {  	v19 =	vbroadcast v19, $0xF;
	v28 =	vadd.f32 v29, v28;
	v27 =	vadd.f32 v48, v47;
	v49 =	vld [tilespmem:s15+$0x4590]  }
0x299: {  	v57 =	vmul.f32 v54, v4;
	v31 =	vmul.f32 v51, v10;
	v25 =	vadd.f32 v25, v26  }
0x29a: {  	v35 =	vmul.f32 v54, v12;
	v46 =	vmul.f32 v58, v13;
	v27 =	vadd.f32 v28, v27  }
0x29b: {  	v54 =	vbroadcast v21, $0xE;
	v21 =	vbroadcast v21, $0xF;
	[tilespmem:s31+$0x120] =	vst v25  }
0x29c: {  	v29 =	vadd.f32 v55, v53;
	v53 =	vbroadcast v24, $0xE;
	v59 =	vbroadcast v20, $0xD;
	[tilespmem:s31+$0x130] =	vst v27  }
0x29d: {  	v55 =	vbroadcast v22, $0xE;
	v61 =	vmul.f32 v58, v5;
	[tilespmem:s31+$0x110] =	vst v49  }
0x29e: {  	v63 =	vmul.f32 v59, v6;
	v45 =	vmul.f32 v62, v8;
	v26 =	vadd.f32 v57, v56;
	v41 =	vld [tilespmem:s15+$0x45A0]  }
0x29f: {  	v33 =	vmul.f32 v50, v9;
	v50 =	vadd.f32 v35, v34;
	v48 =	vmul.f32 v62, v16  }
0x2a0: {  	v26 =	vadd.f32 v26, v29;
	v47 =	vadd.f32 v45, v44;
	v28 =	vmul.f32 v59, v14  }
0x2a1: {  	v24 =	vbroadcast v24, $0xF;
	v29 =	vadd.f32 v48, v30;
	v25 =	vadd.f32 v63, v61  }
0x2a2: {  	v22 =	vbroadcast v22, $0xF;
	v28 =	vadd.f32 v28, v46;
	v49 =	vadd.f32 v31, v33  }
0x2a3: {  	v58 =	vmul.f32 v54, v3;
	v56 =	vmul.f32 v52, v1;
	v25 =	vadd.f32 v47, v25;
	[tilespmem:s31+$0x140] =	vst v41  }
0x2a4: {  	v57 =	vmul.f32 v53, v2;
	v28 =	vadd.f32 v29, v28;
	v27 =	vadd.f32 v50, v49;
	v51 =	vld [tilespmem:s15+$0x45B0]  }
0x2a5: {  	v34 =	vmul.f32 v55, v12;
	v62 =	vbroadcast v17, $0xE;
	v25 =	vadd.f32 v25, v26  }
0x2a6: {  	v44 =	vmul.f32 v60, v5;
	v59 =	vmul.f32 v55, v4;
	v27 =	vadd.f32 v28, v27  }
0x2a7: {  	v61 =	vbroadcast v20, $0xE;
	v63 =	vbroadcast v18, $0xE;
	[tilespmem:s31+$0x160] =	vst v25  }
0x2a8: {  	v30 =	vmul.f32 v52, v9;
	v46 =	vmul.f32 v62, v7;
	[tilespmem:s31+$0x170] =	vst v27  }
0x2a9: {  	v29 =	vadd.f32 v57, v56;
	v45 =	vmul.f32 v61, v6;
	v47 =	vmul.f32 v63, v8;
	[tilespmem:s31+$0x150] =	vst v51  }
0x2aa: {  	v32 =	vmul.f32 v61, v14;
	v26 =	vadd.f32 v59, v58;
	v33 =	vmul.f32 v53, v10;
	v41 =	vld [tilespmem:s15+$0x45C0]  }
0x2ab: {  	v48 =	vadd.f32 v47, v46;
	v31 =	vmul.f32 v54, v11;
	v49 =	vmul.f32 v63, v16  }
0x2ac: {  	v30 =	vadd.f32 v33, v30;
	v28 =	vmul.f32 v60, v13;
	v25 =	vmul.f32 v62, v15  }
0x2ad: {  	v17 =	vbroadcast v17, $0xF;
	v31 =	vadd.f32 v34, v31;
	v27 =	vadd.f32 v45, v44  }
0x2ae: {  	v52 =	vmul.f32 v23, v1;
	v28 =	vadd.f32 v32, v28;
	v25 =	vadd.f32 v49, v25  }
0x2af: {  	v55 =	vmul.f32 v22, v4;
	v26 =	vadd.f32 v26, v29;
	v27 =	vadd.f32 v48, v27;
	[tilespmem:s31+$0x180] =	vst v41  }
0x2b0: {  	v23 =	vmul.f32 v23, v9;
	v25 =	vadd.f32 v25, v28;
	v51 =	vadd.f32 v31, v30;
	v50 =	vld [tilespmem:s15+$0x45D0]  }
0x2b1: {  	v22 =	vmul.f32 v22, v12;
	v20 =	vbroadcast v20, $0xF;
	v26 =	vadd.f32 v27, v26  }
0x2b2: {  	v18 =	vbroadcast v18, $0xF;
	v56 =	vmul.f32 v19, v5;
	v25 =	vadd.f32 v25, v51  }
0x2b3: {  	v19 =	vmul.f32 v19, v13;
	v57 =	vmul.f32 v20, v6;
	[tilespmem:s31+$0x1A0] =	vst v26  }
0x2b4: {  	v20 =	vmul.f32 v20, v14;
	v58 =	vmul.f32 v17, v7;
	[tilespmem:s31+$0x1B0] =	vst v25  }
0x2b5: {  	v59 =	vmul.f32 v18, v8;
	v17 =	vmul.f32 v17, v15;
	[tilespmem:s31+$0x190] =	vst v50  }
0x2b6: {  	v18 =	vmul.f32 v18, v16;
	v19 =	vadd.f32 v20, v19;
	v53 =	vmul.f32 v24, v2;
	v60 =	vld [tilespmem:s15+$0x45E0]  }
0x2b7: {  	v54 =	vmul.f32 v21, v3;
	v24 =	vmul.f32 v24, v10;
	v61 =	vadd.f32 v59, v58  }
0x2b8: {  	v21 =	vmul.f32 v21, v11;
	v17 =	vadd.f32 v18, v17;
	v28 =	vadd.f32 v53, v52  }
0x2b9: {  	v27 =	vadd.f32 v55, v54;
	v25 =	vadd.f32 v57, v56  }
0x2ba: {  	v23 =	vadd.f32 v24, v23;
	v21 =	vadd.f32 v22, v21  }
0x2bb: {  	v18 =	vadd.f32 v27, v28;
	v63 =	vadd.f32 v61, v25;
	[tilespmem:s31+$0x1C0] =	vst v60  }
0x2bc: {  	p0 =	sne.s32 s0, $0xF800;
	v17 =	vadd.f32 v17, v19;
	v21 =	vadd.f32 v21, v23;
	v62 =	vld [tilespmem:s15+$0x45F0]  }
.Ltmp1:
0x2bd: {  	v18 =	vadd.f32 v63, v18;
	(pc) =	sbr.rel @p0 .LBB2_5-.Ltmp1, $4  }
0x2be: {  	v17 =	vadd.f32 v17, v21  }
0x2bf: {  	[tilespmem:s31+$0x1E0] =	vst v18  }
0x2c0: {  	[tilespmem:s31+$0x1F0] =	vst v17  }
0x2c1: {  	s10 =	sadd.s32 $0x10, s10;
	s0 =	sadd.s32 $0x800, s0;
	[tilespmem:s31+$0x1D0] =	vst v62;
	s31 =	sadd.s32 $0x400, s31  }
0x2c2: {  	s0 =	sadd.s32 s8, s13;
	s14 =	sadd.s32 $0x1, s14  }
0x2c3: {  	s0 =	sshrl.u32 s0, $0x3;
	p0 =	sne.s32 s14, $0x19  }
.Ltmp2:
0x2c4: {  	s0 =	sadd.s32 s3, s0;
	(pc) =	sbr.rel @p0 .LBB2_2-.Ltmp2, $4  }
0x2c5: {  	[hbm4b:s0+s4] =	stream.linear.scatter [tilespmem:s7], [sflag:$0x4], $0x8000, $0x38;
	[tilespmem:$0x12500] =	vst v63  }
0x2c6: {  	_ =	swait.ge [sflag:s16], $0x8000  }
0x2c7: {  	[sflag:s16] =	ssyncset.done $0x0  }
0x2c8: {  	[sflag:s16] =	ssyncadd.s32 $0xFFFF8000  }
0x2c9: {  	s8 =	rddreg [dreg:$0x8]  }
0x2ca: {  	s0 =	rddreg [dreg:$0x7];
	s8 =	sadd.s32 $0x1, s8  }
0x2cb: {  	p0 =	sne.s32 s8, s0  }
.Ltmp3:
0x2cc: {  	_ = 	snop;
	(pc) =	sbr.rel @p0 .LBB2_1-.Ltmp3, $1  }
0x2cd: {  	_ =	sdelay $0x3  }
0x2ce: {  	_ =	sfence.sel $0x180000  }
0x2cf: {  	[bflag:$0x0] =	sbarrier.arrive $0xFFFF  }
0x2d0: {  	_ =	strace $0x90000047  }
0x2d1: {  	s0 =	stileid.u32;
	[bflag:$0x2] =	sbarrier.arrive $0xFFFF  }
0x2d2: {  	p0 =	sne.s32 s0, $0x0;
	s0 =	rddreg [dreg:$0x3]  }
0x2d3: {  	s0 =	sadd.s32 @!p0 $0x100000, s0  }
0x2d4: {  	[sflag:s0] =	ssyncadd.tile.s32 @!p0 $0x1;
	_ =	shalt  }
.Lfunc_end2:
_tile_overlayer_lowered:
.L_overlay_start_2:
0x2d5: {  	(tag) =	ssettag $0x2  }
0x2d6: {  	s0 =	rddreg [dreg:$0x0];
	s2 =	stileid.u32  }
0x2d7: {  	s1 =	rddreg [dreg:$0x1];
	p0 =	sne.s32 s2, $0x0  }
0x2d8: {  	s3 =	rddreg [dreg:$0x2];
	[bflag:$0x3] =	sbarrier.arrive $0xFFFF;
	s2 =	simm.s32 @!p0 $0x1C04  }
0x2d9: {  	[timem:s3], [sflag:s2] =	dma.local @!p0 [hbm:s0], s1  }
0x2da: {  	s0 =	simm.s32 @!p0 $0x4  }
0x2db: {  	_ =	swait.ge @!p0 [sflag:s0], s1  }
0x2dc: {  	s1 =	ssub.s32 @!p0 $0x0, s1;
	[sflag:s0] =	ssyncset.done @!p0 $0x0  }
0x2dd: {  	[sflag:s0] =	ssyncadd.s32 @!p0 s1  }
0x2de: {  	[bflag:$0x3] =	sbarrier.arrive $0xFFFF  }
0x2df: {  	_ =	shalt  }

// kernel: sparse-core-data-format-call.cloned.1.call-start
scs
called_computation_lowered:
.L_overlay_start_0:
0x0: {  	s2 =	sld [smem:$0x3FD9]  }
0x1: {  	s3 =	sld [smem:$0x3FFE];
	_ =	sdelay $0x1  }
0x2: {  	s1 =	srdreg.scid  }
0x3: {  	s0 =	sand.u32 $0x1, s1  }
0x4: {  	s18 =	sshll.u32 s0, $0xA;
	s2 =	sadd.s32 s3, s2  }
0x5: {  	s2 =	sadd.s32 s2, s18  }
0x6: {  	[smem:$0x3FC4] =	sst s2  }
0x7: {  	_ = 	snop  }
0x8: {  	s2 =	sld [smem:$0x3FD0];
	(tm) =	ssettm $0x1  }
0x9: {  	s19 =	sld [smem:$0x3FFB];
	_ =	sdelay $0x3  }
0xa: {  	_ =	strace s19  }
0xb: {  	s3 =	sld [smem:$0x3FFC];
	_ =	sdelay $0x3  }
0xc: {  	_ =	strace s3  }
0xd: {  	s3 =	sld [smem:$0x3FFD];
	_ =	sdelay $0x3  }
0xe: {  	_ =	strace s3  }
0xf: {  	_ =	strace $0x8FFFFFFF  }
0x10: {  	s20 =	sld [smem:$0x3FDB];
	_ =	sdelay $0x1  }
0x11: {  	s4 =	simm.s32 $_scs_section_size  }
0x12: {  	s5 =	simm.s32 $_size__tile_overlayer_lowered;
	s6 =	simm.s32 $_tile_overlayer_lowered  }
0x13: {  	s23 =	simm.s32 $0x1BFF;
	s22 =	sshll.u32 s6, $0x1;
	s3 =	sadd.s32 s4, s20  }
0x14: {  	s7 =	simm.s32 $0x0;
	s21 =	sshll.u32 s5, $0x1;
	s5 =	sadd.s32 s22, s3  }
0x15: {  	[timem:s7], [sflag:s23] =	dma.local [hbm:s5], s21  }
0x16: {  	_ =	swait.ge [sflag:s23], s21  }
0x17: {  	s4 =	ssub.s32 $0x0, s21;
	[sflag:s23] =	ssyncset.done $0x0  }
0x18: {  	[sflag:s23] =	ssyncadd.s32 s4;
	_ =	sdelay $0x1  }
0x19: {  	s24 =	simm.s32 $0x1B8B  }
0x1a: {  	_ =	swait.ge [sflag:s24], $0x1  }
0x1b: {  	[sflag:s24] =	ssyncset.done $0x0  }
0x1c: {  	s26 =	simm.s32 $0x1B8E;
	s25 =	sld [smem:$0x3FFE];
	[sflag:s24] =	ssyncadd.s32 $0xFFFFFFFF  }
0x1d: {  	s27 =	simm.s32 $execute0_lowered;
	[smem:$0x3FD2] =	sst s26  }
0x1e: {  	s5 =	sshll.u32 s27, $0x1;
	_ =	strace $0x80000049;
	[dreg:$0x1] =	wrdreg $0xFFFFFFFF  }
0x1f: {  	s28 =	simm.s32 $_size_execute0_lowered;
	s3 =	sadd.s32 s3, s5;
	[dreg:$0x0] =	wrdreg $0x0  }
0x20: {  	s5 =	sshll.u32 s28, $0x1;
	[dreg:$0x2] =	wrdreg s3  }
0x21: {  	[dreg:$0x3] =	wrdreg s5  }
0x22: {  	[dreg:$0x4] =	wrdreg $0xC0  }
0x23: {  	_ =	task [dreg:s7], $0x5FFFF  }
0x24: {  	[dreg:$0x1] =	wrdreg $0xFFFFFFFF  }
0x25: {  	[dreg:$0x0] =	wrdreg $0x60  }
0x26: {  	[dreg:$0x2] =	wrdreg s25  }
0x27: {  	[dreg:$0x3] =	wrdreg s2  }
0x28: {  	[dreg:$0x4] =	wrdreg $0x9  }
0x29: {  	_ =	task.clear_ibuf [dreg:s7], $0x5FFFF;
	_ =	strace $0x90000049  }
0x2a: {  	s29 =	simm.s32 $0x9;
	_ =	strace $0x8000004B  }
0x2b: {  	_ =	swait.ge [sflag:s29], $0x1  }
0x2c: {  	[sflag:s29] =	ssyncadd.s32 $0xFFFFFFFF  }
0x2d: {  	_ =	strace $0x9000004B  }
0x2e: {  	_ =	sfence  }
0x2f: {  	s30 =	sld [smem:$0x0];
	_ =	sdelay $0x2  }
0x30: {  	s31 =	sshll.u32 s1, $0xD;
	s1 =	sshrl.u32 s1, $0x2  }
0x31: {  	s3 =	sand.u32 $0x4000, s31;
	s1 =	sadd.s32 s1, s30  }
0x32: {  	s0 =	sor.u32 s3, s0;
	s1 =	sshll.u32 s1, $0x11  }
0x33: {  	s0 =	sor.u32 s1, s0  }
0x34: {  	s0 =	sadd.s32 $0x8F2B, s0  }
0x35: {  	[sflag:s0] =	ssyncadd.remote.s32 $0x1  }
0x36: {  	_ =	sfence.sel $0xFFFF  }
0x37: {  	[dreg:$0x0] =	wrdreg $0xFFFFFFFF;
	(pc) =	sbr.abs _section_cstart, $3  }
0x38: {  	[dreg:$0x1] =	wrdreg $0xFFFFFFFF  }
0x39: {  	_ =	task.clear_ibuf [dreg:s7], $0x2FFFF;
	_ =	strace $0x9FFFFFFF  }
0x3a: {  	(tm) =	ssettm $0x7FFFFFFF  }
0x3b: {  	_ =	shalt  }
tec
execute0_lowered:
.L_overlay_start_1:
0x0: {  	(tag) =	ssettag $0x1  }
0x1: {  	s0 =	srdreg.scid  }
0x2: {  	s1 =	sshll.u32 s0, $0x4  }
0x3: {  	s4 =	rddreg [dreg:$0x0];
	s0 =	stileid.u32;
	s1 =	sand.u32 $0x10, s1  }
0x4: {  	s2 =	rddreg [dreg:$0x1];
	s7 =	simm.s32 $0x1;
	s1 =	sor.u32 s0, s1  }
0x5: {  	s8 =	simm.s32 $0x2;
	s11 =	simm.s32 $0x0;
	s3 =	sshll.u32 s1, $0x7  }
0x6: {  	s10 =	simm.s32 $0x0;
	s4 =	sadd.s32 $0xC00, s4;
	s6 =	ssub.s32 $0xC8000, s3  }
.Ltmp0:
0x7: {  	s1 =	rddreg [dreg:$0x2];
	s5 =	sand.u32 $0xF80, s6;
	(pc) =	sbr.rel .LBB1_1-.Ltmp0, $4  }
0x8: {  	_ =	strace $0x8000004A;
	s9 =	smov.u32 s3;
	p0 =	sne.s32 s5, $0x0  }
0x9: {  	s6 =	sshrl.u32 s6, $0xC;
	s5 =	simm.s32 $0x1;
	s7 =	simm.s32 @!p0 $0x0  }
0xa: {  	[sflag:s5] =	ssyncpa.u1 $0x0;
	p0 =	por $0x0, $0x0;
	s6 =	sadd.s32 s7, s6  }
0xb: {  	[sflag:s8] =	ssyncpa.u1 $0x0;
	s8 =	simm.s32 $0x640000;
	s7 =	sadd.s32 $0x1, s6  }
.LBB1_4:
0xc: {  	s14 =	sshll.u32 s11, $0x3  }
0xd: {  	s30 =	sand.u32 $0x7F, s11;
	s15 =	sand.u32 $0xFFFFFC00, s14  }
0xe: {  	s11 =	sor.u32 s30, s15  }
0xf: {  	s15 =	smulhi.u32 $0x51EB851F, s11  }
0x10: {  	s14 =	smulhi.u32 $0x51EB851F, s14  }
0x11: {  	s15 =	sshrl.u32 s15, $0x12  }
0x12: {  	s14 =	sshrl.u32 s14, $0x12;
	s15 =	smul.u32 $0xC8000, s15  }
0x13: {  	s14 =	sand.u32 $0x3F, s14  }
0x14: {  	s14 =	smul.u32 $0x19000, s14;
	s11 =	ssub.s32 s11, s15  }
0x15: {  	[tilespmem:s13+$0x810 ss:$0x81] =	vst.msk $0xffff, v2;
	s15 =	sand.u32 $0x7, s11  }
0x16: {  	[tilespmem:s13+$0x1020 ss:$0x81] =	vst.msk $0xffff, v0;
	s14 =	sadd.s32 s2, s14;
	s11 =	sshrl.u32 s11, $0x3;
	s15 =	sshll.u32 s15, $0x12  }
0x17: {  	[tilespmem:s13+$0x0 ss:$0x81] =	vst.msk $0xffff, v1;
	s11 =	sadd.s32 s11, s14;
	s31 =	sor.u32 $0x400, s15  }
0x18: {  	[hbm4b:s11+s31] =	stream.strided.scatter [tilespmem:s12], [sflag:$0x2], $0x2000, s8, s31, $0x20;
	[tilespmem:$0x8080] =	vst v63  }
.LBB1_5:
0x19: {  	s13 =	sadd.s32 $0x1000, s9  }
0x1a: {  	p2 =	sgt.s32 s13, $0xC7FFF  }
0x1b: {  	s13 =	smov.u32 @p2 s3;
	p2 =	sne.s32 s10, s7  }
.Ltmp1:
0x1c: {  	p1 =	slt.u32 s10, $0x2;
	(pc) =	sbr.rel @!p2 .LBB1_6-.Ltmp1, $4  }
0x1d: {  	s12 =	simm.s32 @!p1 $0x2  }
0x1e: {  	s14 =	sadd.s32 $0x1, s10;
	_ =	swait.ge @!p1 [sflag:s12], $0x2000  }
0x1f: {  	s11 =	smov.u32 s9;
	p0 =	por !p0, !p0;
	[sflag:s12] =	ssyncset.done @!p1 $0x0  }
0x20: {  	s10 =	smov.u32 s14;
	s9 =	smov.u32 s13;
	[sflag:s12] =	ssyncadd.s32 @!p1 $0xFFFFE000  }
.LBB1_1:
0x21: {  	p1 =	sge.u32 s10, s6  }
0x22: {  	s12 =	sand.u32 @!p1 $0x1FFFFFF, s9  }
0x23: {  	s13 =	smulhi.u32 @!p1 $0x147AE15, s12;
	_ =	sdelay $0x1  }
0x24: {  	s13 =	sshrl.u32 @!p1 s13, $0xC  }
0x25: {  	s13 =	smul.u32 @!p1 $0xC8000, s13;
	_ =	sdelay $0x1  }
0x26: {  	s31 =	sadd.s32 $0xFFFFFFFF, s10;
	s14 =	sxor.u32 @!p1 $0xFFFFFFFF, s10;
	s12 =	ssub.s32 @!p1 s12, s13  }
0x27: {  	s15 =	simm.s32 @!p1 $0x80;
	s14 =	sshll.u32 @!p1 s14, $0xD;
	s12 =	sshll.u32 @!p1 s12, $0x4  }
0x28: {  	s13 =	sand.u32 @!p1 $0x2000, s14;
	s14 =	simm.s32 @!p1 $0x40;
	s12 =	sadd.s32 @!p1 s4, s12  }
0x29: {  	[tilespmem:s13], [sflag:$0x1] =	stream.strided.gather @!p1 [hbm4b:s12+s14], $0x2000, s15, s14, $0x38;
	[tilespmem:$0x8080] =	vst v63  }
0x2a: {  	p1 =	sge.u32 s31, s6  }
.Ltmp2:
0x2b: {  	_ = 	snop;
	(pc) =	sbr.rel @p1 .LBB1_5-.Ltmp2, $1  }
0x2c: {  	_ =	sdelay $0x3  }
0x2d: {  	s12 =	simm.s32 $0x1  }
0x2e: {  	_ =	swait.ge [sflag:s5], $0x2000;
	s12 =	simm.s32 @!p0 $0x0  }
0x2f: {  	[sflag:s5] =	ssyncset.done $0x0;
	s13 =	sshll.u32 s12, $0xD  }
0x30: {  	[sflag:s5] =	ssyncadd.s32 $0xFFFFE000;
	s16 =	sor.u32 $0x20, s13  }
0x31: {  	s12 =	smul.u32 $0x8100, s12;
	v3 =	vld [tilespmem:s16+$0x10]  }
0x32: {  	s30 =	sand.u32 $0x1, s10;
	v2 =	vld [tilespmem:s16+$0xFFFFFFF0]  }
0x33: {  	s13 =	smul.u32 $0x8100, s30;
	s12 =	sshrl.u32 s12, $0x2;
	v0 =	vld [tilespmem:s16+$0x0]  }
0x34: {  	v1 =	vld [tilespmem:s16+$0xFFFFFFE0];
	s14 =	sor.u32 $0x4000, s12  }
0x35: {  	s31 =	sshrl.u32 s13, $0x2;
	s13 =	sadd.s32 $0x0, s14  }
0x36: {  	s15 =	simm.s32 $0x4;
	s16 =	sadd.s32 $0x40, s16;
	s12 =	sor.u32 $0x4000, s31;
	[tilespmem:s13+$0x1830 ss:$0x81] =	vst.msk $0xffff, v3  }
.LBB1_3:
0x37: {  	v3 =	vld [tilespmem:s16+$0x10];
	p1 =	sne.s32 s15, $0x1FC;
	[tilespmem:s13+$0x810 ss:$0x81] =	vst.msk $0xffff, v2;
	s17 =	smov.u32 s15;
	s15 =	sadd.s32 $0x4, s15  }
.Ltmp3:
0x38: {  	v2 =	vld [tilespmem:s16+$0xFFFFFFF0];
	[tilespmem:s13+$0x1020 ss:$0x81] =	vst.msk $0xffff, v0;
	(pc) =	sbr.rel @p1 .LBB1_3-.Ltmp3, $4  }
0x39: {  	v0 =	vld [tilespmem:s16+$0x0];
	[tilespmem:s13+$0x0 ss:$0x81] =	vst.msk $0xffff, v1  }
0x3a: {  	s13 =	sshra.s32 s17, $0x2;
	v1 =	vld [tilespmem:s16+$0xFFFFFFE0]  }
0x3b: {  	s13 =	sadd.s32 s13, s14  }
0x3c: {  	s16 =	sadd.s32 $0x40, s16;
	[tilespmem:s13+$0x1830 ss:$0x81] =	vst.msk $0xffff, v3  }
.Ltmp4:
0x3d: {  	_ = 	snop;
	(pc) =	sbr.rel .LBB1_4-.Ltmp4, $1  }
0x3e: {  	_ =	sdelay $0x3  }
.LBB1_6:
0x3f: {  	_ =	sfence.sel $0x180000  }
0x40: {  	s2 =	simm.s32 $0x1;
	[bflag:$0x0] =	sbarrier.arrive $0xFFFF  }
0x41: {  	s31 =	simm.s32 $0x2;
	[sflag:s2] =	ssyncpa.u1 $0x1  }
0x42: {  	[sflag:s31] =	ssyncpa.u1 $0x1  }
0x43: {  	p0 =	sne.s32 s0, $0x0;
	_ =	strace $0x9000004A  }
0x44: {  	s0 =	sadd.s32 @!p0 $0x100000, s1;
	[bflag:$0x2] =	sbarrier.arrive $0xFFFF  }
0x45: {  	[sflag:s0] =	ssyncadd.tile.s32 @!p0 $0x1;
	_ =	shalt  }
.Lfunc_end1:
_tile_overlayer_lowered:
.L_overlay_start_2:
0x46: {  	(tag) =	ssettag $0x2  }
0x47: {  	s0 =	rddreg [dreg:$0x0];
	s2 =	stileid.u32  }
0x48: {  	s1 =	rddreg [dreg:$0x1];
	p0 =	sne.s32 s2, $0x0  }
0x49: {  	s3 =	rddreg [dreg:$0x2];
	[bflag:$0x3] =	sbarrier.arrive $0xFFFF;
	s2 =	simm.s32 @!p0 $0x1C01  }
0x4a: {  	[timem:s3], [sflag:s2] =	dma.local @!p0 [hbm:s0], s1  }
0x4b: {  	s0 =	simm.s32 @!p0 $0x1  }
0x4c: {  	_ =	swait.ge @!p0 [sflag:s0], s1  }
0x4d: {  	s1 =	ssub.s32 @!p0 $0x0, s1;
	[sflag:s0] =	ssyncset.done @!p0 $0x0  }
0x4e: {  	[sflag:s0] =	ssyncadd.s32 @!p0 s1  }
0x4f: {  	[bflag:$0x3] =	sbarrier.arrive $0xFFFF  }
0x50: {  	_ =	shalt  }

</sc_bundles>
